<compile_context>
chip_gen: v7x
topology: tpu7x:2x2x1
jax: 0.10.2.dev20260603
libtpu: 0.0.44.dev20260713+nightly
codegen_flags: <defaults>
</compile_context>

<pallas_src>
import functools

import jax
import jax.numpy as jnp
from jax import lax
from jax.experimental import pallas as pl
from jax.experimental.pallas import tpu as pltpu
from jax.experimental.pallas import tpu_sc as plsc

B = 16384
N_FIELDS = 26
VOCAB = 100000
EMB_DIM = 32
N_CONT = 13
M_LENGTH = 128
N_EMB = N_FIELDS * EMB_DIM
N_EMB_PAD = 896

NW = 32
TOT = B * N_FIELDS
ROWS_PER_GROUP = N_EMB_PAD // EMB_DIM
N_GROUPS = B // 8
GROUPS_PER_W = N_GROUPS // NW
ROWS_PER_W = GROUPS_PER_W * 8 * ROWS_PER_GROUP

RAW_PER_W = TOT // NW
RAW_CHUNK = 128
RAW_NCHUNK = RAW_PER_W // RAW_CHUNK

G_CHUNK = 128
G_NCHUNK = ROWS_PER_W // G_CHUNK
SUP = 8
NSUP = G_NCHUNK // SUP
SUP_ROWS = SUP * G_CHUNK
ROWS_PER_PLANE_W = GROUPS_PER_W * 32

_mesh = plsc.VectorSubcoreMesh(core_axis_name="c", subcore_axis_name="s")


@functools.partial(
    pl.kernel,
    mesh=_mesh,
    compiler_params=pltpu.CompilerParams(
        use_tc_tiling_on_sc=False, needs_layout_passes=False),
    out_type=jax.ShapeDtypeStruct((NW * ROWS_PER_W, EMB_DIM), jnp.float32),
    scratch_types=[
        pltpu.VMEM((RAW_NCHUNK, RAW_CHUNK), jnp.int32),
        pltpu.VMEM((G_NCHUNK, G_CHUNK), jnp.int32),
        pltpu.VMEM((2, SUP_ROWS, EMB_DIM), jnp.float32),
        pltpu.SemaphoreType.DMA,
        pltpu.SemaphoreType.DMA,
    ],
)
def _sc_gather(xcat_hbm, tab_hbm, out_hbm, idx_v, idx2_v, rows_v, gsem, ssem):
    cid = lax.axis_index("c")
    sid = lax.axis_index("s")
    wid = sid * 2 + cid
    base = wid * RAW_PER_W

    pltpu.sync_copy(xcat_hbm.at[wid], idx_v)

    def _fill(j, carry):
        for k in range(G_CHUNK // 16):
            d = j * G_CHUNK + k * 16 + lax.iota(jnp.int32, 16)
            idx2_v[j, pl.ds(k * 16, 16)] = d * 181 + wid * 63
        return carry

    lax.fori_loop(0, G_NCHUNK, _fill, 0)

    inv13 = jnp.int32(-991146299)

    def _permute(j, carry):
        for k in range(RAW_CHUNK // 16):
            p = base + j * RAW_CHUNK + k * 16 + lax.iota(jnp.int32, 16)
            f = lax.rem(p, N_FIELDS)
            b = lax.shift_right_logical(p - f, 1) * inv13
            r = lax.bitwise_and(b, 7)
            g_local = lax.shift_right_logical(b, 3) - wid * GROUPS_PER_W
            dst = (lax.shift_right_logical(f, 2) * ROWS_PER_PLANE_W
                   + g_local * 32 + r * 4 + lax.bitwise_and(f, 3))
            val = idx_v[j, pl.ds(k * 16, 16)] + f * VOCAB
            plsc.store_scatter(
                idx2_v,
                [lax.shift_right_logical(dst, 7), lax.bitwise_and(dst, 127)],
                val)
        return carry

    lax.fori_loop(0, RAW_NCHUNK, _permute, 0)

    ghand = [None, None]
    pending = [None, None]

    def _wb(s):
        q = s % 2
        for g in ghand[q]:
            g.wait()
        row = ((s // 2) * (NW * ROWS_PER_PLANE_W)
               + wid * ROWS_PER_PLANE_W + (s % 2) * SUP_ROWS)
        pending[q] = pltpu.async_copy(
            rows_v.at[q],
            out_hbm.at[pl.ds(row, SUP_ROWS)],
            ssem,
        )

    for s in range(NSUP):
        p = s % 2
        if pending[p] is not None:
            pending[p].wait()
            pending[p] = None
        ghand[p] = [
            pltpu.async_copy(
                tab_hbm.at[idx2_v.at[s * SUP + c]],
                rows_v.at[p, pl.ds(c * G_CHUNK, G_CHUNK)],
                gsem,
            )
            for c in range(SUP)
        ]
        if s >= 1:
            _wb(s - 1)
    _wb(NSUP - 1)
    for p in range(2):
        if pending[p] is not None:
            pending[p].wait()


TILE_B = 1024
GRID = B // TILE_B
TILE_G = TILE_B // 8
N_TILES_ROW = N_EMB_PAD // 128


def _mlp_body(xc_ref, emb_ref, w1e_ref, w1c_ref, b1_ref, bnw_ref, bnb_ref,
              out_ref, stat_scr):
    i = pl.program_id(0)

    @pl.when(i == 0)
    def _():
        xc = xc_ref[...]
        mean = jnp.mean(xc, axis=0)
        var = jnp.mean(xc * xc, axis=0) - mean * mean
        s = bnw_ref[...] * lax.rsqrt(var + 1e-5)
        stat_scr[0, :] = s
        stat_scr[1, :] = bnb_ref[...] - mean * s

    s = stat_scr[0, :]
    t = stat_scr[1, :]
    xcb = xc_ref[pl.ds(i * TILE_B, TILE_B), :]
    x2 = xcb * s[None, :] + t[None, :]
    acc = lax.dot_general(x2, w1c_ref[...],
                          (((1,), (1,)), ((), ())),
                          preferred_element_type=jnp.float32)
    e4 = emb_ref[...]
    for tt in range(N_TILES_ROW):
        et = e4[tt].reshape(TILE_B, 128)
        wt = w1e_ref[:, pl.ds(tt * 128, 128)]
        acc = acc + lax.dot_general(et, wt,
                                    (((1,), (1,)), ((), ())),
                                    preferred_element_type=jnp.float32)
    out_ref[...] = jnp.maximum(acc + b1_ref[...][None, :], 0.0)


_mlp = pl.pallas_call(
    _mlp_body,
    grid=(GRID,),
    in_specs=[
        pl.BlockSpec((B, N_CONT), lambda i: (0, 0)),
        pl.BlockSpec((N_TILES_ROW, TILE_G, 8, 128), lambda i: (0, i, 0, 0)),
        pl.BlockSpec((M_LENGTH, N_EMB_PAD), lambda i: (0, 0)),
        pl.BlockSpec((M_LENGTH, N_CONT), lambda i: (0, 0)),
        pl.BlockSpec((M_LENGTH,), lambda i: (0,)),
        pl.BlockSpec((N_CONT,), lambda i: (0,)),
        pl.BlockSpec((N_CONT,), lambda i: (0,)),
    ],
    out_specs=pl.BlockSpec((TILE_B, M_LENGTH), lambda i: (i, 0)),
    out_shape=jax.ShapeDtypeStruct((B, M_LENGTH), jnp.float32),
    scratch_shapes=[pltpu.VMEM((2, N_CONT), jnp.float32)],
)


def kernel(x_cat, x_cont, tables, W1, b1, bn_w, bn_b):
    flat_tab = tables.reshape(N_FIELDS * VOCAB, EMB_DIM)
    xcat_slabs = x_cat.astype(jnp.int32).reshape(NW, RAW_NCHUNK, RAW_CHUNK)
    emb_rows = _sc_gather(xcat_slabs, flat_tab)
    emb_img = emb_rows.reshape(N_TILES_ROW, N_GROUPS, 8, 128)
    w1e = W1[:, :N_EMB]
    w1e_pad = jnp.pad(w1e, ((0, 0), (0, N_EMB_PAD - N_EMB)))
    w1c = W1[:, N_EMB:]
    return _mlp(x_cont, emb_img, w1e_pad, w1c, b1, bn_w, bn_b)

# --- scband reference (transcript-rebuilt; emitter-appended) ---
"""Pipeline reference for scband-categorical-embedding-89232240542279 (READ-ONLY COPY).

The authoritative reference and input builder live on the scoring server;
editing this copy changes nothing except your own understanding.
"""

import jax, jax.numpy as jnp
import numpy as np

B = 16384
N_FIELDS = 26
VOCAB = 100000
EMB_DIM = 32
N_CONT = 13
M_LENGTH = 128
N_EMB = N_FIELDS * EMB_DIM


def setup_inputs(seed: int = 0) -> dict:
    key = jax.random.key(seed)
    k1, k2, k3, k4 = jax.random.split(key, 4)
    x_cat = jax.random.randint(k1, (B, N_FIELDS), 0, VOCAB, dtype=jnp.int64 if jax.config.jax_enable_x64 else jnp.int32)
    x_cont = jax.random.normal(k2, (B, N_CONT), dtype=jnp.float32)
    tables = jax.random.normal(k3, (N_FIELDS, VOCAB, EMB_DIM), dtype=jnp.float32) * 0.01
    W1 = jax.random.normal(k4, (M_LENGTH, N_EMB + N_CONT), dtype=jnp.float32) * 0.02
    b1 = jnp.zeros((M_LENGTH,), dtype=jnp.float32)
    bn_w = jnp.ones((N_CONT,), dtype=jnp.float32)
    bn_b = jnp.zeros((N_CONT,), dtype=jnp.float32)
    return {"x_cat": x_cat, "x_cont": x_cont, "tables": tables, "W1": W1, "b1": b1, "bn_w": bn_w, "bn_b": bn_b}


def reference(x_cat, x_cont, tables, W1, b1, bn_w, bn_b):
    # per-field embedding lookup: tables[i][x_cat[:, i]] for each field, concatenated
    field_idx = jnp.arange(N_FIELDS)
    emb = tables[field_idx[None, :], x_cat]          # [B, N_FIELDS, EMB_DIM]
    x = emb.reshape(x_cat.shape[0], N_EMB)           # concat along dim 1
    # dropout is identity in eval/reference mode
    # BatchNorm1d in training mode: batch statistics (biased variance), eps=1e-5
    mean = jnp.mean(x_cont, axis=0)
    var = jnp.var(x_cont, axis=0)
    x2 = (x_cont - mean) / jnp.sqrt(var + 1e-5) * bn_w + bn_b
    h = jnp.concatenate([x, x2], axis=1)             # [B, N_EMB + N_CONT]
    out = jax.nn.relu(h @ W1.T + b1)                 # [B, M_LENGTH]
    return out

if __name__ == "__main__":
    import jax
    _d = setup_inputs()
    print(jax.jit(kernel)(*tuple(_d.values())))

</pallas_src>

<mosaic_0001>
#map = affine_map<(d0, d1) -> (0, 0, 0)>
#map1 = affine_map<(d0, d1) -> (0, 0)>
module attributes {stable_mosaic.version = 14 : i64} {
  func.func @_sc_gather(%arg0: i32, %arg1: i32, %arg2: memref<32x104x128xi32, #tpu.memory_space<hbm>>, %arg3: memref<2600000x32xf32, #tpu.memory_space<hbm>>, %arg4: memref<458752x32xf32, #tpu.memory_space<hbm>>, %arg5: memref<104x128xi32, #tpu.memory_space<vmem>>, %arg6: memref<112x128xi32, #tpu.memory_space<vmem>>, %arg7: memref<2x1024x32xf32, #tpu.memory_space<vmem>>, %arg8: memref<!tpu.dma_semaphore, #tpu.memory_space<semaphore_mem>>, %arg9: memref<!tpu.dma_semaphore, #tpu.memory_space<semaphore_mem>>) attributes {dimension_semantics = [#tpu.dimension_semantics<core_parallel>, #tpu.dimension_semantics<subcore_parallel>], iteration_bounds = array<i64: 2, 16>, scalar_prefetch = 0 : i64, scratch_operands = 5 : i64, tpu.core_type = #tpu.core_type<sc_vector_subcore>, window_params = [{transform_indices = #map}, {transform_indices = #map1}, {transform_indices = #map1}]} {
    %mul3A = arith.constant 2 : i32
    %mul3A_0 = arith.muli %arg1, %mul3A : i32
    %add3A = arith.addi %mul3A_0, %arg0 : i32
    %mul3A_1 = arith.constant 13312 : i32
    %mul3A_2 = arith.muli %add3A, %mul3A_1 : i32
    "tpu.region"() ({
      %run_scoped3A = tpu.sem_alloc : memref<!tpu.dma_semaphore, #tpu.memory_space<semaphore_mem>>
      %dma_start3A_3149 = arith.constant 0 : i32
      %dma_start3A_3150 = arith.constant 0 : i32
      %dma_start3A_3151 = tpu.memref_slice %arg2[%add3A, %dma_start3A_3149, %dma_start3A_3150] : memref<32x104x128xi32, #tpu.memory_space<hbm>> -> memref<1x104x128xi32, #tpu.memory_space<hbm>>
      %dma_start3A_3152 = tpu.memref_squeeze %dma_start3A_3151 : memref<1x104x128xi32, #tpu.memory_space<hbm>> -> memref<104x128xi32, #tpu.memory_space<hbm>>
      %dma_start3A_3153 = arith.constant 0 : i32
      %dma_start3A_3154 = arith.constant 0 : i32
      %dma_start3A_3155 = tpu.memref_slice %arg2[%add3A, %dma_start3A_3153, %dma_start3A_3154] : memref<32x104x128xi32, #tpu.memory_space<hbm>> -> memref<1x104x128xi32, #tpu.memory_space<hbm>>
      %dma_start3A_3156 = tpu.memref_squeeze %dma_start3A_3155 : memref<1x104x128xi32, #tpu.memory_space<hbm>> -> memref<104x128xi32, #tpu.memory_space<hbm>>
      tpu.enqueue_dma source(%dma_start3A_3156 : memref<104x128xi32, #tpu.memory_space<hbm>>) target(%arg5 : memref<104x128xi32, #tpu.memory_space<vmem>>) target_semaphore(%run_scoped3A : memref<!tpu.dma_semaphore, #tpu.memory_space<semaphore_mem>>)
      %dma_wait3A_3157 = arith.constant 0 : i32
      %dma_wait3A_3158 = arith.constant 0 : i32
      %dma_wait3A_3159 = tpu.memref_slice %arg2[%add3A, %dma_wait3A_3157, %dma_wait3A_3158] : memref<32x104x128xi32, #tpu.memory_space<hbm>> -> memref<1x104x128xi32, #tpu.memory_space<hbm>>
      %dma_wait3A_3160 = tpu.memref_squeeze %dma_wait3A_3159 : memref<1x104x128xi32, #tpu.memory_space<hbm>> -> memref<104x128xi32, #tpu.memory_space<hbm>>
      %dma_wait3A_3161 = arith.constant 0 : i32
      %dma_wait3A_3162 = arith.constant 0 : i32
      %dma_wait3A_3163 = tpu.memref_slice %arg2[%add3A, %dma_wait3A_3161, %dma_wait3A_3162] : memref<32x104x128xi32, #tpu.memory_space<hbm>> -> memref<1x104x128xi32, #tpu.memory_space<hbm>>
      %dma_wait3A_3164 = tpu.memref_squeeze %dma_wait3A_3163 : memref<1x104x128xi32, #tpu.memory_space<hbm>> -> memref<104x128xi32, #tpu.memory_space<hbm>>
      tpu.wait_dma2 semaphore(%run_scoped3A : memref<!tpu.dma_semaphore, #tpu.memory_space<semaphore_mem>>) src(%dma_wait3A_3164 : memref<104x128xi32, #tpu.memory_space<hbm>>) dst(%arg5 : memref<104x128xi32, #tpu.memory_space<vmem>>)
      tpu.yield
    }) : () -> ()
    %scan3A = arith.constant 0 : i32
    %scan3A_3 = arith.constant 0 : i32
    %scan3A_4 = arith.constant 112 : i32
    %scan3A_5 = arith.addi %scan3A_3, %scan3A_4 : i32
    %scan3A_6 = arith.constant 1 : i32
    scf.for %scan3A_3149 = %scan3A_3 to %scan3A_5 step %scan3A_6  : i32 {
      %mul3A_3150 = arith.constant 128 : i32
      %mul3A_3151 = arith.muli %scan3A_3149, %mul3A_3150 : i32
      %add3A_3152 = arith.constant 0 : i32
      %add3A_3153 = arith.addi %mul3A_3151, %add3A_3152 : i32
      %iota3A = tpu.iota {dimensions = array<i32: 0>} : vector<16xi32>
      %add3A_3154 = vector.broadcast %add3A_3153 : i32 to vector<16xi32>
      %add3A_3155 = arith.addi %add3A_3154, %iota3A : vector<16xi32>
      %mul3A_3156 = arith.constant 181 : i32
      %mul3A_3157 = vector.broadcast %mul3A_3156 : i32 to vector<16xi32>
      %mul3A_3158 = arith.muli %add3A_3155, %mul3A_3157 : vector<16xi32>
      %mul3A_3159 = arith.constant 63 : i32
      %mul3A_3160 = arith.muli %add3A, %mul3A_3159 : i32
      %add3A_3161 = vector.broadcast %mul3A_3160 : i32 to vector<16xi32>
      %add3A_3162 = arith.addi %mul3A_3158, %add3A_3161 : vector<16xi32>
      %swap3A = arith.index_cast %scan3A_3149 : i32 to index
      %swap3A_3163 = arith.constant 0 : index
      %swap3A_3164 = tpu.vector_load %arg6[%swap3A, %swap3A_3163] {strides = array<i32>} : memref<112x128xi32, #tpu.memory_space<vmem>>, vector<16xi32>,
      tpu.vector_store %arg6[%swap3A, %swap3A_3163], %add3A_3162 {strides = array<i32>} : memref<112x128xi32, #tpu.memory_space<vmem>>, vector<16xi32>,
      %mul3A_3165 = arith.constant 128 : i32
      %mul3A_3166 = arith.muli %scan3A_3149, %mul3A_3165 : i32
      %add3A_3167 = arith.constant 16 : i32
      %add3A_3168 = arith.addi %mul3A_3166, %add3A_3167 : i32
      %iota3A_3169 = tpu.iota {dimensions = array<i32: 0>} : vector<16xi32>
      %add3A_3170 = vector.broadcast %add3A_3168 : i32 to vector<16xi32>
      %add3A_3171 = arith.addi %add3A_3170, %iota3A_3169 : vector<16xi32>
      %mul3A_3172 = arith.constant 181 : i32
      %mul3A_3173 = vector.broadcast %mul3A_3172 : i32 to vector<16xi32>
      %mul3A_3174 = arith.muli %add3A_3171, %mul3A_3173 : vector<16xi32>
      %mul3A_3175 = arith.constant 63 : i32
      %mul3A_3176 = arith.muli %add3A, %mul3A_3175 : i32
      %add3A_3177 = vector.broadcast %mul3A_3176 : i32 to vector<16xi32>
      %add3A_3178 = arith.addi %mul3A_3174, %add3A_3177 : vector<16xi32>
      %swap3A_3179 = arith.index_cast %scan3A_3149 : i32 to index
      %swap3A_3180 = arith.constant 16 : index
      %swap3A_3181 = tpu.vector_load %arg6[%swap3A_3179, %swap3A_3180] {strides = array<i32>} : memref<112x128xi32, #tpu.memory_space<vmem>>, vector<16xi32>,
      tpu.vector_store %arg6[%swap3A_3179, %swap3A_3180], %add3A_3178 {strides = array<i32>} : memref<112x128xi32, #tpu.memory_space<vmem>>, vector<16xi32>,
      %mul3A_3182 = arith.constant 128 : i32
      %mul3A_3183 = arith.muli %scan3A_3149, %mul3A_3182 : i32
      %add3A_3184 = arith.constant 32 : i32
      %add3A_3185 = arith.addi %mul3A_3183, %add3A_3184 : i32
      %iota3A_3186 = tpu.iota {dimensions = array<i32: 0>} : vector<16xi32>
      %add3A_3187 = vector.broadcast %add3A_3185 : i32 to vector<16xi32>
      %add3A_3188 = arith.addi %add3A_3187, %iota3A_3186 : vector<16xi32>
      %mul3A_3189 = arith.constant 181 : i32
      %mul3A_3190 = vector.broadcast %mul3A_3189 : i32 to vector<16xi32>
      %mul3A_3191 = arith.muli %add3A_3188, %mul3A_3190 : vector<16xi32>
      %mul3A_3192 = arith.constant 63 : i32
      %mul3A_3193 = arith.muli %add3A, %mul3A_3192 : i32
      %add3A_3194 = vector.broadcast %mul3A_3193 : i32 to vector<16xi32>
      %add3A_3195 = arith.addi %mul3A_3191, %add3A_3194 : vector<16xi32>
      %swap3A_3196 = arith.index_cast %scan3A_3149 : i32 to index
      %swap3A_3197 = arith.constant 32 : index
      %swap3A_3198 = tpu.vector_load %arg6[%swap3A_3196, %swap3A_3197] {strides = array<i32>} : memref<112x128xi32, #tpu.memory_space<vmem>>, vector<16xi32>,
      tpu.vector_store %arg6[%swap3A_3196, %swap3A_3197], %add3A_3195 {strides = array<i32>} : memref<112x128xi32, #tpu.memory_space<vmem>>, vector<16xi32>,
      %mul3A_3199 = arith.constant 128 : i32
      %mul3A_3200 = arith.muli %scan3A_3149, %mul3A_3199 : i32
      %add3A_3201 = arith.constant 48 : i32
      %add3A_3202 = arith.addi %mul3A_3200, %add3A_3201 : i32
      %iota3A_3203 = tpu.iota {dimensions = array<i32: 0>} : vector<16xi32>
      %add3A_3204 = vector.broadcast %add3A_3202 : i32 to vector<16xi32>
      %add3A_3205 = arith.addi %add3A_3204, %iota3A_3203 : vector<16xi32>
      %mul3A_3206 = arith.constant 181 : i32
      %mul3A_3207 = vector.broadcast %mul3A_3206 : i32 to vector<16xi32>
      %mul3A_3208 = arith.muli %add3A_3205, %mul3A_3207 : vector<16xi32>
      %mul3A_3209 = arith.constant 63 : i32
      %mul3A_3210 = arith.muli %add3A, %mul3A_3209 : i32
      %add3A_3211 = vector.broadcast %mul3A_3210 : i32 to vector<16xi32>
      %add3A_3212 = arith.addi %mul3A_3208, %add3A_3211 : vector<16xi32>
      %swap3A_3213 = arith.index_cast %scan3A_3149 : i32 to index
      %swap3A_3214 = arith.constant 48 : index
      %swap3A_3215 = tpu.vector_load %arg6[%swap3A_3213, %swap3A_3214] {strides = array<i32>} : memref<112x128xi32, #tpu.memory_space<vmem>>, vector<16xi32>,
      tpu.vector_store %arg6[%swap3A_3213, %swap3A_3214], %add3A_3212 {strides = array<i32>} : memref<112x128xi32, #tpu.memory_space<vmem>>, vector<16xi32>,
      %mul3A_3216 = arith.constant 128 : i32
      %mul3A_3217 = arith.muli %scan3A_3149, %mul3A_3216 : i32
      %add3A_3218 = arith.constant 64 : i32
      %add3A_3219 = arith.addi %mul3A_3217, %add3A_3218 : i32
      %iota3A_3220 = tpu.iota {dimensions = array<i32: 0>} : vector<16xi32>
      %add3A_3221 = vector.broadcast %add3A_3219 : i32 to vector<16xi32>
      %add3A_3222 = arith.addi %add3A_3221, %iota3A_3220 : vector<16xi32>
      %mul3A_3223 = arith.constant 181 : i32
      %mul3A_3224 = vector.broadcast %mul3A_3223 : i32 to vector<16xi32>
      %mul3A_3225 = arith.muli %add3A_3222, %mul3A_3224 : vector<16xi32>
      %mul3A_3226 = arith.constant 63 : i32
      %mul3A_3227 = arith.muli %add3A, %mul3A_3226 : i32
      %add3A_3228 = vector.broadcast %mul3A_3227 : i32 to vector<16xi32>
      %add3A_3229 = arith.addi %mul3A_3225, %add3A_3228 : vector<16xi32>
      %swap3A_3230 = arith.index_cast %scan3A_3149 : i32 to index
      %swap3A_3231 = arith.constant 64 : index
      %swap3A_3232 = tpu.vector_load %arg6[%swap3A_3230, %swap3A_3231] {strides = array<i32>} : memref<112x128xi32, #tpu.memory_space<vmem>>, vector<16xi32>,
      tpu.vector_store %arg6[%swap3A_3230, %swap3A_3231], %add3A_3229 {strides = array<i32>} : memref<112x128xi32, #tpu.memory_space<vmem>>, vector<16xi32>,
      %mul3A_3233 = arith.constant 128 : i32
      %mul3A_3234 = arith.muli %scan3A_3149, %mul3A_3233 : i32
      %add3A_3235 = arith.constant 80 : i32
      %add3A_3236 = arith.addi %mul3A_3234, %add3A_3235 : i32
      %iota3A_3237 = tpu.iota {dimensions = array<i32: 0>} : vector<16xi32>
      %add3A_3238 = vector.broadcast %add3A_3236 : i32 to vector<16xi32>
      %add3A_3239 = arith.addi %add3A_3238, %iota3A_3237 : vector<16xi32>
      %mul3A_3240 = arith.constant 181 : i32
      %mul3A_3241 = vector.broadcast %mul3A_3240 : i32 to vector<16xi32>
      %mul3A_3242 = arith.muli %add3A_3239, %mul3A_3241 : vector<16xi32>
      %mul3A_3243 = arith.constant 63 : i32
      %mul3A_3244 = arith.muli %add3A, %mul3A_3243 : i32
      %add3A_3245 = vector.broadcast %mul3A_3244 : i32 to vector<16xi32>
      %add3A_3246 = arith.addi %mul3A_3242, %add3A_3245 : vector<16xi32>
      %swap3A_3247 = arith.index_cast %scan3A_3149 : i32 to index
      %swap3A_3248 = arith.constant 80 : index
      %swap3A_3249 = tpu.vector_load %arg6[%swap3A_3247, %swap3A_3248] {strides = array<i32>} : memref<112x128xi32, #tpu.memory_space<vmem>>, vector<16xi32>,
      tpu.vector_store %arg6[%swap3A_3247, %swap3A_3248], %add3A_3246 {strides = array<i32>} : memref<112x128xi32, #tpu.memory_space<vmem>>, vector<16xi32>,
      %mul3A_3250 = arith.constant 128 : i32
      %mul3A_3251 = arith.muli %scan3A_3149, %mul3A_3250 : i32
      %add3A_3252 = arith.constant 96 : i32
      %add3A_3253 = arith.addi %mul3A_3251, %add3A_3252 : i32
      %iota3A_3254 = tpu.iota {dimensions = array<i32: 0>} : vector<16xi32>
      %add3A_3255 = vector.broadcast %add3A_3253 : i32 to vector<16xi32>
      %add3A_3256 = arith.addi %add3A_3255, %iota3A_3254 : vector<16xi32>
      %mul3A_3257 = arith.constant 181 : i32
      %mul3A_3258 = vector.broadcast %mul3A_3257 : i32 to vector<16xi32>
      %mul3A_3259 = arith.muli %add3A_3256, %mul3A_3258 : vector<16xi32>
      %mul3A_3260 = arith.constant 63 : i32
      %mul3A_3261 = arith.muli %add3A, %mul3A_3260 : i32
      %add3A_3262 = vector.broadcast %mul3A_3261 : i32 to vector<16xi32>
      %add3A_3263 = arith.addi %mul3A_3259, %add3A_3262 : vector<16xi32>
      %swap3A_3264 = arith.index_cast %scan3A_3149 : i32 to index
      %swap3A_3265 = arith.constant 96 : index
      %swap3A_3266 = tpu.vector_load %arg6[%swap3A_3264, %swap3A_3265] {strides = array<i32>} : memref<112x128xi32, #tpu.memory_space<vmem>>, vector<16xi32>,
      tpu.vector_store %arg6[%swap3A_3264, %swap3A_3265], %add3A_3263 {strides = array<i32>} : memref<112x128xi32, #tpu.memory_space<vmem>>, vector<16xi32>,
      %mul3A_3267 = arith.constant 128 : i32
      %mul3A_3268 = arith.muli %scan3A_3149, %mul3A_3267 : i32
      %add3A_3269 = arith.constant 112 : i32
      %add3A_3270 = arith.addi %mul3A_3268, %add3A_3269 : i32
      %iota3A_3271 = tpu.iota {dimensions = array<i32: 0>} : vector<16xi32>
      %add3A_3272 = vector.broadcast %add3A_3270 : i32 to vector<16xi32>
      %add3A_3273 = arith.addi %add3A_3272, %iota3A_3271 : vector<16xi32>
      %mul3A_3274 = arith.constant 181 : i32
      %mul3A_3275 = vector.broadcast %mul3A_3274 : i32 to vector<16xi32>
      %mul3A_3276 = arith.muli %add3A_3273, %mul3A_3275 : vector<16xi32>
      %mul3A_3277 = arith.constant 63 : i32
      %mul3A_3278 = arith.muli %add3A, %mul3A_3277 : i32
      %add3A_3279 = vector.broadcast %mul3A_3278 : i32 to vector<16xi32>
      %add3A_3280 = arith.addi %mul3A_3276, %add3A_3279 : vector<16xi32>
      %swap3A_3281 = arith.index_cast %scan3A_3149 : i32 to index
      %swap3A_3282 = arith.constant 112 : index
      %swap3A_3283 = tpu.vector_load %arg6[%swap3A_3281, %swap3A_3282] {strides = array<i32>} : memref<112x128xi32, #tpu.memory_space<vmem>>, vector<16xi32>,
      tpu.vector_store %arg6[%swap3A_3281, %swap3A_3282], %add3A_3280 {strides = array<i32>} : memref<112x128xi32, #tpu.memory_space<vmem>>, vector<16xi32>,
    }
    %scan3A_7 = arith.constant 112 : i32
    %scan3A_8 = arith.constant 0 : i32
    %scan3A_9 = arith.constant -991146299 : i32
    %scan3A_10 = arith.constant 0 : i32
    %scan3A_11 = arith.constant 104 : i32
    %scan3A_12 = arith.addi %scan3A_10, %scan3A_11 : i32
    %scan3A_13 = arith.constant 1 : i32
    scf.for %scan3A_3149 = %scan3A_10 to %scan3A_12 step %scan3A_13  : i32 {
      %mul3A_3150 = arith.constant 128 : i32
      %mul3A_3151 = arith.muli %scan3A_3149, %mul3A_3150 : i32
      %add3A_3152 = arith.addi %mul3A_2, %mul3A_3151 : i32
      %add3A_3153 = arith.constant 0 : i32
      %add3A_3154 = arith.addi %add3A_3152, %add3A_3153 : i32
      %iota3A = tpu.iota {dimensions = array<i32: 0>} : vector<16xi32>
      %add3A_3155 = vector.broadcast %add3A_3154 : i32 to vector<16xi32>
      %add3A_3156 = arith.addi %add3A_3155, %iota3A : vector<16xi32>
      %rem3A = arith.constant 26 : i32
      %rem3A_3157 = vector.broadcast %rem3A : i32 to vector<16xi32>
      %rem3A_3158 = arith.remsi %add3A_3156, %rem3A_3157 : vector<16xi32>
      %sub3A = arith.subi %add3A_3156, %rem3A_3158 : vector<16xi32>
      %shift_right_logical3A = arith.constant 1 : i32
      %shift_right_logical3A_3159 = vector.broadcast %shift_right_logical3A : i32 to vector<16xi32>
      %shift_right_logical3A_3160 = arith.shrui %sub3A, %shift_right_logical3A_3159 : vector<16xi32>
      %mul3A_3161 = vector.broadcast %scan3A_9 : i32 to vector<16xi32>
      %mul3A_3162 = arith.muli %shift_right_logical3A_3160, %mul3A_3161 : vector<16xi32>
      %and3A = arith.constant 7 : i32
      %and3A_3163 = vector.broadcast %and3A : i32 to vector<16xi32>
      %and3A_3164 = arith.andi %mul3A_3162, %and3A_3163 : vector<16xi32>
      %shift_right_logical3A_3165 = arith.constant 3 : i32
      %shift_right_logical3A_3166 = vector.broadcast %shift_right_logical3A_3165 : i32 to vector<16xi32>
      %shift_right_logical3A_3167 = arith.shrui %mul3A_3162, %shift_right_logical3A_3166 : vector<16xi32>
      %mul3A_3168 = arith.constant 64 : i32
      %mul3A_3169 = arith.muli %add3A, %mul3A_3168 : i32
      %sub3A_3170 = vector.broadcast %mul3A_3169 : i32 to vector<16xi32>
      %sub3A_3171 = arith.subi %shift_right_logical3A_3167, %sub3A_3170 : vector<16xi32>
      %shift_right_logical3A_3172 = arith.constant 2 : i32
      %shift_right_logical3A_3173 = vector.broadcast %shift_right_logical3A_3172 : i32 to vector<16xi32>
      %shift_right_logical3A_3174 = arith.shrui %rem3A_3158, %shift_right_logical3A_3173 : vector<16xi32>
      %mul3A_3175 = arith.constant 2048 : i32
      %mul3A_3176 = vector.broadcast %mul3A_3175 : i32 to vector<16xi32>
      %mul3A_3177 = arith.muli %shift_right_logical3A_3174, %mul3A_3176 : vector<16xi32>
      %mul3A_3178 = arith.constant 32 : i32
      %mul3A_3179 = vector.broadcast %mul3A_3178 : i32 to vector<16xi32>
      %mul3A_3180 = arith.muli %sub3A_3171, %mul3A_3179 : vector<16xi32>
      %add3A_3181 = arith.addi %mul3A_3177, %mul3A_3180 : vector<16xi32>
      %mul3A_3182 = arith.constant 4 : i32
      %mul3A_3183 = vector.broadcast %mul3A_3182 : i32 to vector<16xi32>
      %mul3A_3184 = arith.muli %and3A_3164, %mul3A_3183 : vector<16xi32>
      %add3A_3185 = arith.addi %add3A_3181, %mul3A_3184 : vector<16xi32>
      %and3A_3186 = arith.constant 3 : i32
      %and3A_3187 = vector.broadcast %and3A_3186 : i32 to vector<16xi32>
      %and3A_3188 = arith.andi %rem3A_3158, %and3A_3187 : vector<16xi32>
      %add3A_3189 = arith.addi %add3A_3185, %and3A_3188 : vector<16xi32>
      %get3A = arith.index_cast %scan3A_3149 : i32 to index
      %get3A_3190 = arith.constant 0 : index
      %get3A_3191 = tpu.vector_load %arg5[%get3A, %get3A_3190] {strides = array<i32>} : memref<104x128xi32, #tpu.memory_space<vmem>>, vector<16xi32>,
      %mul3A_3192 = arith.constant 100000 : i32
      %mul3A_3193 = vector.broadcast %mul3A_3192 : i32 to vector<16xi32>
      %mul3A_3194 = arith.muli %rem3A_3158, %mul3A_3193 : vector<16xi32>
      %add3A_3195 = arith.addi %get3A_3191, %mul3A_3194 : vector<16xi32>
      %shift_right_logical3A_3196 = arith.constant 7 : i32
      %shift_right_logical3A_3197 = vector.broadcast %shift_right_logical3A_3196 : i32 to vector<16xi32>
      %shift_right_logical3A_3198 = arith.shrui %add3A_3189, %shift_right_logical3A_3197 : vector<16xi32>
      %and3A_3199 = arith.constant 127 : i32
      %and3A_3200 = vector.broadcast %and3A_3199 : i32 to vector<16xi32>
      %and3A_3201 = arith.andi %add3A_3189, %and3A_3200 : vector<16xi32>
      tpu.vector_store_idx %arg6[%shift_right_logical3A_3198, %and3A_3201], %add3A_3195 : memref<112x128xi32, #tpu.memory_space<vmem>>[vector<16xi32>, vector<16xi32>], vector<16xi32>,
      %mul3A_3202 = arith.constant 128 : i32
      %mul3A_3203 = arith.muli %scan3A_3149, %mul3A_3202 : i32
      %add3A_3204 = arith.addi %mul3A_2, %mul3A_3203 : i32
      %add3A_3205 = arith.constant 16 : i32
      %add3A_3206 = arith.addi %add3A_3204, %add3A_3205 : i32
      %iota3A_3207 = tpu.iota {dimensions = array<i32: 0>} : vector<16xi32>
      %add3A_3208 = vector.broadcast %add3A_3206 : i32 to vector<16xi32>
      %add3A_3209 = arith.addi %add3A_3208, %iota3A_3207 : vector<16xi32>
      %rem3A_3210 = arith.constant 26 : i32
      %rem3A_3211 = vector.broadcast %rem3A_3210 : i32 to vector<16xi32>
      %rem3A_3212 = arith.remsi %add3A_3209, %rem3A_3211 : vector<16xi32>
      %sub3A_3213 = arith.subi %add3A_3209, %rem3A_3212 : vector<16xi32>
      %shift_right_logical3A_3214 = arith.constant 1 : i32
      %shift_right_logical3A_3215 = vector.broadcast %shift_right_logical3A_3214 : i32 to vector<16xi32>
      %shift_right_logical3A_3216 = arith.shrui %sub3A_3213, %shift_right_logical3A_3215 : vector<16xi32>
      %mul3A_3217 = vector.broadcast %scan3A_9 : i32 to vector<16xi32>
      %mul3A_3218 = arith.muli %shift_right_logical3A_3216, %mul3A_3217 : vector<16xi32>
      %and3A_3219 = arith.constant 7 : i32
      %and3A_3220 = vector.broadcast %and3A_3219 : i32 to vector<16xi32>
      %and3A_3221 = arith.andi %mul3A_3218, %and3A_3220 : vector<16xi32>
      %shift_right_logical3A_3222 = arith.constant 3 : i32
      %shift_right_logical3A_3223 = vector.broadcast %shift_right_logical3A_3222 : i32 to vector<16xi32>
      %shift_right_logical3A_3224 = arith.shrui %mul3A_3218, %shift_right_logical3A_3223 : vector<16xi32>
      %mul3A_3225 = arith.constant 64 : i32
      %mul3A_3226 = arith.muli %add3A, %mul3A_3225 : i32
      %sub3A_3227 = vector.broadcast %mul3A_3226 : i32 to vector<16xi32>
      %sub3A_3228 = arith.subi %shift_right_logical3A_3224, %sub3A_3227 : vector<16xi32>
      %shift_right_logical3A_3229 = arith.constant 2 : i32
      %shift_right_logical3A_3230 = vector.broadcast %shift_right_logical3A_3229 : i32 to vector<16xi32>
      %shift_right_logical3A_3231 = arith.shrui %rem3A_3212, %shift_right_logical3A_3230 : vector<16xi32>
      %mul3A_3232 = arith.constant 2048 : i32
      %mul3A_3233 = vector.broadcast %mul3A_3232 : i32 to vector<16xi32>
      %mul3A_3234 = arith.muli %shift_right_logical3A_3231, %mul3A_3233 : vector<16xi32>
      %mul3A_3235 = arith.constant 32 : i32
      %mul3A_3236 = vector.broadcast %mul3A_3235 : i32 to vector<16xi32>
      %mul3A_3237 = arith.muli %sub3A_3228, %mul3A_3236 : vector<16xi32>
      %add3A_3238 = arith.addi %mul3A_3234, %mul3A_3237 : vector<16xi32>
      %mul3A_3239 = arith.constant 4 : i32
      %mul3A_3240 = vector.broadcast %mul3A_3239 : i32 to vector<16xi32>
      %mul3A_3241 = arith.muli %and3A_3221, %mul3A_3240 : vector<16xi32>
      %add3A_3242 = arith.addi %add3A_3238, %mul3A_3241 : vector<16xi32>
      %and3A_3243 = arith.constant 3 : i32
      %and3A_3244 = vector.broadcast %and3A_3243 : i32 to vector<16xi32>
      %and3A_3245 = arith.andi %rem3A_3212, %and3A_3244 : vector<16xi32>
      %add3A_3246 = arith.addi %add3A_3242, %and3A_3245 : vector<16xi32>
      %get3A_3247 = arith.index_cast %scan3A_3149 : i32 to index
      %get3A_3248 = arith.constant 16 : index
      %get3A_3249 = tpu.vector_load %arg5[%get3A_3247, %get3A_3248] {strides = array<i32>} : memref<104x128xi32, #tpu.memory_space<vmem>>, vector<16xi32>,
      %mul3A_3250 = arith.constant 100000 : i32
      %mul3A_3251 = vector.broadcast %mul3A_3250 : i32 to vector<16xi32>
      %mul3A_3252 = arith.muli %rem3A_3212, %mul3A_3251 : vector<16xi32>
      %add3A_3253 = arith.addi %get3A_3249, %mul3A_3252 : vector<16xi32>
      %shift_right_logical3A_3254 = arith.constant 7 : i32
      %shift_right_logical3A_3255 = vector.broadcast %shift_right_logical3A_3254 : i32 to vector<16xi32>
      %shift_right_logical3A_3256 = arith.shrui %add3A_3246, %shift_right_logical3A_3255 : vector<16xi32>
      %and3A_3257 = arith.constant 127 : i32
      %and3A_3258 = vector.broadcast %and3A_3257 : i32 to vector<16xi32>
      %and3A_3259 = arith.andi %add3A_3246, %and3A_3258 : vector<16xi32>
      tpu.vector_store_idx %arg6[%shift_right_logical3A_3256, %and3A_3259], %add3A_3253 : memref<112x128xi32, #tpu.memory_space<vmem>>[vector<16xi32>, vector<16xi32>], vector<16xi32>,
      %mul3A_3260 = arith.constant 128 : i32
      %mul3A_3261 = arith.muli %scan3A_3149, %mul3A_3260 : i32
      %add3A_3262 = arith.addi %mul3A_2, %mul3A_3261 : i32
      %add3A_3263 = arith.constant 32 : i32
      %add3A_3264 = arith.addi %add3A_3262, %add3A_3263 : i32
      %iota3A_3265 = tpu.iota {dimensions = array<i32: 0>} : vector<16xi32>
      %add3A_3266 = vector.broadcast %add3A_3264 : i32 to vector<16xi32>
      %add3A_3267 = arith.addi %add3A_3266, %iota3A_3265 : vector<16xi32>
      %rem3A_3268 = arith.constant 26 : i32
      %rem3A_3269 = vector.broadcast %rem3A_3268 : i32 to vector<16xi32>
      %rem3A_3270 = arith.remsi %add3A_3267, %rem3A_3269 : vector<16xi32>
      %sub3A_3271 = arith.subi %add3A_3267, %rem3A_3270 : vector<16xi32>
      %shift_right_logical3A_3272 = arith.constant 1 : i32
      %shift_right_logical3A_3273 = vector.broadcast %shift_right_logical3A_3272 : i32 to vector<16xi32>
      %shift_right_logical3A_3274 = arith.shrui %sub3A_3271, %shift_right_logical3A_3273 : vector<16xi32>
      %mul3A_3275 = vector.broadcast %scan3A_9 : i32 to vector<16xi32>
      %mul3A_3276 = arith.muli %shift_right_logical3A_3274, %mul3A_3275 : vector<16xi32>
      %and3A_3277 = arith.constant 7 : i32
      %and3A_3278 = vector.broadcast %and3A_3277 : i32 to vector<16xi32>
      %and3A_3279 = arith.andi %mul3A_3276, %and3A_3278 : vector<16xi32>
      %shift_right_logical3A_3280 = arith.constant 3 : i32
      %shift_right_logical3A_3281 = vector.broadcast %shift_right_logical3A_3280 : i32 to vector<16xi32>
      %shift_right_logical3A_3282 = arith.shrui %mul3A_3276, %shift_right_logical3A_3281 : vector<16xi32>
      %mul3A_3283 = arith.constant 64 : i32
      %mul3A_3284 = arith.muli %add3A, %mul3A_3283 : i32
      %sub3A_3285 = vector.broadcast %mul3A_3284 : i32 to vector<16xi32>
      %sub3A_3286 = arith.subi %shift_right_logical3A_3282, %sub3A_3285 : vector<16xi32>
      %shift_right_logical3A_3287 = arith.constant 2 : i32
      %shift_right_logical3A_3288 = vector.broadcast %shift_right_logical3A_3287 : i32 to vector<16xi32>
      %shift_right_logical3A_3289 = arith.shrui %rem3A_3270, %shift_right_logical3A_3288 : vector<16xi32>
      %mul3A_3290 = arith.constant 2048 : i32
      %mul3A_3291 = vector.broadcast %mul3A_3290 : i32 to vector<16xi32>
      %mul3A_3292 = arith.muli %shift_right_logical3A_3289, %mul3A_3291 : vector<16xi32>
      %mul3A_3293 = arith.constant 32 : i32
      %mul3A_3294 = vector.broadcast %mul3A_3293 : i32 to vector<16xi32>
      %mul3A_3295 = arith.muli %sub3A_3286, %mul3A_3294 : vector<16xi32>
      %add3A_3296 = arith.addi %mul3A_3292, %mul3A_3295 : vector<16xi32>
      %mul3A_3297 = arith.constant 4 : i32
      %mul3A_3298 = vector.broadcast %mul3A_3297 : i32 to vector<16xi32>
      %mul3A_3299 = arith.muli %and3A_3279, %mul3A_3298 : vector<16xi32>
      %add3A_3300 = arith.addi %add3A_3296, %mul3A_3299 : vector<16xi32>
      %and3A_3301 = arith.constant 3 : i32
      %and3A_3302 = vector.broadcast %and3A_3301 : i32 to vector<16xi32>
      %and3A_3303 = arith.andi %rem3A_3270, %and3A_3302 : vector<16xi32>
      %add3A_3304 = arith.addi %add3A_3300, %and3A_3303 : vector<16xi32>
      %get3A_3305 = arith.index_cast %scan3A_3149 : i32 to index
      %get3A_3306 = arith.constant 32 : index
      %get3A_3307 = tpu.vector_load %arg5[%get3A_3305, %get3A_3306] {strides = array<i32>} : memref<104x128xi32, #tpu.memory_space<vmem>>, vector<16xi32>,
      %mul3A_3308 = arith.constant 100000 : i32
      %mul3A_3309 = vector.broadcast %mul3A_3308 : i32 to vector<16xi32>
      %mul3A_3310 = arith.muli %rem3A_3270, %mul3A_3309 : vector<16xi32>
      %add3A_3311 = arith.addi %get3A_3307, %mul3A_3310 : vector<16xi32>
      %shift_right_logical3A_3312 = arith.constant 7 : i32
      %shift_right_logical3A_3313 = vector.broadcast %shift_right_logical3A_3312 : i32 to vector<16xi32>
      %shift_right_logical3A_3314 = arith.shrui %add3A_3304, %shift_right_logical3A_3313 : vector<16xi32>
      %and3A_3315 = arith.constant 127 : i32
      %and3A_3316 = vector.broadcast %and3A_3315 : i32 to vector<16xi32>
      %and3A_3317 = arith.andi %add3A_3304, %and3A_3316 : vector<16xi32>
      tpu.vector_store_idx %arg6[%shift_right_logical3A_3314, %and3A_3317], %add3A_3311 : memref<112x128xi32, #tpu.memory_space<vmem>>[vector<16xi32>, vector<16xi32>], vector<16xi32>,
      %mul3A_3318 = arith.constant 128 : i32
      %mul3A_3319 = arith.muli %scan3A_3149, %mul3A_3318 : i32
      %add3A_3320 = arith.addi %mul3A_2, %mul3A_3319 : i32
      %add3A_3321 = arith.constant 48 : i32
      %add3A_3322 = arith.addi %add3A_3320, %add3A_3321 : i32
      %iota3A_3323 = tpu.iota {dimensions = array<i32: 0>} : vector<16xi32>
      %add3A_3324 = vector.broadcast %add3A_3322 : i32 to vector<16xi32>
      %add3A_3325 = arith.addi %add3A_3324, %iota3A_3323 : vector<16xi32>
      %rem3A_3326 = arith.constant 26 : i32
      %rem3A_3327 = vector.broadcast %rem3A_3326 : i32 to vector<16xi32>
      %rem3A_3328 = arith.remsi %add3A_3325, %rem3A_3327 : vector<16xi32>
      %sub3A_3329 = arith.subi %add3A_3325, %rem3A_3328 : vector<16xi32>
      %shift_right_logical3A_3330 = arith.constant 1 : i32
      %shift_right_logical3A_3331 = vector.broadcast %shift_right_logical3A_3330 : i32 to vector<16xi32>
      %shift_right_logical3A_3332 = arith.shrui %sub3A_3329, %shift_right_logical3A_3331 : vector<16xi32>
      %mul3A_3333 = vector.broadcast %scan3A_9 : i32 to vector<16xi32>
      %mul3A_3334 = arith.muli %shift_right_logical3A_3332, %mul3A_3333 : vector<16xi32>
      %and3A_3335 = arith.constant 7 : i32
      %and3A_3336 = vector.broadcast %and3A_3335 : i32 to vector<16xi32>
      %and3A_3337 = arith.andi %mul3A_3334, %and3A_3336 : vector<16xi32>
      %shift_right_logical3A_3338 = arith.constant 3 : i32
      %shift_right_logical3A_3339 = vector.broadcast %shift_right_logical3A_3338 : i32 to vector<16xi32>
      %shift_right_logical3A_3340 = arith.shrui %mul3A_3334, %shift_right_logical3A_3339 : vector<16xi32>
      %mul3A_3341 = arith.constant 64 : i32
      %mul3A_3342 = arith.muli %add3A, %mul3A_3341 : i32
      %sub3A_3343 = vector.broadcast %mul3A_3342 : i32 to vector<16xi32>
      %sub3A_3344 = arith.subi %shift_right_logical3A_3340, %sub3A_3343 : vector<16xi32>
      %shift_right_logical3A_3345 = arith.constant 2 : i32
      %shift_right_logical3A_3346 = vector.broadcast %shift_right_logical3A_3345 : i32 to vector<16xi32>
      %shift_right_logical3A_3347 = arith.shrui %rem3A_3328, %shift_right_logical3A_3346 : vector<16xi32>
      %mul3A_3348 = arith.constant 2048 : i32
      %mul3A_3349 = vector.broadcast %mul3A_3348 : i32 to vector<16xi32>
      %mul3A_3350 = arith.muli %shift_right_logical3A_3347, %mul3A_3349 : vector<16xi32>
      %mul3A_3351 = arith.constant 32 : i32
      %mul3A_3352 = vector.broadcast %mul3A_3351 : i32 to vector<16xi32>
      %mul3A_3353 = arith.muli %sub3A_3344, %mul3A_3352 : vector<16xi32>
      %add3A_3354 = arith.addi %mul3A_3350, %mul3A_3353 : vector<16xi32>
      %mul3A_3355 = arith.constant 4 : i32
      %mul3A_3356 = vector.broadcast %mul3A_3355 : i32 to vector<16xi32>
      %mul3A_3357 = arith.muli %and3A_3337, %mul3A_3356 : vector<16xi32>
      %add3A_3358 = arith.addi %add3A_3354, %mul3A_3357 : vector<16xi32>
      %and3A_3359 = arith.constant 3 : i32
      %and3A_3360 = vector.broadcast %and3A_3359 : i32 to vector<16xi32>
      %and3A_3361 = arith.andi %rem3A_3328, %and3A_3360 : vector<16xi32>
      %add3A_3362 = arith.addi %add3A_3358, %and3A_3361 : vector<16xi32>
      %get3A_3363 = arith.index_cast %scan3A_3149 : i32 to index
      %get3A_3364 = arith.constant 48 : index
      %get3A_3365 = tpu.vector_load %arg5[%get3A_3363, %get3A_3364] {strides = array<i32>} : memref<104x128xi32, #tpu.memory_space<vmem>>, vector<16xi32>,
      %mul3A_3366 = arith.constant 100000 : i32
      %mul3A_3367 = vector.broadcast %mul3A_3366 : i32 to vector<16xi32>
      %mul3A_3368 = arith.muli %rem3A_3328, %mul3A_3367 : vector<16xi32>
      %add3A_3369 = arith.addi %get3A_3365, %mul3A_3368 : vector<16xi32>
      %shift_right_logical3A_3370 = arith.constant 7 : i32
      %shift_right_logical3A_3371 = vector.broadcast %shift_right_logical3A_3370 : i32 to vector<16xi32>
      %shift_right_logical3A_3372 = arith.shrui %add3A_3362, %shift_right_logical3A_3371 : vector<16xi32>
      %and3A_3373 = arith.constant 127 : i32
      %and3A_3374 = vector.broadcast %and3A_3373 : i32 to vector<16xi32>
      %and3A_3375 = arith.andi %add3A_3362, %and3A_3374 : vector<16xi32>
      tpu.vector_store_idx %arg6[%shift_right_logical3A_3372, %and3A_3375], %add3A_3369 : memref<112x128xi32, #tpu.memory_space<vmem>>[vector<16xi32>, vector<16xi32>], vector<16xi32>,
      %mul3A_3376 = arith.constant 128 : i32
      %mul3A_3377 = arith.muli %scan3A_3149, %mul3A_3376 : i32
      %add3A_3378 = arith.addi %mul3A_2, %mul3A_3377 : i32
      %add3A_3379 = arith.constant 64 : i32
      %add3A_3380 = arith.addi %add3A_3378, %add3A_3379 : i32
      %iota3A_3381 = tpu.iota {dimensions = array<i32: 0>} : vector<16xi32>
      %add3A_3382 = vector.broadcast %add3A_3380 : i32 to vector<16xi32>
      %add3A_3383 = arith.addi %add3A_3382, %iota3A_3381 : vector<16xi32>
      %rem3A_3384 = arith.constant 26 : i32
      %rem3A_3385 = vector.broadcast %rem3A_3384 : i32 to vector<16xi32>
      %rem3A_3386 = arith.remsi %add3A_3383, %rem3A_3385 : vector<16xi32>
      %sub3A_3387 = arith.subi %add3A_3383, %rem3A_3386 : vector<16xi32>
      %shift_right_logical3A_3388 = arith.constant 1 : i32
      %shift_right_logical3A_3389 = vector.broadcast %shift_right_logical3A_3388 : i32 to vector<16xi32>
      %shift_right_logical3A_3390 = arith.shrui %sub3A_3387, %shift_right_logical3A_3389 : vector<16xi32>
      %mul3A_3391 = vector.broadcast %scan3A_9 : i32 to vector<16xi32>
      %mul3A_3392 = arith.muli %shift_right_logical3A_3390, %mul3A_3391 : vector<16xi32>
      %and3A_3393 = arith.constant 7 : i32
      %and3A_3394 = vector.broadcast %and3A_3393 : i32 to vector<16xi32>
      %and3A_3395 = arith.andi %mul3A_3392, %and3A_3394 : vector<16xi32>
      %shift_right_logical3A_3396 = arith.constant 3 : i32
      %shift_right_logical3A_3397 = vector.broadcast %shift_right_logical3A_3396 : i32 to vector<16xi32>
      %shift_right_logical3A_3398 = arith.shrui %mul3A_3392, %shift_right_logical3A_3397 : vector<16xi32>
      %mul3A_3399 = arith.constant 64 : i32
      %mul3A_3400 = arith.muli %add3A, %mul3A_3399 : i32
      %sub3A_3401 = vector.broadcast %mul3A_3400 : i32 to vector<16xi32>
      %sub3A_3402 = arith.subi %shift_right_logical3A_3398, %sub3A_3401 : vector<16xi32>
      %shift_right_logical3A_3403 = arith.constant 2 : i32
      %shift_right_logical3A_3404 = vector.broadcast %shift_right_logical3A_3403 : i32 to vector<16xi32>
      %shift_right_logical3A_3405 = arith.shrui %rem3A_3386, %shift_right_logical3A_3404 : vector<16xi32>
      %mul3A_3406 = arith.constant 2048 : i32
      %mul3A_3407 = vector.broadcast %mul3A_3406 : i32 to vector<16xi32>
      %mul3A_3408 = arith.muli %shift_right_logical3A_3405, %mul3A_3407 : vector<16xi32>
      %mul3A_3409 = arith.constant 32 : i32
      %mul3A_3410 = vector.broadcast %mul3A_3409 : i32 to vector<16xi32>
      %mul3A_3411 = arith.muli %sub3A_3402, %mul3A_3410 : vector<16xi32>
      %add3A_3412 = arith.addi %mul3A_3408, %mul3A_3411 : vector<16xi32>
      %mul3A_3413 = arith.constant 4 : i32
      %mul3A_3414 = vector.broadcast %mul3A_3413 : i32 to vector<16xi32>
      %mul3A_3415 = arith.muli %and3A_3395, %mul3A_3414 : vector<16xi32>
      %add3A_3416 = arith.addi %add3A_3412, %mul3A_3415 : vector<16xi32>
      %and3A_3417 = arith.constant 3 : i32
      %and3A_3418 = vector.broadcast %and3A_3417 : i32 to vector<16xi32>
      %and3A_3419 = arith.andi %rem3A_3386, %and3A_3418 : vector<16xi32>
      %add3A_3420 = arith.addi %add3A_3416, %and3A_3419 : vector<16xi32>
      %get3A_3421 = arith.index_cast %scan3A_3149 : i32 to index
      %get3A_3422 = arith.constant 64 : index
      %get3A_3423 = tpu.vector_load %arg5[%get3A_3421, %get3A_3422] {strides = array<i32>} : memref<104x128xi32, #tpu.memory_space<vmem>>, vector<16xi32>,
      %mul3A_3424 = arith.constant 100000 : i32
      %mul3A_3425 = vector.broadcast %mul3A_3424 : i32 to vector<16xi32>
      %mul3A_3426 = arith.muli %rem3A_3386, %mul3A_3425 : vector<16xi32>
      %add3A_3427 = arith.addi %get3A_3423, %mul3A_3426 : vector<16xi32>
      %shift_right_logical3A_3428 = arith.constant 7 : i32
      %shift_right_logical3A_3429 = vector.broadcast %shift_right_logical3A_3428 : i32 to vector<16xi32>
      %shift_right_logical3A_3430 = arith.shrui %add3A_3420, %shift_right_logical3A_3429 : vector<16xi32>
      %and3A_3431 = arith.constant 127 : i32
      %and3A_3432 = vector.broadcast %and3A_3431 : i32 to vector<16xi32>
      %and3A_3433 = arith.andi %add3A_3420, %and3A_3432 : vector<16xi32>
      tpu.vector_store_idx %arg6[%shift_right_logical3A_3430, %and3A_3433], %add3A_3427 : memref<112x128xi32, #tpu.memory_space<vmem>>[vector<16xi32>, vector<16xi32>], vector<16xi32>,
      %mul3A_3434 = arith.constant 128 : i32
      %mul3A_3435 = arith.muli %scan3A_3149, %mul3A_3434 : i32
      %add3A_3436 = arith.addi %mul3A_2, %mul3A_3435 : i32
      %add3A_3437 = arith.constant 80 : i32
      %add3A_3438 = arith.addi %add3A_3436, %add3A_3437 : i32
      %iota3A_3439 = tpu.iota {dimensions = array<i32: 0>} : vector<16xi32>
      %add3A_3440 = vector.broadcast %add3A_3438 : i32 to vector<16xi32>
      %add3A_3441 = arith.addi %add3A_3440, %iota3A_3439 : vector<16xi32>
      %rem3A_3442 = arith.constant 26 : i32
      %rem3A_3443 = vector.broadcast %rem3A_3442 : i32 to vector<16xi32>
      %rem3A_3444 = arith.remsi %add3A_3441, %rem3A_3443 : vector<16xi32>
      %sub3A_3445 = arith.subi %add3A_3441, %rem3A_3444 : vector<16xi32>
      %shift_right_logical3A_3446 = arith.constant 1 : i32
      %shift_right_logical3A_3447 = vector.broadcast %shift_right_logical3A_3446 : i32 to vector<16xi32>
      %shift_right_logical3A_3448 = arith.shrui %sub3A_3445, %shift_right_logical3A_3447 : vector<16xi32>
      %mul3A_3449 = vector.broadcast %scan3A_9 : i32 to vector<16xi32>
      %mul3A_3450 = arith.muli %shift_right_logical3A_3448, %mul3A_3449 : vector<16xi32>
      %and3A_3451 = arith.constant 7 : i32
      %and3A_3452 = vector.broadcast %and3A_3451 : i32 to vector<16xi32>
      %and3A_3453 = arith.andi %mul3A_3450, %and3A_3452 : vector<16xi32>
      %shift_right_logical3A_3454 = arith.constant 3 : i32
      %shift_right_logical3A_3455 = vector.broadcast %shift_right_logical3A_3454 : i32 to vector<16xi32>
      %shift_right_logical3A_3456 = arith.shrui %mul3A_3450, %shift_right_logical3A_3455 : vector<16xi32>
      %mul3A_3457 = arith.constant 64 : i32
      %mul3A_3458 = arith.muli %add3A, %mul3A_3457 : i32
      %sub3A_3459 = vector.broadcast %mul3A_3458 : i32 to vector<16xi32>
      %sub3A_3460 = arith.subi %shift_right_logical3A_3456, %sub3A_3459 : vector<16xi32>
      %shift_right_logical3A_3461 = arith.constant 2 : i32
      %shift_right_logical3A_3462 = vector.broadcast %shift_right_logical3A_3461 : i32 to vector<16xi32>
      %shift_right_logical3A_3463 = arith.shrui %rem3A_3444, %shift_right_logical3A_3462 : vector<16xi32>
      %mul3A_3464 = arith.constant 2048 : i32
      %mul3A_3465 = vector.broadcast %mul3A_3464 : i32 to vector<16xi32>
      %mul3A_3466 = arith.muli %shift_right_logical3A_3463, %mul3A_3465 : vector<16xi32>
      %mul3A_3467 = arith.constant 32 : i32
      %mul3A_3468 = vector.broadcast %mul3A_3467 : i32 to vector<16xi32>
      %mul3A_3469 = arith.muli %sub3A_3460, %mul3A_3468 : vector<16xi32>
      %add3A_3470 = arith.addi %mul3A_3466, %mul3A_3469 : vector<16xi32>
      %mul3A_3471 = arith.constant 4 : i32
      %mul3A_3472 = vector.broadcast %mul3A_3471 : i32 to vector<16xi32>
      %mul3A_3473 = arith.muli %and3A_3453, %mul3A_3472 : vector<16xi32>
      %add3A_3474 = arith.addi %add3A_3470, %mul3A_3473 : vector<16xi32>
      %and3A_3475 = arith.constant 3 : i32
      %and3A_3476 = vector.broadcast %and3A_3475 : i32 to vector<16xi32>
      %and3A_3477 = arith.andi %rem3A_3444, %and3A_3476 : vector<16xi32>
      %add3A_3478 = arith.addi %add3A_3474, %and3A_3477 : vector<16xi32>
      %get3A_3479 = arith.index_cast %scan3A_3149 : i32 to index
      %get3A_3480 = arith.constant 80 : index
      %get3A_3481 = tpu.vector_load %arg5[%get3A_3479, %get3A_3480] {strides = array<i32>} : memref<104x128xi32, #tpu.memory_space<vmem>>, vector<16xi32>,
      %mul3A_3482 = arith.constant 100000 : i32
      %mul3A_3483 = vector.broadcast %mul3A_3482 : i32 to vector<16xi32>
      %mul3A_3484 = arith.muli %rem3A_3444, %mul3A_3483 : vector<16xi32>
      %add3A_3485 = arith.addi %get3A_3481, %mul3A_3484 : vector<16xi32>
      %shift_right_logical3A_3486 = arith.constant 7 : i32
      %shift_right_logical3A_3487 = vector.broadcast %shift_right_logical3A_3486 : i32 to vector<16xi32>
      %shift_right_logical3A_3488 = arith.shrui %add3A_3478, %shift_right_logical3A_3487 : vector<16xi32>
      %and3A_3489 = arith.constant 127 : i32
      %and3A_3490 = vector.broadcast %and3A_3489 : i32 to vector<16xi32>
      %and3A_3491 = arith.andi %add3A_3478, %and3A_3490 : vector<16xi32>
      tpu.vector_store_idx %arg6[%shift_right_logical3A_3488, %and3A_3491], %add3A_3485 : memref<112x128xi32, #tpu.memory_space<vmem>>[vector<16xi32>, vector<16xi32>], vector<16xi32>,
      %mul3A_3492 = arith.constant 128 : i32
      %mul3A_3493 = arith.muli %scan3A_3149, %mul3A_3492 : i32
      %add3A_3494 = arith.addi %mul3A_2, %mul3A_3493 : i32
      %add3A_3495 = arith.constant 96 : i32
      %add3A_3496 = arith.addi %add3A_3494, %add3A_3495 : i32
      %iota3A_3497 = tpu.iota {dimensions = array<i32: 0>} : vector<16xi32>
      %add3A_3498 = vector.broadcast %add3A_3496 : i32 to vector<16xi32>
      %add3A_3499 = arith.addi %add3A_3498, %iota3A_3497 : vector<16xi32>
      %rem3A_3500 = arith.constant 26 : i32
      %rem3A_3501 = vector.broadcast %rem3A_3500 : i32 to vector<16xi32>
      %rem3A_3502 = arith.remsi %add3A_3499, %rem3A_3501 : vector<16xi32>
      %sub3A_3503 = arith.subi %add3A_3499, %rem3A_3502 : vector<16xi32>
      %shift_right_logical3A_3504 = arith.constant 1 : i32
      %shift_right_logical3A_3505 = vector.broadcast %shift_right_logical3A_3504 : i32 to vector<16xi32>
      %shift_right_logical3A_3506 = arith.shrui %sub3A_3503, %shift_right_logical3A_3505 : vector<16xi32>
      %mul3A_3507 = vector.broadcast %scan3A_9 : i32 to vector<16xi32>
      %mul3A_3508 = arith.muli %shift_right_logical3A_3506, %mul3A_3507 : vector<16xi32>
      %and3A_3509 = arith.constant 7 : i32
      %and3A_3510 = vector.broadcast %and3A_3509 : i32 to vector<16xi32>
      %and3A_3511 = arith.andi %mul3A_3508, %and3A_3510 : vector<16xi32>
      %shift_right_logical3A_3512 = arith.constant 3 : i32
      %shift_right_logical3A_3513 = vector.broadcast %shift_right_logical3A_3512 : i32 to vector<16xi32>
      %shift_right_logical3A_3514 = arith.shrui %mul3A_3508, %shift_right_logical3A_3513 : vector<16xi32>
      %mul3A_3515 = arith.constant 64 : i32
      %mul3A_3516 = arith.muli %add3A, %mul3A_3515 : i32
      %sub3A_3517 = vector.broadcast %mul3A_3516 : i32 to vector<16xi32>
      %sub3A_3518 = arith.subi %shift_right_logical3A_3514, %sub3A_3517 : vector<16xi32>
      %shift_right_logical3A_3519 = arith.constant 2 : i32
      %shift_right_logical3A_3520 = vector.broadcast %shift_right_logical3A_3519 : i32 to vector<16xi32>
      %shift_right_logical3A_3521 = arith.shrui %rem3A_3502, %shift_right_logical3A_3520 : vector<16xi32>
      %mul3A_3522 = arith.constant 2048 : i32
      %mul3A_3523 = vector.broadcast %mul3A_3522 : i32 to vector<16xi32>
      %mul3A_3524 = arith.muli %shift_right_logical3A_3521, %mul3A_3523 : vector<16xi32>
      %mul3A_3525 = arith.constant 32 : i32
      %mul3A_3526 = vector.broadcast %mul3A_3525 : i32 to vector<16xi32>
      %mul3A_3527 = arith.muli %sub3A_3518, %mul3A_3526 : vector<16xi32>
      %add3A_3528 = arith.addi %mul3A_3524, %mul3A_3527 : vector<16xi32>
      %mul3A_3529 = arith.constant 4 : i32
      %mul3A_3530 = vector.broadcast %mul3A_3529 : i32 to vector<16xi32>
      %mul3A_3531 = arith.muli %and3A_3511, %mul3A_3530 : vector<16xi32>
      %add3A_3532 = arith.addi %add3A_3528, %mul3A_3531 : vector<16xi32>
      %and3A_3533 = arith.constant 3 : i32
      %and3A_3534 = vector.broadcast %and3A_3533 : i32 to vector<16xi32>
      %and3A_3535 = arith.andi %rem3A_3502, %and3A_3534 : vector<16xi32>
      %add3A_3536 = arith.addi %add3A_3532, %and3A_3535 : vector<16xi32>
      %get3A_3537 = arith.index_cast %scan3A_3149 : i32 to index
      %get3A_3538 = arith.constant 96 : index
      %get3A_3539 = tpu.vector_load %arg5[%get3A_3537, %get3A_3538] {strides = array<i32>} : memref<104x128xi32, #tpu.memory_space<vmem>>, vector<16xi32>,
      %mul3A_3540 = arith.constant 100000 : i32
      %mul3A_3541 = vector.broadcast %mul3A_3540 : i32 to vector<16xi32>
      %mul3A_3542 = arith.muli %rem3A_3502, %mul3A_3541 : vector<16xi32>
      %add3A_3543 = arith.addi %get3A_3539, %mul3A_3542 : vector<16xi32>
      %shift_right_logical3A_3544 = arith.constant 7 : i32
      %shift_right_logical3A_3545 = vector.broadcast %shift_right_logical3A_3544 : i32 to vector<16xi32>
      %shift_right_logical3A_3546 = arith.shrui %add3A_3536, %shift_right_logical3A_3545 : vector<16xi32>
      %and3A_3547 = arith.constant 127 : i32
      %and3A_3548 = vector.broadcast %and3A_3547 : i32 to vector<16xi32>
      %and3A_3549 = arith.andi %add3A_3536, %and3A_3548 : vector<16xi32>
      tpu.vector_store_idx %arg6[%shift_right_logical3A_3546, %and3A_3549], %add3A_3543 : memref<112x128xi32, #tpu.memory_space<vmem>>[vector<16xi32>, vector<16xi32>], vector<16xi32>,
      %mul3A_3550 = arith.constant 128 : i32
      %mul3A_3551 = arith.muli %scan3A_3149, %mul3A_3550 : i32
      %add3A_3552 = arith.addi %mul3A_2, %mul3A_3551 : i32
      %add3A_3553 = arith.constant 112 : i32
      %add3A_3554 = arith.addi %add3A_3552, %add3A_3553 : i32
      %iota3A_3555 = tpu.iota {dimensions = array<i32: 0>} : vector<16xi32>
      %add3A_3556 = vector.broadcast %add3A_3554 : i32 to vector<16xi32>
      %add3A_3557 = arith.addi %add3A_3556, %iota3A_3555 : vector<16xi32>
      %rem3A_3558 = arith.constant 26 : i32
      %rem3A_3559 = vector.broadcast %rem3A_3558 : i32 to vector<16xi32>
      %rem3A_3560 = arith.remsi %add3A_3557, %rem3A_3559 : vector<16xi32>
      %sub3A_3561 = arith.subi %add3A_3557, %rem3A_3560 : vector<16xi32>
      %shift_right_logical3A_3562 = arith.constant 1 : i32
      %shift_right_logical3A_3563 = vector.broadcast %shift_right_logical3A_3562 : i32 to vector<16xi32>
      %shift_right_logical3A_3564 = arith.shrui %sub3A_3561, %shift_right_logical3A_3563 : vector<16xi32>
      %mul3A_3565 = vector.broadcast %scan3A_9 : i32 to vector<16xi32>
      %mul3A_3566 = arith.muli %shift_right_logical3A_3564, %mul3A_3565 : vector<16xi32>
      %and3A_3567 = arith.constant 7 : i32
      %and3A_3568 = vector.broadcast %and3A_3567 : i32 to vector<16xi32>
      %and3A_3569 = arith.andi %mul3A_3566, %and3A_3568 : vector<16xi32>
      %shift_right_logical3A_3570 = arith.constant 3 : i32
      %shift_right_logical3A_3571 = vector.broadcast %shift_right_logical3A_3570 : i32 to vector<16xi32>
      %shift_right_logical3A_3572 = arith.shrui %mul3A_3566, %shift_right_logical3A_3571 : vector<16xi32>
      %mul3A_3573 = arith.constant 64 : i32
      %mul3A_3574 = arith.muli %add3A, %mul3A_3573 : i32
      %sub3A_3575 = vector.broadcast %mul3A_3574 : i32 to vector<16xi32>
      %sub3A_3576 = arith.subi %shift_right_logical3A_3572, %sub3A_3575 : vector<16xi32>
      %shift_right_logical3A_3577 = arith.constant 2 : i32
      %shift_right_logical3A_3578 = vector.broadcast %shift_right_logical3A_3577 : i32 to vector<16xi32>
      %shift_right_logical3A_3579 = arith.shrui %rem3A_3560, %shift_right_logical3A_3578 : vector<16xi32>
      %mul3A_3580 = arith.constant 2048 : i32
      %mul3A_3581 = vector.broadcast %mul3A_3580 : i32 to vector<16xi32>
      %mul3A_3582 = arith.muli %shift_right_logical3A_3579, %mul3A_3581 : vector<16xi32>
      %mul3A_3583 = arith.constant 32 : i32
      %mul3A_3584 = vector.broadcast %mul3A_3583 : i32 to vector<16xi32>
      %mul3A_3585 = arith.muli %sub3A_3576, %mul3A_3584 : vector<16xi32>
      %add3A_3586 = arith.addi %mul3A_3582, %mul3A_3585 : vector<16xi32>
      %mul3A_3587 = arith.constant 4 : i32
      %mul3A_3588 = vector.broadcast %mul3A_3587 : i32 to vector<16xi32>
      %mul3A_3589 = arith.muli %and3A_3569, %mul3A_3588 : vector<16xi32>
      %add3A_3590 = arith.addi %add3A_3586, %mul3A_3589 : vector<16xi32>
      %and3A_3591 = arith.constant 3 : i32
      %and3A_3592 = vector.broadcast %and3A_3591 : i32 to vector<16xi32>
      %and3A_3593 = arith.andi %rem3A_3560, %and3A_3592 : vector<16xi32>
      %add3A_3594 = arith.addi %add3A_3590, %and3A_3593 : vector<16xi32>
      %get3A_3595 = arith.index_cast %scan3A_3149 : i32 to index
      %get3A_3596 = arith.constant 112 : index
      %get3A_3597 = tpu.vector_load %arg5[%get3A_3595, %get3A_3596] {strides = array<i32>} : memref<104x128xi32, #tpu.memory_space<vmem>>, vector<16xi32>,
      %mul3A_3598 = arith.constant 100000 : i32
      %mul3A_3599 = vector.broadcast %mul3A_3598 : i32 to vector<16xi32>
      %mul3A_3600 = arith.muli %rem3A_3560, %mul3A_3599 : vector<16xi32>
      %add3A_3601 = arith.addi %get3A_3597, %mul3A_3600 : vector<16xi32>
      %shift_right_logical3A_3602 = arith.constant 7 : i32
      %shift_right_logical3A_3603 = vector.broadcast %shift_right_logical3A_3602 : i32 to vector<16xi32>
      %shift_right_logical3A_3604 = arith.shrui %add3A_3594, %shift_right_logical3A_3603 : vector<16xi32>
      %and3A_3605 = arith.constant 127 : i32
      %and3A_3606 = vector.broadcast %and3A_3605 : i32 to vector<16xi32>
      %and3A_3607 = arith.andi %add3A_3594, %and3A_3606 : vector<16xi32>
      tpu.vector_store_idx %arg6[%shift_right_logical3A_3604, %and3A_3607], %add3A_3601 : memref<112x128xi32, #tpu.memory_space<vmem>>[vector<16xi32>, vector<16xi32>], vector<16xi32>,
    }
    %scan3A_14 = arith.constant 104 : i32
    %dma_start3A = arith.constant 0 : i32
    %dma_start3A_15 = arith.constant 0 : i32
    %dma_start3A_16 = arith.constant 0 : i32
    %dma_start3A_17 = arith.constant 0 : i32
    %dma_start3A_18 = tpu.memref_slice %arg7[%dma_start3A_15, %dma_start3A_16, %dma_start3A_17] : memref<2x1024x32xf32, #tpu.memory_space<vmem>> -> memref<1x128x32xf32, #tpu.memory_space<vmem>>
    %dma_start3A_19 = tpu.memref_squeeze %dma_start3A_18 : memref<1x128x32xf32, #tpu.memory_space<vmem>> -> memref<128x32xf32, #tpu.memory_space<vmem>>
    %dma_start3A_20 = arith.constant 0 : i32
    %dma_start3A_21 = tpu.memref_slice %arg6[%dma_start3A, %dma_start3A_20] : memref<112x128xi32, #tpu.memory_space<vmem>> -> memref<1x128xi32, #tpu.memory_space<vmem>>
    %dma_start3A_22 = tpu.memref_squeeze %dma_start3A_21 : memref<1x128xi32, #tpu.memory_space<vmem>> -> memref<128xi32, #tpu.memory_space<vmem>>
    %dma_start3A_23 = arith.constant 0 : i32
    %dma_start3A_24 = arith.constant 0 : i32
    %dma_start3A_25 = tpu.memref_slice %arg3[%dma_start3A_23, %dma_start3A_24] : memref<2600000x32xf32, #tpu.memory_space<hbm>> -> memref<2600000x32xf32, #tpu.memory_space<hbm>>
    tpu.enqueue_indirect_dma source(%dma_start3A_25 : memref<2600000x32xf32, #tpu.memory_space<hbm>>) target(%dma_start3A_19 : memref<128x32xf32, #tpu.memory_space<vmem>>) offsets(%dma_start3A_22 : memref<128xi32, #tpu.memory_space<vmem>>) semaphore(%arg8 : memref<!tpu.dma_semaphore, #tpu.memory_space<semaphore_mem>>)
    %dma_start3A_26 = arith.constant 1 : i32
    %dma_start3A_27 = arith.constant 0 : i32
    %dma_start3A_28 = arith.constant 128 : i32
    %dma_start3A_29 = arith.constant 0 : i32
    %dma_start3A_30 = tpu.memref_slice %arg7[%dma_start3A_27, %dma_start3A_28, %dma_start3A_29] : memref<2x1024x32xf32, #tpu.memory_space<vmem>> -> memref<1x128x32xf32, #tpu.memory_space<vmem>>
    %dma_start3A_31 = tpu.memref_squeeze %dma_start3A_30 : memref<1x128x32xf32, #tpu.memory_space<vmem>> -> memref<128x32xf32, #tpu.memory_space<vmem>>
    %dma_start3A_32 = arith.constant 0 : i32
    %dma_start3A_33 = tpu.memref_slice %arg6[%dma_start3A_26, %dma_start3A_32] : memref<112x128xi32, #tpu.memory_space<vmem>> -> memref<1x128xi32, #tpu.memory_space<vmem>>
    %dma_start3A_34 = tpu.memref_squeeze %dma_start3A_33 : memref<1x128xi32, #tpu.memory_space<vmem>> -> memref<128xi32, #tpu.memory_space<vmem>>
    %dma_start3A_35 = arith.constant 0 : i32
    %dma_start3A_36 = arith.constant 0 : i32
    %dma_start3A_37 = tpu.memref_slice %arg3[%dma_start3A_35, %dma_start3A_36] : memref<2600000x32xf32, #tpu.memory_space<hbm>> -> memref<2600000x32xf32, #tpu.memory_space<hbm>>
    tpu.enqueue_indirect_dma source(%dma_start3A_37 : memref<2600000x32xf32, #tpu.memory_space<hbm>>) target(%dma_start3A_31 : memref<128x32xf32, #tpu.memory_space<vmem>>) offsets(%dma_start3A_34 : memref<128xi32, #tpu.memory_space<vmem>>) semaphore(%arg8 : memref<!tpu.dma_semaphore, #tpu.memory_space<semaphore_mem>>)
    %dma_start3A_38 = arith.constant 2 : i32
    %dma_start3A_39 = arith.constant 0 : i32
    %dma_start3A_40 = arith.constant 256 : i32
    %dma_start3A_41 = arith.constant 0 : i32
    %dma_start3A_42 = tpu.memref_slice %arg7[%dma_start3A_39, %dma_start3A_40, %dma_start3A_41] : memref<2x1024x32xf32, #tpu.memory_space<vmem>> -> memref<1x128x32xf32, #tpu.memory_space<vmem>>
    %dma_start3A_43 = tpu.memref_squeeze %dma_start3A_42 : memref<1x128x32xf32, #tpu.memory_space<vmem>> -> memref<128x32xf32, #tpu.memory_space<vmem>>
    %dma_start3A_44 = arith.constant 0 : i32
    %dma_start3A_45 = tpu.memref_slice %arg6[%dma_start3A_38, %dma_start3A_44] : memref<112x128xi32, #tpu.memory_space<vmem>> -> memref<1x128xi32, #tpu.memory_space<vmem>>
    %dma_start3A_46 = tpu.memref_squeeze %dma_start3A_45 : memref<1x128xi32, #tpu.memory_space<vmem>> -> memref<128xi32, #tpu.memory_space<vmem>>
    %dma_start3A_47 = arith.constant 0 : i32
    %dma_start3A_48 = arith.constant 0 : i32
    %dma_start3A_49 = tpu.memref_slice %arg3[%dma_start3A_47, %dma_start3A_48] : memref<2600000x32xf32, #tpu.memory_space<hbm>> -> memref<2600000x32xf32, #tpu.memory_space<hbm>>
    tpu.enqueue_indirect_dma source(%dma_start3A_49 : memref<2600000x32xf32, #tpu.memory_space<hbm>>) target(%dma_start3A_43 : memref<128x32xf32, #tpu.memory_space<vmem>>) offsets(%dma_start3A_46 : memref<128xi32, #tpu.memory_space<vmem>>) semaphore(%arg8 : memref<!tpu.dma_semaphore, #tpu.memory_space<semaphore_mem>>)
    %dma_start3A_50 = arith.constant 3 : i32
    %dma_start3A_51 = arith.constant 0 : i32
    %dma_start3A_52 = arith.constant 384 : i32
    %dma_start3A_53 = arith.constant 0 : i32
    %dma_start3A_54 = tpu.memref_slice %arg7[%dma_start3A_51, %dma_start3A_52, %dma_start3A_53] : memref<2x1024x32xf32, #tpu.memory_space<vmem>> -> memref<1x128x32xf32, #tpu.memory_space<vmem>>
    %dma_start3A_55 = tpu.memref_squeeze %dma_start3A_54 : memref<1x128x32xf32, #tpu.memory_space<vmem>> -> memref<128x32xf32, #tpu.memory_space<vmem>>
    %dma_start3A_56 = arith.constant 0 : i32
    %dma_start3A_57 = tpu.memref_slice %arg6[%dma_start3A_50, %dma_start3A_56] : memref<112x128xi32, #tpu.memory_space<vmem>> -> memref<1x128xi32, #tpu.memory_space<vmem>>
    %dma_start3A_58 = tpu.memref_squeeze %dma_start3A_57 : memref<1x128xi32, #tpu.memory_space<vmem>> -> memref<128xi32, #tpu.memory_space<vmem>>
    %dma_start3A_59 = arith.constant 0 : i32
    %dma_start3A_60 = arith.constant 0 : i32
    %dma_start3A_61 = tpu.memref_slice %arg3[%dma_start3A_59, %dma_start3A_60] : memref<2600000x32xf32, #tpu.memory_space<hbm>> -> memref<2600000x32xf32, #tpu.memory_space<hbm>>
    tpu.enqueue_indirect_dma source(%dma_start3A_61 : memref<2600000x32xf32, #tpu.memory_space<hbm>>) target(%dma_start3A_55 : memref<128x32xf32, #tpu.memory_space<vmem>>) offsets(%dma_start3A_58 : memref<128xi32, #tpu.memory_space<vmem>>) semaphore(%arg8 : memref<!tpu.dma_semaphore, #tpu.memory_space<semaphore_mem>>)
    %dma_start3A_62 = arith.constant 4 : i32
    %dma_start3A_63 = arith.constant 0 : i32
    %dma_start3A_64 = arith.constant 512 : i32
    %dma_start3A_65 = arith.constant 0 : i32
    %dma_start3A_66 = tpu.memref_slice %arg7[%dma_start3A_63, %dma_start3A_64, %dma_start3A_65] : memref<2x1024x32xf32, #tpu.memory_space<vmem>> -> memref<1x128x32xf32, #tpu.memory_space<vmem>>
    %dma_start3A_67 = tpu.memref_squeeze %dma_start3A_66 : memref<1x128x32xf32, #tpu.memory_space<vmem>> -> memref<128x32xf32, #tpu.memory_space<vmem>>
    %dma_start3A_68 = arith.constant 0 : i32
    %dma_start3A_69 = tpu.memref_slice %arg6[%dma_start3A_62, %dma_start3A_68] : memref<112x128xi32, #tpu.memory_space<vmem>> -> memref<1x128xi32, #tpu.memory_space<vmem>>
    %dma_start3A_70 = tpu.memref_squeeze %dma_start3A_69 : memref<1x128xi32, #tpu.memory_space<vmem>> -> memref<128xi32, #tpu.memory_space<vmem>>
    %dma_start3A_71 = arith.constant 0 : i32
    %dma_start3A_72 = arith.constant 0 : i32
    %dma_start3A_73 = tpu.memref_slice %arg3[%dma_start3A_71, %dma_start3A_72] : memref<2600000x32xf32, #tpu.memory_space<hbm>> -> memref<2600000x32xf32, #tpu.memory_space<hbm>>
    tpu.enqueue_indirect_dma source(%dma_start3A_73 : memref<2600000x32xf32, #tpu.memory_space<hbm>>) target(%dma_start3A_67 : memref<128x32xf32, #tpu.memory_space<vmem>>) offsets(%dma_start3A_70 : memref<128xi32, #tpu.memory_space<vmem>>) semaphore(%arg8 : memref<!tpu.dma_semaphore, #tpu.memory_space<semaphore_mem>>)
    %dma_start3A_74 = arith.constant 5 : i32
    %dma_start3A_75 = arith.constant 0 : i32
    %dma_start3A_76 = arith.constant 640 : i32
    %dma_start3A_77 = arith.constant 0 : i32
    %dma_start3A_78 = tpu.memref_slice %arg7[%dma_start3A_75, %dma_start3A_76, %dma_start3A_77] : memref<2x1024x32xf32, #tpu.memory_space<vmem>> -> memref<1x128x32xf32, #tpu.memory_space<vmem>>
    %dma_start3A_79 = tpu.memref_squeeze %dma_start3A_78 : memref<1x128x32xf32, #tpu.memory_space<vmem>> -> memref<128x32xf32, #tpu.memory_space<vmem>>
    %dma_start3A_80 = arith.constant 0 : i32
    %dma_start3A_81 = tpu.memref_slice %arg6[%dma_start3A_74, %dma_start3A_80] : memref<112x128xi32, #tpu.memory_space<vmem>> -> memref<1x128xi32, #tpu.memory_space<vmem>>
    %dma_start3A_82 = tpu.memref_squeeze %dma_start3A_81 : memref<1x128xi32, #tpu.memory_space<vmem>> -> memref<128xi32, #tpu.memory_space<vmem>>
    %dma_start3A_83 = arith.constant 0 : i32
    %dma_start3A_84 = arith.constant 0 : i32
    %dma_start3A_85 = tpu.memref_slice %arg3[%dma_start3A_83, %dma_start3A_84] : memref<2600000x32xf32, #tpu.memory_space<hbm>> -> memref<2600000x32xf32, #tpu.memory_space<hbm>>
    tpu.enqueue_indirect_dma source(%dma_start3A_85 : memref<2600000x32xf32, #tpu.memory_space<hbm>>) target(%dma_start3A_79 : memref<128x32xf32, #tpu.memory_space<vmem>>) offsets(%dma_start3A_82 : memref<128xi32, #tpu.memory_space<vmem>>) semaphore(%arg8 : memref<!tpu.dma_semaphore, #tpu.memory_space<semaphore_mem>>)
    %dma_start3A_86 = arith.constant 6 : i32
    %dma_start3A_87 = arith.constant 0 : i32
    %dma_start3A_88 = arith.constant 768 : i32
    %dma_start3A_89 = arith.constant 0 : i32
    %dma_start3A_90 = tpu.memref_slice %arg7[%dma_start3A_87, %dma_start3A_88, %dma_start3A_89] : memref<2x1024x32xf32, #tpu.memory_space<vmem>> -> memref<1x128x32xf32, #tpu.memory_space<vmem>>
    %dma_start3A_91 = tpu.memref_squeeze %dma_start3A_90 : memref<1x128x32xf32, #tpu.memory_space<vmem>> -> memref<128x32xf32, #tpu.memory_space<vmem>>
    %dma_start3A_92 = arith.constant 0 : i32
    %dma_start3A_93 = tpu.memref_slice %arg6[%dma_start3A_86, %dma_start3A_92] : memref<112x128xi32, #tpu.memory_space<vmem>> -> memref<1x128xi32, #tpu.memory_space<vmem>>
    %dma_start3A_94 = tpu.memref_squeeze %dma_start3A_93 : memref<1x128xi32, #tpu.memory_space<vmem>> -> memref<128xi32, #tpu.memory_space<vmem>>
    %dma_start3A_95 = arith.constant 0 : i32
    %dma_start3A_96 = arith.constant 0 : i32
    %dma_start3A_97 = tpu.memref_slice %arg3[%dma_start3A_95, %dma_start3A_96] : memref<2600000x32xf32, #tpu.memory_space<hbm>> -> memref<2600000x32xf32, #tpu.memory_space<hbm>>
    tpu.enqueue_indirect_dma source(%dma_start3A_97 : memref<2600000x32xf32, #tpu.memory_space<hbm>>) target(%dma_start3A_91 : memref<128x32xf32, #tpu.memory_space<vmem>>) offsets(%dma_start3A_94 : memref<128xi32, #tpu.memory_space<vmem>>) semaphore(%arg8 : memref<!tpu.dma_semaphore, #tpu.memory_space<semaphore_mem>>)
    %dma_start3A_98 = arith.constant 7 : i32
    %dma_start3A_99 = arith.constant 0 : i32
    %dma_start3A_100 = arith.constant 896 : i32
    %dma_start3A_101 = arith.constant 0 : i32
    %dma_start3A_102 = tpu.memref_slice %arg7[%dma_start3A_99, %dma_start3A_100, %dma_start3A_101] : memref<2x1024x32xf32, #tpu.memory_space<vmem>> -> memref<1x128x32xf32, #tpu.memory_space<vmem>>
    %dma_start3A_103 = tpu.memref_squeeze %dma_start3A_102 : memref<1x128x32xf32, #tpu.memory_space<vmem>> -> memref<128x32xf32, #tpu.memory_space<vmem>>
    %dma_start3A_104 = arith.constant 0 : i32
    %dma_start3A_105 = tpu.memref_slice %arg6[%dma_start3A_98, %dma_start3A_104] : memref<112x128xi32, #tpu.memory_space<vmem>> -> memref<1x128xi32, #tpu.memory_space<vmem>>
    %dma_start3A_106 = tpu.memref_squeeze %dma_start3A_105 : memref<1x128xi32, #tpu.memory_space<vmem>> -> memref<128xi32, #tpu.memory_space<vmem>>
    %dma_start3A_107 = arith.constant 0 : i32
    %dma_start3A_108 = arith.constant 0 : i32
    %dma_start3A_109 = tpu.memref_slice %arg3[%dma_start3A_107, %dma_start3A_108] : memref<2600000x32xf32, #tpu.memory_space<hbm>> -> memref<2600000x32xf32, #tpu.memory_space<hbm>>
    tpu.enqueue_indirect_dma source(%dma_start3A_109 : memref<2600000x32xf32, #tpu.memory_space<hbm>>) target(%dma_start3A_103 : memref<128x32xf32, #tpu.memory_space<vmem>>) offsets(%dma_start3A_106 : memref<128xi32, #tpu.memory_space<vmem>>) semaphore(%arg8 : memref<!tpu.dma_semaphore, #tpu.memory_space<semaphore_mem>>)
    %dma_start3A_110 = arith.constant 8 : i32
    %dma_start3A_111 = arith.constant 1 : i32
    %dma_start3A_112 = arith.constant 0 : i32
    %dma_start3A_113 = arith.constant 0 : i32
    %dma_start3A_114 = tpu.memref_slice %arg7[%dma_start3A_111, %dma_start3A_112, %dma_start3A_113] : memref<2x1024x32xf32, #tpu.memory_space<vmem>> -> memref<1x128x32xf32, #tpu.memory_space<vmem>>
    %dma_start3A_115 = tpu.memref_squeeze %dma_start3A_114 : memref<1x128x32xf32, #tpu.memory_space<vmem>> -> memref<128x32xf32, #tpu.memory_space<vmem>>
    %dma_start3A_116 = arith.constant 0 : i32
    %dma_start3A_117 = tpu.memref_slice %arg6[%dma_start3A_110, %dma_start3A_116] : memref<112x128xi32, #tpu.memory_space<vmem>> -> memref<1x128xi32, #tpu.memory_space<vmem>>
    %dma_start3A_118 = tpu.memref_squeeze %dma_start3A_117 : memref<1x128xi32, #tpu.memory_space<vmem>> -> memref<128xi32, #tpu.memory_space<vmem>>
    %dma_start3A_119 = arith.constant 0 : i32
    %dma_start3A_120 = arith.constant 0 : i32
    %dma_start3A_121 = tpu.memref_slice %arg3[%dma_start3A_119, %dma_start3A_120] : memref<2600000x32xf32, #tpu.memory_space<hbm>> -> memref<2600000x32xf32, #tpu.memory_space<hbm>>
    tpu.enqueue_indirect_dma source(%dma_start3A_121 : memref<2600000x32xf32, #tpu.memory_space<hbm>>) target(%dma_start3A_115 : memref<128x32xf32, #tpu.memory_space<vmem>>) offsets(%dma_start3A_118 : memref<128xi32, #tpu.memory_space<vmem>>) semaphore(%arg8 : memref<!tpu.dma_semaphore, #tpu.memory_space<semaphore_mem>>)
    %dma_start3A_122 = arith.constant 9 : i32
    %dma_start3A_123 = arith.constant 1 : i32
    %dma_start3A_124 = arith.constant 128 : i32
    %dma_start3A_125 = arith.constant 0 : i32
    %dma_start3A_126 = tpu.memref_slice %arg7[%dma_start3A_123, %dma_start3A_124, %dma_start3A_125] : memref<2x1024x32xf32, #tpu.memory_space<vmem>> -> memref<1x128x32xf32, #tpu.memory_space<vmem>>
    %dma_start3A_127 = tpu.memref_squeeze %dma_start3A_126 : memref<1x128x32xf32, #tpu.memory_space<vmem>> -> memref<128x32xf32, #tpu.memory_space<vmem>>
    %dma_start3A_128 = arith.constant 0 : i32
    %dma_start3A_129 = tpu.memref_slice %arg6[%dma_start3A_122, %dma_start3A_128] : memref<112x128xi32, #tpu.memory_space<vmem>> -> memref<1x128xi32, #tpu.memory_space<vmem>>
    %dma_start3A_130 = tpu.memref_squeeze %dma_start3A_129 : memref<1x128xi32, #tpu.memory_space<vmem>> -> memref<128xi32, #tpu.memory_space<vmem>>
    %dma_start3A_131 = arith.constant 0 : i32
    %dma_start3A_132 = arith.constant 0 : i32
    %dma_start3A_133 = tpu.memref_slice %arg3[%dma_start3A_131, %dma_start3A_132] : memref<2600000x32xf32, #tpu.memory_space<hbm>> -> memref<2600000x32xf32, #tpu.memory_space<hbm>>
    tpu.enqueue_indirect_dma source(%dma_start3A_133 : memref<2600000x32xf32, #tpu.memory_space<hbm>>) target(%dma_start3A_127 : memref<128x32xf32, #tpu.memory_space<vmem>>) offsets(%dma_start3A_130 : memref<128xi32, #tpu.memory_space<vmem>>) semaphore(%arg8 : memref<!tpu.dma_semaphore, #tpu.memory_space<semaphore_mem>>)
    %dma_start3A_134 = arith.constant 10 : i32
    %dma_start3A_135 = arith.constant 1 : i32
    %dma_start3A_136 = arith.constant 256 : i32
    %dma_start3A_137 = arith.constant 0 : i32
    %dma_start3A_138 = tpu.memref_slice %arg7[%dma_start3A_135, %dma_start3A_136, %dma_start3A_137] : memref<2x1024x32xf32, #tpu.memory_space<vmem>> -> memref<1x128x32xf32, #tpu.memory_space<vmem>>
    %dma_start3A_139 = tpu.memref_squeeze %dma_start3A_138 : memref<1x128x32xf32, #tpu.memory_space<vmem>> -> memref<128x32xf32, #tpu.memory_space<vmem>>
    %dma_start3A_140 = arith.constant 0 : i32
    %dma_start3A_141 = tpu.memref_slice %arg6[%dma_start3A_134, %dma_start3A_140] : memref<112x128xi32, #tpu.memory_space<vmem>> -> memref<1x128xi32, #tpu.memory_space<vmem>>
    %dma_start3A_142 = tpu.memref_squeeze %dma_start3A_141 : memref<1x128xi32, #tpu.memory_space<vmem>> -> memref<128xi32, #tpu.memory_space<vmem>>
    %dma_start3A_143 = arith.constant 0 : i32
    %dma_start3A_144 = arith.constant 0 : i32
    %dma_start3A_145 = tpu.memref_slice %arg3[%dma_start3A_143, %dma_start3A_144] : memref<2600000x32xf32, #tpu.memory_space<hbm>> -> memref<2600000x32xf32, #tpu.memory_space<hbm>>
    tpu.enqueue_indirect_dma source(%dma_start3A_145 : memref<2600000x32xf32, #tpu.memory_space<hbm>>) target(%dma_start3A_139 : memref<128x32xf32, #tpu.memory_space<vmem>>) offsets(%dma_start3A_142 : memref<128xi32, #tpu.memory_space<vmem>>) semaphore(%arg8 : memref<!tpu.dma_semaphore, #tpu.memory_space<semaphore_mem>>)
    %dma_start3A_146 = arith.constant 11 : i32
    %dma_start3A_147 = arith.constant 1 : i32
    %dma_start3A_148 = arith.constant 384 : i32
    %dma_start3A_149 = arith.constant 0 : i32
    %dma_start3A_150 = tpu.memref_slice %arg7[%dma_start3A_147, %dma_start3A_148, %dma_start3A_149] : memref<2x1024x32xf32, #tpu.memory_space<vmem>> -> memref<1x128x32xf32, #tpu.memory_space<vmem>>
    %dma_start3A_151 = tpu.memref_squeeze %dma_start3A_150 : memref<1x128x32xf32, #tpu.memory_space<vmem>> -> memref<128x32xf32, #tpu.memory_space<vmem>>
    %dma_start3A_152 = arith.constant 0 : i32
    %dma_start3A_153 = tpu.memref_slice %arg6[%dma_start3A_146, %dma_start3A_152] : memref<112x128xi32, #tpu.memory_space<vmem>> -> memref<1x128xi32, #tpu.memory_space<vmem>>
    %dma_start3A_154 = tpu.memref_squeeze %dma_start3A_153 : memref<1x128xi32, #tpu.memory_space<vmem>> -> memref<128xi32, #tpu.memory_space<vmem>>
    %dma_start3A_155 = arith.constant 0 : i32
    %dma_start3A_156 = arith.constant 0 : i32
    %dma_start3A_157 = tpu.memref_slice %arg3[%dma_start3A_155, %dma_start3A_156] : memref<2600000x32xf32, #tpu.memory_space<hbm>> -> memref<2600000x32xf32, #tpu.memory_space<hbm>>
    tpu.enqueue_indirect_dma source(%dma_start3A_157 : memref<2600000x32xf32, #tpu.memory_space<hbm>>) target(%dma_start3A_151 : memref<128x32xf32, #tpu.memory_space<vmem>>) offsets(%dma_start3A_154 : memref<128xi32, #tpu.memory_space<vmem>>) semaphore(%arg8 : memref<!tpu.dma_semaphore, #tpu.memory_space<semaphore_mem>>)
    %dma_start3A_158 = arith.constant 12 : i32
    %dma_start3A_159 = arith.constant 1 : i32
    %dma_start3A_160 = arith.constant 512 : i32
    %dma_start3A_161 = arith.constant 0 : i32
    %dma_start3A_162 = tpu.memref_slice %arg7[%dma_start3A_159, %dma_start3A_160, %dma_start3A_161] : memref<2x1024x32xf32, #tpu.memory_space<vmem>> -> memref<1x128x32xf32, #tpu.memory_space<vmem>>
    %dma_start3A_163 = tpu.memref_squeeze %dma_start3A_162 : memref<1x128x32xf32, #tpu.memory_space<vmem>> -> memref<128x32xf32, #tpu.memory_space<vmem>>
    %dma_start3A_164 = arith.constant 0 : i32
    %dma_start3A_165 = tpu.memref_slice %arg6[%dma_start3A_158, %dma_start3A_164] : memref<112x128xi32, #tpu.memory_space<vmem>> -> memref<1x128xi32, #tpu.memory_space<vmem>>
    %dma_start3A_166 = tpu.memref_squeeze %dma_start3A_165 : memref<1x128xi32, #tpu.memory_space<vmem>> -> memref<128xi32, #tpu.memory_space<vmem>>
    %dma_start3A_167 = arith.constant 0 : i32
    %dma_start3A_168 = arith.constant 0 : i32
    %dma_start3A_169 = tpu.memref_slice %arg3[%dma_start3A_167, %dma_start3A_168] : memref<2600000x32xf32, #tpu.memory_space<hbm>> -> memref<2600000x32xf32, #tpu.memory_space<hbm>>
    tpu.enqueue_indirect_dma source(%dma_start3A_169 : memref<2600000x32xf32, #tpu.memory_space<hbm>>) target(%dma_start3A_163 : memref<128x32xf32, #tpu.memory_space<vmem>>) offsets(%dma_start3A_166 : memref<128xi32, #tpu.memory_space<vmem>>) semaphore(%arg8 : memref<!tpu.dma_semaphore, #tpu.memory_space<semaphore_mem>>)
    %dma_start3A_170 = arith.constant 13 : i32
    %dma_start3A_171 = arith.constant 1 : i32
    %dma_start3A_172 = arith.constant 640 : i32
    %dma_start3A_173 = arith.constant 0 : i32
    %dma_start3A_174 = tpu.memref_slice %arg7[%dma_start3A_171, %dma_start3A_172, %dma_start3A_173] : memref<2x1024x32xf32, #tpu.memory_space<vmem>> -> memref<1x128x32xf32, #tpu.memory_space<vmem>>
    %dma_start3A_175 = tpu.memref_squeeze %dma_start3A_174 : memref<1x128x32xf32, #tpu.memory_space<vmem>> -> memref<128x32xf32, #tpu.memory_space<vmem>>
    %dma_start3A_176 = arith.constant 0 : i32
    %dma_start3A_177 = tpu.memref_slice %arg6[%dma_start3A_170, %dma_start3A_176] : memref<112x128xi32, #tpu.memory_space<vmem>> -> memref<1x128xi32, #tpu.memory_space<vmem>>
    %dma_start3A_178 = tpu.memref_squeeze %dma_start3A_177 : memref<1x128xi32, #tpu.memory_space<vmem>> -> memref<128xi32, #tpu.memory_space<vmem>>
    %dma_start3A_179 = arith.constant 0 : i32
    %dma_start3A_180 = arith.constant 0 : i32
    %dma_start3A_181 = tpu.memref_slice %arg3[%dma_start3A_179, %dma_start3A_180] : memref<2600000x32xf32, #tpu.memory_space<hbm>> -> memref<2600000x32xf32, #tpu.memory_space<hbm>>
    tpu.enqueue_indirect_dma source(%dma_start3A_181 : memref<2600000x32xf32, #tpu.memory_space<hbm>>) target(%dma_start3A_175 : memref<128x32xf32, #tpu.memory_space<vmem>>) offsets(%dma_start3A_178 : memref<128xi32, #tpu.memory_space<vmem>>) semaphore(%arg8 : memref<!tpu.dma_semaphore, #tpu.memory_space<semaphore_mem>>)
    %dma_start3A_182 = arith.constant 14 : i32
    %dma_start3A_183 = arith.constant 1 : i32
    %dma_start3A_184 = arith.constant 768 : i32
    %dma_start3A_185 = arith.constant 0 : i32
    %dma_start3A_186 = tpu.memref_slice %arg7[%dma_start3A_183, %dma_start3A_184, %dma_start3A_185] : memref<2x1024x32xf32, #tpu.memory_space<vmem>> -> memref<1x128x32xf32, #tpu.memory_space<vmem>>
    %dma_start3A_187 = tpu.memref_squeeze %dma_start3A_186 : memref<1x128x32xf32, #tpu.memory_space<vmem>> -> memref<128x32xf32, #tpu.memory_space<vmem>>
    %dma_start3A_188 = arith.constant 0 : i32
    %dma_start3A_189 = tpu.memref_slice %arg6[%dma_start3A_182, %dma_start3A_188] : memref<112x128xi32, #tpu.memory_space<vmem>> -> memref<1x128xi32, #tpu.memory_space<vmem>>
    %dma_start3A_190 = tpu.memref_squeeze %dma_start3A_189 : memref<1x128xi32, #tpu.memory_space<vmem>> -> memref<128xi32, #tpu.memory_space<vmem>>
    %dma_start3A_191 = arith.constant 0 : i32
    %dma_start3A_192 = arith.constant 0 : i32
    %dma_start3A_193 = tpu.memref_slice %arg3[%dma_start3A_191, %dma_start3A_192] : memref<2600000x32xf32, #tpu.memory_space<hbm>> -> memref<2600000x32xf32, #tpu.memory_space<hbm>>
    tpu.enqueue_indirect_dma source(%dma_start3A_193 : memref<2600000x32xf32, #tpu.memory_space<hbm>>) target(%dma_start3A_187 : memref<128x32xf32, #tpu.memory_space<vmem>>) offsets(%dma_start3A_190 : memref<128xi32, #tpu.memory_space<vmem>>) semaphore(%arg8 : memref<!tpu.dma_semaphore, #tpu.memory_space<semaphore_mem>>)
    %dma_start3A_194 = arith.constant 15 : i32
    %dma_start3A_195 = arith.constant 1 : i32
    %dma_start3A_196 = arith.constant 896 : i32
    %dma_start3A_197 = arith.constant 0 : i32
    %dma_start3A_198 = tpu.memref_slice %arg7[%dma_start3A_195, %dma_start3A_196, %dma_start3A_197] : memref<2x1024x32xf32, #tpu.memory_space<vmem>> -> memref<1x128x32xf32, #tpu.memory_space<vmem>>
    %dma_start3A_199 = tpu.memref_squeeze %dma_start3A_198 : memref<1x128x32xf32, #tpu.memory_space<vmem>> -> memref<128x32xf32, #tpu.memory_space<vmem>>
    %dma_start3A_200 = arith.constant 0 : i32
    %dma_start3A_201 = tpu.memref_slice %arg6[%dma_start3A_194, %dma_start3A_200] : memref<112x128xi32, #tpu.memory_space<vmem>> -> memref<1x128xi32, #tpu.memory_space<vmem>>
    %dma_start3A_202 = tpu.memref_squeeze %dma_start3A_201 : memref<1x128xi32, #tpu.memory_space<vmem>> -> memref<128xi32, #tpu.memory_space<vmem>>
    %dma_start3A_203 = arith.constant 0 : i32
    %dma_start3A_204 = arith.constant 0 : i32
    %dma_start3A_205 = tpu.memref_slice %arg3[%dma_start3A_203, %dma_start3A_204] : memref<2600000x32xf32, #tpu.memory_space<hbm>> -> memref<2600000x32xf32, #tpu.memory_space<hbm>>
    tpu.enqueue_indirect_dma source(%dma_start3A_205 : memref<2600000x32xf32, #tpu.memory_space<hbm>>) target(%dma_start3A_199 : memref<128x32xf32, #tpu.memory_space<vmem>>) offsets(%dma_start3A_202 : memref<128xi32, #tpu.memory_space<vmem>>) semaphore(%arg8 : memref<!tpu.dma_semaphore, #tpu.memory_space<semaphore_mem>>)
    %dma_wait3A = arith.constant 0 : i32
    %dma_wait3A_206 = arith.constant 0 : i32
    %dma_wait3A_207 = arith.constant 0 : i32
    %dma_wait3A_208 = arith.constant 0 : i32
    %dma_wait3A_209 = tpu.memref_slice %arg7[%dma_wait3A_206, %dma_wait3A_207, %dma_wait3A_208] : memref<2x1024x32xf32, #tpu.memory_space<vmem>> -> memref<1x128x32xf32, #tpu.memory_space<vmem>>
    %dma_wait3A_210 = tpu.memref_squeeze %dma_wait3A_209 : memref<1x128x32xf32, #tpu.memory_space<vmem>> -> memref<128x32xf32, #tpu.memory_space<vmem>>
    %dma_wait3A_211 = arith.constant 0 : i32
    %dma_wait3A_212 = tpu.memref_slice %arg6[%dma_wait3A, %dma_wait3A_211] : memref<112x128xi32, #tpu.memory_space<vmem>> -> memref<1x128xi32, #tpu.memory_space<vmem>>
    %dma_wait3A_213 = tpu.memref_squeeze %dma_wait3A_212 : memref<1x128xi32, #tpu.memory_space<vmem>> -> memref<128xi32, #tpu.memory_space<vmem>>
    %dma_wait3A_214 = arith.constant 0 : i32
    %dma_wait3A_215 = arith.constant 0 : i32
    %dma_wait3A_216 = tpu.memref_slice %arg3[%dma_wait3A_214, %dma_wait3A_215] : memref<2600000x32xf32, #tpu.memory_space<hbm>> -> memref<2600000x32xf32, #tpu.memory_space<hbm>>
    tpu.wait_indirect_dma semaphore(%arg8 : memref<!tpu.dma_semaphore, #tpu.memory_space<semaphore_mem>>) src(%dma_wait3A_216 : memref<2600000x32xf32, #tpu.memory_space<hbm>>) dst(%dma_wait3A_210 : memref<128x32xf32, #tpu.memory_space<vmem>>)
    %dma_wait3A_217 = arith.constant 1 : i32
    %dma_wait3A_218 = arith.constant 0 : i32
    %dma_wait3A_219 = arith.constant 128 : i32
    %dma_wait3A_220 = arith.constant 0 : i32
    %dma_wait3A_221 = tpu.memref_slice %arg7[%dma_wait3A_218, %dma_wait3A_219, %dma_wait3A_220] : memref<2x1024x32xf32, #tpu.memory_space<vmem>> -> memref<1x128x32xf32, #tpu.memory_space<vmem>>
    %dma_wait3A_222 = tpu.memref_squeeze %dma_wait3A_221 : memref<1x128x32xf32, #tpu.memory_space<vmem>> -> memref<128x32xf32, #tpu.memory_space<vmem>>
    %dma_wait3A_223 = arith.constant 0 : i32
    %dma_wait3A_224 = tpu.memref_slice %arg6[%dma_wait3A_217, %dma_wait3A_223] : memref<112x128xi32, #tpu.memory_space<vmem>> -> memref<1x128xi32, #tpu.memory_space<vmem>>
    %dma_wait3A_225 = tpu.memref_squeeze %dma_wait3A_224 : memref<1x128xi32, #tpu.memory_space<vmem>> -> memref<128xi32, #tpu.memory_space<vmem>>
    %dma_wait3A_226 = arith.constant 0 : i32
    %dma_wait3A_227 = arith.constant 0 : i32
    %dma_wait3A_228 = tpu.memref_slice %arg3[%dma_wait3A_226, %dma_wait3A_227] : memref<2600000x32xf32, #tpu.memory_space<hbm>> -> memref<2600000x32xf32, #tpu.memory_space<hbm>>
    tpu.wait_indirect_dma semaphore(%arg8 : memref<!tpu.dma_semaphore, #tpu.memory_space<semaphore_mem>>) src(%dma_wait3A_228 : memref<2600000x32xf32, #tpu.memory_space<hbm>>) dst(%dma_wait3A_222 : memref<128x32xf32, #tpu.memory_space<vmem>>)
    %dma_wait3A_229 = arith.constant 2 : i32
    %dma_wait3A_230 = arith.constant 0 : i32
    %dma_wait3A_231 = arith.constant 256 : i32
    %dma_wait3A_232 = arith.constant 0 : i32
    %dma_wait3A_233 = tpu.memref_slice %arg7[%dma_wait3A_230, %dma_wait3A_231, %dma_wait3A_232] : memref<2x1024x32xf32, #tpu.memory_space<vmem>> -> memref<1x128x32xf32, #tpu.memory_space<vmem>>
    %dma_wait3A_234 = tpu.memref_squeeze %dma_wait3A_233 : memref<1x128x32xf32, #tpu.memory_space<vmem>> -> memref<128x32xf32, #tpu.memory_space<vmem>>
    %dma_wait3A_235 = arith.constant 0 : i32
    %dma_wait3A_236 = tpu.memref_slice %arg6[%dma_wait3A_229, %dma_wait3A_235] : memref<112x128xi32, #tpu.memory_space<vmem>> -> memref<1x128xi32, #tpu.memory_space<vmem>>
    %dma_wait3A_237 = tpu.memref_squeeze %dma_wait3A_236 : memref<1x128xi32, #tpu.memory_space<vmem>> -> memref<128xi32, #tpu.memory_space<vmem>>
    %dma_wait3A_238 = arith.constant 0 : i32
    %dma_wait3A_239 = arith.constant 0 : i32
    %dma_wait3A_240 = tpu.memref_slice %arg3[%dma_wait3A_238, %dma_wait3A_239] : memref<2600000x32xf32, #tpu.memory_space<hbm>> -> memref<2600000x32xf32, #tpu.memory_space<hbm>>
    tpu.wait_indirect_dma semaphore(%arg8 : memref<!tpu.dma_semaphore, #tpu.memory_space<semaphore_mem>>) src(%dma_wait3A_240 : memref<2600000x32xf32, #tpu.memory_space<hbm>>) dst(%dma_wait3A_234 : memref<128x32xf32, #tpu.memory_space<vmem>>)
    %dma_wait3A_241 = arith.constant 3 : i32
    %dma_wait3A_242 = arith.constant 0 : i32
    %dma_wait3A_243 = arith.constant 384 : i32
    %dma_wait3A_244 = arith.constant 0 : i32
    %dma_wait3A_245 = tpu.memref_slice %arg7[%dma_wait3A_242, %dma_wait3A_243, %dma_wait3A_244] : memref<2x1024x32xf32, #tpu.memory_space<vmem>> -> memref<1x128x32xf32, #tpu.memory_space<vmem>>
    %dma_wait3A_246 = tpu.memref_squeeze %dma_wait3A_245 : memref<1x128x32xf32, #tpu.memory_space<vmem>> -> memref<128x32xf32, #tpu.memory_space<vmem>>
    %dma_wait3A_247 = arith.constant 0 : i32
    %dma_wait3A_248 = tpu.memref_slice %arg6[%dma_wait3A_241, %dma_wait3A_247] : memref<112x128xi32, #tpu.memory_space<vmem>> -> memref<1x128xi32, #tpu.memory_space<vmem>>
    %dma_wait3A_249 = tpu.memref_squeeze %dma_wait3A_248 : memref<1x128xi32, #tpu.memory_space<vmem>> -> memref<128xi32, #tpu.memory_space<vmem>>
    %dma_wait3A_250 = arith.constant 0 : i32
    %dma_wait3A_251 = arith.constant 0 : i32
    %dma_wait3A_252 = tpu.memref_slice %arg3[%dma_wait3A_250, %dma_wait3A_251] : memref<2600000x32xf32, #tpu.memory_space<hbm>> -> memref<2600000x32xf32, #tpu.memory_space<hbm>>
    tpu.wait_indirect_dma semaphore(%arg8 : memref<!tpu.dma_semaphore, #tpu.memory_space<semaphore_mem>>) src(%dma_wait3A_252 : memref<2600000x32xf32, #tpu.memory_space<hbm>>) dst(%dma_wait3A_246 : memref<128x32xf32, #tpu.memory_space<vmem>>)
    %dma_wait3A_253 = arith.constant 4 : i32
    %dma_wait3A_254 = arith.constant 0 : i32
    %dma_wait3A_255 = arith.constant 512 : i32
    %dma_wait3A_256 = arith.constant 0 : i32
    %dma_wait3A_257 = tpu.memref_slice %arg7[%dma_wait3A_254, %dma_wait3A_255, %dma_wait3A_256] : memref<2x1024x32xf32, #tpu.memory_space<vmem>> -> memref<1x128x32xf32, #tpu.memory_space<vmem>>
    %dma_wait3A_258 = tpu.memref_squeeze %dma_wait3A_257 : memref<1x128x32xf32, #tpu.memory_space<vmem>> -> memref<128x32xf32, #tpu.memory_space<vmem>>
    %dma_wait3A_259 = arith.constant 0 : i32
    %dma_wait3A_260 = tpu.memref_slice %arg6[%dma_wait3A_253, %dma_wait3A_259] : memref<112x128xi32, #tpu.memory_space<vmem>> -> memref<1x128xi32, #tpu.memory_space<vmem>>
    %dma_wait3A_261 = tpu.memref_squeeze %dma_wait3A_260 : memref<1x128xi32, #tpu.memory_space<vmem>> -> memref<128xi32, #tpu.memory_space<vmem>>
    %dma_wait3A_262 = arith.constant 0 : i32
    %dma_wait3A_263 = arith.constant 0 : i32
    %dma_wait3A_264 = tpu.memref_slice %arg3[%dma_wait3A_262, %dma_wait3A_263] : memref<2600000x32xf32, #tpu.memory_space<hbm>> -> memref<2600000x32xf32, #tpu.memory_space<hbm>>
    tpu.wait_indirect_dma semaphore(%arg8 : memref<!tpu.dma_semaphore, #tpu.memory_space<semaphore_mem>>) src(%dma_wait3A_264 : memref<2600000x32xf32, #tpu.memory_space<hbm>>) dst(%dma_wait3A_258 : memref<128x32xf32, #tpu.memory_space<vmem>>)
    %dma_wait3A_265 = arith.constant 5 : i32
    %dma_wait3A_266 = arith.constant 0 : i32
    %dma_wait3A_267 = arith.constant 640 : i32
    %dma_wait3A_268 = arith.constant 0 : i32
    %dma_wait3A_269 = tpu.memref_slice %arg7[%dma_wait3A_266, %dma_wait3A_267, %dma_wait3A_268] : memref<2x1024x32xf32, #tpu.memory_space<vmem>> -> memref<1x128x32xf32, #tpu.memory_space<vmem>>
    %dma_wait3A_270 = tpu.memref_squeeze %dma_wait3A_269 : memref<1x128x32xf32, #tpu.memory_space<vmem>> -> memref<128x32xf32, #tpu.memory_space<vmem>>
    %dma_wait3A_271 = arith.constant 0 : i32
    %dma_wait3A_272 = tpu.memref_slice %arg6[%dma_wait3A_265, %dma_wait3A_271] : memref<112x128xi32, #tpu.memory_space<vmem>> -> memref<1x128xi32, #tpu.memory_space<vmem>>
    %dma_wait3A_273 = tpu.memref_squeeze %dma_wait3A_272 : memref<1x128xi32, #tpu.memory_space<vmem>> -> memref<128xi32, #tpu.memory_space<vmem>>
    %dma_wait3A_274 = arith.constant 0 : i32
    %dma_wait3A_275 = arith.constant 0 : i32
    %dma_wait3A_276 = tpu.memref_slice %arg3[%dma_wait3A_274, %dma_wait3A_275] : memref<2600000x32xf32, #tpu.memory_space<hbm>> -> memref<2600000x32xf32, #tpu.memory_space<hbm>>
    tpu.wait_indirect_dma semaphore(%arg8 : memref<!tpu.dma_semaphore, #tpu.memory_space<semaphore_mem>>) src(%dma_wait3A_276 : memref<2600000x32xf32, #tpu.memory_space<hbm>>) dst(%dma_wait3A_270 : memref<128x32xf32, #tpu.memory_space<vmem>>)
    %dma_wait3A_277 = arith.constant 6 : i32
    %dma_wait3A_278 = arith.constant 0 : i32
    %dma_wait3A_279 = arith.constant 768 : i32
    %dma_wait3A_280 = arith.constant 0 : i32
    %dma_wait3A_281 = tpu.memref_slice %arg7[%dma_wait3A_278, %dma_wait3A_279, %dma_wait3A_280] : memref<2x1024x32xf32, #tpu.memory_space<vmem>> -> memref<1x128x32xf32, #tpu.memory_space<vmem>>
    %dma_wait3A_282 = tpu.memref_squeeze %dma_wait3A_281 : memref<1x128x32xf32, #tpu.memory_space<vmem>> -> memref<128x32xf32, #tpu.memory_space<vmem>>
    %dma_wait3A_283 = arith.constant 0 : i32
    %dma_wait3A_284 = tpu.memref_slice %arg6[%dma_wait3A_277, %dma_wait3A_283] : memref<112x128xi32, #tpu.memory_space<vmem>> -> memref<1x128xi32, #tpu.memory_space<vmem>>
    %dma_wait3A_285 = tpu.memref_squeeze %dma_wait3A_284 : memref<1x128xi32, #tpu.memory_space<vmem>> -> memref<128xi32, #tpu.memory_space<vmem>>
    %dma_wait3A_286 = arith.constant 0 : i32
    %dma_wait3A_287 = arith.constant 0 : i32
    %dma_wait3A_288 = tpu.memref_slice %arg3[%dma_wait3A_286, %dma_wait3A_287] : memref<2600000x32xf32, #tpu.memory_space<hbm>> -> memref<2600000x32xf32, #tpu.memory_space<hbm>>
    tpu.wait_indirect_dma semaphore(%arg8 : memref<!tpu.dma_semaphore, #tpu.memory_space<semaphore_mem>>) src(%dma_wait3A_288 : memref<2600000x32xf32, #tpu.memory_space<hbm>>) dst(%dma_wait3A_282 : memref<128x32xf32, #tpu.memory_space<vmem>>)
    %dma_wait3A_289 = arith.constant 7 : i32
    %dma_wait3A_290 = arith.constant 0 : i32
    %dma_wait3A_291 = arith.constant 896 : i32
    %dma_wait3A_292 = arith.constant 0 : i32
    %dma_wait3A_293 = tpu.memref_slice %arg7[%dma_wait3A_290, %dma_wait3A_291, %dma_wait3A_292] : memref<2x1024x32xf32, #tpu.memory_space<vmem>> -> memref<1x128x32xf32, #tpu.memory_space<vmem>>
    %dma_wait3A_294 = tpu.memref_squeeze %dma_wait3A_293 : memref<1x128x32xf32, #tpu.memory_space<vmem>> -> memref<128x32xf32, #tpu.memory_space<vmem>>
    %dma_wait3A_295 = arith.constant 0 : i32
    %dma_wait3A_296 = tpu.memref_slice %arg6[%dma_wait3A_289, %dma_wait3A_295] : memref<112x128xi32, #tpu.memory_space<vmem>> -> memref<1x128xi32, #tpu.memory_space<vmem>>
    %dma_wait3A_297 = tpu.memref_squeeze %dma_wait3A_296 : memref<1x128xi32, #tpu.memory_space<vmem>> -> memref<128xi32, #tpu.memory_space<vmem>>
    %dma_wait3A_298 = arith.constant 0 : i32
    %dma_wait3A_299 = arith.constant 0 : i32
    %dma_wait3A_300 = tpu.memref_slice %arg3[%dma_wait3A_298, %dma_wait3A_299] : memref<2600000x32xf32, #tpu.memory_space<hbm>> -> memref<2600000x32xf32, #tpu.memory_space<hbm>>
    tpu.wait_indirect_dma semaphore(%arg8 : memref<!tpu.dma_semaphore, #tpu.memory_space<semaphore_mem>>) src(%dma_wait3A_300 : memref<2600000x32xf32, #tpu.memory_space<hbm>>) dst(%dma_wait3A_294 : memref<128x32xf32, #tpu.memory_space<vmem>>)
    %mul3A_301 = arith.constant 2048 : i32
    %mul3A_302 = arith.muli %add3A, %mul3A_301 : i32
    %add3A_303 = arith.constant 0 : i32
    %add3A_304 = arith.addi %add3A_303, %mul3A_302 : i32
    %add3A_305 = arith.constant 0 : i32
    %add3A_306 = arith.addi %add3A_304, %add3A_305 : i32
    %dma_start3A_307 = arith.constant 0 : i32
    %dma_start3A_308 = arith.constant 0 : i32
    %dma_start3A_309 = arith.constant 0 : i32
    %dma_start3A_310 = tpu.memref_slice %arg7[%dma_start3A_307, %dma_start3A_308, %dma_start3A_309] : memref<2x1024x32xf32, #tpu.memory_space<vmem>> -> memref<1x1024x32xf32, #tpu.memory_space<vmem>>
    %dma_start3A_311 = tpu.memref_squeeze %dma_start3A_310 : memref<1x1024x32xf32, #tpu.memory_space<vmem>> -> memref<1024x32xf32, #tpu.memory_space<vmem>>
    %dma_start3A_312 = arith.constant 0 : i32
    %dma_start3A_313 = tpu.memref_slice %arg4[%add3A_306, %dma_start3A_312] : memref<458752x32xf32, #tpu.memory_space<hbm>> -> memref<1024x32xf32, #tpu.memory_space<hbm>>
    %dma_start3A_314 = arith.constant 0 : i32
    %dma_start3A_315 = tpu.memref_slice %arg4[%add3A_306, %dma_start3A_314] : memref<458752x32xf32, #tpu.memory_space<hbm>> -> memref<1024x32xf32, #tpu.memory_space<hbm>>
    %dma_start3A_316 = arith.constant 0 : i32
    %dma_start3A_317 = arith.constant 0 : i32
    %dma_start3A_318 = tpu.memref_slice %arg7[%dma_start3A_307, %dma_start3A_316, %dma_start3A_317] : memref<2x1024x32xf32, #tpu.memory_space<vmem>> -> memref<1x1024x32xf32, #tpu.memory_space<vmem>>
    %dma_start3A_319 = tpu.memref_squeeze %dma_start3A_318 : memref<1x1024x32xf32, #tpu.memory_space<vmem>> -> memref<1024x32xf32, #tpu.memory_space<vmem>>
    tpu.enqueue_dma source(%dma_start3A_319 : memref<1024x32xf32, #tpu.memory_space<vmem>>) target(%dma_start3A_315 : memref<1024x32xf32, #tpu.memory_space<hbm>>) target_semaphore(%arg9 : memref<!tpu.dma_semaphore, #tpu.memory_space<semaphore_mem>>)
    %dma_wait3A_320 = arith.constant 0 : i32
    %dma_wait3A_321 = arith.constant 0 : i32
    %dma_wait3A_322 = arith.constant 0 : i32
    %dma_wait3A_323 = tpu.memref_slice %arg7[%dma_wait3A_320, %dma_wait3A_321, %dma_wait3A_322] : memref<2x1024x32xf32, #tpu.memory_space<vmem>> -> memref<1x1024x32xf32, #tpu.memory_space<vmem>>
    %dma_wait3A_324 = tpu.memref_squeeze %dma_wait3A_323 : memref<1x1024x32xf32, #tpu.memory_space<vmem>> -> memref<1024x32xf32, #tpu.memory_space<vmem>>
    %dma_wait3A_325 = arith.constant 0 : i32
    %dma_wait3A_326 = tpu.memref_slice %arg4[%add3A_306, %dma_wait3A_325] : memref<458752x32xf32, #tpu.memory_space<hbm>> -> memref<1024x32xf32, #tpu.memory_space<hbm>>
    %dma_wait3A_327 = arith.constant 0 : i32
    %dma_wait3A_328 = tpu.memref_slice %arg4[%add3A_306, %dma_wait3A_327] : memref<458752x32xf32, #tpu.memory_space<hbm>> -> memref<1024x32xf32, #tpu.memory_space<hbm>>
    %dma_wait3A_329 = arith.constant 0 : i32
    %dma_wait3A_330 = arith.constant 0 : i32
    %dma_wait3A_331 = tpu.memref_slice %arg7[%dma_wait3A_320, %dma_wait3A_329, %dma_wait3A_330] : memref<2x1024x32xf32, #tpu.memory_space<vmem>> -> memref<1x1024x32xf32, #tpu.memory_space<vmem>>
    %dma_wait3A_332 = tpu.memref_squeeze %dma_wait3A_331 : memref<1x1024x32xf32, #tpu.memory_space<vmem>> -> memref<1024x32xf32, #tpu.memory_space<vmem>>
    tpu.wait_dma2 semaphore(%arg9 : memref<!tpu.dma_semaphore, #tpu.memory_space<semaphore_mem>>) src(%dma_wait3A_332 : memref<1024x32xf32, #tpu.memory_space<vmem>>) dst(%dma_wait3A_328 : memref<1024x32xf32, #tpu.memory_space<hbm>>)
    %dma_start3A_333 = arith.constant 16 : i32
    %dma_start3A_334 = arith.constant 0 : i32
    %dma_start3A_335 = arith.constant 0 : i32
    %dma_start3A_336 = arith.constant 0 : i32
    %dma_start3A_337 = tpu.memref_slice %arg7[%dma_start3A_334, %dma_start3A_335, %dma_start3A_336] : memref<2x1024x32xf32, #tpu.memory_space<vmem>> -> memref<1x128x32xf32, #tpu.memory_space<vmem>>
    %dma_start3A_338 = tpu.memref_squeeze %dma_start3A_337 : memref<1x128x32xf32, #tpu.memory_space<vmem>> -> memref<128x32xf32, #tpu.memory_space<vmem>>
    %dma_start3A_339 = arith.constant 0 : i32
    %dma_start3A_340 = tpu.memref_slice %arg6[%dma_start3A_333, %dma_start3A_339] : memref<112x128xi32, #tpu.memory_space<vmem>> -> memref<1x128xi32, #tpu.memory_space<vmem>>
    %dma_start3A_341 = tpu.memref_squeeze %dma_start3A_340 : memref<1x128xi32, #tpu.memory_space<vmem>> -> memref<128xi32, #tpu.memory_space<vmem>>
    %dma_start3A_342 = arith.constant 0 : i32
    %dma_start3A_343 = arith.constant 0 : i32
    %dma_start3A_344 = tpu.memref_slice %arg3[%dma_start3A_342, %dma_start3A_343] : memref<2600000x32xf32, #tpu.memory_space<hbm>> -> memref<2600000x32xf32, #tpu.memory_space<hbm>>
    tpu.enqueue_indirect_dma source(%dma_start3A_344 : memref<2600000x32xf32, #tpu.memory_space<hbm>>) target(%dma_start3A_338 : memref<128x32xf32, #tpu.memory_space<vmem>>) offsets(%dma_start3A_341 : memref<128xi32, #tpu.memory_space<vmem>>) semaphore(%arg8 : memref<!tpu.dma_semaphore, #tpu.memory_space<semaphore_mem>>)
    %dma_start3A_345 = arith.constant 17 : i32
    %dma_start3A_346 = arith.constant 0 : i32
    %dma_start3A_347 = arith.constant 128 : i32
    %dma_start3A_348 = arith.constant 0 : i32
    %dma_start3A_349 = tpu.memref_slice %arg7[%dma_start3A_346, %dma_start3A_347, %dma_start3A_348] : memref<2x1024x32xf32, #tpu.memory_space<vmem>> -> memref<1x128x32xf32, #tpu.memory_space<vmem>>
    %dma_start3A_350 = tpu.memref_squeeze %dma_start3A_349 : memref<1x128x32xf32, #tpu.memory_space<vmem>> -> memref<128x32xf32, #tpu.memory_space<vmem>>
    %dma_start3A_351 = arith.constant 0 : i32
    %dma_start3A_352 = tpu.memref_slice %arg6[%dma_start3A_345, %dma_start3A_351] : memref<112x128xi32, #tpu.memory_space<vmem>> -> memref<1x128xi32, #tpu.memory_space<vmem>>
    %dma_start3A_353 = tpu.memref_squeeze %dma_start3A_352 : memref<1x128xi32, #tpu.memory_space<vmem>> -> memref<128xi32, #tpu.memory_space<vmem>>
    %dma_start3A_354 = arith.constant 0 : i32
    %dma_start3A_355 = arith.constant 0 : i32
    %dma_start3A_356 = tpu.memref_slice %arg3[%dma_start3A_354, %dma_start3A_355] : memref<2600000x32xf32, #tpu.memory_space<hbm>> -> memref<2600000x32xf32, #tpu.memory_space<hbm>>
    tpu.enqueue_indirect_dma source(%dma_start3A_356 : memref<2600000x32xf32, #tpu.memory_space<hbm>>) target(%dma_start3A_350 : memref<128x32xf32, #tpu.memory_space<vmem>>) offsets(%dma_start3A_353 : memref<128xi32, #tpu.memory_space<vmem>>) semaphore(%arg8 : memref<!tpu.dma_semaphore, #tpu.memory_space<semaphore_mem>>)
    %dma_start3A_357 = arith.constant 18 : i32
    %dma_start3A_358 = arith.constant 0 : i32
    %dma_start3A_359 = arith.constant 256 : i32
    %dma_start3A_360 = arith.constant 0 : i32
    %dma_start3A_361 = tpu.memref_slice %arg7[%dma_start3A_358, %dma_start3A_359, %dma_start3A_360] : memref<2x1024x32xf32, #tpu.memory_space<vmem>> -> memref<1x128x32xf32, #tpu.memory_space<vmem>>
    %dma_start3A_362 = tpu.memref_squeeze %dma_start3A_361 : memref<1x128x32xf32, #tpu.memory_space<vmem>> -> memref<128x32xf32, #tpu.memory_space<vmem>>
    %dma_start3A_363 = arith.constant 0 : i32
    %dma_start3A_364 = tpu.memref_slice %arg6[%dma_start3A_357, %dma_start3A_363] : memref<112x128xi32, #tpu.memory_space<vmem>> -> memref<1x128xi32, #tpu.memory_space<vmem>>
    %dma_start3A_365 = tpu.memref_squeeze %dma_start3A_364 : memref<1x128xi32, #tpu.memory_space<vmem>> -> memref<128xi32, #tpu.memory_space<vmem>>
    %dma_start3A_366 = arith.constant 0 : i32
    %dma_start3A_367 = arith.constant 0 : i32
    %dma_start3A_368 = tpu.memref_slice %arg3[%dma_start3A_366, %dma_start3A_367] : memref<2600000x32xf32, #tpu.memory_space<hbm>> -> memref<2600000x32xf32, #tpu.memory_space<hbm>>
    tpu.enqueue_indirect_dma source(%dma_start3A_368 : memref<2600000x32xf32, #tpu.memory_space<hbm>>) target(%dma_start3A_362 : memref<128x32xf32, #tpu.memory_space<vmem>>) offsets(%dma_start3A_365 : memref<128xi32, #tpu.memory_space<vmem>>) semaphore(%arg8 : memref<!tpu.dma_semaphore, #tpu.memory_space<semaphore_mem>>)
    %dma_start3A_369 = arith.constant 19 : i32
    %dma_start3A_370 = arith.constant 0 : i32
    %dma_start3A_371 = arith.constant 384 : i32
    %dma_start3A_372 = arith.constant 0 : i32
    %dma_start3A_373 = tpu.memref_slice %arg7[%dma_start3A_370, %dma_start3A_371, %dma_start3A_372] : memref<2x1024x32xf32, #tpu.memory_space<vmem>> -> memref<1x128x32xf32, #tpu.memory_space<vmem>>
    %dma_start3A_374 = tpu.memref_squeeze %dma_start3A_373 : memref<1x128x32xf32, #tpu.memory_space<vmem>> -> memref<128x32xf32, #tpu.memory_space<vmem>>
    %dma_start3A_375 = arith.constant 0 : i32
    %dma_start3A_376 = tpu.memref_slice %arg6[%dma_start3A_369, %dma_start3A_375] : memref<112x128xi32, #tpu.memory_space<vmem>> -> memref<1x128xi32, #tpu.memory_space<vmem>>
    %dma_start3A_377 = tpu.memref_squeeze %dma_start3A_376 : memref<1x128xi32, #tpu.memory_space<vmem>> -> memref<128xi32, #tpu.memory_space<vmem>>
    %dma_start3A_378 = arith.constant 0 : i32
    %dma_start3A_379 = arith.constant 0 : i32
    %dma_start3A_380 = tpu.memref_slice %arg3[%dma_start3A_378, %dma_start3A_379] : memref<2600000x32xf32, #tpu.memory_space<hbm>> -> memref<2600000x32xf32, #tpu.memory_space<hbm>>
    tpu.enqueue_indirect_dma source(%dma_start3A_380 : memref<2600000x32xf32, #tpu.memory_space<hbm>>) target(%dma_start3A_374 : memref<128x32xf32, #tpu.memory_space<vmem>>) offsets(%dma_start3A_377 : memref<128xi32, #tpu.memory_space<vmem>>) semaphore(%arg8 : memref<!tpu.dma_semaphore, #tpu.memory_space<semaphore_mem>>)
    %dma_start3A_381 = arith.constant 20 : i32
    %dma_start3A_382 = arith.constant 0 : i32
    %dma_start3A_383 = arith.constant 512 : i32
    %dma_start3A_384 = arith.constant 0 : i32
    %dma_start3A_385 = tpu.memref_slice %arg7[%dma_start3A_382, %dma_start3A_383, %dma_start3A_384] : memref<2x1024x32xf32, #tpu.memory_space<vmem>> -> memref<1x128x32xf32, #tpu.memory_space<vmem>>
    %dma_start3A_386 = tpu.memref_squeeze %dma_start3A_385 : memref<1x128x32xf32, #tpu.memory_space<vmem>> -> memref<128x32xf32, #tpu.memory_space<vmem>>
    %dma_start3A_387 = arith.constant 0 : i32
    %dma_start3A_388 = tpu.memref_slice %arg6[%dma_start3A_381, %dma_start3A_387] : memref<112x128xi32, #tpu.memory_space<vmem>> -> memref<1x128xi32, #tpu.memory_space<vmem>>
    %dma_start3A_389 = tpu.memref_squeeze %dma_start3A_388 : memref<1x128xi32, #tpu.memory_space<vmem>> -> memref<128xi32, #tpu.memory_space<vmem>>
    %dma_start3A_390 = arith.constant 0 : i32
    %dma_start3A_391 = arith.constant 0 : i32
    %dma_start3A_392 = tpu.memref_slice %arg3[%dma_start3A_390, %dma_start3A_391] : memref<2600000x32xf32, #tpu.memory_space<hbm>> -> memref<2600000x32xf32, #tpu.memory_space<hbm>>
    tpu.enqueue_indirect_dma source(%dma_start3A_392 : memref<2600000x32xf32, #tpu.memory_space<hbm>>) target(%dma_start3A_386 : memref<128x32xf32, #tpu.memory_space<vmem>>) offsets(%dma_start3A_389 : memref<128xi32, #tpu.memory_space<vmem>>) semaphore(%arg8 : memref<!tpu.dma_semaphore, #tpu.memory_space<semaphore_mem>>)
    %dma_start3A_393 = arith.constant 21 : i32
    %dma_start3A_394 = arith.constant 0 : i32
    %dma_start3A_395 = arith.constant 640 : i32
    %dma_start3A_396 = arith.constant 0 : i32
    %dma_start3A_397 = tpu.memref_slice %arg7[%dma_start3A_394, %dma_start3A_395, %dma_start3A_396] : memref<2x1024x32xf32, #tpu.memory_space<vmem>> -> memref<1x128x32xf32, #tpu.memory_space<vmem>>
    %dma_start3A_398 = tpu.memref_squeeze %dma_start3A_397 : memref<1x128x32xf32, #tpu.memory_space<vmem>> -> memref<128x32xf32, #tpu.memory_space<vmem>>
    %dma_start3A_399 = arith.constant 0 : i32
    %dma_start3A_400 = tpu.memref_slice %arg6[%dma_start3A_393, %dma_start3A_399] : memref<112x128xi32, #tpu.memory_space<vmem>> -> memref<1x128xi32, #tpu.memory_space<vmem>>
    %dma_start3A_401 = tpu.memref_squeeze %dma_start3A_400 : memref<1x128xi32, #tpu.memory_space<vmem>> -> memref<128xi32, #tpu.memory_space<vmem>>
    %dma_start3A_402 = arith.constant 0 : i32
    %dma_start3A_403 = arith.constant 0 : i32
    %dma_start3A_404 = tpu.memref_slice %arg3[%dma_start3A_402, %dma_start3A_403] : memref<2600000x32xf32, #tpu.memory_space<hbm>> -> memref<2600000x32xf32, #tpu.memory_space<hbm>>
    tpu.enqueue_indirect_dma source(%dma_start3A_404 : memref<2600000x32xf32, #tpu.memory_space<hbm>>) target(%dma_start3A_398 : memref<128x32xf32, #tpu.memory_space<vmem>>) offsets(%dma_start3A_401 : memref<128xi32, #tpu.memory_space<vmem>>) semaphore(%arg8 : memref<!tpu.dma_semaphore, #tpu.memory_space<semaphore_mem>>)
    %dma_start3A_405 = arith.constant 22 : i32
    %dma_start3A_406 = arith.constant 0 : i32
    %dma_start3A_407 = arith.constant 768 : i32
    %dma_start3A_408 = arith.constant 0 : i32
    %dma_start3A_409 = tpu.memref_slice %arg7[%dma_start3A_406, %dma_start3A_407, %dma_start3A_408] : memref<2x1024x32xf32, #tpu.memory_space<vmem>> -> memref<1x128x32xf32, #tpu.memory_space<vmem>>
    %dma_start3A_410 = tpu.memref_squeeze %dma_start3A_409 : memref<1x128x32xf32, #tpu.memory_space<vmem>> -> memref<128x32xf32, #tpu.memory_space<vmem>>
    %dma_start3A_411 = arith.constant 0 : i32
    %dma_start3A_412 = tpu.memref_slice %arg6[%dma_start3A_405, %dma_start3A_411] : memref<112x128xi32, #tpu.memory_space<vmem>> -> memref<1x128xi32, #tpu.memory_space<vmem>>
    %dma_start3A_413 = tpu.memref_squeeze %dma_start3A_412 : memref<1x128xi32, #tpu.memory_space<vmem>> -> memref<128xi32, #tpu.memory_space<vmem>>
    %dma_start3A_414 = arith.constant 0 : i32
    %dma_start3A_415 = arith.constant 0 : i32
    %dma_start3A_416 = tpu.memref_slice %arg3[%dma_start3A_414, %dma_start3A_415] : memref<2600000x32xf32, #tpu.memory_space<hbm>> -> memref<2600000x32xf32, #tpu.memory_space<hbm>>
    tpu.enqueue_indirect_dma source(%dma_start3A_416 : memref<2600000x32xf32, #tpu.memory_space<hbm>>) target(%dma_start3A_410 : memref<128x32xf32, #tpu.memory_space<vmem>>) offsets(%dma_start3A_413 : memref<128xi32, #tpu.memory_space<vmem>>) semaphore(%arg8 : memref<!tpu.dma_semaphore, #tpu.memory_space<semaphore_mem>>)
    %dma_start3A_417 = arith.constant 23 : i32
    %dma_start3A_418 = arith.constant 0 : i32
    %dma_start3A_419 = arith.constant 896 : i32
    %dma_start3A_420 = arith.constant 0 : i32
    %dma_start3A_421 = tpu.memref_slice %arg7[%dma_start3A_418, %dma_start3A_419, %dma_start3A_420] : memref<2x1024x32xf32, #tpu.memory_space<vmem>> -> memref<1x128x32xf32, #tpu.memory_space<vmem>>
    %dma_start3A_422 = tpu.memref_squeeze %dma_start3A_421 : memref<1x128x32xf32, #tpu.memory_space<vmem>> -> memref<128x32xf32, #tpu.memory_space<vmem>>
    %dma_start3A_423 = arith.constant 0 : i32
    %dma_start3A_424 = tpu.memref_slice %arg6[%dma_start3A_417, %dma_start3A_423] : memref<112x128xi32, #tpu.memory_space<vmem>> -> memref<1x128xi32, #tpu.memory_space<vmem>>
    %dma_start3A_425 = tpu.memref_squeeze %dma_start3A_424 : memref<1x128xi32, #tpu.memory_space<vmem>> -> memref<128xi32, #tpu.memory_space<vmem>>
    %dma_start3A_426 = arith.constant 0 : i32
    %dma_start3A_427 = arith.constant 0 : i32
    %dma_start3A_428 = tpu.memref_slice %arg3[%dma_start3A_426, %dma_start3A_427] : memref<2600000x32xf32, #tpu.memory_space<hbm>> -> memref<2600000x32xf32, #tpu.memory_space<hbm>>
    tpu.enqueue_indirect_dma source(%dma_start3A_428 : memref<2600000x32xf32, #tpu.memory_space<hbm>>) target(%dma_start3A_422 : memref<128x32xf32, #tpu.memory_space<vmem>>) offsets(%dma_start3A_425 : memref<128xi32, #tpu.memory_space<vmem>>) semaphore(%arg8 : memref<!tpu.dma_semaphore, #tpu.memory_space<semaphore_mem>>)
    %dma_wait3A_429 = arith.constant 8 : i32
    %dma_wait3A_430 = arith.constant 1 : i32
    %dma_wait3A_431 = arith.constant 0 : i32
    %dma_wait3A_432 = arith.constant 0 : i32
    %dma_wait3A_433 = tpu.memref_slice %arg7[%dma_wait3A_430, %dma_wait3A_431, %dma_wait3A_432] : memref<2x1024x32xf32, #tpu.memory_space<vmem>> -> memref<1x128x32xf32, #tpu.memory_space<vmem>>
    %dma_wait3A_434 = tpu.memref_squeeze %dma_wait3A_433 : memref<1x128x32xf32, #tpu.memory_space<vmem>> -> memref<128x32xf32, #tpu.memory_space<vmem>>
    %dma_wait3A_435 = arith.constant 0 : i32
    %dma_wait3A_436 = tpu.memref_slice %arg6[%dma_wait3A_429, %dma_wait3A_435] : memref<112x128xi32, #tpu.memory_space<vmem>> -> memref<1x128xi32, #tpu.memory_space<vmem>>
    %dma_wait3A_437 = tpu.memref_squeeze %dma_wait3A_436 : memref<1x128xi32, #tpu.memory_space<vmem>> -> memref<128xi32, #tpu.memory_space<vmem>>
    %dma_wait3A_438 = arith.constant 0 : i32
    %dma_wait3A_439 = arith.constant 0 : i32
    %dma_wait3A_440 = tpu.memref_slice %arg3[%dma_wait3A_438, %dma_wait3A_439] : memref<2600000x32xf32, #tpu.memory_space<hbm>> -> memref<2600000x32xf32, #tpu.memory_space<hbm>>
    tpu.wait_indirect_dma semaphore(%arg8 : memref<!tpu.dma_semaphore, #tpu.memory_space<semaphore_mem>>) src(%dma_wait3A_440 : memref<2600000x32xf32, #tpu.memory_space<hbm>>) dst(%dma_wait3A_434 : memref<128x32xf32, #tpu.memory_space<vmem>>)
    %dma_wait3A_441 = arith.constant 9 : i32
    %dma_wait3A_442 = arith.constant 1 : i32
    %dma_wait3A_443 = arith.constant 128 : i32
    %dma_wait3A_444 = arith.constant 0 : i32
    %dma_wait3A_445 = tpu.memref_slice %arg7[%dma_wait3A_442, %dma_wait3A_443, %dma_wait3A_444] : memref<2x1024x32xf32, #tpu.memory_space<vmem>> -> memref<1x128x32xf32, #tpu.memory_space<vmem>>
    %dma_wait3A_446 = tpu.memref_squeeze %dma_wait3A_445 : memref<1x128x32xf32, #tpu.memory_space<vmem>> -> memref<128x32xf32, #tpu.memory_space<vmem>>
    %dma_wait3A_447 = arith.constant 0 : i32
    %dma_wait3A_448 = tpu.memref_slice %arg6[%dma_wait3A_441, %dma_wait3A_447] : memref<112x128xi32, #tpu.memory_space<vmem>> -> memref<1x128xi32, #tpu.memory_space<vmem>>
    %dma_wait3A_449 = tpu.memref_squeeze %dma_wait3A_448 : memref<1x128xi32, #tpu.memory_space<vmem>> -> memref<128xi32, #tpu.memory_space<vmem>>
    %dma_wait3A_450 = arith.constant 0 : i32
    %dma_wait3A_451 = arith.constant 0 : i32
    %dma_wait3A_452 = tpu.memref_slice %arg3[%dma_wait3A_450, %dma_wait3A_451] : memref<2600000x32xf32, #tpu.memory_space<hbm>> -> memref<2600000x32xf32, #tpu.memory_space<hbm>>
    tpu.wait_indirect_dma semaphore(%arg8 : memref<!tpu.dma_semaphore, #tpu.memory_space<semaphore_mem>>) src(%dma_wait3A_452 : memref<2600000x32xf32, #tpu.memory_space<hbm>>) dst(%dma_wait3A_446 : memref<128x32xf32, #tpu.memory_space<vmem>>)
    %dma_wait3A_453 = arith.constant 10 : i32
    %dma_wait3A_454 = arith.constant 1 : i32
    %dma_wait3A_455 = arith.constant 256 : i32
    %dma_wait3A_456 = arith.constant 0 : i32
    %dma_wait3A_457 = tpu.memref_slice %arg7[%dma_wait3A_454, %dma_wait3A_455, %dma_wait3A_456] : memref<2x1024x32xf32, #tpu.memory_space<vmem>> -> memref<1x128x32xf32, #tpu.memory_space<vmem>>
    %dma_wait3A_458 = tpu.memref_squeeze %dma_wait3A_457 : memref<1x128x32xf32, #tpu.memory_space<vmem>> -> memref<128x32xf32, #tpu.memory_space<vmem>>
    %dma_wait3A_459 = arith.constant 0 : i32
    %dma_wait3A_460 = tpu.memref_slice %arg6[%dma_wait3A_453, %dma_wait3A_459] : memref<112x128xi32, #tpu.memory_space<vmem>> -> memref<1x128xi32, #tpu.memory_space<vmem>>
    %dma_wait3A_461 = tpu.memref_squeeze %dma_wait3A_460 : memref<1x128xi32, #tpu.memory_space<vmem>> -> memref<128xi32, #tpu.memory_space<vmem>>
    %dma_wait3A_462 = arith.constant 0 : i32
    %dma_wait3A_463 = arith.constant 0 : i32
    %dma_wait3A_464 = tpu.memref_slice %arg3[%dma_wait3A_462, %dma_wait3A_463] : memref<2600000x32xf32, #tpu.memory_space<hbm>> -> memref<2600000x32xf32, #tpu.memory_space<hbm>>
    tpu.wait_indirect_dma semaphore(%arg8 : memref<!tpu.dma_semaphore, #tpu.memory_space<semaphore_mem>>) src(%dma_wait3A_464 : memref<2600000x32xf32, #tpu.memory_space<hbm>>) dst(%dma_wait3A_458 : memref<128x32xf32, #tpu.memory_space<vmem>>)
    %dma_wait3A_465 = arith.constant 11 : i32
    %dma_wait3A_466 = arith.constant 1 : i32
    %dma_wait3A_467 = arith.constant 384 : i32
    %dma_wait3A_468 = arith.constant 0 : i32
    %dma_wait3A_469 = tpu.memref_slice %arg7[%dma_wait3A_466, %dma_wait3A_467, %dma_wait3A_468] : memref<2x1024x32xf32, #tpu.memory_space<vmem>> -> memref<1x128x32xf32, #tpu.memory_space<vmem>>
    %dma_wait3A_470 = tpu.memref_squeeze %dma_wait3A_469 : memref<1x128x32xf32, #tpu.memory_space<vmem>> -> memref<128x32xf32, #tpu.memory_space<vmem>>
    %dma_wait3A_471 = arith.constant 0 : i32
    %dma_wait3A_472 = tpu.memref_slice %arg6[%dma_wait3A_465, %dma_wait3A_471] : memref<112x128xi32, #tpu.memory_space<vmem>> -> memref<1x128xi32, #tpu.memory_space<vmem>>
    %dma_wait3A_473 = tpu.memref_squeeze %dma_wait3A_472 : memref<1x128xi32, #tpu.memory_space<vmem>> -> memref<128xi32, #tpu.memory_space<vmem>>
    %dma_wait3A_474 = arith.constant 0 : i32
    %dma_wait3A_475 = arith.constant 0 : i32
    %dma_wait3A_476 = tpu.memref_slice %arg3[%dma_wait3A_474, %dma_wait3A_475] : memref<2600000x32xf32, #tpu.memory_space<hbm>> -> memref<2600000x32xf32, #tpu.memory_space<hbm>>
    tpu.wait_indirect_dma semaphore(%arg8 : memref<!tpu.dma_semaphore, #tpu.memory_space<semaphore_mem>>) src(%dma_wait3A_476 : memref<2600000x32xf32, #tpu.memory_space<hbm>>) dst(%dma_wait3A_470 : memref<128x32xf32, #tpu.memory_space<vmem>>)
    %dma_wait3A_477 = arith.constant 12 : i32
    %dma_wait3A_478 = arith.constant 1 : i32
    %dma_wait3A_479 = arith.constant 512 : i32
    %dma_wait3A_480 = arith.constant 0 : i32
    %dma_wait3A_481 = tpu.memref_slice %arg7[%dma_wait3A_478, %dma_wait3A_479, %dma_wait3A_480] : memref<2x1024x32xf32, #tpu.memory_space<vmem>> -> memref<1x128x32xf32, #tpu.memory_space<vmem>>
    %dma_wait3A_482 = tpu.memref_squeeze %dma_wait3A_481 : memref<1x128x32xf32, #tpu.memory_space<vmem>> -> memref<128x32xf32, #tpu.memory_space<vmem>>
    %dma_wait3A_483 = arith.constant 0 : i32
    %dma_wait3A_484 = tpu.memref_slice %arg6[%dma_wait3A_477, %dma_wait3A_483] : memref<112x128xi32, #tpu.memory_space<vmem>> -> memref<1x128xi32, #tpu.memory_space<vmem>>
    %dma_wait3A_485 = tpu.memref_squeeze %dma_wait3A_484 : memref<1x128xi32, #tpu.memory_space<vmem>> -> memref<128xi32, #tpu.memory_space<vmem>>
    %dma_wait3A_486 = arith.constant 0 : i32
    %dma_wait3A_487 = arith.constant 0 : i32
    %dma_wait3A_488 = tpu.memref_slice %arg3[%dma_wait3A_486, %dma_wait3A_487] : memref<2600000x32xf32, #tpu.memory_space<hbm>> -> memref<2600000x32xf32, #tpu.memory_space<hbm>>
    tpu.wait_indirect_dma semaphore(%arg8 : memref<!tpu.dma_semaphore, #tpu.memory_space<semaphore_mem>>) src(%dma_wait3A_488 : memref<2600000x32xf32, #tpu.memory_space<hbm>>) dst(%dma_wait3A_482 : memref<128x32xf32, #tpu.memory_space<vmem>>)
    %dma_wait3A_489 = arith.constant 13 : i32
    %dma_wait3A_490 = arith.constant 1 : i32
    %dma_wait3A_491 = arith.constant 640 : i32
    %dma_wait3A_492 = arith.constant 0 : i32
    %dma_wait3A_493 = tpu.memref_slice %arg7[%dma_wait3A_490, %dma_wait3A_491, %dma_wait3A_492] : memref<2x1024x32xf32, #tpu.memory_space<vmem>> -> memref<1x128x32xf32, #tpu.memory_space<vmem>>
    %dma_wait3A_494 = tpu.memref_squeeze %dma_wait3A_493 : memref<1x128x32xf32, #tpu.memory_space<vmem>> -> memref<128x32xf32, #tpu.memory_space<vmem>>
    %dma_wait3A_495 = arith.constant 0 : i32
    %dma_wait3A_496 = tpu.memref_slice %arg6[%dma_wait3A_489, %dma_wait3A_495] : memref<112x128xi32, #tpu.memory_space<vmem>> -> memref<1x128xi32, #tpu.memory_space<vmem>>
    %dma_wait3A_497 = tpu.memref_squeeze %dma_wait3A_496 : memref<1x128xi32, #tpu.memory_space<vmem>> -> memref<128xi32, #tpu.memory_space<vmem>>
    %dma_wait3A_498 = arith.constant 0 : i32
    %dma_wait3A_499 = arith.constant 0 : i32
    %dma_wait3A_500 = tpu.memref_slice %arg3[%dma_wait3A_498, %dma_wait3A_499] : memref<2600000x32xf32, #tpu.memory_space<hbm>> -> memref<2600000x32xf32, #tpu.memory_space<hbm>>
    tpu.wait_indirect_dma semaphore(%arg8 : memref<!tpu.dma_semaphore, #tpu.memory_space<semaphore_mem>>) src(%dma_wait3A_500 : memref<2600000x32xf32, #tpu.memory_space<hbm>>) dst(%dma_wait3A_494 : memref<128x32xf32, #tpu.memory_space<vmem>>)
    %dma_wait3A_501 = arith.constant 14 : i32
    %dma_wait3A_502 = arith.constant 1 : i32
    %dma_wait3A_503 = arith.constant 768 : i32
    %dma_wait3A_504 = arith.constant 0 : i32
    %dma_wait3A_505 = tpu.memref_slice %arg7[%dma_wait3A_502, %dma_wait3A_503, %dma_wait3A_504] : memref<2x1024x32xf32, #tpu.memory_space<vmem>> -> memref<1x128x32xf32, #tpu.memory_space<vmem>>
    %dma_wait3A_506 = tpu.memref_squeeze %dma_wait3A_505 : memref<1x128x32xf32, #tpu.memory_space<vmem>> -> memref<128x32xf32, #tpu.memory_space<vmem>>
    %dma_wait3A_507 = arith.constant 0 : i32
    %dma_wait3A_508 = tpu.memref_slice %arg6[%dma_wait3A_501, %dma_wait3A_507] : memref<112x128xi32, #tpu.memory_space<vmem>> -> memref<1x128xi32, #tpu.memory_space<vmem>>
    %dma_wait3A_509 = tpu.memref_squeeze %dma_wait3A_508 : memref<1x128xi32, #tpu.memory_space<vmem>> -> memref<128xi32, #tpu.memory_space<vmem>>
    %dma_wait3A_510 = arith.constant 0 : i32
    %dma_wait3A_511 = arith.constant 0 : i32
    %dma_wait3A_512 = tpu.memref_slice %arg3[%dma_wait3A_510, %dma_wait3A_511] : memref<2600000x32xf32, #tpu.memory_space<hbm>> -> memref<2600000x32xf32, #tpu.memory_space<hbm>>
    tpu.wait_indirect_dma semaphore(%arg8 : memref<!tpu.dma_semaphore, #tpu.memory_space<semaphore_mem>>) src(%dma_wait3A_512 : memref<2600000x32xf32, #tpu.memory_space<hbm>>) dst(%dma_wait3A_506 : memref<128x32xf32, #tpu.memory_space<vmem>>)
    %dma_wait3A_513 = arith.constant 15 : i32
    %dma_wait3A_514 = arith.constant 1 : i32
    %dma_wait3A_515 = arith.constant 896 : i32
    %dma_wait3A_516 = arith.constant 0 : i32
    %dma_wait3A_517 = tpu.memref_slice %arg7[%dma_wait3A_514, %dma_wait3A_515, %dma_wait3A_516] : memref<2x1024x32xf32, #tpu.memory_space<vmem>> -> memref<1x128x32xf32, #tpu.memory_space<vmem>>
    %dma_wait3A_518 = tpu.memref_squeeze %dma_wait3A_517 : memref<1x128x32xf32, #tpu.memory_space<vmem>> -> memref<128x32xf32, #tpu.memory_space<vmem>>
    %dma_wait3A_519 = arith.constant 0 : i32
    %dma_wait3A_520 = tpu.memref_slice %arg6[%dma_wait3A_513, %dma_wait3A_519] : memref<112x128xi32, #tpu.memory_space<vmem>> -> memref<1x128xi32, #tpu.memory_space<vmem>>
    %dma_wait3A_521 = tpu.memref_squeeze %dma_wait3A_520 : memref<1x128xi32, #tpu.memory_space<vmem>> -> memref<128xi32, #tpu.memory_space<vmem>>
    %dma_wait3A_522 = arith.constant 0 : i32
    %dma_wait3A_523 = arith.constant 0 : i32
    %dma_wait3A_524 = tpu.memref_slice %arg3[%dma_wait3A_522, %dma_wait3A_523] : memref<2600000x32xf32, #tpu.memory_space<hbm>> -> memref<2600000x32xf32, #tpu.memory_space<hbm>>
    tpu.wait_indirect_dma semaphore(%arg8 : memref<!tpu.dma_semaphore, #tpu.memory_space<semaphore_mem>>) src(%dma_wait3A_524 : memref<2600000x32xf32, #tpu.memory_space<hbm>>) dst(%dma_wait3A_518 : memref<128x32xf32, #tpu.memory_space<vmem>>)
    %mul3A_525 = arith.constant 2048 : i32
    %mul3A_526 = arith.muli %add3A, %mul3A_525 : i32
    %add3A_527 = arith.constant 0 : i32
    %add3A_528 = arith.addi %add3A_527, %mul3A_526 : i32
    %add3A_529 = arith.constant 1024 : i32
    %add3A_530 = arith.addi %add3A_528, %add3A_529 : i32
    %dma_start3A_531 = arith.constant 1 : i32
    %dma_start3A_532 = arith.constant 0 : i32
    %dma_start3A_533 = arith.constant 0 : i32
    %dma_start3A_534 = tpu.memref_slice %arg7[%dma_start3A_531, %dma_start3A_532, %dma_start3A_533] : memref<2x1024x32xf32, #tpu.memory_space<vmem>> -> memref<1x1024x32xf32, #tpu.memory_space<vmem>>
    %dma_start3A_535 = tpu.memref_squeeze %dma_start3A_534 : memref<1x1024x32xf32, #tpu.memory_space<vmem>> -> memref<1024x32xf32, #tpu.memory_space<vmem>>
    %dma_start3A_536 = arith.constant 0 : i32
    %dma_start3A_537 = tpu.memref_slice %arg4[%add3A_530, %dma_start3A_536] : memref<458752x32xf32, #tpu.memory_space<hbm>> -> memref<1024x32xf32, #tpu.memory_space<hbm>>
    %dma_start3A_538 = arith.constant 0 : i32
    %dma_start3A_539 = tpu.memref_slice %arg4[%add3A_530, %dma_start3A_538] : memref<458752x32xf32, #tpu.memory_space<hbm>> -> memref<1024x32xf32, #tpu.memory_space<hbm>>
    %dma_start3A_540 = arith.constant 0 : i32
    %dma_start3A_541 = arith.constant 0 : i32
    %dma_start3A_542 = tpu.memref_slice %arg7[%dma_start3A_531, %dma_start3A_540, %dma_start3A_541] : memref<2x1024x32xf32, #tpu.memory_space<vmem>> -> memref<1x1024x32xf32, #tpu.memory_space<vmem>>
    %dma_start3A_543 = tpu.memref_squeeze %dma_start3A_542 : memref<1x1024x32xf32, #tpu.memory_space<vmem>> -> memref<1024x32xf32, #tpu.memory_space<vmem>>
    tpu.enqueue_dma source(%dma_start3A_543 : memref<1024x32xf32, #tpu.memory_space<vmem>>) target(%dma_start3A_539 : memref<1024x32xf32, #tpu.memory_space<hbm>>) target_semaphore(%arg9 : memref<!tpu.dma_semaphore, #tpu.memory_space<semaphore_mem>>)
    %dma_wait3A_544 = arith.constant 1 : i32
    %dma_wait3A_545 = arith.constant 0 : i32
    %dma_wait3A_546 = arith.constant 0 : i32
    %dma_wait3A_547 = tpu.memref_slice %arg7[%dma_wait3A_544, %dma_wait3A_545, %dma_wait3A_546] : memref<2x1024x32xf32, #tpu.memory_space<vmem>> -> memref<1x1024x32xf32, #tpu.memory_space<vmem>>
    %dma_wait3A_548 = tpu.memref_squeeze %dma_wait3A_547 : memref<1x1024x32xf32, #tpu.memory_space<vmem>> -> memref<1024x32xf32, #tpu.memory_space<vmem>>
    %dma_wait3A_549 = arith.constant 0 : i32
    %dma_wait3A_550 = tpu.memref_slice %arg4[%add3A_530, %dma_wait3A_549] : memref<458752x32xf32, #tpu.memory_space<hbm>> -> memref<1024x32xf32, #tpu.memory_space<hbm>>
    %dma_wait3A_551 = arith.constant 0 : i32
    %dma_wait3A_552 = tpu.memref_slice %arg4[%add3A_530, %dma_wait3A_551] : memref<458752x32xf32, #tpu.memory_space<hbm>> -> memref<1024x32xf32, #tpu.memory_space<hbm>>
    %dma_wait3A_553 = arith.constant 0 : i32
    %dma_wait3A_554 = arith.constant 0 : i32
    %dma_wait3A_555 = tpu.memref_slice %arg7[%dma_wait3A_544, %dma_wait3A_553, %dma_wait3A_554] : memref<2x1024x32xf32, #tpu.memory_space<vmem>> -> memref<1x1024x32xf32, #tpu.memory_space<vmem>>
    %dma_wait3A_556 = tpu.memref_squeeze %dma_wait3A_555 : memref<1x1024x32xf32, #tpu.memory_space<vmem>> -> memref<1024x32xf32, #tpu.memory_space<vmem>>
    tpu.wait_dma2 semaphore(%arg9 : memref<!tpu.dma_semaphore, #tpu.memory_space<semaphore_mem>>) src(%dma_wait3A_556 : memref<1024x32xf32, #tpu.memory_space<vmem>>) dst(%dma_wait3A_552 : memref<1024x32xf32, #tpu.memory_space<hbm>>)
    %dma_start3A_557 = arith.constant 24 : i32
    %dma_start3A_558 = arith.constant 1 : i32
    %dma_start3A_559 = arith.constant 0 : i32
    %dma_start3A_560 = arith.constant 0 : i32
    %dma_start3A_561 = tpu.memref_slice %arg7[%dma_start3A_558, %dma_start3A_559, %dma_start3A_560] : memref<2x1024x32xf32, #tpu.memory_space<vmem>> -> memref<1x128x32xf32, #tpu.memory_space<vmem>>
    %dma_start3A_562 = tpu.memref_squeeze %dma_start3A_561 : memref<1x128x32xf32, #tpu.memory_space<vmem>> -> memref<128x32xf32, #tpu.memory_space<vmem>>
    %dma_start3A_563 = arith.constant 0 : i32
    %dma_start3A_564 = tpu.memref_slice %arg6[%dma_start3A_557, %dma_start3A_563] : memref<112x128xi32, #tpu.memory_space<vmem>> -> memref<1x128xi32, #tpu.memory_space<vmem>>
    %dma_start3A_565 = tpu.memref_squeeze %dma_start3A_564 : memref<1x128xi32, #tpu.memory_space<vmem>> -> memref<128xi32, #tpu.memory_space<vmem>>
    %dma_start3A_566 = arith.constant 0 : i32
    %dma_start3A_567 = arith.constant 0 : i32
    %dma_start3A_568 = tpu.memref_slice %arg3[%dma_start3A_566, %dma_start3A_567] : memref<2600000x32xf32, #tpu.memory_space<hbm>> -> memref<2600000x32xf32, #tpu.memory_space<hbm>>
    tpu.enqueue_indirect_dma source(%dma_start3A_568 : memref<2600000x32xf32, #tpu.memory_space<hbm>>) target(%dma_start3A_562 : memref<128x32xf32, #tpu.memory_space<vmem>>) offsets(%dma_start3A_565 : memref<128xi32, #tpu.memory_space<vmem>>) semaphore(%arg8 : memref<!tpu.dma_semaphore, #tpu.memory_space<semaphore_mem>>)
    %dma_start3A_569 = arith.constant 25 : i32
    %dma_start3A_570 = arith.constant 1 : i32
    %dma_start3A_571 = arith.constant 128 : i32
    %dma_start3A_572 = arith.constant 0 : i32
    %dma_start3A_573 = tpu.memref_slice %arg7[%dma_start3A_570, %dma_start3A_571, %dma_start3A_572] : memref<2x1024x32xf32, #tpu.memory_space<vmem>> -> memref<1x128x32xf32, #tpu.memory_space<vmem>>
    %dma_start3A_574 = tpu.memref_squeeze %dma_start3A_573 : memref<1x128x32xf32, #tpu.memory_space<vmem>> -> memref<128x32xf32, #tpu.memory_space<vmem>>
    %dma_start3A_575 = arith.constant 0 : i32
    %dma_start3A_576 = tpu.memref_slice %arg6[%dma_start3A_569, %dma_start3A_575] : memref<112x128xi32, #tpu.memory_space<vmem>> -> memref<1x128xi32, #tpu.memory_space<vmem>>
    %dma_start3A_577 = tpu.memref_squeeze %dma_start3A_576 : memref<1x128xi32, #tpu.memory_space<vmem>> -> memref<128xi32, #tpu.memory_space<vmem>>
    %dma_start3A_578 = arith.constant 0 : i32
    %dma_start3A_579 = arith.constant 0 : i32
    %dma_start3A_580 = tpu.memref_slice %arg3[%dma_start3A_578, %dma_start3A_579] : memref<2600000x32xf32, #tpu.memory_space<hbm>> -> memref<2600000x32xf32, #tpu.memory_space<hbm>>
    tpu.enqueue_indirect_dma source(%dma_start3A_580 : memref<2600000x32xf32, #tpu.memory_space<hbm>>) target(%dma_start3A_574 : memref<128x32xf32, #tpu.memory_space<vmem>>) offsets(%dma_start3A_577 : memref<128xi32, #tpu.memory_space<vmem>>) semaphore(%arg8 : memref<!tpu.dma_semaphore, #tpu.memory_space<semaphore_mem>>)
    %dma_start3A_581 = arith.constant 26 : i32
    %dma_start3A_582 = arith.constant 1 : i32
    %dma_start3A_583 = arith.constant 256 : i32
    %dma_start3A_584 = arith.constant 0 : i32
    %dma_start3A_585 = tpu.memref_slice %arg7[%dma_start3A_582, %dma_start3A_583, %dma_start3A_584] : memref<2x1024x32xf32, #tpu.memory_space<vmem>> -> memref<1x128x32xf32, #tpu.memory_space<vmem>>
    %dma_start3A_586 = tpu.memref_squeeze %dma_start3A_585 : memref<1x128x32xf32, #tpu.memory_space<vmem>> -> memref<128x32xf32, #tpu.memory_space<vmem>>
    %dma_start3A_587 = arith.constant 0 : i32
    %dma_start3A_588 = tpu.memref_slice %arg6[%dma_start3A_581, %dma_start3A_587] : memref<112x128xi32, #tpu.memory_space<vmem>> -> memref<1x128xi32, #tpu.memory_space<vmem>>
    %dma_start3A_589 = tpu.memref_squeeze %dma_start3A_588 : memref<1x128xi32, #tpu.memory_space<vmem>> -> memref<128xi32, #tpu.memory_space<vmem>>
    %dma_start3A_590 = arith.constant 0 : i32
    %dma_start3A_591 = arith.constant 0 : i32
    %dma_start3A_592 = tpu.memref_slice %arg3[%dma_start3A_590, %dma_start3A_591] : memref<2600000x32xf32, #tpu.memory_space<hbm>> -> memref<2600000x32xf32, #tpu.memory_space<hbm>>
    tpu.enqueue_indirect_dma source(%dma_start3A_592 : memref<2600000x32xf32, #tpu.memory_space<hbm>>) target(%dma_start3A_586 : memref<128x32xf32, #tpu.memory_space<vmem>>) offsets(%dma_start3A_589 : memref<128xi32, #tpu.memory_space<vmem>>) semaphore(%arg8 : memref<!tpu.dma_semaphore, #tpu.memory_space<semaphore_mem>>)
    %dma_start3A_593 = arith.constant 27 : i32
    %dma_start3A_594 = arith.constant 1 : i32
    %dma_start3A_595 = arith.constant 384 : i32
    %dma_start3A_596 = arith.constant 0 : i32
    %dma_start3A_597 = tpu.memref_slice %arg7[%dma_start3A_594, %dma_start3A_595, %dma_start3A_596] : memref<2x1024x32xf32, #tpu.memory_space<vmem>> -> memref<1x128x32xf32, #tpu.memory_space<vmem>>
    %dma_start3A_598 = tpu.memref_squeeze %dma_start3A_597 : memref<1x128x32xf32, #tpu.memory_space<vmem>> -> memref<128x32xf32, #tpu.memory_space<vmem>>
    %dma_start3A_599 = arith.constant 0 : i32
    %dma_start3A_600 = tpu.memref_slice %arg6[%dma_start3A_593, %dma_start3A_599] : memref<112x128xi32, #tpu.memory_space<vmem>> -> memref<1x128xi32, #tpu.memory_space<vmem>>
    %dma_start3A_601 = tpu.memref_squeeze %dma_start3A_600 : memref<1x128xi32, #tpu.memory_space<vmem>> -> memref<128xi32, #tpu.memory_space<vmem>>
    %dma_start3A_602 = arith.constant 0 : i32
    %dma_start3A_603 = arith.constant 0 : i32
    %dma_start3A_604 = tpu.memref_slice %arg3[%dma_start3A_602, %dma_start3A_603] : memref<2600000x32xf32, #tpu.memory_space<hbm>> -> memref<2600000x32xf32, #tpu.memory_space<hbm>>
    tpu.enqueue_indirect_dma source(%dma_start3A_604 : memref<2600000x32xf32, #tpu.memory_space<hbm>>) target(%dma_start3A_598 : memref<128x32xf32, #tpu.memory_space<vmem>>) offsets(%dma_start3A_601 : memref<128xi32, #tpu.memory_space<vmem>>) semaphore(%arg8 : memref<!tpu.dma_semaphore, #tpu.memory_space<semaphore_mem>>)
    %dma_start3A_605 = arith.constant 28 : i32
    %dma_start3A_606 = arith.constant 1 : i32
    %dma_start3A_607 = arith.constant 512 : i32
    %dma_start3A_608 = arith.constant 0 : i32
    %dma_start3A_609 = tpu.memref_slice %arg7[%dma_start3A_606, %dma_start3A_607, %dma_start3A_608] : memref<2x1024x32xf32, #tpu.memory_space<vmem>> -> memref<1x128x32xf32, #tpu.memory_space<vmem>>
    %dma_start3A_610 = tpu.memref_squeeze %dma_start3A_609 : memref<1x128x32xf32, #tpu.memory_space<vmem>> -> memref<128x32xf32, #tpu.memory_space<vmem>>
    %dma_start3A_611 = arith.constant 0 : i32
    %dma_start3A_612 = tpu.memref_slice %arg6[%dma_start3A_605, %dma_start3A_611] : memref<112x128xi32, #tpu.memory_space<vmem>> -> memref<1x128xi32, #tpu.memory_space<vmem>>
    %dma_start3A_613 = tpu.memref_squeeze %dma_start3A_612 : memref<1x128xi32, #tpu.memory_space<vmem>> -> memref<128xi32, #tpu.memory_space<vmem>>
    %dma_start3A_614 = arith.constant 0 : i32
    %dma_start3A_615 = arith.constant 0 : i32
    %dma_start3A_616 = tpu.memref_slice %arg3[%dma_start3A_614, %dma_start3A_615] : memref<2600000x32xf32, #tpu.memory_space<hbm>> -> memref<2600000x32xf32, #tpu.memory_space<hbm>>
    tpu.enqueue_indirect_dma source(%dma_start3A_616 : memref<2600000x32xf32, #tpu.memory_space<hbm>>) target(%dma_start3A_610 : memref<128x32xf32, #tpu.memory_space<vmem>>) offsets(%dma_start3A_613 : memref<128xi32, #tpu.memory_space<vmem>>) semaphore(%arg8 : memref<!tpu.dma_semaphore, #tpu.memory_space<semaphore_mem>>)
    %dma_start3A_617 = arith.constant 29 : i32
    %dma_start3A_618 = arith.constant 1 : i32
    %dma_start3A_619 = arith.constant 640 : i32
    %dma_start3A_620 = arith.constant 0 : i32
    %dma_start3A_621 = tpu.memref_slice %arg7[%dma_start3A_618, %dma_start3A_619, %dma_start3A_620] : memref<2x1024x32xf32, #tpu.memory_space<vmem>> -> memref<1x128x32xf32, #tpu.memory_space<vmem>>
    %dma_start3A_622 = tpu.memref_squeeze %dma_start3A_621 : memref<1x128x32xf32, #tpu.memory_space<vmem>> -> memref<128x32xf32, #tpu.memory_space<vmem>>
    %dma_start3A_623 = arith.constant 0 : i32
    %dma_start3A_624 = tpu.memref_slice %arg6[%dma_start3A_617, %dma_start3A_623] : memref<112x128xi32, #tpu.memory_space<vmem>> -> memref<1x128xi32, #tpu.memory_space<vmem>>
    %dma_start3A_625 = tpu.memref_squeeze %dma_start3A_624 : memref<1x128xi32, #tpu.memory_space<vmem>> -> memref<128xi32, #tpu.memory_space<vmem>>
    %dma_start3A_626 = arith.constant 0 : i32
    %dma_start3A_627 = arith.constant 0 : i32
    %dma_start3A_628 = tpu.memref_slice %arg3[%dma_start3A_626, %dma_start3A_627] : memref<2600000x32xf32, #tpu.memory_space<hbm>> -> memref<2600000x32xf32, #tpu.memory_space<hbm>>
    tpu.enqueue_indirect_dma source(%dma_start3A_628 : memref<2600000x32xf32, #tpu.memory_space<hbm>>) target(%dma_start3A_622 : memref<128x32xf32, #tpu.memory_space<vmem>>) offsets(%dma_start3A_625 : memref<128xi32, #tpu.memory_space<vmem>>) semaphore(%arg8 : memref<!tpu.dma_semaphore, #tpu.memory_space<semaphore_mem>>)
    %dma_start3A_629 = arith.constant 30 : i32
    %dma_start3A_630 = arith.constant 1 : i32
    %dma_start3A_631 = arith.constant 768 : i32
    %dma_start3A_632 = arith.constant 0 : i32
    %dma_start3A_633 = tpu.memref_slice %arg7[%dma_start3A_630, %dma_start3A_631, %dma_start3A_632] : memref<2x1024x32xf32, #tpu.memory_space<vmem>> -> memref<1x128x32xf32, #tpu.memory_space<vmem>>
    %dma_start3A_634 = tpu.memref_squeeze %dma_start3A_633 : memref<1x128x32xf32, #tpu.memory_space<vmem>> -> memref<128x32xf32, #tpu.memory_space<vmem>>
    %dma_start3A_635 = arith.constant 0 : i32
    %dma_start3A_636 = tpu.memref_slice %arg6[%dma_start3A_629, %dma_start3A_635] : memref<112x128xi32, #tpu.memory_space<vmem>> -> memref<1x128xi32, #tpu.memory_space<vmem>>
    %dma_start3A_637 = tpu.memref_squeeze %dma_start3A_636 : memref<1x128xi32, #tpu.memory_space<vmem>> -> memref<128xi32, #tpu.memory_space<vmem>>
    %dma_start3A_638 = arith.constant 0 : i32
    %dma_start3A_639 = arith.constant 0 : i32
    %dma_start3A_640 = tpu.memref_slice %arg3[%dma_start3A_638, %dma_start3A_639] : memref<2600000x32xf32, #tpu.memory_space<hbm>> -> memref<2600000x32xf32, #tpu.memory_space<hbm>>
    tpu.enqueue_indirect_dma source(%dma_start3A_640 : memref<2600000x32xf32, #tpu.memory_space<hbm>>) target(%dma_start3A_634 : memref<128x32xf32, #tpu.memory_space<vmem>>) offsets(%dma_start3A_637 : memref<128xi32, #tpu.memory_space<vmem>>) semaphore(%arg8 : memref<!tpu.dma_semaphore, #tpu.memory_space<semaphore_mem>>)
    %dma_start3A_641 = arith.constant 31 : i32
    %dma_start3A_642 = arith.constant 1 : i32
    %dma_start3A_643 = arith.constant 896 : i32
    %dma_start3A_644 = arith.constant 0 : i32
    %dma_start3A_645 = tpu.memref_slice %arg7[%dma_start3A_642, %dma_start3A_643, %dma_start3A_644] : memref<2x1024x32xf32, #tpu.memory_space<vmem>> -> memref<1x128x32xf32, #tpu.memory_space<vmem>>
    %dma_start3A_646 = tpu.memref_squeeze %dma_start3A_645 : memref<1x128x32xf32, #tpu.memory_space<vmem>> -> memref<128x32xf32, #tpu.memory_space<vmem>>
    %dma_start3A_647 = arith.constant 0 : i32
    %dma_start3A_648 = tpu.memref_slice %arg6[%dma_start3A_641, %dma_start3A_647] : memref<112x128xi32, #tpu.memory_space<vmem>> -> memref<1x128xi32, #tpu.memory_space<vmem>>
    %dma_start3A_649 = tpu.memref_squeeze %dma_start3A_648 : memref<1x128xi32, #tpu.memory_space<vmem>> -> memref<128xi32, #tpu.memory_space<vmem>>
    %dma_start3A_650 = arith.constant 0 : i32
    %dma_start3A_651 = arith.constant 0 : i32
    %dma_start3A_652 = tpu.memref_slice %arg3[%dma_start3A_650, %dma_start3A_651] : memref<2600000x32xf32, #tpu.memory_space<hbm>> -> memref<2600000x32xf32, #tpu.memory_space<hbm>>
    tpu.enqueue_indirect_dma source(%dma_start3A_652 : memref<2600000x32xf32, #tpu.memory_space<hbm>>) target(%dma_start3A_646 : memref<128x32xf32, #tpu.memory_space<vmem>>) offsets(%dma_start3A_649 : memref<128xi32, #tpu.memory_space<vmem>>) semaphore(%arg8 : memref<!tpu.dma_semaphore, #tpu.memory_space<semaphore_mem>>)
    %dma_wait3A_653 = arith.constant 16 : i32
    %dma_wait3A_654 = arith.constant 0 : i32
    %dma_wait3A_655 = arith.constant 0 : i32
    %dma_wait3A_656 = arith.constant 0 : i32
    %dma_wait3A_657 = tpu.memref_slice %arg7[%dma_wait3A_654, %dma_wait3A_655, %dma_wait3A_656] : memref<2x1024x32xf32, #tpu.memory_space<vmem>> -> memref<1x128x32xf32, #tpu.memory_space<vmem>>
    %dma_wait3A_658 = tpu.memref_squeeze %dma_wait3A_657 : memref<1x128x32xf32, #tpu.memory_space<vmem>> -> memref<128x32xf32, #tpu.memory_space<vmem>>
    %dma_wait3A_659 = arith.constant 0 : i32
    %dma_wait3A_660 = tpu.memref_slice %arg6[%dma_wait3A_653, %dma_wait3A_659] : memref<112x128xi32, #tpu.memory_space<vmem>> -> memref<1x128xi32, #tpu.memory_space<vmem>>
    %dma_wait3A_661 = tpu.memref_squeeze %dma_wait3A_660 : memref<1x128xi32, #tpu.memory_space<vmem>> -> memref<128xi32, #tpu.memory_space<vmem>>
    %dma_wait3A_662 = arith.constant 0 : i32
    %dma_wait3A_663 = arith.constant 0 : i32
    %dma_wait3A_664 = tpu.memref_slice %arg3[%dma_wait3A_662, %dma_wait3A_663] : memref<2600000x32xf32, #tpu.memory_space<hbm>> -> memref<2600000x32xf32, #tpu.memory_space<hbm>>
    tpu.wait_indirect_dma semaphore(%arg8 : memref<!tpu.dma_semaphore, #tpu.memory_space<semaphore_mem>>) src(%dma_wait3A_664 : memref<2600000x32xf32, #tpu.memory_space<hbm>>) dst(%dma_wait3A_658 : memref<128x32xf32, #tpu.memory_space<vmem>>)
    %dma_wait3A_665 = arith.constant 17 : i32
    %dma_wait3A_666 = arith.constant 0 : i32
    %dma_wait3A_667 = arith.constant 128 : i32
    %dma_wait3A_668 = arith.constant 0 : i32
    %dma_wait3A_669 = tpu.memref_slice %arg7[%dma_wait3A_666, %dma_wait3A_667, %dma_wait3A_668] : memref<2x1024x32xf32, #tpu.memory_space<vmem>> -> memref<1x128x32xf32, #tpu.memory_space<vmem>>
    %dma_wait3A_670 = tpu.memref_squeeze %dma_wait3A_669 : memref<1x128x32xf32, #tpu.memory_space<vmem>> -> memref<128x32xf32, #tpu.memory_space<vmem>>
    %dma_wait3A_671 = arith.constant 0 : i32
    %dma_wait3A_672 = tpu.memref_slice %arg6[%dma_wait3A_665, %dma_wait3A_671] : memref<112x128xi32, #tpu.memory_space<vmem>> -> memref<1x128xi32, #tpu.memory_space<vmem>>
    %dma_wait3A_673 = tpu.memref_squeeze %dma_wait3A_672 : memref<1x128xi32, #tpu.memory_space<vmem>> -> memref<128xi32, #tpu.memory_space<vmem>>
    %dma_wait3A_674 = arith.constant 0 : i32
    %dma_wait3A_675 = arith.constant 0 : i32
    %dma_wait3A_676 = tpu.memref_slice %arg3[%dma_wait3A_674, %dma_wait3A_675] : memref<2600000x32xf32, #tpu.memory_space<hbm>> -> memref<2600000x32xf32, #tpu.memory_space<hbm>>
    tpu.wait_indirect_dma semaphore(%arg8 : memref<!tpu.dma_semaphore, #tpu.memory_space<semaphore_mem>>) src(%dma_wait3A_676 : memref<2600000x32xf32, #tpu.memory_space<hbm>>) dst(%dma_wait3A_670 : memref<128x32xf32, #tpu.memory_space<vmem>>)
    %dma_wait3A_677 = arith.constant 18 : i32
    %dma_wait3A_678 = arith.constant 0 : i32
    %dma_wait3A_679 = arith.constant 256 : i32
    %dma_wait3A_680 = arith.constant 0 : i32
    %dma_wait3A_681 = tpu.memref_slice %arg7[%dma_wait3A_678, %dma_wait3A_679, %dma_wait3A_680] : memref<2x1024x32xf32, #tpu.memory_space<vmem>> -> memref<1x128x32xf32, #tpu.memory_space<vmem>>
    %dma_wait3A_682 = tpu.memref_squeeze %dma_wait3A_681 : memref<1x128x32xf32, #tpu.memory_space<vmem>> -> memref<128x32xf32, #tpu.memory_space<vmem>>
    %dma_wait3A_683 = arith.constant 0 : i32
    %dma_wait3A_684 = tpu.memref_slice %arg6[%dma_wait3A_677, %dma_wait3A_683] : memref<112x128xi32, #tpu.memory_space<vmem>> -> memref<1x128xi32, #tpu.memory_space<vmem>>
    %dma_wait3A_685 = tpu.memref_squeeze %dma_wait3A_684 : memref<1x128xi32, #tpu.memory_space<vmem>> -> memref<128xi32, #tpu.memory_space<vmem>>
    %dma_wait3A_686 = arith.constant 0 : i32
    %dma_wait3A_687 = arith.constant 0 : i32
    %dma_wait3A_688 = tpu.memref_slice %arg3[%dma_wait3A_686, %dma_wait3A_687] : memref<2600000x32xf32, #tpu.memory_space<hbm>> -> memref<2600000x32xf32, #tpu.memory_space<hbm>>
    tpu.wait_indirect_dma semaphore(%arg8 : memref<!tpu.dma_semaphore, #tpu.memory_space<semaphore_mem>>) src(%dma_wait3A_688 : memref<2600000x32xf32, #tpu.memory_space<hbm>>) dst(%dma_wait3A_682 : memref<128x32xf32, #tpu.memory_space<vmem>>)
    %dma_wait3A_689 = arith.constant 19 : i32
    %dma_wait3A_690 = arith.constant 0 : i32
    %dma_wait3A_691 = arith.constant 384 : i32
    %dma_wait3A_692 = arith.constant 0 : i32
    %dma_wait3A_693 = tpu.memref_slice %arg7[%dma_wait3A_690, %dma_wait3A_691, %dma_wait3A_692] : memref<2x1024x32xf32, #tpu.memory_space<vmem>> -> memref<1x128x32xf32, #tpu.memory_space<vmem>>
    %dma_wait3A_694 = tpu.memref_squeeze %dma_wait3A_693 : memref<1x128x32xf32, #tpu.memory_space<vmem>> -> memref<128x32xf32, #tpu.memory_space<vmem>>
    %dma_wait3A_695 = arith.constant 0 : i32
    %dma_wait3A_696 = tpu.memref_slice %arg6[%dma_wait3A_689, %dma_wait3A_695] : memref<112x128xi32, #tpu.memory_space<vmem>> -> memref<1x128xi32, #tpu.memory_space<vmem>>
    %dma_wait3A_697 = tpu.memref_squeeze %dma_wait3A_696 : memref<1x128xi32, #tpu.memory_space<vmem>> -> memref<128xi32, #tpu.memory_space<vmem>>
    %dma_wait3A_698 = arith.constant 0 : i32
    %dma_wait3A_699 = arith.constant 0 : i32
    %dma_wait3A_700 = tpu.memref_slice %arg3[%dma_wait3A_698, %dma_wait3A_699] : memref<2600000x32xf32, #tpu.memory_space<hbm>> -> memref<2600000x32xf32, #tpu.memory_space<hbm>>
    tpu.wait_indirect_dma semaphore(%arg8 : memref<!tpu.dma_semaphore, #tpu.memory_space<semaphore_mem>>) src(%dma_wait3A_700 : memref<2600000x32xf32, #tpu.memory_space<hbm>>) dst(%dma_wait3A_694 : memref<128x32xf32, #tpu.memory_space<vmem>>)
    %dma_wait3A_701 = arith.constant 20 : i32
    %dma_wait3A_702 = arith.constant 0 : i32
    %dma_wait3A_703 = arith.constant 512 : i32
    %dma_wait3A_704 = arith.constant 0 : i32
    %dma_wait3A_705 = tpu.memref_slice %arg7[%dma_wait3A_702, %dma_wait3A_703, %dma_wait3A_704] : memref<2x1024x32xf32, #tpu.memory_space<vmem>> -> memref<1x128x32xf32, #tpu.memory_space<vmem>>
    %dma_wait3A_706 = tpu.memref_squeeze %dma_wait3A_705 : memref<1x128x32xf32, #tpu.memory_space<vmem>> -> memref<128x32xf32, #tpu.memory_space<vmem>>
    %dma_wait3A_707 = arith.constant 0 : i32
    %dma_wait3A_708 = tpu.memref_slice %arg6[%dma_wait3A_701, %dma_wait3A_707] : memref<112x128xi32, #tpu.memory_space<vmem>> -> memref<1x128xi32, #tpu.memory_space<vmem>>
    %dma_wait3A_709 = tpu.memref_squeeze %dma_wait3A_708 : memref<1x128xi32, #tpu.memory_space<vmem>> -> memref<128xi32, #tpu.memory_space<vmem>>
    %dma_wait3A_710 = arith.constant 0 : i32
    %dma_wait3A_711 = arith.constant 0 : i32
    %dma_wait3A_712 = tpu.memref_slice %arg3[%dma_wait3A_710, %dma_wait3A_711] : memref<2600000x32xf32, #tpu.memory_space<hbm>> -> memref<2600000x32xf32, #tpu.memory_space<hbm>>
    tpu.wait_indirect_dma semaphore(%arg8 : memref<!tpu.dma_semaphore, #tpu.memory_space<semaphore_mem>>) src(%dma_wait3A_712 : memref<2600000x32xf32, #tpu.memory_space<hbm>>) dst(%dma_wait3A_706 : memref<128x32xf32, #tpu.memory_space<vmem>>)
    %dma_wait3A_713 = arith.constant 21 : i32
    %dma_wait3A_714 = arith.constant 0 : i32
    %dma_wait3A_715 = arith.constant 640 : i32
    %dma_wait3A_716 = arith.constant 0 : i32
    %dma_wait3A_717 = tpu.memref_slice %arg7[%dma_wait3A_714, %dma_wait3A_715, %dma_wait3A_716] : memref<2x1024x32xf32, #tpu.memory_space<vmem>> -> memref<1x128x32xf32, #tpu.memory_space<vmem>>
    %dma_wait3A_718 = tpu.memref_squeeze %dma_wait3A_717 : memref<1x128x32xf32, #tpu.memory_space<vmem>> -> memref<128x32xf32, #tpu.memory_space<vmem>>
    %dma_wait3A_719 = arith.constant 0 : i32
    %dma_wait3A_720 = tpu.memref_slice %arg6[%dma_wait3A_713, %dma_wait3A_719] : memref<112x128xi32, #tpu.memory_space<vmem>> -> memref<1x128xi32, #tpu.memory_space<vmem>>
    %dma_wait3A_721 = tpu.memref_squeeze %dma_wait3A_720 : memref<1x128xi32, #tpu.memory_space<vmem>> -> memref<128xi32, #tpu.memory_space<vmem>>
    %dma_wait3A_722 = arith.constant 0 : i32
    %dma_wait3A_723 = arith.constant 0 : i32
    %dma_wait3A_724 = tpu.memref_slice %arg3[%dma_wait3A_722, %dma_wait3A_723] : memref<2600000x32xf32, #tpu.memory_space<hbm>> -> memref<2600000x32xf32, #tpu.memory_space<hbm>>
    tpu.wait_indirect_dma semaphore(%arg8 : memref<!tpu.dma_semaphore, #tpu.memory_space<semaphore_mem>>) src(%dma_wait3A_724 : memref<2600000x32xf32, #tpu.memory_space<hbm>>) dst(%dma_wait3A_718 : memref<128x32xf32, #tpu.memory_space<vmem>>)
    %dma_wait3A_725 = arith.constant 22 : i32
    %dma_wait3A_726 = arith.constant 0 : i32
    %dma_wait3A_727 = arith.constant 768 : i32
    %dma_wait3A_728 = arith.constant 0 : i32
    %dma_wait3A_729 = tpu.memref_slice %arg7[%dma_wait3A_726, %dma_wait3A_727, %dma_wait3A_728] : memref<2x1024x32xf32, #tpu.memory_space<vmem>> -> memref<1x128x32xf32, #tpu.memory_space<vmem>>
    %dma_wait3A_730 = tpu.memref_squeeze %dma_wait3A_729 : memref<1x128x32xf32, #tpu.memory_space<vmem>> -> memref<128x32xf32, #tpu.memory_space<vmem>>
    %dma_wait3A_731 = arith.constant 0 : i32
    %dma_wait3A_732 = tpu.memref_slice %arg6[%dma_wait3A_725, %dma_wait3A_731] : memref<112x128xi32, #tpu.memory_space<vmem>> -> memref<1x128xi32, #tpu.memory_space<vmem>>
    %dma_wait3A_733 = tpu.memref_squeeze %dma_wait3A_732 : memref<1x128xi32, #tpu.memory_space<vmem>> -> memref<128xi32, #tpu.memory_space<vmem>>
    %dma_wait3A_734 = arith.constant 0 : i32
    %dma_wait3A_735 = arith.constant 0 : i32
    %dma_wait3A_736 = tpu.memref_slice %arg3[%dma_wait3A_734, %dma_wait3A_735] : memref<2600000x32xf32, #tpu.memory_space<hbm>> -> memref<2600000x32xf32, #tpu.memory_space<hbm>>
    tpu.wait_indirect_dma semaphore(%arg8 : memref<!tpu.dma_semaphore, #tpu.memory_space<semaphore_mem>>) src(%dma_wait3A_736 : memref<2600000x32xf32, #tpu.memory_space<hbm>>) dst(%dma_wait3A_730 : memref<128x32xf32, #tpu.memory_space<vmem>>)
    %dma_wait3A_737 = arith.constant 23 : i32
    %dma_wait3A_738 = arith.constant 0 : i32
    %dma_wait3A_739 = arith.constant 896 : i32
    %dma_wait3A_740 = arith.constant 0 : i32
    %dma_wait3A_741 = tpu.memref_slice %arg7[%dma_wait3A_738, %dma_wait3A_739, %dma_wait3A_740] : memref<2x1024x32xf32, #tpu.memory_space<vmem>> -> memref<1x128x32xf32, #tpu.memory_space<vmem>>
    %dma_wait3A_742 = tpu.memref_squeeze %dma_wait3A_741 : memref<1x128x32xf32, #tpu.memory_space<vmem>> -> memref<128x32xf32, #tpu.memory_space<vmem>>
    %dma_wait3A_743 = arith.constant 0 : i32
    %dma_wait3A_744 = tpu.memref_slice %arg6[%dma_wait3A_737, %dma_wait3A_743] : memref<112x128xi32, #tpu.memory_space<vmem>> -> memref<1x128xi32, #tpu.memory_space<vmem>>
    %dma_wait3A_745 = tpu.memref_squeeze %dma_wait3A_744 : memref<1x128xi32, #tpu.memory_space<vmem>> -> memref<128xi32, #tpu.memory_space<vmem>>
    %dma_wait3A_746 = arith.constant 0 : i32
    %dma_wait3A_747 = arith.constant 0 : i32
    %dma_wait3A_748 = tpu.memref_slice %arg3[%dma_wait3A_746, %dma_wait3A_747] : memref<2600000x32xf32, #tpu.memory_space<hbm>> -> memref<2600000x32xf32, #tpu.memory_space<hbm>>
    tpu.wait_indirect_dma semaphore(%arg8 : memref<!tpu.dma_semaphore, #tpu.memory_space<semaphore_mem>>) src(%dma_wait3A_748 : memref<2600000x32xf32, #tpu.memory_space<hbm>>) dst(%dma_wait3A_742 : memref<128x32xf32, #tpu.memory_space<vmem>>)
    %mul3A_749 = arith.constant 2048 : i32
    %mul3A_750 = arith.muli %add3A, %mul3A_749 : i32
    %add3A_751 = arith.constant 65536 : i32
    %add3A_752 = arith.addi %add3A_751, %mul3A_750 : i32
    %add3A_753 = arith.constant 0 : i32
    %add3A_754 = arith.addi %add3A_752, %add3A_753 : i32
    %dma_start3A_755 = arith.constant 0 : i32
    %dma_start3A_756 = arith.constant 0 : i32
    %dma_start3A_757 = arith.constant 0 : i32
    %dma_start3A_758 = tpu.memref_slice %arg7[%dma_start3A_755, %dma_start3A_756, %dma_start3A_757] : memref<2x1024x32xf32, #tpu.memory_space<vmem>> -> memref<1x1024x32xf32, #tpu.memory_space<vmem>>
    %dma_start3A_759 = tpu.memref_squeeze %dma_start3A_758 : memref<1x1024x32xf32, #tpu.memory_space<vmem>> -> memref<1024x32xf32, #tpu.memory_space<vmem>>
    %dma_start3A_760 = arith.constant 0 : i32
    %dma_start3A_761 = tpu.memref_slice %arg4[%add3A_754, %dma_start3A_760] : memref<458752x32xf32, #tpu.memory_space<hbm>> -> memref<1024x32xf32, #tpu.memory_space<hbm>>
    %dma_start3A_762 = arith.constant 0 : i32
    %dma_start3A_763 = tpu.memref_slice %arg4[%add3A_754, %dma_start3A_762] : memref<458752x32xf32, #tpu.memory_space<hbm>> -> memref<1024x32xf32, #tpu.memory_space<hbm>>
    %dma_start3A_764 = arith.constant 0 : i32
    %dma_start3A_765 = arith.constant 0 : i32
    %dma_start3A_766 = tpu.memref_slice %arg7[%dma_start3A_755, %dma_start3A_764, %dma_start3A_765] : memref<2x1024x32xf32, #tpu.memory_space<vmem>> -> memref<1x1024x32xf32, #tpu.memory_space<vmem>>
    %dma_start3A_767 = tpu.memref_squeeze %dma_start3A_766 : memref<1x1024x32xf32, #tpu.memory_space<vmem>> -> memref<1024x32xf32, #tpu.memory_space<vmem>>
    tpu.enqueue_dma source(%dma_start3A_767 : memref<1024x32xf32, #tpu.memory_space<vmem>>) target(%dma_start3A_763 : memref<1024x32xf32, #tpu.memory_space<hbm>>) target_semaphore(%arg9 : memref<!tpu.dma_semaphore, #tpu.memory_space<semaphore_mem>>)
    %dma_wait3A_768 = arith.constant 0 : i32
    %dma_wait3A_769 = arith.constant 0 : i32
    %dma_wait3A_770 = arith.constant 0 : i32
    %dma_wait3A_771 = tpu.memref_slice %arg7[%dma_wait3A_768, %dma_wait3A_769, %dma_wait3A_770] : memref<2x1024x32xf32, #tpu.memory_space<vmem>> -> memref<1x1024x32xf32, #tpu.memory_space<vmem>>
    %dma_wait3A_772 = tpu.memref_squeeze %dma_wait3A_771 : memref<1x1024x32xf32, #tpu.memory_space<vmem>> -> memref<1024x32xf32, #tpu.memory_space<vmem>>
    %dma_wait3A_773 = arith.constant 0 : i32
    %dma_wait3A_774 = tpu.memref_slice %arg4[%add3A_754, %dma_wait3A_773] : memref<458752x32xf32, #tpu.memory_space<hbm>> -> memref<1024x32xf32, #tpu.memory_space<hbm>>
    %dma_wait3A_775 = arith.constant 0 : i32
    %dma_wait3A_776 = tpu.memref_slice %arg4[%add3A_754, %dma_wait3A_775] : memref<458752x32xf32, #tpu.memory_space<hbm>> -> memref<1024x32xf32, #tpu.memory_space<hbm>>
    %dma_wait3A_777 = arith.constant 0 : i32
    %dma_wait3A_778 = arith.constant 0 : i32
    %dma_wait3A_779 = tpu.memref_slice %arg7[%dma_wait3A_768, %dma_wait3A_777, %dma_wait3A_778] : memref<2x1024x32xf32, #tpu.memory_space<vmem>> -> memref<1x1024x32xf32, #tpu.memory_space<vmem>>
    %dma_wait3A_780 = tpu.memref_squeeze %dma_wait3A_779 : memref<1x1024x32xf32, #tpu.memory_space<vmem>> -> memref<1024x32xf32, #tpu.memory_space<vmem>>
    tpu.wait_dma2 semaphore(%arg9 : memref<!tpu.dma_semaphore, #tpu.memory_space<semaphore_mem>>) src(%dma_wait3A_780 : memref<1024x32xf32, #tpu.memory_space<vmem>>) dst(%dma_wait3A_776 : memref<1024x32xf32, #tpu.memory_space<hbm>>)
    %dma_start3A_781 = arith.constant 32 : i32
    %dma_start3A_782 = arith.constant 0 : i32
    %dma_start3A_783 = arith.constant 0 : i32
    %dma_start3A_784 = arith.constant 0 : i32
    %dma_start3A_785 = tpu.memref_slice %arg7[%dma_start3A_782, %dma_start3A_783, %dma_start3A_784] : memref<2x1024x32xf32, #tpu.memory_space<vmem>> -> memref<1x128x32xf32, #tpu.memory_space<vmem>>
    %dma_start3A_786 = tpu.memref_squeeze %dma_start3A_785 : memref<1x128x32xf32, #tpu.memory_space<vmem>> -> memref<128x32xf32, #tpu.memory_space<vmem>>
    %dma_start3A_787 = arith.constant 0 : i32
    %dma_start3A_788 = tpu.memref_slice %arg6[%dma_start3A_781, %dma_start3A_787] : memref<112x128xi32, #tpu.memory_space<vmem>> -> memref<1x128xi32, #tpu.memory_space<vmem>>
    %dma_start3A_789 = tpu.memref_squeeze %dma_start3A_788 : memref<1x128xi32, #tpu.memory_space<vmem>> -> memref<128xi32, #tpu.memory_space<vmem>>
    %dma_start3A_790 = arith.constant 0 : i32
    %dma_start3A_791 = arith.constant 0 : i32
    %dma_start3A_792 = tpu.memref_slice %arg3[%dma_start3A_790, %dma_start3A_791] : memref<2600000x32xf32, #tpu.memory_space<hbm>> -> memref<2600000x32xf32, #tpu.memory_space<hbm>>
    tpu.enqueue_indirect_dma source(%dma_start3A_792 : memref<2600000x32xf32, #tpu.memory_space<hbm>>) target(%dma_start3A_786 : memref<128x32xf32, #tpu.memory_space<vmem>>) offsets(%dma_start3A_789 : memref<128xi32, #tpu.memory_space<vmem>>) semaphore(%arg8 : memref<!tpu.dma_semaphore, #tpu.memory_space<semaphore_mem>>)
    %dma_start3A_793 = arith.constant 33 : i32
    %dma_start3A_794 = arith.constant 0 : i32
    %dma_start3A_795 = arith.constant 128 : i32
    %dma_start3A_796 = arith.constant 0 : i32
    %dma_start3A_797 = tpu.memref_slice %arg7[%dma_start3A_794, %dma_start3A_795, %dma_start3A_796] : memref<2x1024x32xf32, #tpu.memory_space<vmem>> -> memref<1x128x32xf32, #tpu.memory_space<vmem>>
    %dma_start3A_798 = tpu.memref_squeeze %dma_start3A_797 : memref<1x128x32xf32, #tpu.memory_space<vmem>> -> memref<128x32xf32, #tpu.memory_space<vmem>>
    %dma_start3A_799 = arith.constant 0 : i32
    %dma_start3A_800 = tpu.memref_slice %arg6[%dma_start3A_793, %dma_start3A_799] : memref<112x128xi32, #tpu.memory_space<vmem>> -> memref<1x128xi32, #tpu.memory_space<vmem>>
    %dma_start3A_801 = tpu.memref_squeeze %dma_start3A_800 : memref<1x128xi32, #tpu.memory_space<vmem>> -> memref<128xi32, #tpu.memory_space<vmem>>
    %dma_start3A_802 = arith.constant 0 : i32
    %dma_start3A_803 = arith.constant 0 : i32
    %dma_start3A_804 = tpu.memref_slice %arg3[%dma_start3A_802, %dma_start3A_803] : memref<2600000x32xf32, #tpu.memory_space<hbm>> -> memref<2600000x32xf32, #tpu.memory_space<hbm>>
    tpu.enqueue_indirect_dma source(%dma_start3A_804 : memref<2600000x32xf32, #tpu.memory_space<hbm>>) target(%dma_start3A_798 : memref<128x32xf32, #tpu.memory_space<vmem>>) offsets(%dma_start3A_801 : memref<128xi32, #tpu.memory_space<vmem>>) semaphore(%arg8 : memref<!tpu.dma_semaphore, #tpu.memory_space<semaphore_mem>>)
    %dma_start3A_805 = arith.constant 34 : i32
    %dma_start3A_806 = arith.constant 0 : i32
    %dma_start3A_807 = arith.constant 256 : i32
    %dma_start3A_808 = arith.constant 0 : i32
    %dma_start3A_809 = tpu.memref_slice %arg7[%dma_start3A_806, %dma_start3A_807, %dma_start3A_808] : memref<2x1024x32xf32, #tpu.memory_space<vmem>> -> memref<1x128x32xf32, #tpu.memory_space<vmem>>
    %dma_start3A_810 = tpu.memref_squeeze %dma_start3A_809 : memref<1x128x32xf32, #tpu.memory_space<vmem>> -> memref<128x32xf32, #tpu.memory_space<vmem>>
    %dma_start3A_811 = arith.constant 0 : i32
    %dma_start3A_812 = tpu.memref_slice %arg6[%dma_start3A_805, %dma_start3A_811] : memref<112x128xi32, #tpu.memory_space<vmem>> -> memref<1x128xi32, #tpu.memory_space<vmem>>
    %dma_start3A_813 = tpu.memref_squeeze %dma_start3A_812 : memref<1x128xi32, #tpu.memory_space<vmem>> -> memref<128xi32, #tpu.memory_space<vmem>>
    %dma_start3A_814 = arith.constant 0 : i32
    %dma_start3A_815 = arith.constant 0 : i32
    %dma_start3A_816 = tpu.memref_slice %arg3[%dma_start3A_814, %dma_start3A_815] : memref<2600000x32xf32, #tpu.memory_space<hbm>> -> memref<2600000x32xf32, #tpu.memory_space<hbm>>
    tpu.enqueue_indirect_dma source(%dma_start3A_816 : memref<2600000x32xf32, #tpu.memory_space<hbm>>) target(%dma_start3A_810 : memref<128x32xf32, #tpu.memory_space<vmem>>) offsets(%dma_start3A_813 : memref<128xi32, #tpu.memory_space<vmem>>) semaphore(%arg8 : memref<!tpu.dma_semaphore, #tpu.memory_space<semaphore_mem>>)
    %dma_start3A_817 = arith.constant 35 : i32
    %dma_start3A_818 = arith.constant 0 : i32
    %dma_start3A_819 = arith.constant 384 : i32
    %dma_start3A_820 = arith.constant 0 : i32
    %dma_start3A_821 = tpu.memref_slice %arg7[%dma_start3A_818, %dma_start3A_819, %dma_start3A_820] : memref<2x1024x32xf32, #tpu.memory_space<vmem>> -> memref<1x128x32xf32, #tpu.memory_space<vmem>>
    %dma_start3A_822 = tpu.memref_squeeze %dma_start3A_821 : memref<1x128x32xf32, #tpu.memory_space<vmem>> -> memref<128x32xf32, #tpu.memory_space<vmem>>
    %dma_start3A_823 = arith.constant 0 : i32
    %dma_start3A_824 = tpu.memref_slice %arg6[%dma_start3A_817, %dma_start3A_823] : memref<112x128xi32, #tpu.memory_space<vmem>> -> memref<1x128xi32, #tpu.memory_space<vmem>>
    %dma_start3A_825 = tpu.memref_squeeze %dma_start3A_824 : memref<1x128xi32, #tpu.memory_space<vmem>> -> memref<128xi32, #tpu.memory_space<vmem>>
    %dma_start3A_826 = arith.constant 0 : i32
    %dma_start3A_827 = arith.constant 0 : i32
    %dma_start3A_828 = tpu.memref_slice %arg3[%dma_start3A_826, %dma_start3A_827] : memref<2600000x32xf32, #tpu.memory_space<hbm>> -> memref<2600000x32xf32, #tpu.memory_space<hbm>>
    tpu.enqueue_indirect_dma source(%dma_start3A_828 : memref<2600000x32xf32, #tpu.memory_space<hbm>>) target(%dma_start3A_822 : memref<128x32xf32, #tpu.memory_space<vmem>>) offsets(%dma_start3A_825 : memref<128xi32, #tpu.memory_space<vmem>>) semaphore(%arg8 : memref<!tpu.dma_semaphore, #tpu.memory_space<semaphore_mem>>)
    %dma_start3A_829 = arith.constant 36 : i32
    %dma_start3A_830 = arith.constant 0 : i32
    %dma_start3A_831 = arith.constant 512 : i32
    %dma_start3A_832 = arith.constant 0 : i32
    %dma_start3A_833 = tpu.memref_slice %arg7[%dma_start3A_830, %dma_start3A_831, %dma_start3A_832] : memref<2x1024x32xf32, #tpu.memory_space<vmem>> -> memref<1x128x32xf32, #tpu.memory_space<vmem>>
    %dma_start3A_834 = tpu.memref_squeeze %dma_start3A_833 : memref<1x128x32xf32, #tpu.memory_space<vmem>> -> memref<128x32xf32, #tpu.memory_space<vmem>>
    %dma_start3A_835 = arith.constant 0 : i32
    %dma_start3A_836 = tpu.memref_slice %arg6[%dma_start3A_829, %dma_start3A_835] : memref<112x128xi32, #tpu.memory_space<vmem>> -> memref<1x128xi32, #tpu.memory_space<vmem>>
    %dma_start3A_837 = tpu.memref_squeeze %dma_start3A_836 : memref<1x128xi32, #tpu.memory_space<vmem>> -> memref<128xi32, #tpu.memory_space<vmem>>
    %dma_start3A_838 = arith.constant 0 : i32
    %dma_start3A_839 = arith.constant 0 : i32
    %dma_start3A_840 = tpu.memref_slice %arg3[%dma_start3A_838, %dma_start3A_839] : memref<2600000x32xf32, #tpu.memory_space<hbm>> -> memref<2600000x32xf32, #tpu.memory_space<hbm>>
    tpu.enqueue_indirect_dma source(%dma_start3A_840 : memref<2600000x32xf32, #tpu.memory_space<hbm>>) target(%dma_start3A_834 : memref<128x32xf32, #tpu.memory_space<vmem>>) offsets(%dma_start3A_837 : memref<128xi32, #tpu.memory_space<vmem>>) semaphore(%arg8 : memref<!tpu.dma_semaphore, #tpu.memory_space<semaphore_mem>>)
    %dma_start3A_841 = arith.constant 37 : i32
    %dma_start3A_842 = arith.constant 0 : i32
    %dma_start3A_843 = arith.constant 640 : i32
    %dma_start3A_844 = arith.constant 0 : i32
    %dma_start3A_845 = tpu.memref_slice %arg7[%dma_start3A_842, %dma_start3A_843, %dma_start3A_844] : memref<2x1024x32xf32, #tpu.memory_space<vmem>> -> memref<1x128x32xf32, #tpu.memory_space<vmem>>
    %dma_start3A_846 = tpu.memref_squeeze %dma_start3A_845 : memref<1x128x32xf32, #tpu.memory_space<vmem>> -> memref<128x32xf32, #tpu.memory_space<vmem>>
    %dma_start3A_847 = arith.constant 0 : i32
    %dma_start3A_848 = tpu.memref_slice %arg6[%dma_start3A_841, %dma_start3A_847] : memref<112x128xi32, #tpu.memory_space<vmem>> -> memref<1x128xi32, #tpu.memory_space<vmem>>
    %dma_start3A_849 = tpu.memref_squeeze %dma_start3A_848 : memref<1x128xi32, #tpu.memory_space<vmem>> -> memref<128xi32, #tpu.memory_space<vmem>>
    %dma_start3A_850 = arith.constant 0 : i32
    %dma_start3A_851 = arith.constant 0 : i32
    %dma_start3A_852 = tpu.memref_slice %arg3[%dma_start3A_850, %dma_start3A_851] : memref<2600000x32xf32, #tpu.memory_space<hbm>> -> memref<2600000x32xf32, #tpu.memory_space<hbm>>
    tpu.enqueue_indirect_dma source(%dma_start3A_852 : memref<2600000x32xf32, #tpu.memory_space<hbm>>) target(%dma_start3A_846 : memref<128x32xf32, #tpu.memory_space<vmem>>) offsets(%dma_start3A_849 : memref<128xi32, #tpu.memory_space<vmem>>) semaphore(%arg8 : memref<!tpu.dma_semaphore, #tpu.memory_space<semaphore_mem>>)
    %dma_start3A_853 = arith.constant 38 : i32
    %dma_start3A_854 = arith.constant 0 : i32
    %dma_start3A_855 = arith.constant 768 : i32
    %dma_start3A_856 = arith.constant 0 : i32
    %dma_start3A_857 = tpu.memref_slice %arg7[%dma_start3A_854, %dma_start3A_855, %dma_start3A_856] : memref<2x1024x32xf32, #tpu.memory_space<vmem>> -> memref<1x128x32xf32, #tpu.memory_space<vmem>>
    %dma_start3A_858 = tpu.memref_squeeze %dma_start3A_857 : memref<1x128x32xf32, #tpu.memory_space<vmem>> -> memref<128x32xf32, #tpu.memory_space<vmem>>
    %dma_start3A_859 = arith.constant 0 : i32
    %dma_start3A_860 = tpu.memref_slice %arg6[%dma_start3A_853, %dma_start3A_859] : memref<112x128xi32, #tpu.memory_space<vmem>> -> memref<1x128xi32, #tpu.memory_space<vmem>>
    %dma_start3A_861 = tpu.memref_squeeze %dma_start3A_860 : memref<1x128xi32, #tpu.memory_space<vmem>> -> memref<128xi32, #tpu.memory_space<vmem>>
    %dma_start3A_862 = arith.constant 0 : i32
    %dma_start3A_863 = arith.constant 0 : i32
    %dma_start3A_864 = tpu.memref_slice %arg3[%dma_start3A_862, %dma_start3A_863] : memref<2600000x32xf32, #tpu.memory_space<hbm>> -> memref<2600000x32xf32, #tpu.memory_space<hbm>>
    tpu.enqueue_indirect_dma source(%dma_start3A_864 : memref<2600000x32xf32, #tpu.memory_space<hbm>>) target(%dma_start3A_858 : memref<128x32xf32, #tpu.memory_space<vmem>>) offsets(%dma_start3A_861 : memref<128xi32, #tpu.memory_space<vmem>>) semaphore(%arg8 : memref<!tpu.dma_semaphore, #tpu.memory_space<semaphore_mem>>)
    %dma_start3A_865 = arith.constant 39 : i32
    %dma_start3A_866 = arith.constant 0 : i32
    %dma_start3A_867 = arith.constant 896 : i32
    %dma_start3A_868 = arith.constant 0 : i32
    %dma_start3A_869 = tpu.memref_slice %arg7[%dma_start3A_866, %dma_start3A_867, %dma_start3A_868] : memref<2x1024x32xf32, #tpu.memory_space<vmem>> -> memref<1x128x32xf32, #tpu.memory_space<vmem>>
    %dma_start3A_870 = tpu.memref_squeeze %dma_start3A_869 : memref<1x128x32xf32, #tpu.memory_space<vmem>> -> memref<128x32xf32, #tpu.memory_space<vmem>>
    %dma_start3A_871 = arith.constant 0 : i32
    %dma_start3A_872 = tpu.memref_slice %arg6[%dma_start3A_865, %dma_start3A_871] : memref<112x128xi32, #tpu.memory_space<vmem>> -> memref<1x128xi32, #tpu.memory_space<vmem>>
    %dma_start3A_873 = tpu.memref_squeeze %dma_start3A_872 : memref<1x128xi32, #tpu.memory_space<vmem>> -> memref<128xi32, #tpu.memory_space<vmem>>
    %dma_start3A_874 = arith.constant 0 : i32
    %dma_start3A_875 = arith.constant 0 : i32
    %dma_start3A_876 = tpu.memref_slice %arg3[%dma_start3A_874, %dma_start3A_875] : memref<2600000x32xf32, #tpu.memory_space<hbm>> -> memref<2600000x32xf32, #tpu.memory_space<hbm>>
    tpu.enqueue_indirect_dma source(%dma_start3A_876 : memref<2600000x32xf32, #tpu.memory_space<hbm>>) target(%dma_start3A_870 : memref<128x32xf32, #tpu.memory_space<vmem>>) offsets(%dma_start3A_873 : memref<128xi32, #tpu.memory_space<vmem>>) semaphore(%arg8 : memref<!tpu.dma_semaphore, #tpu.memory_space<semaphore_mem>>)
    %dma_wait3A_877 = arith.constant 24 : i32
    %dma_wait3A_878 = arith.constant 1 : i32
    %dma_wait3A_879 = arith.constant 0 : i32
    %dma_wait3A_880 = arith.constant 0 : i32
    %dma_wait3A_881 = tpu.memref_slice %arg7[%dma_wait3A_878, %dma_wait3A_879, %dma_wait3A_880] : memref<2x1024x32xf32, #tpu.memory_space<vmem>> -> memref<1x128x32xf32, #tpu.memory_space<vmem>>
    %dma_wait3A_882 = tpu.memref_squeeze %dma_wait3A_881 : memref<1x128x32xf32, #tpu.memory_space<vmem>> -> memref<128x32xf32, #tpu.memory_space<vmem>>
    %dma_wait3A_883 = arith.constant 0 : i32
    %dma_wait3A_884 = tpu.memref_slice %arg6[%dma_wait3A_877, %dma_wait3A_883] : memref<112x128xi32, #tpu.memory_space<vmem>> -> memref<1x128xi32, #tpu.memory_space<vmem>>
    %dma_wait3A_885 = tpu.memref_squeeze %dma_wait3A_884 : memref<1x128xi32, #tpu.memory_space<vmem>> -> memref<128xi32, #tpu.memory_space<vmem>>
    %dma_wait3A_886 = arith.constant 0 : i32
    %dma_wait3A_887 = arith.constant 0 : i32
    %dma_wait3A_888 = tpu.memref_slice %arg3[%dma_wait3A_886, %dma_wait3A_887] : memref<2600000x32xf32, #tpu.memory_space<hbm>> -> memref<2600000x32xf32, #tpu.memory_space<hbm>>
    tpu.wait_indirect_dma semaphore(%arg8 : memref<!tpu.dma_semaphore, #tpu.memory_space<semaphore_mem>>) src(%dma_wait3A_888 : memref<2600000x32xf32, #tpu.memory_space<hbm>>) dst(%dma_wait3A_882 : memref<128x32xf32, #tpu.memory_space<vmem>>)
    %dma_wait3A_889 = arith.constant 25 : i32
    %dma_wait3A_890 = arith.constant 1 : i32
    %dma_wait3A_891 = arith.constant 128 : i32
    %dma_wait3A_892 = arith.constant 0 : i32
    %dma_wait3A_893 = tpu.memref_slice %arg7[%dma_wait3A_890, %dma_wait3A_891, %dma_wait3A_892] : memref<2x1024x32xf32, #tpu.memory_space<vmem>> -> memref<1x128x32xf32, #tpu.memory_space<vmem>>
    %dma_wait3A_894 = tpu.memref_squeeze %dma_wait3A_893 : memref<1x128x32xf32, #tpu.memory_space<vmem>> -> memref<128x32xf32, #tpu.memory_space<vmem>>
    %dma_wait3A_895 = arith.constant 0 : i32
    %dma_wait3A_896 = tpu.memref_slice %arg6[%dma_wait3A_889, %dma_wait3A_895] : memref<112x128xi32, #tpu.memory_space<vmem>> -> memref<1x128xi32, #tpu.memory_space<vmem>>
    %dma_wait3A_897 = tpu.memref_squeeze %dma_wait3A_896 : memref<1x128xi32, #tpu.memory_space<vmem>> -> memref<128xi32, #tpu.memory_space<vmem>>
    %dma_wait3A_898 = arith.constant 0 : i32
    %dma_wait3A_899 = arith.constant 0 : i32
    %dma_wait3A_900 = tpu.memref_slice %arg3[%dma_wait3A_898, %dma_wait3A_899] : memref<2600000x32xf32, #tpu.memory_space<hbm>> -> memref<2600000x32xf32, #tpu.memory_space<hbm>>
    tpu.wait_indirect_dma semaphore(%arg8 : memref<!tpu.dma_semaphore, #tpu.memory_space<semaphore_mem>>) src(%dma_wait3A_900 : memref<2600000x32xf32, #tpu.memory_space<hbm>>) dst(%dma_wait3A_894 : memref<128x32xf32, #tpu.memory_space<vmem>>)
    %dma_wait3A_901 = arith.constant 26 : i32
    %dma_wait3A_902 = arith.constant 1 : i32
    %dma_wait3A_903 = arith.constant 256 : i32
    %dma_wait3A_904 = arith.constant 0 : i32
    %dma_wait3A_905 = tpu.memref_slice %arg7[%dma_wait3A_902, %dma_wait3A_903, %dma_wait3A_904] : memref<2x1024x32xf32, #tpu.memory_space<vmem>> -> memref<1x128x32xf32, #tpu.memory_space<vmem>>
    %dma_wait3A_906 = tpu.memref_squeeze %dma_wait3A_905 : memref<1x128x32xf32, #tpu.memory_space<vmem>> -> memref<128x32xf32, #tpu.memory_space<vmem>>
    %dma_wait3A_907 = arith.constant 0 : i32
    %dma_wait3A_908 = tpu.memref_slice %arg6[%dma_wait3A_901, %dma_wait3A_907] : memref<112x128xi32, #tpu.memory_space<vmem>> -> memref<1x128xi32, #tpu.memory_space<vmem>>
    %dma_wait3A_909 = tpu.memref_squeeze %dma_wait3A_908 : memref<1x128xi32, #tpu.memory_space<vmem>> -> memref<128xi32, #tpu.memory_space<vmem>>
    %dma_wait3A_910 = arith.constant 0 : i32
    %dma_wait3A_911 = arith.constant 0 : i32
    %dma_wait3A_912 = tpu.memref_slice %arg3[%dma_wait3A_910, %dma_wait3A_911] : memref<2600000x32xf32, #tpu.memory_space<hbm>> -> memref<2600000x32xf32, #tpu.memory_space<hbm>>
    tpu.wait_indirect_dma semaphore(%arg8 : memref<!tpu.dma_semaphore, #tpu.memory_space<semaphore_mem>>) src(%dma_wait3A_912 : memref<2600000x32xf32, #tpu.memory_space<hbm>>) dst(%dma_wait3A_906 : memref<128x32xf32, #tpu.memory_space<vmem>>)
    %dma_wait3A_913 = arith.constant 27 : i32
    %dma_wait3A_914 = arith.constant 1 : i32
    %dma_wait3A_915 = arith.constant 384 : i32
    %dma_wait3A_916 = arith.constant 0 : i32
    %dma_wait3A_917 = tpu.memref_slice %arg7[%dma_wait3A_914, %dma_wait3A_915, %dma_wait3A_916] : memref<2x1024x32xf32, #tpu.memory_space<vmem>> -> memref<1x128x32xf32, #tpu.memory_space<vmem>>
    %dma_wait3A_918 = tpu.memref_squeeze %dma_wait3A_917 : memref<1x128x32xf32, #tpu.memory_space<vmem>> -> memref<128x32xf32, #tpu.memory_space<vmem>>
    %dma_wait3A_919 = arith.constant 0 : i32
    %dma_wait3A_920 = tpu.memref_slice %arg6[%dma_wait3A_913, %dma_wait3A_919] : memref<112x128xi32, #tpu.memory_space<vmem>> -> memref<1x128xi32, #tpu.memory_space<vmem>>
    %dma_wait3A_921 = tpu.memref_squeeze %dma_wait3A_920 : memref<1x128xi32, #tpu.memory_space<vmem>> -> memref<128xi32, #tpu.memory_space<vmem>>
    %dma_wait3A_922 = arith.constant 0 : i32
    %dma_wait3A_923 = arith.constant 0 : i32
    %dma_wait3A_924 = tpu.memref_slice %arg3[%dma_wait3A_922, %dma_wait3A_923] : memref<2600000x32xf32, #tpu.memory_space<hbm>> -> memref<2600000x32xf32, #tpu.memory_space<hbm>>
    tpu.wait_indirect_dma semaphore(%arg8 : memref<!tpu.dma_semaphore, #tpu.memory_space<semaphore_mem>>) src(%dma_wait3A_924 : memref<2600000x32xf32, #tpu.memory_space<hbm>>) dst(%dma_wait3A_918 : memref<128x32xf32, #tpu.memory_space<vmem>>)
    %dma_wait3A_925 = arith.constant 28 : i32
    %dma_wait3A_926 = arith.constant 1 : i32
    %dma_wait3A_927 = arith.constant 512 : i32
    %dma_wait3A_928 = arith.constant 0 : i32
    %dma_wait3A_929 = tpu.memref_slice %arg7[%dma_wait3A_926, %dma_wait3A_927, %dma_wait3A_928] : memref<2x1024x32xf32, #tpu.memory_space<vmem>> -> memref<1x128x32xf32, #tpu.memory_space<vmem>>
    %dma_wait3A_930 = tpu.memref_squeeze %dma_wait3A_929 : memref<1x128x32xf32, #tpu.memory_space<vmem>> -> memref<128x32xf32, #tpu.memory_space<vmem>>
    %dma_wait3A_931 = arith.constant 0 : i32
    %dma_wait3A_932 = tpu.memref_slice %arg6[%dma_wait3A_925, %dma_wait3A_931] : memref<112x128xi32, #tpu.memory_space<vmem>> -> memref<1x128xi32, #tpu.memory_space<vmem>>
    %dma_wait3A_933 = tpu.memref_squeeze %dma_wait3A_932 : memref<1x128xi32, #tpu.memory_space<vmem>> -> memref<128xi32, #tpu.memory_space<vmem>>
    %dma_wait3A_934 = arith.constant 0 : i32
    %dma_wait3A_935 = arith.constant 0 : i32
    %dma_wait3A_936 = tpu.memref_slice %arg3[%dma_wait3A_934, %dma_wait3A_935] : memref<2600000x32xf32, #tpu.memory_space<hbm>> -> memref<2600000x32xf32, #tpu.memory_space<hbm>>
    tpu.wait_indirect_dma semaphore(%arg8 : memref<!tpu.dma_semaphore, #tpu.memory_space<semaphore_mem>>) src(%dma_wait3A_936 : memref<2600000x32xf32, #tpu.memory_space<hbm>>) dst(%dma_wait3A_930 : memref<128x32xf32, #tpu.memory_space<vmem>>)
    %dma_wait3A_937 = arith.constant 29 : i32
    %dma_wait3A_938 = arith.constant 1 : i32
    %dma_wait3A_939 = arith.constant 640 : i32
    %dma_wait3A_940 = arith.constant 0 : i32
    %dma_wait3A_941 = tpu.memref_slice %arg7[%dma_wait3A_938, %dma_wait3A_939, %dma_wait3A_940] : memref<2x1024x32xf32, #tpu.memory_space<vmem>> -> memref<1x128x32xf32, #tpu.memory_space<vmem>>
    %dma_wait3A_942 = tpu.memref_squeeze %dma_wait3A_941 : memref<1x128x32xf32, #tpu.memory_space<vmem>> -> memref<128x32xf32, #tpu.memory_space<vmem>>
    %dma_wait3A_943 = arith.constant 0 : i32
    %dma_wait3A_944 = tpu.memref_slice %arg6[%dma_wait3A_937, %dma_wait3A_943] : memref<112x128xi32, #tpu.memory_space<vmem>> -> memref<1x128xi32, #tpu.memory_space<vmem>>
    %dma_wait3A_945 = tpu.memref_squeeze %dma_wait3A_944 : memref<1x128xi32, #tpu.memory_space<vmem>> -> memref<128xi32, #tpu.memory_space<vmem>>
    %dma_wait3A_946 = arith.constant 0 : i32
    %dma_wait3A_947 = arith.constant 0 : i32
    %dma_wait3A_948 = tpu.memref_slice %arg3[%dma_wait3A_946, %dma_wait3A_947] : memref<2600000x32xf32, #tpu.memory_space<hbm>> -> memref<2600000x32xf32, #tpu.memory_space<hbm>>
    tpu.wait_indirect_dma semaphore(%arg8 : memref<!tpu.dma_semaphore, #tpu.memory_space<semaphore_mem>>) src(%dma_wait3A_948 : memref<2600000x32xf32, #tpu.memory_space<hbm>>) dst(%dma_wait3A_942 : memref<128x32xf32, #tpu.memory_space<vmem>>)
    %dma_wait3A_949 = arith.constant 30 : i32
    %dma_wait3A_950 = arith.constant 1 : i32
    %dma_wait3A_951 = arith.constant 768 : i32
    %dma_wait3A_952 = arith.constant 0 : i32
    %dma_wait3A_953 = tpu.memref_slice %arg7[%dma_wait3A_950, %dma_wait3A_951, %dma_wait3A_952] : memref<2x1024x32xf32, #tpu.memory_space<vmem>> -> memref<1x128x32xf32, #tpu.memory_space<vmem>>
    %dma_wait3A_954 = tpu.memref_squeeze %dma_wait3A_953 : memref<1x128x32xf32, #tpu.memory_space<vmem>> -> memref<128x32xf32, #tpu.memory_space<vmem>>
    %dma_wait3A_955 = arith.constant 0 : i32
    %dma_wait3A_956 = tpu.memref_slice %arg6[%dma_wait3A_949, %dma_wait3A_955] : memref<112x128xi32, #tpu.memory_space<vmem>> -> memref<1x128xi32, #tpu.memory_space<vmem>>
    %dma_wait3A_957 = tpu.memref_squeeze %dma_wait3A_956 : memref<1x128xi32, #tpu.memory_space<vmem>> -> memref<128xi32, #tpu.memory_space<vmem>>
    %dma_wait3A_958 = arith.constant 0 : i32
    %dma_wait3A_959 = arith.constant 0 : i32
    %dma_wait3A_960 = tpu.memref_slice %arg3[%dma_wait3A_958, %dma_wait3A_959] : memref<2600000x32xf32, #tpu.memory_space<hbm>> -> memref<2600000x32xf32, #tpu.memory_space<hbm>>
    tpu.wait_indirect_dma semaphore(%arg8 : memref<!tpu.dma_semaphore, #tpu.memory_space<semaphore_mem>>) src(%dma_wait3A_960 : memref<2600000x32xf32, #tpu.memory_space<hbm>>) dst(%dma_wait3A_954 : memref<128x32xf32, #tpu.memory_space<vmem>>)
    %dma_wait3A_961 = arith.constant 31 : i32
    %dma_wait3A_962 = arith.constant 1 : i32
    %dma_wait3A_963 = arith.constant 896 : i32
    %dma_wait3A_964 = arith.constant 0 : i32
    %dma_wait3A_965 = tpu.memref_slice %arg7[%dma_wait3A_962, %dma_wait3A_963, %dma_wait3A_964] : memref<2x1024x32xf32, #tpu.memory_space<vmem>> -> memref<1x128x32xf32, #tpu.memory_space<vmem>>
    %dma_wait3A_966 = tpu.memref_squeeze %dma_wait3A_965 : memref<1x128x32xf32, #tpu.memory_space<vmem>> -> memref<128x32xf32, #tpu.memory_space<vmem>>
    %dma_wait3A_967 = arith.constant 0 : i32
    %dma_wait3A_968 = tpu.memref_slice %arg6[%dma_wait3A_961, %dma_wait3A_967] : memref<112x128xi32, #tpu.memory_space<vmem>> -> memref<1x128xi32, #tpu.memory_space<vmem>>
    %dma_wait3A_969 = tpu.memref_squeeze %dma_wait3A_968 : memref<1x128xi32, #tpu.memory_space<vmem>> -> memref<128xi32, #tpu.memory_space<vmem>>
    %dma_wait3A_970 = arith.constant 0 : i32
    %dma_wait3A_971 = arith.constant 0 : i32
    %dma_wait3A_972 = tpu.memref_slice %arg3[%dma_wait3A_970, %dma_wait3A_971] : memref<2600000x32xf32, #tpu.memory_space<hbm>> -> memref<2600000x32xf32, #tpu.memory_space<hbm>>
    tpu.wait_indirect_dma semaphore(%arg8 : memref<!tpu.dma_semaphore, #tpu.memory_space<semaphore_mem>>) src(%dma_wait3A_972 : memref<2600000x32xf32, #tpu.memory_space<hbm>>) dst(%dma_wait3A_966 : memref<128x32xf32, #tpu.memory_space<vmem>>)
    %mul3A_973 = arith.constant 2048 : i32
    %mul3A_974 = arith.muli %add3A, %mul3A_973 : i32
    %add3A_975 = arith.constant 65536 : i32
    %add3A_976 = arith.addi %add3A_975, %mul3A_974 : i32
    %add3A_977 = arith.constant 1024 : i32
    %add3A_978 = arith.addi %add3A_976, %add3A_977 : i32
    %dma_start3A_979 = arith.constant 1 : i32
    %dma_start3A_980 = arith.constant 0 : i32
    %dma_start3A_981 = arith.constant 0 : i32
    %dma_start3A_982 = tpu.memref_slice %arg7[%dma_start3A_979, %dma_start3A_980, %dma_start3A_981] : memref<2x1024x32xf32, #tpu.memory_space<vmem>> -> memref<1x1024x32xf32, #tpu.memory_space<vmem>>
    %dma_start3A_983 = tpu.memref_squeeze %dma_start3A_982 : memref<1x1024x32xf32, #tpu.memory_space<vmem>> -> memref<1024x32xf32, #tpu.memory_space<vmem>>
    %dma_start3A_984 = arith.constant 0 : i32
    %dma_start3A_985 = tpu.memref_slice %arg4[%add3A_978, %dma_start3A_984] : memref<458752x32xf32, #tpu.memory_space<hbm>> -> memref<1024x32xf32, #tpu.memory_space<hbm>>
    %dma_start3A_986 = arith.constant 0 : i32
    %dma_start3A_987 = tpu.memref_slice %arg4[%add3A_978, %dma_start3A_986] : memref<458752x32xf32, #tpu.memory_space<hbm>> -> memref<1024x32xf32, #tpu.memory_space<hbm>>
    %dma_start3A_988 = arith.constant 0 : i32
    %dma_start3A_989 = arith.constant 0 : i32
    %dma_start3A_990 = tpu.memref_slice %arg7[%dma_start3A_979, %dma_start3A_988, %dma_start3A_989] : memref<2x1024x32xf32, #tpu.memory_space<vmem>> -> memref<1x1024x32xf32, #tpu.memory_space<vmem>>
    %dma_start3A_991 = tpu.memref_squeeze %dma_start3A_990 : memref<1x1024x32xf32, #tpu.memory_space<vmem>> -> memref<1024x32xf32, #tpu.memory_space<vmem>>
    tpu.enqueue_dma source(%dma_start3A_991 : memref<1024x32xf32, #tpu.memory_space<vmem>>) target(%dma_start3A_987 : memref<1024x32xf32, #tpu.memory_space<hbm>>) target_semaphore(%arg9 : memref<!tpu.dma_semaphore, #tpu.memory_space<semaphore_mem>>)
    %dma_wait3A_992 = arith.constant 1 : i32
    %dma_wait3A_993 = arith.constant 0 : i32
    %dma_wait3A_994 = arith.constant 0 : i32
    %dma_wait3A_995 = tpu.memref_slice %arg7[%dma_wait3A_992, %dma_wait3A_993, %dma_wait3A_994] : memref<2x1024x32xf32, #tpu.memory_space<vmem>> -> memref<1x1024x32xf32, #tpu.memory_space<vmem>>
    %dma_wait3A_996 = tpu.memref_squeeze %dma_wait3A_995 : memref<1x1024x32xf32, #tpu.memory_space<vmem>> -> memref<1024x32xf32, #tpu.memory_space<vmem>>
    %dma_wait3A_997 = arith.constant 0 : i32
    %dma_wait3A_998 = tpu.memref_slice %arg4[%add3A_978, %dma_wait3A_997] : memref<458752x32xf32, #tpu.memory_space<hbm>> -> memref<1024x32xf32, #tpu.memory_space<hbm>>
    %dma_wait3A_999 = arith.constant 0 : i32
    %dma_wait3A_1000 = tpu.memref_slice %arg4[%add3A_978, %dma_wait3A_999] : memref<458752x32xf32, #tpu.memory_space<hbm>> -> memref<1024x32xf32, #tpu.memory_space<hbm>>
    %dma_wait3A_1001 = arith.constant 0 : i32
    %dma_wait3A_1002 = arith.constant 0 : i32
    %dma_wait3A_1003 = tpu.memref_slice %arg7[%dma_wait3A_992, %dma_wait3A_1001, %dma_wait3A_1002] : memref<2x1024x32xf32, #tpu.memory_space<vmem>> -> memref<1x1024x32xf32, #tpu.memory_space<vmem>>
    %dma_wait3A_1004 = tpu.memref_squeeze %dma_wait3A_1003 : memref<1x1024x32xf32, #tpu.memory_space<vmem>> -> memref<1024x32xf32, #tpu.memory_space<vmem>>
    tpu.wait_dma2 semaphore(%arg9 : memref<!tpu.dma_semaphore, #tpu.memory_space<semaphore_mem>>) src(%dma_wait3A_1004 : memref<1024x32xf32, #tpu.memory_space<vmem>>) dst(%dma_wait3A_1000 : memref<1024x32xf32, #tpu.memory_space<hbm>>)
    %dma_start3A_1005 = arith.constant 40 : i32
    %dma_start3A_1006 = arith.constant 1 : i32
    %dma_start3A_1007 = arith.constant 0 : i32
    %dma_start3A_1008 = arith.constant 0 : i32
    %dma_start3A_1009 = tpu.memref_slice %arg7[%dma_start3A_1006, %dma_start3A_1007, %dma_start3A_1008] : memref<2x1024x32xf32, #tpu.memory_space<vmem>> -> memref<1x128x32xf32, #tpu.memory_space<vmem>>
    %dma_start3A_1010 = tpu.memref_squeeze %dma_start3A_1009 : memref<1x128x32xf32, #tpu.memory_space<vmem>> -> memref<128x32xf32, #tpu.memory_space<vmem>>
    %dma_start3A_1011 = arith.constant 0 : i32
    %dma_start3A_1012 = tpu.memref_slice %arg6[%dma_start3A_1005, %dma_start3A_1011] : memref<112x128xi32, #tpu.memory_space<vmem>> -> memref<1x128xi32, #tpu.memory_space<vmem>>
    %dma_start3A_1013 = tpu.memref_squeeze %dma_start3A_1012 : memref<1x128xi32, #tpu.memory_space<vmem>> -> memref<128xi32, #tpu.memory_space<vmem>>
    %dma_start3A_1014 = arith.constant 0 : i32
    %dma_start3A_1015 = arith.constant 0 : i32
    %dma_start3A_1016 = tpu.memref_slice %arg3[%dma_start3A_1014, %dma_start3A_1015] : memref<2600000x32xf32, #tpu.memory_space<hbm>> -> memref<2600000x32xf32, #tpu.memory_space<hbm>>
    tpu.enqueue_indirect_dma source(%dma_start3A_1016 : memref<2600000x32xf32, #tpu.memory_space<hbm>>) target(%dma_start3A_1010 : memref<128x32xf32, #tpu.memory_space<vmem>>) offsets(%dma_start3A_1013 : memref<128xi32, #tpu.memory_space<vmem>>) semaphore(%arg8 : memref<!tpu.dma_semaphore, #tpu.memory_space<semaphore_mem>>)
    %dma_start3A_1017 = arith.constant 41 : i32
    %dma_start3A_1018 = arith.constant 1 : i32
    %dma_start3A_1019 = arith.constant 128 : i32
    %dma_start3A_1020 = arith.constant 0 : i32
    %dma_start3A_1021 = tpu.memref_slice %arg7[%dma_start3A_1018, %dma_start3A_1019, %dma_start3A_1020] : memref<2x1024x32xf32, #tpu.memory_space<vmem>> -> memref<1x128x32xf32, #tpu.memory_space<vmem>>
    %dma_start3A_1022 = tpu.memref_squeeze %dma_start3A_1021 : memref<1x128x32xf32, #tpu.memory_space<vmem>> -> memref<128x32xf32, #tpu.memory_space<vmem>>
    %dma_start3A_1023 = arith.constant 0 : i32
    %dma_start3A_1024 = tpu.memref_slice %arg6[%dma_start3A_1017, %dma_start3A_1023] : memref<112x128xi32, #tpu.memory_space<vmem>> -> memref<1x128xi32, #tpu.memory_space<vmem>>
    %dma_start3A_1025 = tpu.memref_squeeze %dma_start3A_1024 : memref<1x128xi32, #tpu.memory_space<vmem>> -> memref<128xi32, #tpu.memory_space<vmem>>
    %dma_start3A_1026 = arith.constant 0 : i32
    %dma_start3A_1027 = arith.constant 0 : i32
    %dma_start3A_1028 = tpu.memref_slice %arg3[%dma_start3A_1026, %dma_start3A_1027] : memref<2600000x32xf32, #tpu.memory_space<hbm>> -> memref<2600000x32xf32, #tpu.memory_space<hbm>>
    tpu.enqueue_indirect_dma source(%dma_start3A_1028 : memref<2600000x32xf32, #tpu.memory_space<hbm>>) target(%dma_start3A_1022 : memref<128x32xf32, #tpu.memory_space<vmem>>) offsets(%dma_start3A_1025 : memref<128xi32, #tpu.memory_space<vmem>>) semaphore(%arg8 : memref<!tpu.dma_semaphore, #tpu.memory_space<semaphore_mem>>)
    %dma_start3A_1029 = arith.constant 42 : i32
    %dma_start3A_1030 = arith.constant 1 : i32
    %dma_start3A_1031 = arith.constant 256 : i32
    %dma_start3A_1032 = arith.constant 0 : i32
    %dma_start3A_1033 = tpu.memref_slice %arg7[%dma_start3A_1030, %dma_start3A_1031, %dma_start3A_1032] : memref<2x1024x32xf32, #tpu.memory_space<vmem>> -> memref<1x128x32xf32, #tpu.memory_space<vmem>>
    %dma_start3A_1034 = tpu.memref_squeeze %dma_start3A_1033 : memref<1x128x32xf32, #tpu.memory_space<vmem>> -> memref<128x32xf32, #tpu.memory_space<vmem>>
    %dma_start3A_1035 = arith.constant 0 : i32
    %dma_start3A_1036 = tpu.memref_slice %arg6[%dma_start3A_1029, %dma_start3A_1035] : memref<112x128xi32, #tpu.memory_space<vmem>> -> memref<1x128xi32, #tpu.memory_space<vmem>>
    %dma_start3A_1037 = tpu.memref_squeeze %dma_start3A_1036 : memref<1x128xi32, #tpu.memory_space<vmem>> -> memref<128xi32, #tpu.memory_space<vmem>>
    %dma_start3A_1038 = arith.constant 0 : i32
    %dma_start3A_1039 = arith.constant 0 : i32
    %dma_start3A_1040 = tpu.memref_slice %arg3[%dma_start3A_1038, %dma_start3A_1039] : memref<2600000x32xf32, #tpu.memory_space<hbm>> -> memref<2600000x32xf32, #tpu.memory_space<hbm>>
    tpu.enqueue_indirect_dma source(%dma_start3A_1040 : memref<2600000x32xf32, #tpu.memory_space<hbm>>) target(%dma_start3A_1034 : memref<128x32xf32, #tpu.memory_space<vmem>>) offsets(%dma_start3A_1037 : memref<128xi32, #tpu.memory_space<vmem>>) semaphore(%arg8 : memref<!tpu.dma_semaphore, #tpu.memory_space<semaphore_mem>>)
    %dma_start3A_1041 = arith.constant 43 : i32
    %dma_start3A_1042 = arith.constant 1 : i32
    %dma_start3A_1043 = arith.constant 384 : i32
    %dma_start3A_1044 = arith.constant 0 : i32
    %dma_start3A_1045 = tpu.memref_slice %arg7[%dma_start3A_1042, %dma_start3A_1043, %dma_start3A_1044] : memref<2x1024x32xf32, #tpu.memory_space<vmem>> -> memref<1x128x32xf32, #tpu.memory_space<vmem>>
    %dma_start3A_1046 = tpu.memref_squeeze %dma_start3A_1045 : memref<1x128x32xf32, #tpu.memory_space<vmem>> -> memref<128x32xf32, #tpu.memory_space<vmem>>
    %dma_start3A_1047 = arith.constant 0 : i32
    %dma_start3A_1048 = tpu.memref_slice %arg6[%dma_start3A_1041, %dma_start3A_1047] : memref<112x128xi32, #tpu.memory_space<vmem>> -> memref<1x128xi32, #tpu.memory_space<vmem>>
    %dma_start3A_1049 = tpu.memref_squeeze %dma_start3A_1048 : memref<1x128xi32, #tpu.memory_space<vmem>> -> memref<128xi32, #tpu.memory_space<vmem>>
    %dma_start3A_1050 = arith.constant 0 : i32
    %dma_start3A_1051 = arith.constant 0 : i32
    %dma_start3A_1052 = tpu.memref_slice %arg3[%dma_start3A_1050, %dma_start3A_1051] : memref<2600000x32xf32, #tpu.memory_space<hbm>> -> memref<2600000x32xf32, #tpu.memory_space<hbm>>
    tpu.enqueue_indirect_dma source(%dma_start3A_1052 : memref<2600000x32xf32, #tpu.memory_space<hbm>>) target(%dma_start3A_1046 : memref<128x32xf32, #tpu.memory_space<vmem>>) offsets(%dma_start3A_1049 : memref<128xi32, #tpu.memory_space<vmem>>) semaphore(%arg8 : memref<!tpu.dma_semaphore, #tpu.memory_space<semaphore_mem>>)
    %dma_start3A_1053 = arith.constant 44 : i32
    %dma_start3A_1054 = arith.constant 1 : i32
    %dma_start3A_1055 = arith.constant 512 : i32
    %dma_start3A_1056 = arith.constant 0 : i32
    %dma_start3A_1057 = tpu.memref_slice %arg7[%dma_start3A_1054, %dma_start3A_1055, %dma_start3A_1056] : memref<2x1024x32xf32, #tpu.memory_space<vmem>> -> memref<1x128x32xf32, #tpu.memory_space<vmem>>
    %dma_start3A_1058 = tpu.memref_squeeze %dma_start3A_1057 : memref<1x128x32xf32, #tpu.memory_space<vmem>> -> memref<128x32xf32, #tpu.memory_space<vmem>>
    %dma_start3A_1059 = arith.constant 0 : i32
    %dma_start3A_1060 = tpu.memref_slice %arg6[%dma_start3A_1053, %dma_start3A_1059] : memref<112x128xi32, #tpu.memory_space<vmem>> -> memref<1x128xi32, #tpu.memory_space<vmem>>
    %dma_start3A_1061 = tpu.memref_squeeze %dma_start3A_1060 : memref<1x128xi32, #tpu.memory_space<vmem>> -> memref<128xi32, #tpu.memory_space<vmem>>
    %dma_start3A_1062 = arith.constant 0 : i32
    %dma_start3A_1063 = arith.constant 0 : i32
    %dma_start3A_1064 = tpu.memref_slice %arg3[%dma_start3A_1062, %dma_start3A_1063] : memref<2600000x32xf32, #tpu.memory_space<hbm>> -> memref<2600000x32xf32, #tpu.memory_space<hbm>>
    tpu.enqueue_indirect_dma source(%dma_start3A_1064 : memref<2600000x32xf32, #tpu.memory_space<hbm>>) target(%dma_start3A_1058 : memref<128x32xf32, #tpu.memory_space<vmem>>) offsets(%dma_start3A_1061 : memref<128xi32, #tpu.memory_space<vmem>>) semaphore(%arg8 : memref<!tpu.dma_semaphore, #tpu.memory_space<semaphore_mem>>)
    %dma_start3A_1065 = arith.constant 45 : i32
    %dma_start3A_1066 = arith.constant 1 : i32
    %dma_start3A_1067 = arith.constant 640 : i32
    %dma_start3A_1068 = arith.constant 0 : i32
    %dma_start3A_1069 = tpu.memref_slice %arg7[%dma_start3A_1066, %dma_start3A_1067, %dma_start3A_1068] : memref<2x1024x32xf32, #tpu.memory_space<vmem>> -> memref<1x128x32xf32, #tpu.memory_space<vmem>>
    %dma_start3A_1070 = tpu.memref_squeeze %dma_start3A_1069 : memref<1x128x32xf32, #tpu.memory_space<vmem>> -> memref<128x32xf32, #tpu.memory_space<vmem>>
    %dma_start3A_1071 = arith.constant 0 : i32
    %dma_start3A_1072 = tpu.memref_slice %arg6[%dma_start3A_1065, %dma_start3A_1071] : memref<112x128xi32, #tpu.memory_space<vmem>> -> memref<1x128xi32, #tpu.memory_space<vmem>>
    %dma_start3A_1073 = tpu.memref_squeeze %dma_start3A_1072 : memref<1x128xi32, #tpu.memory_space<vmem>> -> memref<128xi32, #tpu.memory_space<vmem>>
    %dma_start3A_1074 = arith.constant 0 : i32
    %dma_start3A_1075 = arith.constant 0 : i32
    %dma_start3A_1076 = tpu.memref_slice %arg3[%dma_start3A_1074, %dma_start3A_1075] : memref<2600000x32xf32, #tpu.memory_space<hbm>> -> memref<2600000x32xf32, #tpu.memory_space<hbm>>
    tpu.enqueue_indirect_dma source(%dma_start3A_1076 : memref<2600000x32xf32, #tpu.memory_space<hbm>>) target(%dma_start3A_1070 : memref<128x32xf32, #tpu.memory_space<vmem>>) offsets(%dma_start3A_1073 : memref<128xi32, #tpu.memory_space<vmem>>) semaphore(%arg8 : memref<!tpu.dma_semaphore, #tpu.memory_space<semaphore_mem>>)
    %dma_start3A_1077 = arith.constant 46 : i32
    %dma_start3A_1078 = arith.constant 1 : i32
    %dma_start3A_1079 = arith.constant 768 : i32
    %dma_start3A_1080 = arith.constant 0 : i32
    %dma_start3A_1081 = tpu.memref_slice %arg7[%dma_start3A_1078, %dma_start3A_1079, %dma_start3A_1080] : memref<2x1024x32xf32, #tpu.memory_space<vmem>> -> memref<1x128x32xf32, #tpu.memory_space<vmem>>
    %dma_start3A_1082 = tpu.memref_squeeze %dma_start3A_1081 : memref<1x128x32xf32, #tpu.memory_space<vmem>> -> memref<128x32xf32, #tpu.memory_space<vmem>>
    %dma_start3A_1083 = arith.constant 0 : i32
    %dma_start3A_1084 = tpu.memref_slice %arg6[%dma_start3A_1077, %dma_start3A_1083] : memref<112x128xi32, #tpu.memory_space<vmem>> -> memref<1x128xi32, #tpu.memory_space<vmem>>
    %dma_start3A_1085 = tpu.memref_squeeze %dma_start3A_1084 : memref<1x128xi32, #tpu.memory_space<vmem>> -> memref<128xi32, #tpu.memory_space<vmem>>
    %dma_start3A_1086 = arith.constant 0 : i32
    %dma_start3A_1087 = arith.constant 0 : i32
    %dma_start3A_1088 = tpu.memref_slice %arg3[%dma_start3A_1086, %dma_start3A_1087] : memref<2600000x32xf32, #tpu.memory_space<hbm>> -> memref<2600000x32xf32, #tpu.memory_space<hbm>>
    tpu.enqueue_indirect_dma source(%dma_start3A_1088 : memref<2600000x32xf32, #tpu.memory_space<hbm>>) target(%dma_start3A_1082 : memref<128x32xf32, #tpu.memory_space<vmem>>) offsets(%dma_start3A_1085 : memref<128xi32, #tpu.memory_space<vmem>>) semaphore(%arg8 : memref<!tpu.dma_semaphore, #tpu.memory_space<semaphore_mem>>)
    %dma_start3A_1089 = arith.constant 47 : i32
    %dma_start3A_1090 = arith.constant 1 : i32
    %dma_start3A_1091 = arith.constant 896 : i32
    %dma_start3A_1092 = arith.constant 0 : i32
    %dma_start3A_1093 = tpu.memref_slice %arg7[%dma_start3A_1090, %dma_start3A_1091, %dma_start3A_1092] : memref<2x1024x32xf32, #tpu.memory_space<vmem>> -> memref<1x128x32xf32, #tpu.memory_space<vmem>>
    %dma_start3A_1094 = tpu.memref_squeeze %dma_start3A_1093 : memref<1x128x32xf32, #tpu.memory_space<vmem>> -> memref<128x32xf32, #tpu.memory_space<vmem>>
    %dma_start3A_1095 = arith.constant 0 : i32
    %dma_start3A_1096 = tpu.memref_slice %arg6[%dma_start3A_1089, %dma_start3A_1095] : memref<112x128xi32, #tpu.memory_space<vmem>> -> memref<1x128xi32, #tpu.memory_space<vmem>>
    %dma_start3A_1097 = tpu.memref_squeeze %dma_start3A_1096 : memref<1x128xi32, #tpu.memory_space<vmem>> -> memref<128xi32, #tpu.memory_space<vmem>>
    %dma_start3A_1098 = arith.constant 0 : i32
    %dma_start3A_1099 = arith.constant 0 : i32
    %dma_start3A_1100 = tpu.memref_slice %arg3[%dma_start3A_1098, %dma_start3A_1099] : memref<2600000x32xf32, #tpu.memory_space<hbm>> -> memref<2600000x32xf32, #tpu.memory_space<hbm>>
    tpu.enqueue_indirect_dma source(%dma_start3A_1100 : memref<2600000x32xf32, #tpu.memory_space<hbm>>) target(%dma_start3A_1094 : memref<128x32xf32, #tpu.memory_space<vmem>>) offsets(%dma_start3A_1097 : memref<128xi32, #tpu.memory_space<vmem>>) semaphore(%arg8 : memref<!tpu.dma_semaphore, #tpu.memory_space<semaphore_mem>>)
    %dma_wait3A_1101 = arith.constant 32 : i32
    %dma_wait3A_1102 = arith.constant 0 : i32
    %dma_wait3A_1103 = arith.constant 0 : i32
    %dma_wait3A_1104 = arith.constant 0 : i32
    %dma_wait3A_1105 = tpu.memref_slice %arg7[%dma_wait3A_1102, %dma_wait3A_1103, %dma_wait3A_1104] : memref<2x1024x32xf32, #tpu.memory_space<vmem>> -> memref<1x128x32xf32, #tpu.memory_space<vmem>>
    %dma_wait3A_1106 = tpu.memref_squeeze %dma_wait3A_1105 : memref<1x128x32xf32, #tpu.memory_space<vmem>> -> memref<128x32xf32, #tpu.memory_space<vmem>>
    %dma_wait3A_1107 = arith.constant 0 : i32
    %dma_wait3A_1108 = tpu.memref_slice %arg6[%dma_wait3A_1101, %dma_wait3A_1107] : memref<112x128xi32, #tpu.memory_space<vmem>> -> memref<1x128xi32, #tpu.memory_space<vmem>>
    %dma_wait3A_1109 = tpu.memref_squeeze %dma_wait3A_1108 : memref<1x128xi32, #tpu.memory_space<vmem>> -> memref<128xi32, #tpu.memory_space<vmem>>
    %dma_wait3A_1110 = arith.constant 0 : i32
    %dma_wait3A_1111 = arith.constant 0 : i32
    %dma_wait3A_1112 = tpu.memref_slice %arg3[%dma_wait3A_1110, %dma_wait3A_1111] : memref<2600000x32xf32, #tpu.memory_space<hbm>> -> memref<2600000x32xf32, #tpu.memory_space<hbm>>
    tpu.wait_indirect_dma semaphore(%arg8 : memref<!tpu.dma_semaphore, #tpu.memory_space<semaphore_mem>>) src(%dma_wait3A_1112 : memref<2600000x32xf32, #tpu.memory_space<hbm>>) dst(%dma_wait3A_1106 : memref<128x32xf32, #tpu.memory_space<vmem>>)
    %dma_wait3A_1113 = arith.constant 33 : i32
    %dma_wait3A_1114 = arith.constant 0 : i32
    %dma_wait3A_1115 = arith.constant 128 : i32
    %dma_wait3A_1116 = arith.constant 0 : i32
    %dma_wait3A_1117 = tpu.memref_slice %arg7[%dma_wait3A_1114, %dma_wait3A_1115, %dma_wait3A_1116] : memref<2x1024x32xf32, #tpu.memory_space<vmem>> -> memref<1x128x32xf32, #tpu.memory_space<vmem>>
    %dma_wait3A_1118 = tpu.memref_squeeze %dma_wait3A_1117 : memref<1x128x32xf32, #tpu.memory_space<vmem>> -> memref<128x32xf32, #tpu.memory_space<vmem>>
    %dma_wait3A_1119 = arith.constant 0 : i32
    %dma_wait3A_1120 = tpu.memref_slice %arg6[%dma_wait3A_1113, %dma_wait3A_1119] : memref<112x128xi32, #tpu.memory_space<vmem>> -> memref<1x128xi32, #tpu.memory_space<vmem>>
    %dma_wait3A_1121 = tpu.memref_squeeze %dma_wait3A_1120 : memref<1x128xi32, #tpu.memory_space<vmem>> -> memref<128xi32, #tpu.memory_space<vmem>>
    %dma_wait3A_1122 = arith.constant 0 : i32
    %dma_wait3A_1123 = arith.constant 0 : i32
    %dma_wait3A_1124 = tpu.memref_slice %arg3[%dma_wait3A_1122, %dma_wait3A_1123] : memref<2600000x32xf32, #tpu.memory_space<hbm>> -> memref<2600000x32xf32, #tpu.memory_space<hbm>>
    tpu.wait_indirect_dma semaphore(%arg8 : memref<!tpu.dma_semaphore, #tpu.memory_space<semaphore_mem>>) src(%dma_wait3A_1124 : memref<2600000x32xf32, #tpu.memory_space<hbm>>) dst(%dma_wait3A_1118 : memref<128x32xf32, #tpu.memory_space<vmem>>)
    %dma_wait3A_1125 = arith.constant 34 : i32
    %dma_wait3A_1126 = arith.constant 0 : i32
    %dma_wait3A_1127 = arith.constant 256 : i32
    %dma_wait3A_1128 = arith.constant 0 : i32
    %dma_wait3A_1129 = tpu.memref_slice %arg7[%dma_wait3A_1126, %dma_wait3A_1127, %dma_wait3A_1128] : memref<2x1024x32xf32, #tpu.memory_space<vmem>> -> memref<1x128x32xf32, #tpu.memory_space<vmem>>
    %dma_wait3A_1130 = tpu.memref_squeeze %dma_wait3A_1129 : memref<1x128x32xf32, #tpu.memory_space<vmem>> -> memref<128x32xf32, #tpu.memory_space<vmem>>
    %dma_wait3A_1131 = arith.constant 0 : i32
    %dma_wait3A_1132 = tpu.memref_slice %arg6[%dma_wait3A_1125, %dma_wait3A_1131] : memref<112x128xi32, #tpu.memory_space<vmem>> -> memref<1x128xi32, #tpu.memory_space<vmem>>
    %dma_wait3A_1133 = tpu.memref_squeeze %dma_wait3A_1132 : memref<1x128xi32, #tpu.memory_space<vmem>> -> memref<128xi32, #tpu.memory_space<vmem>>
    %dma_wait3A_1134 = arith.constant 0 : i32
    %dma_wait3A_1135 = arith.constant 0 : i32
    %dma_wait3A_1136 = tpu.memref_slice %arg3[%dma_wait3A_1134, %dma_wait3A_1135] : memref<2600000x32xf32, #tpu.memory_space<hbm>> -> memref<2600000x32xf32, #tpu.memory_space<hbm>>
    tpu.wait_indirect_dma semaphore(%arg8 : memref<!tpu.dma_semaphore, #tpu.memory_space<semaphore_mem>>) src(%dma_wait3A_1136 : memref<2600000x32xf32, #tpu.memory_space<hbm>>) dst(%dma_wait3A_1130 : memref<128x32xf32, #tpu.memory_space<vmem>>)
    %dma_wait3A_1137 = arith.constant 35 : i32
    %dma_wait3A_1138 = arith.constant 0 : i32
    %dma_wait3A_1139 = arith.constant 384 : i32
    %dma_wait3A_1140 = arith.constant 0 : i32
    %dma_wait3A_1141 = tpu.memref_slice %arg7[%dma_wait3A_1138, %dma_wait3A_1139, %dma_wait3A_1140] : memref<2x1024x32xf32, #tpu.memory_space<vmem>> -> memref<1x128x32xf32, #tpu.memory_space<vmem>>
    %dma_wait3A_1142 = tpu.memref_squeeze %dma_wait3A_1141 : memref<1x128x32xf32, #tpu.memory_space<vmem>> -> memref<128x32xf32, #tpu.memory_space<vmem>>
    %dma_wait3A_1143 = arith.constant 0 : i32
    %dma_wait3A_1144 = tpu.memref_slice %arg6[%dma_wait3A_1137, %dma_wait3A_1143] : memref<112x128xi32, #tpu.memory_space<vmem>> -> memref<1x128xi32, #tpu.memory_space<vmem>>
    %dma_wait3A_1145 = tpu.memref_squeeze %dma_wait3A_1144 : memref<1x128xi32, #tpu.memory_space<vmem>> -> memref<128xi32, #tpu.memory_space<vmem>>
    %dma_wait3A_1146 = arith.constant 0 : i32
    %dma_wait3A_1147 = arith.constant 0 : i32
    %dma_wait3A_1148 = tpu.memref_slice %arg3[%dma_wait3A_1146, %dma_wait3A_1147] : memref<2600000x32xf32, #tpu.memory_space<hbm>> -> memref<2600000x32xf32, #tpu.memory_space<hbm>>
    tpu.wait_indirect_dma semaphore(%arg8 : memref<!tpu.dma_semaphore, #tpu.memory_space<semaphore_mem>>) src(%dma_wait3A_1148 : memref<2600000x32xf32, #tpu.memory_space<hbm>>) dst(%dma_wait3A_1142 : memref<128x32xf32, #tpu.memory_space<vmem>>)
    %dma_wait3A_1149 = arith.constant 36 : i32
    %dma_wait3A_1150 = arith.constant 0 : i32
    %dma_wait3A_1151 = arith.constant 512 : i32
    %dma_wait3A_1152 = arith.constant 0 : i32
    %dma_wait3A_1153 = tpu.memref_slice %arg7[%dma_wait3A_1150, %dma_wait3A_1151, %dma_wait3A_1152] : memref<2x1024x32xf32, #tpu.memory_space<vmem>> -> memref<1x128x32xf32, #tpu.memory_space<vmem>>
    %dma_wait3A_1154 = tpu.memref_squeeze %dma_wait3A_1153 : memref<1x128x32xf32, #tpu.memory_space<vmem>> -> memref<128x32xf32, #tpu.memory_space<vmem>>
    %dma_wait3A_1155 = arith.constant 0 : i32
    %dma_wait3A_1156 = tpu.memref_slice %arg6[%dma_wait3A_1149, %dma_wait3A_1155] : memref<112x128xi32, #tpu.memory_space<vmem>> -> memref<1x128xi32, #tpu.memory_space<vmem>>
    %dma_wait3A_1157 = tpu.memref_squeeze %dma_wait3A_1156 : memref<1x128xi32, #tpu.memory_space<vmem>> -> memref<128xi32, #tpu.memory_space<vmem>>
    %dma_wait3A_1158 = arith.constant 0 : i32
    %dma_wait3A_1159 = arith.constant 0 : i32
    %dma_wait3A_1160 = tpu.memref_slice %arg3[%dma_wait3A_1158, %dma_wait3A_1159] : memref<2600000x32xf32, #tpu.memory_space<hbm>> -> memref<2600000x32xf32, #tpu.memory_space<hbm>>
    tpu.wait_indirect_dma semaphore(%arg8 : memref<!tpu.dma_semaphore, #tpu.memory_space<semaphore_mem>>) src(%dma_wait3A_1160 : memref<2600000x32xf32, #tpu.memory_space<hbm>>) dst(%dma_wait3A_1154 : memref<128x32xf32, #tpu.memory_space<vmem>>)
    %dma_wait3A_1161 = arith.constant 37 : i32
    %dma_wait3A_1162 = arith.constant 0 : i32
    %dma_wait3A_1163 = arith.constant 640 : i32
    %dma_wait3A_1164 = arith.constant 0 : i32
    %dma_wait3A_1165 = tpu.memref_slice %arg7[%dma_wait3A_1162, %dma_wait3A_1163, %dma_wait3A_1164] : memref<2x1024x32xf32, #tpu.memory_space<vmem>> -> memref<1x128x32xf32, #tpu.memory_space<vmem>>
    %dma_wait3A_1166 = tpu.memref_squeeze %dma_wait3A_1165 : memref<1x128x32xf32, #tpu.memory_space<vmem>> -> memref<128x32xf32, #tpu.memory_space<vmem>>
    %dma_wait3A_1167 = arith.constant 0 : i32
    %dma_wait3A_1168 = tpu.memref_slice %arg6[%dma_wait3A_1161, %dma_wait3A_1167] : memref<112x128xi32, #tpu.memory_space<vmem>> -> memref<1x128xi32, #tpu.memory_space<vmem>>
    %dma_wait3A_1169 = tpu.memref_squeeze %dma_wait3A_1168 : memref<1x128xi32, #tpu.memory_space<vmem>> -> memref<128xi32, #tpu.memory_space<vmem>>
    %dma_wait3A_1170 = arith.constant 0 : i32
    %dma_wait3A_1171 = arith.constant 0 : i32
    %dma_wait3A_1172 = tpu.memref_slice %arg3[%dma_wait3A_1170, %dma_wait3A_1171] : memref<2600000x32xf32, #tpu.memory_space<hbm>> -> memref<2600000x32xf32, #tpu.memory_space<hbm>>
    tpu.wait_indirect_dma semaphore(%arg8 : memref<!tpu.dma_semaphore, #tpu.memory_space<semaphore_mem>>) src(%dma_wait3A_1172 : memref<2600000x32xf32, #tpu.memory_space<hbm>>) dst(%dma_wait3A_1166 : memref<128x32xf32, #tpu.memory_space<vmem>>)
    %dma_wait3A_1173 = arith.constant 38 : i32
    %dma_wait3A_1174 = arith.constant 0 : i32
    %dma_wait3A_1175 = arith.constant 768 : i32
    %dma_wait3A_1176 = arith.constant 0 : i32
    %dma_wait3A_1177 = tpu.memref_slice %arg7[%dma_wait3A_1174, %dma_wait3A_1175, %dma_wait3A_1176] : memref<2x1024x32xf32, #tpu.memory_space<vmem>> -> memref<1x128x32xf32, #tpu.memory_space<vmem>>
    %dma_wait3A_1178 = tpu.memref_squeeze %dma_wait3A_1177 : memref<1x128x32xf32, #tpu.memory_space<vmem>> -> memref<128x32xf32, #tpu.memory_space<vmem>>
    %dma_wait3A_1179 = arith.constant 0 : i32
    %dma_wait3A_1180 = tpu.memref_slice %arg6[%dma_wait3A_1173, %dma_wait3A_1179] : memref<112x128xi32, #tpu.memory_space<vmem>> -> memref<1x128xi32, #tpu.memory_space<vmem>>
    %dma_wait3A_1181 = tpu.memref_squeeze %dma_wait3A_1180 : memref<1x128xi32, #tpu.memory_space<vmem>> -> memref<128xi32, #tpu.memory_space<vmem>>
    %dma_wait3A_1182 = arith.constant 0 : i32
    %dma_wait3A_1183 = arith.constant 0 : i32
    %dma_wait3A_1184 = tpu.memref_slice %arg3[%dma_wait3A_1182, %dma_wait3A_1183] : memref<2600000x32xf32, #tpu.memory_space<hbm>> -> memref<2600000x32xf32, #tpu.memory_space<hbm>>
    tpu.wait_indirect_dma semaphore(%arg8 : memref<!tpu.dma_semaphore, #tpu.memory_space<semaphore_mem>>) src(%dma_wait3A_1184 : memref<2600000x32xf32, #tpu.memory_space<hbm>>) dst(%dma_wait3A_1178 : memref<128x32xf32, #tpu.memory_space<vmem>>)
    %dma_wait3A_1185 = arith.constant 39 : i32
    %dma_wait3A_1186 = arith.constant 0 : i32
    %dma_wait3A_1187 = arith.constant 896 : i32
    %dma_wait3A_1188 = arith.constant 0 : i32
    %dma_wait3A_1189 = tpu.memref_slice %arg7[%dma_wait3A_1186, %dma_wait3A_1187, %dma_wait3A_1188] : memref<2x1024x32xf32, #tpu.memory_space<vmem>> -> memref<1x128x32xf32, #tpu.memory_space<vmem>>
    %dma_wait3A_1190 = tpu.memref_squeeze %dma_wait3A_1189 : memref<1x128x32xf32, #tpu.memory_space<vmem>> -> memref<128x32xf32, #tpu.memory_space<vmem>>
    %dma_wait3A_1191 = arith.constant 0 : i32
    %dma_wait3A_1192 = tpu.memref_slice %arg6[%dma_wait3A_1185, %dma_wait3A_1191] : memref<112x128xi32, #tpu.memory_space<vmem>> -> memref<1x128xi32, #tpu.memory_space<vmem>>
    %dma_wait3A_1193 = tpu.memref_squeeze %dma_wait3A_1192 : memref<1x128xi32, #tpu.memory_space<vmem>> -> memref<128xi32, #tpu.memory_space<vmem>>
    %dma_wait3A_1194 = arith.constant 0 : i32
    %dma_wait3A_1195 = arith.constant 0 : i32
    %dma_wait3A_1196 = tpu.memref_slice %arg3[%dma_wait3A_1194, %dma_wait3A_1195] : memref<2600000x32xf32, #tpu.memory_space<hbm>> -> memref<2600000x32xf32, #tpu.memory_space<hbm>>
    tpu.wait_indirect_dma semaphore(%arg8 : memref<!tpu.dma_semaphore, #tpu.memory_space<semaphore_mem>>) src(%dma_wait3A_1196 : memref<2600000x32xf32, #tpu.memory_space<hbm>>) dst(%dma_wait3A_1190 : memref<128x32xf32, #tpu.memory_space<vmem>>)
    %mul3A_1197 = arith.constant 2048 : i32
    %mul3A_1198 = arith.muli %add3A, %mul3A_1197 : i32
    %add3A_1199 = arith.constant 131072 : i32
    %add3A_1200 = arith.addi %add3A_1199, %mul3A_1198 : i32
    %add3A_1201 = arith.constant 0 : i32
    %add3A_1202 = arith.addi %add3A_1200, %add3A_1201 : i32
    %dma_start3A_1203 = arith.constant 0 : i32
    %dma_start3A_1204 = arith.constant 0 : i32
    %dma_start3A_1205 = arith.constant 0 : i32
    %dma_start3A_1206 = tpu.memref_slice %arg7[%dma_start3A_1203, %dma_start3A_1204, %dma_start3A_1205] : memref<2x1024x32xf32, #tpu.memory_space<vmem>> -> memref<1x1024x32xf32, #tpu.memory_space<vmem>>
    %dma_start3A_1207 = tpu.memref_squeeze %dma_start3A_1206 : memref<1x1024x32xf32, #tpu.memory_space<vmem>> -> memref<1024x32xf32, #tpu.memory_space<vmem>>
    %dma_start3A_1208 = arith.constant 0 : i32
    %dma_start3A_1209 = tpu.memref_slice %arg4[%add3A_1202, %dma_start3A_1208] : memref<458752x32xf32, #tpu.memory_space<hbm>> -> memref<1024x32xf32, #tpu.memory_space<hbm>>
    %dma_start3A_1210 = arith.constant 0 : i32
    %dma_start3A_1211 = tpu.memref_slice %arg4[%add3A_1202, %dma_start3A_1210] : memref<458752x32xf32, #tpu.memory_space<hbm>> -> memref<1024x32xf32, #tpu.memory_space<hbm>>
    %dma_start3A_1212 = arith.constant 0 : i32
    %dma_start3A_1213 = arith.constant 0 : i32
    %dma_start3A_1214 = tpu.memref_slice %arg7[%dma_start3A_1203, %dma_start3A_1212, %dma_start3A_1213] : memref<2x1024x32xf32, #tpu.memory_space<vmem>> -> memref<1x1024x32xf32, #tpu.memory_space<vmem>>
    %dma_start3A_1215 = tpu.memref_squeeze %dma_start3A_1214 : memref<1x1024x32xf32, #tpu.memory_space<vmem>> -> memref<1024x32xf32, #tpu.memory_space<vmem>>
    tpu.enqueue_dma source(%dma_start3A_1215 : memref<1024x32xf32, #tpu.memory_space<vmem>>) target(%dma_start3A_1211 : memref<1024x32xf32, #tpu.memory_space<hbm>>) target_semaphore(%arg9 : memref<!tpu.dma_semaphore, #tpu.memory_space<semaphore_mem>>)
    %dma_wait3A_1216 = arith.constant 0 : i32
    %dma_wait3A_1217 = arith.constant 0 : i32
    %dma_wait3A_1218 = arith.constant 0 : i32
    %dma_wait3A_1219 = tpu.memref_slice %arg7[%dma_wait3A_1216, %dma_wait3A_1217, %dma_wait3A_1218] : memref<2x1024x32xf32, #tpu.memory_space<vmem>> -> memref<1x1024x32xf32, #tpu.memory_space<vmem>>
    %dma_wait3A_1220 = tpu.memref_squeeze %dma_wait3A_1219 : memref<1x1024x32xf32, #tpu.memory_space<vmem>> -> memref<1024x32xf32, #tpu.memory_space<vmem>>
    %dma_wait3A_1221 = arith.constant 0 : i32
    %dma_wait3A_1222 = tpu.memref_slice %arg4[%add3A_1202, %dma_wait3A_1221] : memref<458752x32xf32, #tpu.memory_space<hbm>> -> memref<1024x32xf32, #tpu.memory_space<hbm>>
    %dma_wait3A_1223 = arith.constant 0 : i32
    %dma_wait3A_1224 = tpu.memref_slice %arg4[%add3A_1202, %dma_wait3A_1223] : memref<458752x32xf32, #tpu.memory_space<hbm>> -> memref<1024x32xf32, #tpu.memory_space<hbm>>
    %dma_wait3A_1225 = arith.constant 0 : i32
    %dma_wait3A_1226 = arith.constant 0 : i32
    %dma_wait3A_1227 = tpu.memref_slice %arg7[%dma_wait3A_1216, %dma_wait3A_1225, %dma_wait3A_1226] : memref<2x1024x32xf32, #tpu.memory_space<vmem>> -> memref<1x1024x32xf32, #tpu.memory_space<vmem>>
    %dma_wait3A_1228 = tpu.memref_squeeze %dma_wait3A_1227 : memref<1x1024x32xf32, #tpu.memory_space<vmem>> -> memref<1024x32xf32, #tpu.memory_space<vmem>>
    tpu.wait_dma2 semaphore(%arg9 : memref<!tpu.dma_semaphore, #tpu.memory_space<semaphore_mem>>) src(%dma_wait3A_1228 : memref<1024x32xf32, #tpu.memory_space<vmem>>) dst(%dma_wait3A_1224 : memref<1024x32xf32, #tpu.memory_space<hbm>>)
    %dma_start3A_1229 = arith.constant 48 : i32
    %dma_start3A_1230 = arith.constant 0 : i32
    %dma_start3A_1231 = arith.constant 0 : i32
    %dma_start3A_1232 = arith.constant 0 : i32
    %dma_start3A_1233 = tpu.memref_slice %arg7[%dma_start3A_1230, %dma_start3A_1231, %dma_start3A_1232] : memref<2x1024x32xf32, #tpu.memory_space<vmem>> -> memref<1x128x32xf32, #tpu.memory_space<vmem>>
    %dma_start3A_1234 = tpu.memref_squeeze %dma_start3A_1233 : memref<1x128x32xf32, #tpu.memory_space<vmem>> -> memref<128x32xf32, #tpu.memory_space<vmem>>
    %dma_start3A_1235 = arith.constant 0 : i32
    %dma_start3A_1236 = tpu.memref_slice %arg6[%dma_start3A_1229, %dma_start3A_1235] : memref<112x128xi32, #tpu.memory_space<vmem>> -> memref<1x128xi32, #tpu.memory_space<vmem>>
    %dma_start3A_1237 = tpu.memref_squeeze %dma_start3A_1236 : memref<1x128xi32, #tpu.memory_space<vmem>> -> memref<128xi32, #tpu.memory_space<vmem>>
    %dma_start3A_1238 = arith.constant 0 : i32
    %dma_start3A_1239 = arith.constant 0 : i32
    %dma_start3A_1240 = tpu.memref_slice %arg3[%dma_start3A_1238, %dma_start3A_1239] : memref<2600000x32xf32, #tpu.memory_space<hbm>> -> memref<2600000x32xf32, #tpu.memory_space<hbm>>
    tpu.enqueue_indirect_dma source(%dma_start3A_1240 : memref<2600000x32xf32, #tpu.memory_space<hbm>>) target(%dma_start3A_1234 : memref<128x32xf32, #tpu.memory_space<vmem>>) offsets(%dma_start3A_1237 : memref<128xi32, #tpu.memory_space<vmem>>) semaphore(%arg8 : memref<!tpu.dma_semaphore, #tpu.memory_space<semaphore_mem>>)
    %dma_start3A_1241 = arith.constant 49 : i32
    %dma_start3A_1242 = arith.constant 0 : i32
    %dma_start3A_1243 = arith.constant 128 : i32
    %dma_start3A_1244 = arith.constant 0 : i32
    %dma_start3A_1245 = tpu.memref_slice %arg7[%dma_start3A_1242, %dma_start3A_1243, %dma_start3A_1244] : memref<2x1024x32xf32, #tpu.memory_space<vmem>> -> memref<1x128x32xf32, #tpu.memory_space<vmem>>
    %dma_start3A_1246 = tpu.memref_squeeze %dma_start3A_1245 : memref<1x128x32xf32, #tpu.memory_space<vmem>> -> memref<128x32xf32, #tpu.memory_space<vmem>>
    %dma_start3A_1247 = arith.constant 0 : i32
    %dma_start3A_1248 = tpu.memref_slice %arg6[%dma_start3A_1241, %dma_start3A_1247] : memref<112x128xi32, #tpu.memory_space<vmem>> -> memref<1x128xi32, #tpu.memory_space<vmem>>
    %dma_start3A_1249 = tpu.memref_squeeze %dma_start3A_1248 : memref<1x128xi32, #tpu.memory_space<vmem>> -> memref<128xi32, #tpu.memory_space<vmem>>
    %dma_start3A_1250 = arith.constant 0 : i32
    %dma_start3A_1251 = arith.constant 0 : i32
    %dma_start3A_1252 = tpu.memref_slice %arg3[%dma_start3A_1250, %dma_start3A_1251] : memref<2600000x32xf32, #tpu.memory_space<hbm>> -> memref<2600000x32xf32, #tpu.memory_space<hbm>>
    tpu.enqueue_indirect_dma source(%dma_start3A_1252 : memref<2600000x32xf32, #tpu.memory_space<hbm>>) target(%dma_start3A_1246 : memref<128x32xf32, #tpu.memory_space<vmem>>) offsets(%dma_start3A_1249 : memref<128xi32, #tpu.memory_space<vmem>>) semaphore(%arg8 : memref<!tpu.dma_semaphore, #tpu.memory_space<semaphore_mem>>)
    %dma_start3A_1253 = arith.constant 50 : i32
    %dma_start3A_1254 = arith.constant 0 : i32
    %dma_start3A_1255 = arith.constant 256 : i32
    %dma_start3A_1256 = arith.constant 0 : i32
    %dma_start3A_1257 = tpu.memref_slice %arg7[%dma_start3A_1254, %dma_start3A_1255, %dma_start3A_1256] : memref<2x1024x32xf32, #tpu.memory_space<vmem>> -> memref<1x128x32xf32, #tpu.memory_space<vmem>>
    %dma_start3A_1258 = tpu.memref_squeeze %dma_start3A_1257 : memref<1x128x32xf32, #tpu.memory_space<vmem>> -> memref<128x32xf32, #tpu.memory_space<vmem>>
    %dma_start3A_1259 = arith.constant 0 : i32
    %dma_start3A_1260 = tpu.memref_slice %arg6[%dma_start3A_1253, %dma_start3A_1259] : memref<112x128xi32, #tpu.memory_space<vmem>> -> memref<1x128xi32, #tpu.memory_space<vmem>>
    %dma_start3A_1261 = tpu.memref_squeeze %dma_start3A_1260 : memref<1x128xi32, #tpu.memory_space<vmem>> -> memref<128xi32, #tpu.memory_space<vmem>>
    %dma_start3A_1262 = arith.constant 0 : i32
    %dma_start3A_1263 = arith.constant 0 : i32
    %dma_start3A_1264 = tpu.memref_slice %arg3[%dma_start3A_1262, %dma_start3A_1263] : memref<2600000x32xf32, #tpu.memory_space<hbm>> -> memref<2600000x32xf32, #tpu.memory_space<hbm>>
    tpu.enqueue_indirect_dma source(%dma_start3A_1264 : memref<2600000x32xf32, #tpu.memory_space<hbm>>) target(%dma_start3A_1258 : memref<128x32xf32, #tpu.memory_space<vmem>>) offsets(%dma_start3A_1261 : memref<128xi32, #tpu.memory_space<vmem>>) semaphore(%arg8 : memref<!tpu.dma_semaphore, #tpu.memory_space<semaphore_mem>>)
    %dma_start3A_1265 = arith.constant 51 : i32
    %dma_start3A_1266 = arith.constant 0 : i32
    %dma_start3A_1267 = arith.constant 384 : i32
    %dma_start3A_1268 = arith.constant 0 : i32
    %dma_start3A_1269 = tpu.memref_slice %arg7[%dma_start3A_1266, %dma_start3A_1267, %dma_start3A_1268] : memref<2x1024x32xf32, #tpu.memory_space<vmem>> -> memref<1x128x32xf32, #tpu.memory_space<vmem>>
    %dma_start3A_1270 = tpu.memref_squeeze %dma_start3A_1269 : memref<1x128x32xf32, #tpu.memory_space<vmem>> -> memref<128x32xf32, #tpu.memory_space<vmem>>
    %dma_start3A_1271 = arith.constant 0 : i32
    %dma_start3A_1272 = tpu.memref_slice %arg6[%dma_start3A_1265, %dma_start3A_1271] : memref<112x128xi32, #tpu.memory_space<vmem>> -> memref<1x128xi32, #tpu.memory_space<vmem>>
    %dma_start3A_1273 = tpu.memref_squeeze %dma_start3A_1272 : memref<1x128xi32, #tpu.memory_space<vmem>> -> memref<128xi32, #tpu.memory_space<vmem>>
    %dma_start3A_1274 = arith.constant 0 : i32
    %dma_start3A_1275 = arith.constant 0 : i32
    %dma_start3A_1276 = tpu.memref_slice %arg3[%dma_start3A_1274, %dma_start3A_1275] : memref<2600000x32xf32, #tpu.memory_space<hbm>> -> memref<2600000x32xf32, #tpu.memory_space<hbm>>
    tpu.enqueue_indirect_dma source(%dma_start3A_1276 : memref<2600000x32xf32, #tpu.memory_space<hbm>>) target(%dma_start3A_1270 : memref<128x32xf32, #tpu.memory_space<vmem>>) offsets(%dma_start3A_1273 : memref<128xi32, #tpu.memory_space<vmem>>) semaphore(%arg8 : memref<!tpu.dma_semaphore, #tpu.memory_space<semaphore_mem>>)
    %dma_start3A_1277 = arith.constant 52 : i32
    %dma_start3A_1278 = arith.constant 0 : i32
    %dma_start3A_1279 = arith.constant 512 : i32
    %dma_start3A_1280 = arith.constant 0 : i32
    %dma_start3A_1281 = tpu.memref_slice %arg7[%dma_start3A_1278, %dma_start3A_1279, %dma_start3A_1280] : memref<2x1024x32xf32, #tpu.memory_space<vmem>> -> memref<1x128x32xf32, #tpu.memory_space<vmem>>
    %dma_start3A_1282 = tpu.memref_squeeze %dma_start3A_1281 : memref<1x128x32xf32, #tpu.memory_space<vmem>> -> memref<128x32xf32, #tpu.memory_space<vmem>>
    %dma_start3A_1283 = arith.constant 0 : i32
    %dma_start3A_1284 = tpu.memref_slice %arg6[%dma_start3A_1277, %dma_start3A_1283] : memref<112x128xi32, #tpu.memory_space<vmem>> -> memref<1x128xi32, #tpu.memory_space<vmem>>
    %dma_start3A_1285 = tpu.memref_squeeze %dma_start3A_1284 : memref<1x128xi32, #tpu.memory_space<vmem>> -> memref<128xi32, #tpu.memory_space<vmem>>
    %dma_start3A_1286 = arith.constant 0 : i32
    %dma_start3A_1287 = arith.constant 0 : i32
    %dma_start3A_1288 = tpu.memref_slice %arg3[%dma_start3A_1286, %dma_start3A_1287] : memref<2600000x32xf32, #tpu.memory_space<hbm>> -> memref<2600000x32xf32, #tpu.memory_space<hbm>>
    tpu.enqueue_indirect_dma source(%dma_start3A_1288 : memref<2600000x32xf32, #tpu.memory_space<hbm>>) target(%dma_start3A_1282 : memref<128x32xf32, #tpu.memory_space<vmem>>) offsets(%dma_start3A_1285 : memref<128xi32, #tpu.memory_space<vmem>>) semaphore(%arg8 : memref<!tpu.dma_semaphore, #tpu.memory_space<semaphore_mem>>)
    %dma_start3A_1289 = arith.constant 53 : i32
    %dma_start3A_1290 = arith.constant 0 : i32
    %dma_start3A_1291 = arith.constant 640 : i32
    %dma_start3A_1292 = arith.constant 0 : i32
    %dma_start3A_1293 = tpu.memref_slice %arg7[%dma_start3A_1290, %dma_start3A_1291, %dma_start3A_1292] : memref<2x1024x32xf32, #tpu.memory_space<vmem>> -> memref<1x128x32xf32, #tpu.memory_space<vmem>>
    %dma_start3A_1294 = tpu.memref_squeeze %dma_start3A_1293 : memref<1x128x32xf32, #tpu.memory_space<vmem>> -> memref<128x32xf32, #tpu.memory_space<vmem>>
    %dma_start3A_1295 = arith.constant 0 : i32
    %dma_start3A_1296 = tpu.memref_slice %arg6[%dma_start3A_1289, %dma_start3A_1295] : memref<112x128xi32, #tpu.memory_space<vmem>> -> memref<1x128xi32, #tpu.memory_space<vmem>>
    %dma_start3A_1297 = tpu.memref_squeeze %dma_start3A_1296 : memref<1x128xi32, #tpu.memory_space<vmem>> -> memref<128xi32, #tpu.memory_space<vmem>>
    %dma_start3A_1298 = arith.constant 0 : i32
    %dma_start3A_1299 = arith.constant 0 : i32
    %dma_start3A_1300 = tpu.memref_slice %arg3[%dma_start3A_1298, %dma_start3A_1299] : memref<2600000x32xf32, #tpu.memory_space<hbm>> -> memref<2600000x32xf32, #tpu.memory_space<hbm>>
    tpu.enqueue_indirect_dma source(%dma_start3A_1300 : memref<2600000x32xf32, #tpu.memory_space<hbm>>) target(%dma_start3A_1294 : memref<128x32xf32, #tpu.memory_space<vmem>>) offsets(%dma_start3A_1297 : memref<128xi32, #tpu.memory_space<vmem>>) semaphore(%arg8 : memref<!tpu.dma_semaphore, #tpu.memory_space<semaphore_mem>>)
    %dma_start3A_1301 = arith.constant 54 : i32
    %dma_start3A_1302 = arith.constant 0 : i32
    %dma_start3A_1303 = arith.constant 768 : i32
    %dma_start3A_1304 = arith.constant 0 : i32
    %dma_start3A_1305 = tpu.memref_slice %arg7[%dma_start3A_1302, %dma_start3A_1303, %dma_start3A_1304] : memref<2x1024x32xf32, #tpu.memory_space<vmem>> -> memref<1x128x32xf32, #tpu.memory_space<vmem>>
    %dma_start3A_1306 = tpu.memref_squeeze %dma_start3A_1305 : memref<1x128x32xf32, #tpu.memory_space<vmem>> -> memref<128x32xf32, #tpu.memory_space<vmem>>
    %dma_start3A_1307 = arith.constant 0 : i32
    %dma_start3A_1308 = tpu.memref_slice %arg6[%dma_start3A_1301, %dma_start3A_1307] : memref<112x128xi32, #tpu.memory_space<vmem>> -> memref<1x128xi32, #tpu.memory_space<vmem>>
    %dma_start3A_1309 = tpu.memref_squeeze %dma_start3A_1308 : memref<1x128xi32, #tpu.memory_space<vmem>> -> memref<128xi32, #tpu.memory_space<vmem>>
    %dma_start3A_1310 = arith.constant 0 : i32
    %dma_start3A_1311 = arith.constant 0 : i32
    %dma_start3A_1312 = tpu.memref_slice %arg3[%dma_start3A_1310, %dma_start3A_1311] : memref<2600000x32xf32, #tpu.memory_space<hbm>> -> memref<2600000x32xf32, #tpu.memory_space<hbm>>
    tpu.enqueue_indirect_dma source(%dma_start3A_1312 : memref<2600000x32xf32, #tpu.memory_space<hbm>>) target(%dma_start3A_1306 : memref<128x32xf32, #tpu.memory_space<vmem>>) offsets(%dma_start3A_1309 : memref<128xi32, #tpu.memory_space<vmem>>) semaphore(%arg8 : memref<!tpu.dma_semaphore, #tpu.memory_space<semaphore_mem>>)
    %dma_start3A_1313 = arith.constant 55 : i32
    %dma_start3A_1314 = arith.constant 0 : i32
    %dma_start3A_1315 = arith.constant 896 : i32
    %dma_start3A_1316 = arith.constant 0 : i32
    %dma_start3A_1317 = tpu.memref_slice %arg7[%dma_start3A_1314, %dma_start3A_1315, %dma_start3A_1316] : memref<2x1024x32xf32, #tpu.memory_space<vmem>> -> memref<1x128x32xf32, #tpu.memory_space<vmem>>
    %dma_start3A_1318 = tpu.memref_squeeze %dma_start3A_1317 : memref<1x128x32xf32, #tpu.memory_space<vmem>> -> memref<128x32xf32, #tpu.memory_space<vmem>>
    %dma_start3A_1319 = arith.constant 0 : i32
    %dma_start3A_1320 = tpu.memref_slice %arg6[%dma_start3A_1313, %dma_start3A_1319] : memref<112x128xi32, #tpu.memory_space<vmem>> -> memref<1x128xi32, #tpu.memory_space<vmem>>
    %dma_start3A_1321 = tpu.memref_squeeze %dma_start3A_1320 : memref<1x128xi32, #tpu.memory_space<vmem>> -> memref<128xi32, #tpu.memory_space<vmem>>
    %dma_start3A_1322 = arith.constant 0 : i32
    %dma_start3A_1323 = arith.constant 0 : i32
    %dma_start3A_1324 = tpu.memref_slice %arg3[%dma_start3A_1322, %dma_start3A_1323] : memref<2600000x32xf32, #tpu.memory_space<hbm>> -> memref<2600000x32xf32, #tpu.memory_space<hbm>>
    tpu.enqueue_indirect_dma source(%dma_start3A_1324 : memref<2600000x32xf32, #tpu.memory_space<hbm>>) target(%dma_start3A_1318 : memref<128x32xf32, #tpu.memory_space<vmem>>) offsets(%dma_start3A_1321 : memref<128xi32, #tpu.memory_space<vmem>>) semaphore(%arg8 : memref<!tpu.dma_semaphore, #tpu.memory_space<semaphore_mem>>)
    %dma_wait3A_1325 = arith.constant 40 : i32
    %dma_wait3A_1326 = arith.constant 1 : i32
    %dma_wait3A_1327 = arith.constant 0 : i32
    %dma_wait3A_1328 = arith.constant 0 : i32
    %dma_wait3A_1329 = tpu.memref_slice %arg7[%dma_wait3A_1326, %dma_wait3A_1327, %dma_wait3A_1328] : memref<2x1024x32xf32, #tpu.memory_space<vmem>> -> memref<1x128x32xf32, #tpu.memory_space<vmem>>
    %dma_wait3A_1330 = tpu.memref_squeeze %dma_wait3A_1329 : memref<1x128x32xf32, #tpu.memory_space<vmem>> -> memref<128x32xf32, #tpu.memory_space<vmem>>
    %dma_wait3A_1331 = arith.constant 0 : i32
    %dma_wait3A_1332 = tpu.memref_slice %arg6[%dma_wait3A_1325, %dma_wait3A_1331] : memref<112x128xi32, #tpu.memory_space<vmem>> -> memref<1x128xi32, #tpu.memory_space<vmem>>
    %dma_wait3A_1333 = tpu.memref_squeeze %dma_wait3A_1332 : memref<1x128xi32, #tpu.memory_space<vmem>> -> memref<128xi32, #tpu.memory_space<vmem>>
    %dma_wait3A_1334 = arith.constant 0 : i32
    %dma_wait3A_1335 = arith.constant 0 : i32
    %dma_wait3A_1336 = tpu.memref_slice %arg3[%dma_wait3A_1334, %dma_wait3A_1335] : memref<2600000x32xf32, #tpu.memory_space<hbm>> -> memref<2600000x32xf32, #tpu.memory_space<hbm>>
    tpu.wait_indirect_dma semaphore(%arg8 : memref<!tpu.dma_semaphore, #tpu.memory_space<semaphore_mem>>) src(%dma_wait3A_1336 : memref<2600000x32xf32, #tpu.memory_space<hbm>>) dst(%dma_wait3A_1330 : memref<128x32xf32, #tpu.memory_space<vmem>>)
    %dma_wait3A_1337 = arith.constant 41 : i32
    %dma_wait3A_1338 = arith.constant 1 : i32
    %dma_wait3A_1339 = arith.constant 128 : i32
    %dma_wait3A_1340 = arith.constant 0 : i32
    %dma_wait3A_1341 = tpu.memref_slice %arg7[%dma_wait3A_1338, %dma_wait3A_1339, %dma_wait3A_1340] : memref<2x1024x32xf32, #tpu.memory_space<vmem>> -> memref<1x128x32xf32, #tpu.memory_space<vmem>>
    %dma_wait3A_1342 = tpu.memref_squeeze %dma_wait3A_1341 : memref<1x128x32xf32, #tpu.memory_space<vmem>> -> memref<128x32xf32, #tpu.memory_space<vmem>>
    %dma_wait3A_1343 = arith.constant 0 : i32
    %dma_wait3A_1344 = tpu.memref_slice %arg6[%dma_wait3A_1337, %dma_wait3A_1343] : memref<112x128xi32, #tpu.memory_space<vmem>> -> memref<1x128xi32, #tpu.memory_space<vmem>>
    %dma_wait3A_1345 = tpu.memref_squeeze %dma_wait3A_1344 : memref<1x128xi32, #tpu.memory_space<vmem>> -> memref<128xi32, #tpu.memory_space<vmem>>
    %dma_wait3A_1346 = arith.constant 0 : i32
    %dma_wait3A_1347 = arith.constant 0 : i32
    %dma_wait3A_1348 = tpu.memref_slice %arg3[%dma_wait3A_1346, %dma_wait3A_1347] : memref<2600000x32xf32, #tpu.memory_space<hbm>> -> memref<2600000x32xf32, #tpu.memory_space<hbm>>
    tpu.wait_indirect_dma semaphore(%arg8 : memref<!tpu.dma_semaphore, #tpu.memory_space<semaphore_mem>>) src(%dma_wait3A_1348 : memref<2600000x32xf32, #tpu.memory_space<hbm>>) dst(%dma_wait3A_1342 : memref<128x32xf32, #tpu.memory_space<vmem>>)
    %dma_wait3A_1349 = arith.constant 42 : i32
    %dma_wait3A_1350 = arith.constant 1 : i32
    %dma_wait3A_1351 = arith.constant 256 : i32
    %dma_wait3A_1352 = arith.constant 0 : i32
    %dma_wait3A_1353 = tpu.memref_slice %arg7[%dma_wait3A_1350, %dma_wait3A_1351, %dma_wait3A_1352] : memref<2x1024x32xf32, #tpu.memory_space<vmem>> -> memref<1x128x32xf32, #tpu.memory_space<vmem>>
    %dma_wait3A_1354 = tpu.memref_squeeze %dma_wait3A_1353 : memref<1x128x32xf32, #tpu.memory_space<vmem>> -> memref<128x32xf32, #tpu.memory_space<vmem>>
    %dma_wait3A_1355 = arith.constant 0 : i32
    %dma_wait3A_1356 = tpu.memref_slice %arg6[%dma_wait3A_1349, %dma_wait3A_1355] : memref<112x128xi32, #tpu.memory_space<vmem>> -> memref<1x128xi32, #tpu.memory_space<vmem>>
    %dma_wait3A_1357 = tpu.memref_squeeze %dma_wait3A_1356 : memref<1x128xi32, #tpu.memory_space<vmem>> -> memref<128xi32, #tpu.memory_space<vmem>>
    %dma_wait3A_1358 = arith.constant 0 : i32
    %dma_wait3A_1359 = arith.constant 0 : i32
    %dma_wait3A_1360 = tpu.memref_slice %arg3[%dma_wait3A_1358, %dma_wait3A_1359] : memref<2600000x32xf32, #tpu.memory_space<hbm>> -> memref<2600000x32xf32, #tpu.memory_space<hbm>>
    tpu.wait_indirect_dma semaphore(%arg8 : memref<!tpu.dma_semaphore, #tpu.memory_space<semaphore_mem>>) src(%dma_wait3A_1360 : memref<2600000x32xf32, #tpu.memory_space<hbm>>) dst(%dma_wait3A_1354 : memref<128x32xf32, #tpu.memory_space<vmem>>)
    %dma_wait3A_1361 = arith.constant 43 : i32
    %dma_wait3A_1362 = arith.constant 1 : i32
    %dma_wait3A_1363 = arith.constant 384 : i32
    %dma_wait3A_1364 = arith.constant 0 : i32
    %dma_wait3A_1365 = tpu.memref_slice %arg7[%dma_wait3A_1362, %dma_wait3A_1363, %dma_wait3A_1364] : memref<2x1024x32xf32, #tpu.memory_space<vmem>> -> memref<1x128x32xf32, #tpu.memory_space<vmem>>
    %dma_wait3A_1366 = tpu.memref_squeeze %dma_wait3A_1365 : memref<1x128x32xf32, #tpu.memory_space<vmem>> -> memref<128x32xf32, #tpu.memory_space<vmem>>
    %dma_wait3A_1367 = arith.constant 0 : i32
    %dma_wait3A_1368 = tpu.memref_slice %arg6[%dma_wait3A_1361, %dma_wait3A_1367] : memref<112x128xi32, #tpu.memory_space<vmem>> -> memref<1x128xi32, #tpu.memory_space<vmem>>
    %dma_wait3A_1369 = tpu.memref_squeeze %dma_wait3A_1368 : memref<1x128xi32, #tpu.memory_space<vmem>> -> memref<128xi32, #tpu.memory_space<vmem>>
    %dma_wait3A_1370 = arith.constant 0 : i32
    %dma_wait3A_1371 = arith.constant 0 : i32
    %dma_wait3A_1372 = tpu.memref_slice %arg3[%dma_wait3A_1370, %dma_wait3A_1371] : memref<2600000x32xf32, #tpu.memory_space<hbm>> -> memref<2600000x32xf32, #tpu.memory_space<hbm>>
    tpu.wait_indirect_dma semaphore(%arg8 : memref<!tpu.dma_semaphore, #tpu.memory_space<semaphore_mem>>) src(%dma_wait3A_1372 : memref<2600000x32xf32, #tpu.memory_space<hbm>>) dst(%dma_wait3A_1366 : memref<128x32xf32, #tpu.memory_space<vmem>>)
    %dma_wait3A_1373 = arith.constant 44 : i32
    %dma_wait3A_1374 = arith.constant 1 : i32
    %dma_wait3A_1375 = arith.constant 512 : i32
    %dma_wait3A_1376 = arith.constant 0 : i32
    %dma_wait3A_1377 = tpu.memref_slice %arg7[%dma_wait3A_1374, %dma_wait3A_1375, %dma_wait3A_1376] : memref<2x1024x32xf32, #tpu.memory_space<vmem>> -> memref<1x128x32xf32, #tpu.memory_space<vmem>>
    %dma_wait3A_1378 = tpu.memref_squeeze %dma_wait3A_1377 : memref<1x128x32xf32, #tpu.memory_space<vmem>> -> memref<128x32xf32, #tpu.memory_space<vmem>>
    %dma_wait3A_1379 = arith.constant 0 : i32
    %dma_wait3A_1380 = tpu.memref_slice %arg6[%dma_wait3A_1373, %dma_wait3A_1379] : memref<112x128xi32, #tpu.memory_space<vmem>> -> memref<1x128xi32, #tpu.memory_space<vmem>>
    %dma_wait3A_1381 = tpu.memref_squeeze %dma_wait3A_1380 : memref<1x128xi32, #tpu.memory_space<vmem>> -> memref<128xi32, #tpu.memory_space<vmem>>
    %dma_wait3A_1382 = arith.constant 0 : i32
    %dma_wait3A_1383 = arith.constant 0 : i32
    %dma_wait3A_1384 = tpu.memref_slice %arg3[%dma_wait3A_1382, %dma_wait3A_1383] : memref<2600000x32xf32, #tpu.memory_space<hbm>> -> memref<2600000x32xf32, #tpu.memory_space<hbm>>
    tpu.wait_indirect_dma semaphore(%arg8 : memref<!tpu.dma_semaphore, #tpu.memory_space<semaphore_mem>>) src(%dma_wait3A_1384 : memref<2600000x32xf32, #tpu.memory_space<hbm>>) dst(%dma_wait3A_1378 : memref<128x32xf32, #tpu.memory_space<vmem>>)
    %dma_wait3A_1385 = arith.constant 45 : i32
    %dma_wait3A_1386 = arith.constant 1 : i32
    %dma_wait3A_1387 = arith.constant 640 : i32
    %dma_wait3A_1388 = arith.constant 0 : i32
    %dma_wait3A_1389 = tpu.memref_slice %arg7[%dma_wait3A_1386, %dma_wait3A_1387, %dma_wait3A_1388] : memref<2x1024x32xf32, #tpu.memory_space<vmem>> -> memref<1x128x32xf32, #tpu.memory_space<vmem>>
    %dma_wait3A_1390 = tpu.memref_squeeze %dma_wait3A_1389 : memref<1x128x32xf32, #tpu.memory_space<vmem>> -> memref<128x32xf32, #tpu.memory_space<vmem>>
    %dma_wait3A_1391 = arith.constant 0 : i32
    %dma_wait3A_1392 = tpu.memref_slice %arg6[%dma_wait3A_1385, %dma_wait3A_1391] : memref<112x128xi32, #tpu.memory_space<vmem>> -> memref<1x128xi32, #tpu.memory_space<vmem>>
    %dma_wait3A_1393 = tpu.memref_squeeze %dma_wait3A_1392 : memref<1x128xi32, #tpu.memory_space<vmem>> -> memref<128xi32, #tpu.memory_space<vmem>>
    %dma_wait3A_1394 = arith.constant 0 : i32
    %dma_wait3A_1395 = arith.constant 0 : i32
    %dma_wait3A_1396 = tpu.memref_slice %arg3[%dma_wait3A_1394, %dma_wait3A_1395] : memref<2600000x32xf32, #tpu.memory_space<hbm>> -> memref<2600000x32xf32, #tpu.memory_space<hbm>>
    tpu.wait_indirect_dma semaphore(%arg8 : memref<!tpu.dma_semaphore, #tpu.memory_space<semaphore_mem>>) src(%dma_wait3A_1396 : memref<2600000x32xf32, #tpu.memory_space<hbm>>) dst(%dma_wait3A_1390 : memref<128x32xf32, #tpu.memory_space<vmem>>)
    %dma_wait3A_1397 = arith.constant 46 : i32
    %dma_wait3A_1398 = arith.constant 1 : i32
    %dma_wait3A_1399 = arith.constant 768 : i32
    %dma_wait3A_1400 = arith.constant 0 : i32
    %dma_wait3A_1401 = tpu.memref_slice %arg7[%dma_wait3A_1398, %dma_wait3A_1399, %dma_wait3A_1400] : memref<2x1024x32xf32, #tpu.memory_space<vmem>> -> memref<1x128x32xf32, #tpu.memory_space<vmem>>
    %dma_wait3A_1402 = tpu.memref_squeeze %dma_wait3A_1401 : memref<1x128x32xf32, #tpu.memory_space<vmem>> -> memref<128x32xf32, #tpu.memory_space<vmem>>
    %dma_wait3A_1403 = arith.constant 0 : i32
    %dma_wait3A_1404 = tpu.memref_slice %arg6[%dma_wait3A_1397, %dma_wait3A_1403] : memref<112x128xi32, #tpu.memory_space<vmem>> -> memref<1x128xi32, #tpu.memory_space<vmem>>
    %dma_wait3A_1405 = tpu.memref_squeeze %dma_wait3A_1404 : memref<1x128xi32, #tpu.memory_space<vmem>> -> memref<128xi32, #tpu.memory_space<vmem>>
    %dma_wait3A_1406 = arith.constant 0 : i32
    %dma_wait3A_1407 = arith.constant 0 : i32
    %dma_wait3A_1408 = tpu.memref_slice %arg3[%dma_wait3A_1406, %dma_wait3A_1407] : memref<2600000x32xf32, #tpu.memory_space<hbm>> -> memref<2600000x32xf32, #tpu.memory_space<hbm>>
    tpu.wait_indirect_dma semaphore(%arg8 : memref<!tpu.dma_semaphore, #tpu.memory_space<semaphore_mem>>) src(%dma_wait3A_1408 : memref<2600000x32xf32, #tpu.memory_space<hbm>>) dst(%dma_wait3A_1402 : memref<128x32xf32, #tpu.memory_space<vmem>>)
    %dma_wait3A_1409 = arith.constant 47 : i32
    %dma_wait3A_1410 = arith.constant 1 : i32
    %dma_wait3A_1411 = arith.constant 896 : i32
    %dma_wait3A_1412 = arith.constant 0 : i32
    %dma_wait3A_1413 = tpu.memref_slice %arg7[%dma_wait3A_1410, %dma_wait3A_1411, %dma_wait3A_1412] : memref<2x1024x32xf32, #tpu.memory_space<vmem>> -> memref<1x128x32xf32, #tpu.memory_space<vmem>>
    %dma_wait3A_1414 = tpu.memref_squeeze %dma_wait3A_1413 : memref<1x128x32xf32, #tpu.memory_space<vmem>> -> memref<128x32xf32, #tpu.memory_space<vmem>>
    %dma_wait3A_1415 = arith.constant 0 : i32
    %dma_wait3A_1416 = tpu.memref_slice %arg6[%dma_wait3A_1409, %dma_wait3A_1415] : memref<112x128xi32, #tpu.memory_space<vmem>> -> memref<1x128xi32, #tpu.memory_space<vmem>>
    %dma_wait3A_1417 = tpu.memref_squeeze %dma_wait3A_1416 : memref<1x128xi32, #tpu.memory_space<vmem>> -> memref<128xi32, #tpu.memory_space<vmem>>
    %dma_wait3A_1418 = arith.constant 0 : i32
    %dma_wait3A_1419 = arith.constant 0 : i32
    %dma_wait3A_1420 = tpu.memref_slice %arg3[%dma_wait3A_1418, %dma_wait3A_1419] : memref<2600000x32xf32, #tpu.memory_space<hbm>> -> memref<2600000x32xf32, #tpu.memory_space<hbm>>
    tpu.wait_indirect_dma semaphore(%arg8 : memref<!tpu.dma_semaphore, #tpu.memory_space<semaphore_mem>>) src(%dma_wait3A_1420 : memref<2600000x32xf32, #tpu.memory_space<hbm>>) dst(%dma_wait3A_1414 : memref<128x32xf32, #tpu.memory_space<vmem>>)
    %mul3A_1421 = arith.constant 2048 : i32
    %mul3A_1422 = arith.muli %add3A, %mul3A_1421 : i32
    %add3A_1423 = arith.constant 131072 : i32
    %add3A_1424 = arith.addi %add3A_1423, %mul3A_1422 : i32
    %add3A_1425 = arith.constant 1024 : i32
    %add3A_1426 = arith.addi %add3A_1424, %add3A_1425 : i32
    %dma_start3A_1427 = arith.constant 1 : i32
    %dma_start3A_1428 = arith.constant 0 : i32
    %dma_start3A_1429 = arith.constant 0 : i32
    %dma_start3A_1430 = tpu.memref_slice %arg7[%dma_start3A_1427, %dma_start3A_1428, %dma_start3A_1429] : memref<2x1024x32xf32, #tpu.memory_space<vmem>> -> memref<1x1024x32xf32, #tpu.memory_space<vmem>>
    %dma_start3A_1431 = tpu.memref_squeeze %dma_start3A_1430 : memref<1x1024x32xf32, #tpu.memory_space<vmem>> -> memref<1024x32xf32, #tpu.memory_space<vmem>>
    %dma_start3A_1432 = arith.constant 0 : i32
    %dma_start3A_1433 = tpu.memref_slice %arg4[%add3A_1426, %dma_start3A_1432] : memref<458752x32xf32, #tpu.memory_space<hbm>> -> memref<1024x32xf32, #tpu.memory_space<hbm>>
    %dma_start3A_1434 = arith.constant 0 : i32
    %dma_start3A_1435 = tpu.memref_slice %arg4[%add3A_1426, %dma_start3A_1434] : memref<458752x32xf32, #tpu.memory_space<hbm>> -> memref<1024x32xf32, #tpu.memory_space<hbm>>
    %dma_start3A_1436 = arith.constant 0 : i32
    %dma_start3A_1437 = arith.constant 0 : i32
    %dma_start3A_1438 = tpu.memref_slice %arg7[%dma_start3A_1427, %dma_start3A_1436, %dma_start3A_1437] : memref<2x1024x32xf32, #tpu.memory_space<vmem>> -> memref<1x1024x32xf32, #tpu.memory_space<vmem>>
    %dma_start3A_1439 = tpu.memref_squeeze %dma_start3A_1438 : memref<1x1024x32xf32, #tpu.memory_space<vmem>> -> memref<1024x32xf32, #tpu.memory_space<vmem>>
    tpu.enqueue_dma source(%dma_start3A_1439 : memref<1024x32xf32, #tpu.memory_space<vmem>>) target(%dma_start3A_1435 : memref<1024x32xf32, #tpu.memory_space<hbm>>) target_semaphore(%arg9 : memref<!tpu.dma_semaphore, #tpu.memory_space<semaphore_mem>>)
    %dma_wait3A_1440 = arith.constant 1 : i32
    %dma_wait3A_1441 = arith.constant 0 : i32
    %dma_wait3A_1442 = arith.constant 0 : i32
    %dma_wait3A_1443 = tpu.memref_slice %arg7[%dma_wait3A_1440, %dma_wait3A_1441, %dma_wait3A_1442] : memref<2x1024x32xf32, #tpu.memory_space<vmem>> -> memref<1x1024x32xf32, #tpu.memory_space<vmem>>
    %dma_wait3A_1444 = tpu.memref_squeeze %dma_wait3A_1443 : memref<1x1024x32xf32, #tpu.memory_space<vmem>> -> memref<1024x32xf32, #tpu.memory_space<vmem>>
    %dma_wait3A_1445 = arith.constant 0 : i32
    %dma_wait3A_1446 = tpu.memref_slice %arg4[%add3A_1426, %dma_wait3A_1445] : memref<458752x32xf32, #tpu.memory_space<hbm>> -> memref<1024x32xf32, #tpu.memory_space<hbm>>
    %dma_wait3A_1447 = arith.constant 0 : i32
    %dma_wait3A_1448 = tpu.memref_slice %arg4[%add3A_1426, %dma_wait3A_1447] : memref<458752x32xf32, #tpu.memory_space<hbm>> -> memref<1024x32xf32, #tpu.memory_space<hbm>>
    %dma_wait3A_1449 = arith.constant 0 : i32
    %dma_wait3A_1450 = arith.constant 0 : i32
    %dma_wait3A_1451 = tpu.memref_slice %arg7[%dma_wait3A_1440, %dma_wait3A_1449, %dma_wait3A_1450] : memref<2x1024x32xf32, #tpu.memory_space<vmem>> -> memref<1x1024x32xf32, #tpu.memory_space<vmem>>
    %dma_wait3A_1452 = tpu.memref_squeeze %dma_wait3A_1451 : memref<1x1024x32xf32, #tpu.memory_space<vmem>> -> memref<1024x32xf32, #tpu.memory_space<vmem>>
    tpu.wait_dma2 semaphore(%arg9 : memref<!tpu.dma_semaphore, #tpu.memory_space<semaphore_mem>>) src(%dma_wait3A_1452 : memref<1024x32xf32, #tpu.memory_space<vmem>>) dst(%dma_wait3A_1448 : memref<1024x32xf32, #tpu.memory_space<hbm>>)
    %dma_start3A_1453 = arith.constant 56 : i32
    %dma_start3A_1454 = arith.constant 1 : i32
    %dma_start3A_1455 = arith.constant 0 : i32
    %dma_start3A_1456 = arith.constant 0 : i32
    %dma_start3A_1457 = tpu.memref_slice %arg7[%dma_start3A_1454, %dma_start3A_1455, %dma_start3A_1456] : memref<2x1024x32xf32, #tpu.memory_space<vmem>> -> memref<1x128x32xf32, #tpu.memory_space<vmem>>
    %dma_start3A_1458 = tpu.memref_squeeze %dma_start3A_1457 : memref<1x128x32xf32, #tpu.memory_space<vmem>> -> memref<128x32xf32, #tpu.memory_space<vmem>>
    %dma_start3A_1459 = arith.constant 0 : i32
    %dma_start3A_1460 = tpu.memref_slice %arg6[%dma_start3A_1453, %dma_start3A_1459] : memref<112x128xi32, #tpu.memory_space<vmem>> -> memref<1x128xi32, #tpu.memory_space<vmem>>
    %dma_start3A_1461 = tpu.memref_squeeze %dma_start3A_1460 : memref<1x128xi32, #tpu.memory_space<vmem>> -> memref<128xi32, #tpu.memory_space<vmem>>
    %dma_start3A_1462 = arith.constant 0 : i32
    %dma_start3A_1463 = arith.constant 0 : i32
    %dma_start3A_1464 = tpu.memref_slice %arg3[%dma_start3A_1462, %dma_start3A_1463] : memref<2600000x32xf32, #tpu.memory_space<hbm>> -> memref<2600000x32xf32, #tpu.memory_space<hbm>>
    tpu.enqueue_indirect_dma source(%dma_start3A_1464 : memref<2600000x32xf32, #tpu.memory_space<hbm>>) target(%dma_start3A_1458 : memref<128x32xf32, #tpu.memory_space<vmem>>) offsets(%dma_start3A_1461 : memref<128xi32, #tpu.memory_space<vmem>>) semaphore(%arg8 : memref<!tpu.dma_semaphore, #tpu.memory_space<semaphore_mem>>)
    %dma_start3A_1465 = arith.constant 57 : i32
    %dma_start3A_1466 = arith.constant 1 : i32
    %dma_start3A_1467 = arith.constant 128 : i32
    %dma_start3A_1468 = arith.constant 0 : i32
    %dma_start3A_1469 = tpu.memref_slice %arg7[%dma_start3A_1466, %dma_start3A_1467, %dma_start3A_1468] : memref<2x1024x32xf32, #tpu.memory_space<vmem>> -> memref<1x128x32xf32, #tpu.memory_space<vmem>>
    %dma_start3A_1470 = tpu.memref_squeeze %dma_start3A_1469 : memref<1x128x32xf32, #tpu.memory_space<vmem>> -> memref<128x32xf32, #tpu.memory_space<vmem>>
    %dma_start3A_1471 = arith.constant 0 : i32
    %dma_start3A_1472 = tpu.memref_slice %arg6[%dma_start3A_1465, %dma_start3A_1471] : memref<112x128xi32, #tpu.memory_space<vmem>> -> memref<1x128xi32, #tpu.memory_space<vmem>>
    %dma_start3A_1473 = tpu.memref_squeeze %dma_start3A_1472 : memref<1x128xi32, #tpu.memory_space<vmem>> -> memref<128xi32, #tpu.memory_space<vmem>>
    %dma_start3A_1474 = arith.constant 0 : i32
    %dma_start3A_1475 = arith.constant 0 : i32
    %dma_start3A_1476 = tpu.memref_slice %arg3[%dma_start3A_1474, %dma_start3A_1475] : memref<2600000x32xf32, #tpu.memory_space<hbm>> -> memref<2600000x32xf32, #tpu.memory_space<hbm>>
    tpu.enqueue_indirect_dma source(%dma_start3A_1476 : memref<2600000x32xf32, #tpu.memory_space<hbm>>) target(%dma_start3A_1470 : memref<128x32xf32, #tpu.memory_space<vmem>>) offsets(%dma_start3A_1473 : memref<128xi32, #tpu.memory_space<vmem>>) semaphore(%arg8 : memref<!tpu.dma_semaphore, #tpu.memory_space<semaphore_mem>>)
    %dma_start3A_1477 = arith.constant 58 : i32
    %dma_start3A_1478 = arith.constant 1 : i32
    %dma_start3A_1479 = arith.constant 256 : i32
    %dma_start3A_1480 = arith.constant 0 : i32
    %dma_start3A_1481 = tpu.memref_slice %arg7[%dma_start3A_1478, %dma_start3A_1479, %dma_start3A_1480] : memref<2x1024x32xf32, #tpu.memory_space<vmem>> -> memref<1x128x32xf32, #tpu.memory_space<vmem>>
    %dma_start3A_1482 = tpu.memref_squeeze %dma_start3A_1481 : memref<1x128x32xf32, #tpu.memory_space<vmem>> -> memref<128x32xf32, #tpu.memory_space<vmem>>
    %dma_start3A_1483 = arith.constant 0 : i32
    %dma_start3A_1484 = tpu.memref_slice %arg6[%dma_start3A_1477, %dma_start3A_1483] : memref<112x128xi32, #tpu.memory_space<vmem>> -> memref<1x128xi32, #tpu.memory_space<vmem>>
    %dma_start3A_1485 = tpu.memref_squeeze %dma_start3A_1484 : memref<1x128xi32, #tpu.memory_space<vmem>> -> memref<128xi32, #tpu.memory_space<vmem>>
    %dma_start3A_1486 = arith.constant 0 : i32
    %dma_start3A_1487 = arith.constant 0 : i32
    %dma_start3A_1488 = tpu.memref_slice %arg3[%dma_start3A_1486, %dma_start3A_1487] : memref<2600000x32xf32, #tpu.memory_space<hbm>> -> memref<2600000x32xf32, #tpu.memory_space<hbm>>
    tpu.enqueue_indirect_dma source(%dma_start3A_1488 : memref<2600000x32xf32, #tpu.memory_space<hbm>>) target(%dma_start3A_1482 : memref<128x32xf32, #tpu.memory_space<vmem>>) offsets(%dma_start3A_1485 : memref<128xi32, #tpu.memory_space<vmem>>) semaphore(%arg8 : memref<!tpu.dma_semaphore, #tpu.memory_space<semaphore_mem>>)
    %dma_start3A_1489 = arith.constant 59 : i32
    %dma_start3A_1490 = arith.constant 1 : i32
    %dma_start3A_1491 = arith.constant 384 : i32
    %dma_start3A_1492 = arith.constant 0 : i32
    %dma_start3A_1493 = tpu.memref_slice %arg7[%dma_start3A_1490, %dma_start3A_1491, %dma_start3A_1492] : memref<2x1024x32xf32, #tpu.memory_space<vmem>> -> memref<1x128x32xf32, #tpu.memory_space<vmem>>
    %dma_start3A_1494 = tpu.memref_squeeze %dma_start3A_1493 : memref<1x128x32xf32, #tpu.memory_space<vmem>> -> memref<128x32xf32, #tpu.memory_space<vmem>>
    %dma_start3A_1495 = arith.constant 0 : i32
    %dma_start3A_1496 = tpu.memref_slice %arg6[%dma_start3A_1489, %dma_start3A_1495] : memref<112x128xi32, #tpu.memory_space<vmem>> -> memref<1x128xi32, #tpu.memory_space<vmem>>
    %dma_start3A_1497 = tpu.memref_squeeze %dma_start3A_1496 : memref<1x128xi32, #tpu.memory_space<vmem>> -> memref<128xi32, #tpu.memory_space<vmem>>
    %dma_start3A_1498 = arith.constant 0 : i32
    %dma_start3A_1499 = arith.constant 0 : i32
    %dma_start3A_1500 = tpu.memref_slice %arg3[%dma_start3A_1498, %dma_start3A_1499] : memref<2600000x32xf32, #tpu.memory_space<hbm>> -> memref<2600000x32xf32, #tpu.memory_space<hbm>>
    tpu.enqueue_indirect_dma source(%dma_start3A_1500 : memref<2600000x32xf32, #tpu.memory_space<hbm>>) target(%dma_start3A_1494 : memref<128x32xf32, #tpu.memory_space<vmem>>) offsets(%dma_start3A_1497 : memref<128xi32, #tpu.memory_space<vmem>>) semaphore(%arg8 : memref<!tpu.dma_semaphore, #tpu.memory_space<semaphore_mem>>)
    %dma_start3A_1501 = arith.constant 60 : i32
    %dma_start3A_1502 = arith.constant 1 : i32
    %dma_start3A_1503 = arith.constant 512 : i32
    %dma_start3A_1504 = arith.constant 0 : i32
    %dma_start3A_1505 = tpu.memref_slice %arg7[%dma_start3A_1502, %dma_start3A_1503, %dma_start3A_1504] : memref<2x1024x32xf32, #tpu.memory_space<vmem>> -> memref<1x128x32xf32, #tpu.memory_space<vmem>>
    %dma_start3A_1506 = tpu.memref_squeeze %dma_start3A_1505 : memref<1x128x32xf32, #tpu.memory_space<vmem>> -> memref<128x32xf32, #tpu.memory_space<vmem>>
    %dma_start3A_1507 = arith.constant 0 : i32
    %dma_start3A_1508 = tpu.memref_slice %arg6[%dma_start3A_1501, %dma_start3A_1507] : memref<112x128xi32, #tpu.memory_space<vmem>> -> memref<1x128xi32, #tpu.memory_space<vmem>>
    %dma_start3A_1509 = tpu.memref_squeeze %dma_start3A_1508 : memref<1x128xi32, #tpu.memory_space<vmem>> -> memref<128xi32, #tpu.memory_space<vmem>>
    %dma_start3A_1510 = arith.constant 0 : i32
    %dma_start3A_1511 = arith.constant 0 : i32
    %dma_start3A_1512 = tpu.memref_slice %arg3[%dma_start3A_1510, %dma_start3A_1511] : memref<2600000x32xf32, #tpu.memory_space<hbm>> -> memref<2600000x32xf32, #tpu.memory_space<hbm>>
    tpu.enqueue_indirect_dma source(%dma_start3A_1512 : memref<2600000x32xf32, #tpu.memory_space<hbm>>) target(%dma_start3A_1506 : memref<128x32xf32, #tpu.memory_space<vmem>>) offsets(%dma_start3A_1509 : memref<128xi32, #tpu.memory_space<vmem>>) semaphore(%arg8 : memref<!tpu.dma_semaphore, #tpu.memory_space<semaphore_mem>>)
    %dma_start3A_1513 = arith.constant 61 : i32
    %dma_start3A_1514 = arith.constant 1 : i32
    %dma_start3A_1515 = arith.constant 640 : i32
    %dma_start3A_1516 = arith.constant 0 : i32
    %dma_start3A_1517 = tpu.memref_slice %arg7[%dma_start3A_1514, %dma_start3A_1515, %dma_start3A_1516] : memref<2x1024x32xf32, #tpu.memory_space<vmem>> -> memref<1x128x32xf32, #tpu.memory_space<vmem>>
    %dma_start3A_1518 = tpu.memref_squeeze %dma_start3A_1517 : memref<1x128x32xf32, #tpu.memory_space<vmem>> -> memref<128x32xf32, #tpu.memory_space<vmem>>
    %dma_start3A_1519 = arith.constant 0 : i32
    %dma_start3A_1520 = tpu.memref_slice %arg6[%dma_start3A_1513, %dma_start3A_1519] : memref<112x128xi32, #tpu.memory_space<vmem>> -> memref<1x128xi32, #tpu.memory_space<vmem>>
    %dma_start3A_1521 = tpu.memref_squeeze %dma_start3A_1520 : memref<1x128xi32, #tpu.memory_space<vmem>> -> memref<128xi32, #tpu.memory_space<vmem>>
    %dma_start3A_1522 = arith.constant 0 : i32
    %dma_start3A_1523 = arith.constant 0 : i32
    %dma_start3A_1524 = tpu.memref_slice %arg3[%dma_start3A_1522, %dma_start3A_1523] : memref<2600000x32xf32, #tpu.memory_space<hbm>> -> memref<2600000x32xf32, #tpu.memory_space<hbm>>
    tpu.enqueue_indirect_dma source(%dma_start3A_1524 : memref<2600000x32xf32, #tpu.memory_space<hbm>>) target(%dma_start3A_1518 : memref<128x32xf32, #tpu.memory_space<vmem>>) offsets(%dma_start3A_1521 : memref<128xi32, #tpu.memory_space<vmem>>) semaphore(%arg8 : memref<!tpu.dma_semaphore, #tpu.memory_space<semaphore_mem>>)
    %dma_start3A_1525 = arith.constant 62 : i32
    %dma_start3A_1526 = arith.constant 1 : i32
    %dma_start3A_1527 = arith.constant 768 : i32
    %dma_start3A_1528 = arith.constant 0 : i32
    %dma_start3A_1529 = tpu.memref_slice %arg7[%dma_start3A_1526, %dma_start3A_1527, %dma_start3A_1528] : memref<2x1024x32xf32, #tpu.memory_space<vmem>> -> memref<1x128x32xf32, #tpu.memory_space<vmem>>
    %dma_start3A_1530 = tpu.memref_squeeze %dma_start3A_1529 : memref<1x128x32xf32, #tpu.memory_space<vmem>> -> memref<128x32xf32, #tpu.memory_space<vmem>>
    %dma_start3A_1531 = arith.constant 0 : i32
    %dma_start3A_1532 = tpu.memref_slice %arg6[%dma_start3A_1525, %dma_start3A_1531] : memref<112x128xi32, #tpu.memory_space<vmem>> -> memref<1x128xi32, #tpu.memory_space<vmem>>
    %dma_start3A_1533 = tpu.memref_squeeze %dma_start3A_1532 : memref<1x128xi32, #tpu.memory_space<vmem>> -> memref<128xi32, #tpu.memory_space<vmem>>
    %dma_start3A_1534 = arith.constant 0 : i32
    %dma_start3A_1535 = arith.constant 0 : i32
    %dma_start3A_1536 = tpu.memref_slice %arg3[%dma_start3A_1534, %dma_start3A_1535] : memref<2600000x32xf32, #tpu.memory_space<hbm>> -> memref<2600000x32xf32, #tpu.memory_space<hbm>>
    tpu.enqueue_indirect_dma source(%dma_start3A_1536 : memref<2600000x32xf32, #tpu.memory_space<hbm>>) target(%dma_start3A_1530 : memref<128x32xf32, #tpu.memory_space<vmem>>) offsets(%dma_start3A_1533 : memref<128xi32, #tpu.memory_space<vmem>>) semaphore(%arg8 : memref<!tpu.dma_semaphore, #tpu.memory_space<semaphore_mem>>)
    %dma_start3A_1537 = arith.constant 63 : i32
    %dma_start3A_1538 = arith.constant 1 : i32
    %dma_start3A_1539 = arith.constant 896 : i32
    %dma_start3A_1540 = arith.constant 0 : i32
    %dma_start3A_1541 = tpu.memref_slice %arg7[%dma_start3A_1538, %dma_start3A_1539, %dma_start3A_1540] : memref<2x1024x32xf32, #tpu.memory_space<vmem>> -> memref<1x128x32xf32, #tpu.memory_space<vmem>>
    %dma_start3A_1542 = tpu.memref_squeeze %dma_start3A_1541 : memref<1x128x32xf32, #tpu.memory_space<vmem>> -> memref<128x32xf32, #tpu.memory_space<vmem>>
    %dma_start3A_1543 = arith.constant 0 : i32
    %dma_start3A_1544 = tpu.memref_slice %arg6[%dma_start3A_1537, %dma_start3A_1543] : memref<112x128xi32, #tpu.memory_space<vmem>> -> memref<1x128xi32, #tpu.memory_space<vmem>>
    %dma_start3A_1545 = tpu.memref_squeeze %dma_start3A_1544 : memref<1x128xi32, #tpu.memory_space<vmem>> -> memref<128xi32, #tpu.memory_space<vmem>>
    %dma_start3A_1546 = arith.constant 0 : i32
    %dma_start3A_1547 = arith.constant 0 : i32
    %dma_start3A_1548 = tpu.memref_slice %arg3[%dma_start3A_1546, %dma_start3A_1547] : memref<2600000x32xf32, #tpu.memory_space<hbm>> -> memref<2600000x32xf32, #tpu.memory_space<hbm>>
    tpu.enqueue_indirect_dma source(%dma_start3A_1548 : memref<2600000x32xf32, #tpu.memory_space<hbm>>) target(%dma_start3A_1542 : memref<128x32xf32, #tpu.memory_space<vmem>>) offsets(%dma_start3A_1545 : memref<128xi32, #tpu.memory_space<vmem>>) semaphore(%arg8 : memref<!tpu.dma_semaphore, #tpu.memory_space<semaphore_mem>>)
    %dma_wait3A_1549 = arith.constant 48 : i32
    %dma_wait3A_1550 = arith.constant 0 : i32
    %dma_wait3A_1551 = arith.constant 0 : i32
    %dma_wait3A_1552 = arith.constant 0 : i32
    %dma_wait3A_1553 = tpu.memref_slice %arg7[%dma_wait3A_1550, %dma_wait3A_1551, %dma_wait3A_1552] : memref<2x1024x32xf32, #tpu.memory_space<vmem>> -> memref<1x128x32xf32, #tpu.memory_space<vmem>>
    %dma_wait3A_1554 = tpu.memref_squeeze %dma_wait3A_1553 : memref<1x128x32xf32, #tpu.memory_space<vmem>> -> memref<128x32xf32, #tpu.memory_space<vmem>>
    %dma_wait3A_1555 = arith.constant 0 : i32
    %dma_wait3A_1556 = tpu.memref_slice %arg6[%dma_wait3A_1549, %dma_wait3A_1555] : memref<112x128xi32, #tpu.memory_space<vmem>> -> memref<1x128xi32, #tpu.memory_space<vmem>>
    %dma_wait3A_1557 = tpu.memref_squeeze %dma_wait3A_1556 : memref<1x128xi32, #tpu.memory_space<vmem>> -> memref<128xi32, #tpu.memory_space<vmem>>
    %dma_wait3A_1558 = arith.constant 0 : i32
    %dma_wait3A_1559 = arith.constant 0 : i32
    %dma_wait3A_1560 = tpu.memref_slice %arg3[%dma_wait3A_1558, %dma_wait3A_1559] : memref<2600000x32xf32, #tpu.memory_space<hbm>> -> memref<2600000x32xf32, #tpu.memory_space<hbm>>
    tpu.wait_indirect_dma semaphore(%arg8 : memref<!tpu.dma_semaphore, #tpu.memory_space<semaphore_mem>>) src(%dma_wait3A_1560 : memref<2600000x32xf32, #tpu.memory_space<hbm>>) dst(%dma_wait3A_1554 : memref<128x32xf32, #tpu.memory_space<vmem>>)
    %dma_wait3A_1561 = arith.constant 49 : i32
    %dma_wait3A_1562 = arith.constant 0 : i32
    %dma_wait3A_1563 = arith.constant 128 : i32
    %dma_wait3A_1564 = arith.constant 0 : i32
    %dma_wait3A_1565 = tpu.memref_slice %arg7[%dma_wait3A_1562, %dma_wait3A_1563, %dma_wait3A_1564] : memref<2x1024x32xf32, #tpu.memory_space<vmem>> -> memref<1x128x32xf32, #tpu.memory_space<vmem>>
    %dma_wait3A_1566 = tpu.memref_squeeze %dma_wait3A_1565 : memref<1x128x32xf32, #tpu.memory_space<vmem>> -> memref<128x32xf32, #tpu.memory_space<vmem>>
    %dma_wait3A_1567 = arith.constant 0 : i32
    %dma_wait3A_1568 = tpu.memref_slice %arg6[%dma_wait3A_1561, %dma_wait3A_1567] : memref<112x128xi32, #tpu.memory_space<vmem>> -> memref<1x128xi32, #tpu.memory_space<vmem>>
    %dma_wait3A_1569 = tpu.memref_squeeze %dma_wait3A_1568 : memref<1x128xi32, #tpu.memory_space<vmem>> -> memref<128xi32, #tpu.memory_space<vmem>>
    %dma_wait3A_1570 = arith.constant 0 : i32
    %dma_wait3A_1571 = arith.constant 0 : i32
    %dma_wait3A_1572 = tpu.memref_slice %arg3[%dma_wait3A_1570, %dma_wait3A_1571] : memref<2600000x32xf32, #tpu.memory_space<hbm>> -> memref<2600000x32xf32, #tpu.memory_space<hbm>>
    tpu.wait_indirect_dma semaphore(%arg8 : memref<!tpu.dma_semaphore, #tpu.memory_space<semaphore_mem>>) src(%dma_wait3A_1572 : memref<2600000x32xf32, #tpu.memory_space<hbm>>) dst(%dma_wait3A_1566 : memref<128x32xf32, #tpu.memory_space<vmem>>)
    %dma_wait3A_1573 = arith.constant 50 : i32
    %dma_wait3A_1574 = arith.constant 0 : i32
    %dma_wait3A_1575 = arith.constant 256 : i32
    %dma_wait3A_1576 = arith.constant 0 : i32
    %dma_wait3A_1577 = tpu.memref_slice %arg7[%dma_wait3A_1574, %dma_wait3A_1575, %dma_wait3A_1576] : memref<2x1024x32xf32, #tpu.memory_space<vmem>> -> memref<1x128x32xf32, #tpu.memory_space<vmem>>
    %dma_wait3A_1578 = tpu.memref_squeeze %dma_wait3A_1577 : memref<1x128x32xf32, #tpu.memory_space<vmem>> -> memref<128x32xf32, #tpu.memory_space<vmem>>
    %dma_wait3A_1579 = arith.constant 0 : i32
    %dma_wait3A_1580 = tpu.memref_slice %arg6[%dma_wait3A_1573, %dma_wait3A_1579] : memref<112x128xi32, #tpu.memory_space<vmem>> -> memref<1x128xi32, #tpu.memory_space<vmem>>
    %dma_wait3A_1581 = tpu.memref_squeeze %dma_wait3A_1580 : memref<1x128xi32, #tpu.memory_space<vmem>> -> memref<128xi32, #tpu.memory_space<vmem>>
    %dma_wait3A_1582 = arith.constant 0 : i32
    %dma_wait3A_1583 = arith.constant 0 : i32
    %dma_wait3A_1584 = tpu.memref_slice %arg3[%dma_wait3A_1582, %dma_wait3A_1583] : memref<2600000x32xf32, #tpu.memory_space<hbm>> -> memref<2600000x32xf32, #tpu.memory_space<hbm>>
    tpu.wait_indirect_dma semaphore(%arg8 : memref<!tpu.dma_semaphore, #tpu.memory_space<semaphore_mem>>) src(%dma_wait3A_1584 : memref<2600000x32xf32, #tpu.memory_space<hbm>>) dst(%dma_wait3A_1578 : memref<128x32xf32, #tpu.memory_space<vmem>>)
    %dma_wait3A_1585 = arith.constant 51 : i32
    %dma_wait3A_1586 = arith.constant 0 : i32
    %dma_wait3A_1587 = arith.constant 384 : i32
    %dma_wait3A_1588 = arith.constant 0 : i32
    %dma_wait3A_1589 = tpu.memref_slice %arg7[%dma_wait3A_1586, %dma_wait3A_1587, %dma_wait3A_1588] : memref<2x1024x32xf32, #tpu.memory_space<vmem>> -> memref<1x128x32xf32, #tpu.memory_space<vmem>>
    %dma_wait3A_1590 = tpu.memref_squeeze %dma_wait3A_1589 : memref<1x128x32xf32, #tpu.memory_space<vmem>> -> memref<128x32xf32, #tpu.memory_space<vmem>>
    %dma_wait3A_1591 = arith.constant 0 : i32
    %dma_wait3A_1592 = tpu.memref_slice %arg6[%dma_wait3A_1585, %dma_wait3A_1591] : memref<112x128xi32, #tpu.memory_space<vmem>> -> memref<1x128xi32, #tpu.memory_space<vmem>>
    %dma_wait3A_1593 = tpu.memref_squeeze %dma_wait3A_1592 : memref<1x128xi32, #tpu.memory_space<vmem>> -> memref<128xi32, #tpu.memory_space<vmem>>
    %dma_wait3A_1594 = arith.constant 0 : i32
    %dma_wait3A_1595 = arith.constant 0 : i32
    %dma_wait3A_1596 = tpu.memref_slice %arg3[%dma_wait3A_1594, %dma_wait3A_1595] : memref<2600000x32xf32, #tpu.memory_space<hbm>> -> memref<2600000x32xf32, #tpu.memory_space<hbm>>
    tpu.wait_indirect_dma semaphore(%arg8 : memref<!tpu.dma_semaphore, #tpu.memory_space<semaphore_mem>>) src(%dma_wait3A_1596 : memref<2600000x32xf32, #tpu.memory_space<hbm>>) dst(%dma_wait3A_1590 : memref<128x32xf32, #tpu.memory_space<vmem>>)
    %dma_wait3A_1597 = arith.constant 52 : i32
    %dma_wait3A_1598 = arith.constant 0 : i32
    %dma_wait3A_1599 = arith.constant 512 : i32
    %dma_wait3A_1600 = arith.constant 0 : i32
    %dma_wait3A_1601 = tpu.memref_slice %arg7[%dma_wait3A_1598, %dma_wait3A_1599, %dma_wait3A_1600] : memref<2x1024x32xf32, #tpu.memory_space<vmem>> -> memref<1x128x32xf32, #tpu.memory_space<vmem>>
    %dma_wait3A_1602 = tpu.memref_squeeze %dma_wait3A_1601 : memref<1x128x32xf32, #tpu.memory_space<vmem>> -> memref<128x32xf32, #tpu.memory_space<vmem>>
    %dma_wait3A_1603 = arith.constant 0 : i32
    %dma_wait3A_1604 = tpu.memref_slice %arg6[%dma_wait3A_1597, %dma_wait3A_1603] : memref<112x128xi32, #tpu.memory_space<vmem>> -> memref<1x128xi32, #tpu.memory_space<vmem>>
    %dma_wait3A_1605 = tpu.memref_squeeze %dma_wait3A_1604 : memref<1x128xi32, #tpu.memory_space<vmem>> -> memref<128xi32, #tpu.memory_space<vmem>>
    %dma_wait3A_1606 = arith.constant 0 : i32
    %dma_wait3A_1607 = arith.constant 0 : i32
    %dma_wait3A_1608 = tpu.memref_slice %arg3[%dma_wait3A_1606, %dma_wait3A_1607] : memref<2600000x32xf32, #tpu.memory_space<hbm>> -> memref<2600000x32xf32, #tpu.memory_space<hbm>>
    tpu.wait_indirect_dma semaphore(%arg8 : memref<!tpu.dma_semaphore, #tpu.memory_space<semaphore_mem>>) src(%dma_wait3A_1608 : memref<2600000x32xf32, #tpu.memory_space<hbm>>) dst(%dma_wait3A_1602 : memref<128x32xf32, #tpu.memory_space<vmem>>)
    %dma_wait3A_1609 = arith.constant 53 : i32
    %dma_wait3A_1610 = arith.constant 0 : i32
    %dma_wait3A_1611 = arith.constant 640 : i32
    %dma_wait3A_1612 = arith.constant 0 : i32
    %dma_wait3A_1613 = tpu.memref_slice %arg7[%dma_wait3A_1610, %dma_wait3A_1611, %dma_wait3A_1612] : memref<2x1024x32xf32, #tpu.memory_space<vmem>> -> memref<1x128x32xf32, #tpu.memory_space<vmem>>
    %dma_wait3A_1614 = tpu.memref_squeeze %dma_wait3A_1613 : memref<1x128x32xf32, #tpu.memory_space<vmem>> -> memref<128x32xf32, #tpu.memory_space<vmem>>
    %dma_wait3A_1615 = arith.constant 0 : i32
    %dma_wait3A_1616 = tpu.memref_slice %arg6[%dma_wait3A_1609, %dma_wait3A_1615] : memref<112x128xi32, #tpu.memory_space<vmem>> -> memref<1x128xi32, #tpu.memory_space<vmem>>
    %dma_wait3A_1617 = tpu.memref_squeeze %dma_wait3A_1616 : memref<1x128xi32, #tpu.memory_space<vmem>> -> memref<128xi32, #tpu.memory_space<vmem>>
    %dma_wait3A_1618 = arith.constant 0 : i32
    %dma_wait3A_1619 = arith.constant 0 : i32
    %dma_wait3A_1620 = tpu.memref_slice %arg3[%dma_wait3A_1618, %dma_wait3A_1619] : memref<2600000x32xf32, #tpu.memory_space<hbm>> -> memref<2600000x32xf32, #tpu.memory_space<hbm>>
    tpu.wait_indirect_dma semaphore(%arg8 : memref<!tpu.dma_semaphore, #tpu.memory_space<semaphore_mem>>) src(%dma_wait3A_1620 : memref<2600000x32xf32, #tpu.memory_space<hbm>>) dst(%dma_wait3A_1614 : memref<128x32xf32, #tpu.memory_space<vmem>>)
    %dma_wait3A_1621 = arith.constant 54 : i32
    %dma_wait3A_1622 = arith.constant 0 : i32
    %dma_wait3A_1623 = arith.constant 768 : i32
    %dma_wait3A_1624 = arith.constant 0 : i32
    %dma_wait3A_1625 = tpu.memref_slice %arg7[%dma_wait3A_1622, %dma_wait3A_1623, %dma_wait3A_1624] : memref<2x1024x32xf32, #tpu.memory_space<vmem>> -> memref<1x128x32xf32, #tpu.memory_space<vmem>>
    %dma_wait3A_1626 = tpu.memref_squeeze %dma_wait3A_1625 : memref<1x128x32xf32, #tpu.memory_space<vmem>> -> memref<128x32xf32, #tpu.memory_space<vmem>>
    %dma_wait3A_1627 = arith.constant 0 : i32
    %dma_wait3A_1628 = tpu.memref_slice %arg6[%dma_wait3A_1621, %dma_wait3A_1627] : memref<112x128xi32, #tpu.memory_space<vmem>> -> memref<1x128xi32, #tpu.memory_space<vmem>>
    %dma_wait3A_1629 = tpu.memref_squeeze %dma_wait3A_1628 : memref<1x128xi32, #tpu.memory_space<vmem>> -> memref<128xi32, #tpu.memory_space<vmem>>
    %dma_wait3A_1630 = arith.constant 0 : i32
    %dma_wait3A_1631 = arith.constant 0 : i32
    %dma_wait3A_1632 = tpu.memref_slice %arg3[%dma_wait3A_1630, %dma_wait3A_1631] : memref<2600000x32xf32, #tpu.memory_space<hbm>> -> memref<2600000x32xf32, #tpu.memory_space<hbm>>
    tpu.wait_indirect_dma semaphore(%arg8 : memref<!tpu.dma_semaphore, #tpu.memory_space<semaphore_mem>>) src(%dma_wait3A_1632 : memref<2600000x32xf32, #tpu.memory_space<hbm>>) dst(%dma_wait3A_1626 : memref<128x32xf32, #tpu.memory_space<vmem>>)
    %dma_wait3A_1633 = arith.constant 55 : i32
    %dma_wait3A_1634 = arith.constant 0 : i32
    %dma_wait3A_1635 = arith.constant 896 : i32
    %dma_wait3A_1636 = arith.constant 0 : i32
    %dma_wait3A_1637 = tpu.memref_slice %arg7[%dma_wait3A_1634, %dma_wait3A_1635, %dma_wait3A_1636] : memref<2x1024x32xf32, #tpu.memory_space<vmem>> -> memref<1x128x32xf32, #tpu.memory_space<vmem>>
    %dma_wait3A_1638 = tpu.memref_squeeze %dma_wait3A_1637 : memref<1x128x32xf32, #tpu.memory_space<vmem>> -> memref<128x32xf32, #tpu.memory_space<vmem>>
    %dma_wait3A_1639 = arith.constant 0 : i32
    %dma_wait3A_1640 = tpu.memref_slice %arg6[%dma_wait3A_1633, %dma_wait3A_1639] : memref<112x128xi32, #tpu.memory_space<vmem>> -> memref<1x128xi32, #tpu.memory_space<vmem>>
    %dma_wait3A_1641 = tpu.memref_squeeze %dma_wait3A_1640 : memref<1x128xi32, #tpu.memory_space<vmem>> -> memref<128xi32, #tpu.memory_space<vmem>>
    %dma_wait3A_1642 = arith.constant 0 : i32
    %dma_wait3A_1643 = arith.constant 0 : i32
    %dma_wait3A_1644 = tpu.memref_slice %arg3[%dma_wait3A_1642, %dma_wait3A_1643] : memref<2600000x32xf32, #tpu.memory_space<hbm>> -> memref<2600000x32xf32, #tpu.memory_space<hbm>>
    tpu.wait_indirect_dma semaphore(%arg8 : memref<!tpu.dma_semaphore, #tpu.memory_space<semaphore_mem>>) src(%dma_wait3A_1644 : memref<2600000x32xf32, #tpu.memory_space<hbm>>) dst(%dma_wait3A_1638 : memref<128x32xf32, #tpu.memory_space<vmem>>)
    %mul3A_1645 = arith.constant 2048 : i32
    %mul3A_1646 = arith.muli %add3A, %mul3A_1645 : i32
    %add3A_1647 = arith.constant 196608 : i32
    %add3A_1648 = arith.addi %add3A_1647, %mul3A_1646 : i32
    %add3A_1649 = arith.constant 0 : i32
    %add3A_1650 = arith.addi %add3A_1648, %add3A_1649 : i32
    %dma_start3A_1651 = arith.constant 0 : i32
    %dma_start3A_1652 = arith.constant 0 : i32
    %dma_start3A_1653 = arith.constant 0 : i32
    %dma_start3A_1654 = tpu.memref_slice %arg7[%dma_start3A_1651, %dma_start3A_1652, %dma_start3A_1653] : memref<2x1024x32xf32, #tpu.memory_space<vmem>> -> memref<1x1024x32xf32, #tpu.memory_space<vmem>>
    %dma_start3A_1655 = tpu.memref_squeeze %dma_start3A_1654 : memref<1x1024x32xf32, #tpu.memory_space<vmem>> -> memref<1024x32xf32, #tpu.memory_space<vmem>>
    %dma_start3A_1656 = arith.constant 0 : i32
    %dma_start3A_1657 = tpu.memref_slice %arg4[%add3A_1650, %dma_start3A_1656] : memref<458752x32xf32, #tpu.memory_space<hbm>> -> memref<1024x32xf32, #tpu.memory_space<hbm>>
    %dma_start3A_1658 = arith.constant 0 : i32
    %dma_start3A_1659 = tpu.memref_slice %arg4[%add3A_1650, %dma_start3A_1658] : memref<458752x32xf32, #tpu.memory_space<hbm>> -> memref<1024x32xf32, #tpu.memory_space<hbm>>
    %dma_start3A_1660 = arith.constant 0 : i32
    %dma_start3A_1661 = arith.constant 0 : i32
    %dma_start3A_1662 = tpu.memref_slice %arg7[%dma_start3A_1651, %dma_start3A_1660, %dma_start3A_1661] : memref<2x1024x32xf32, #tpu.memory_space<vmem>> -> memref<1x1024x32xf32, #tpu.memory_space<vmem>>
    %dma_start3A_1663 = tpu.memref_squeeze %dma_start3A_1662 : memref<1x1024x32xf32, #tpu.memory_space<vmem>> -> memref<1024x32xf32, #tpu.memory_space<vmem>>
    tpu.enqueue_dma source(%dma_start3A_1663 : memref<1024x32xf32, #tpu.memory_space<vmem>>) target(%dma_start3A_1659 : memref<1024x32xf32, #tpu.memory_space<hbm>>) target_semaphore(%arg9 : memref<!tpu.dma_semaphore, #tpu.memory_space<semaphore_mem>>)
    %dma_wait3A_1664 = arith.constant 0 : i32
    %dma_wait3A_1665 = arith.constant 0 : i32
    %dma_wait3A_1666 = arith.constant 0 : i32
    %dma_wait3A_1667 = tpu.memref_slice %arg7[%dma_wait3A_1664, %dma_wait3A_1665, %dma_wait3A_1666] : memref<2x1024x32xf32, #tpu.memory_space<vmem>> -> memref<1x1024x32xf32, #tpu.memory_space<vmem>>
    %dma_wait3A_1668 = tpu.memref_squeeze %dma_wait3A_1667 : memref<1x1024x32xf32, #tpu.memory_space<vmem>> -> memref<1024x32xf32, #tpu.memory_space<vmem>>
    %dma_wait3A_1669 = arith.constant 0 : i32
    %dma_wait3A_1670 = tpu.memref_slice %arg4[%add3A_1650, %dma_wait3A_1669] : memref<458752x32xf32, #tpu.memory_space<hbm>> -> memref<1024x32xf32, #tpu.memory_space<hbm>>
    %dma_wait3A_1671 = arith.constant 0 : i32
    %dma_wait3A_1672 = tpu.memref_slice %arg4[%add3A_1650, %dma_wait3A_1671] : memref<458752x32xf32, #tpu.memory_space<hbm>> -> memref<1024x32xf32, #tpu.memory_space<hbm>>
    %dma_wait3A_1673 = arith.constant 0 : i32
    %dma_wait3A_1674 = arith.constant 0 : i32
    %dma_wait3A_1675 = tpu.memref_slice %arg7[%dma_wait3A_1664, %dma_wait3A_1673, %dma_wait3A_1674] : memref<2x1024x32xf32, #tpu.memory_space<vmem>> -> memref<1x1024x32xf32, #tpu.memory_space<vmem>>
    %dma_wait3A_1676 = tpu.memref_squeeze %dma_wait3A_1675 : memref<1x1024x32xf32, #tpu.memory_space<vmem>> -> memref<1024x32xf32, #tpu.memory_space<vmem>>
    tpu.wait_dma2 semaphore(%arg9 : memref<!tpu.dma_semaphore, #tpu.memory_space<semaphore_mem>>) src(%dma_wait3A_1676 : memref<1024x32xf32, #tpu.memory_space<vmem>>) dst(%dma_wait3A_1672 : memref<1024x32xf32, #tpu.memory_space<hbm>>)
    %dma_start3A_1677 = arith.constant 64 : i32
    %dma_start3A_1678 = arith.constant 0 : i32
    %dma_start3A_1679 = arith.constant 0 : i32
    %dma_start3A_1680 = arith.constant 0 : i32
    %dma_start3A_1681 = tpu.memref_slice %arg7[%dma_start3A_1678, %dma_start3A_1679, %dma_start3A_1680] : memref<2x1024x32xf32, #tpu.memory_space<vmem>> -> memref<1x128x32xf32, #tpu.memory_space<vmem>>
    %dma_start3A_1682 = tpu.memref_squeeze %dma_start3A_1681 : memref<1x128x32xf32, #tpu.memory_space<vmem>> -> memref<128x32xf32, #tpu.memory_space<vmem>>
    %dma_start3A_1683 = arith.constant 0 : i32
    %dma_start3A_1684 = tpu.memref_slice %arg6[%dma_start3A_1677, %dma_start3A_1683] : memref<112x128xi32, #tpu.memory_space<vmem>> -> memref<1x128xi32, #tpu.memory_space<vmem>>
    %dma_start3A_1685 = tpu.memref_squeeze %dma_start3A_1684 : memref<1x128xi32, #tpu.memory_space<vmem>> -> memref<128xi32, #tpu.memory_space<vmem>>
    %dma_start3A_1686 = arith.constant 0 : i32
    %dma_start3A_1687 = arith.constant 0 : i32
    %dma_start3A_1688 = tpu.memref_slice %arg3[%dma_start3A_1686, %dma_start3A_1687] : memref<2600000x32xf32, #tpu.memory_space<hbm>> -> memref<2600000x32xf32, #tpu.memory_space<hbm>>
    tpu.enqueue_indirect_dma source(%dma_start3A_1688 : memref<2600000x32xf32, #tpu.memory_space<hbm>>) target(%dma_start3A_1682 : memref<128x32xf32, #tpu.memory_space<vmem>>) offsets(%dma_start3A_1685 : memref<128xi32, #tpu.memory_space<vmem>>) semaphore(%arg8 : memref<!tpu.dma_semaphore, #tpu.memory_space<semaphore_mem>>)
    %dma_start3A_1689 = arith.constant 65 : i32
    %dma_start3A_1690 = arith.constant 0 : i32
    %dma_start3A_1691 = arith.constant 128 : i32
    %dma_start3A_1692 = arith.constant 0 : i32
    %dma_start3A_1693 = tpu.memref_slice %arg7[%dma_start3A_1690, %dma_start3A_1691, %dma_start3A_1692] : memref<2x1024x32xf32, #tpu.memory_space<vmem>> -> memref<1x128x32xf32, #tpu.memory_space<vmem>>
    %dma_start3A_1694 = tpu.memref_squeeze %dma_start3A_1693 : memref<1x128x32xf32, #tpu.memory_space<vmem>> -> memref<128x32xf32, #tpu.memory_space<vmem>>
    %dma_start3A_1695 = arith.constant 0 : i32
    %dma_start3A_1696 = tpu.memref_slice %arg6[%dma_start3A_1689, %dma_start3A_1695] : memref<112x128xi32, #tpu.memory_space<vmem>> -> memref<1x128xi32, #tpu.memory_space<vmem>>
    %dma_start3A_1697 = tpu.memref_squeeze %dma_start3A_1696 : memref<1x128xi32, #tpu.memory_space<vmem>> -> memref<128xi32, #tpu.memory_space<vmem>>
    %dma_start3A_1698 = arith.constant 0 : i32
    %dma_start3A_1699 = arith.constant 0 : i32
    %dma_start3A_1700 = tpu.memref_slice %arg3[%dma_start3A_1698, %dma_start3A_1699] : memref<2600000x32xf32, #tpu.memory_space<hbm>> -> memref<2600000x32xf32, #tpu.memory_space<hbm>>
    tpu.enqueue_indirect_dma source(%dma_start3A_1700 : memref<2600000x32xf32, #tpu.memory_space<hbm>>) target(%dma_start3A_1694 : memref<128x32xf32, #tpu.memory_space<vmem>>) offsets(%dma_start3A_1697 : memref<128xi32, #tpu.memory_space<vmem>>) semaphore(%arg8 : memref<!tpu.dma_semaphore, #tpu.memory_space<semaphore_mem>>)
    %dma_start3A_1701 = arith.constant 66 : i32
    %dma_start3A_1702 = arith.constant 0 : i32
    %dma_start3A_1703 = arith.constant 256 : i32
    %dma_start3A_1704 = arith.constant 0 : i32
    %dma_start3A_1705 = tpu.memref_slice %arg7[%dma_start3A_1702, %dma_start3A_1703, %dma_start3A_1704] : memref<2x1024x32xf32, #tpu.memory_space<vmem>> -> memref<1x128x32xf32, #tpu.memory_space<vmem>>
    %dma_start3A_1706 = tpu.memref_squeeze %dma_start3A_1705 : memref<1x128x32xf32, #tpu.memory_space<vmem>> -> memref<128x32xf32, #tpu.memory_space<vmem>>
    %dma_start3A_1707 = arith.constant 0 : i32
    %dma_start3A_1708 = tpu.memref_slice %arg6[%dma_start3A_1701, %dma_start3A_1707] : memref<112x128xi32, #tpu.memory_space<vmem>> -> memref<1x128xi32, #tpu.memory_space<vmem>>
    %dma_start3A_1709 = tpu.memref_squeeze %dma_start3A_1708 : memref<1x128xi32, #tpu.memory_space<vmem>> -> memref<128xi32, #tpu.memory_space<vmem>>
    %dma_start3A_1710 = arith.constant 0 : i32
    %dma_start3A_1711 = arith.constant 0 : i32
    %dma_start3A_1712 = tpu.memref_slice %arg3[%dma_start3A_1710, %dma_start3A_1711] : memref<2600000x32xf32, #tpu.memory_space<hbm>> -> memref<2600000x32xf32, #tpu.memory_space<hbm>>
    tpu.enqueue_indirect_dma source(%dma_start3A_1712 : memref<2600000x32xf32, #tpu.memory_space<hbm>>) target(%dma_start3A_1706 : memref<128x32xf32, #tpu.memory_space<vmem>>) offsets(%dma_start3A_1709 : memref<128xi32, #tpu.memory_space<vmem>>) semaphore(%arg8 : memref<!tpu.dma_semaphore, #tpu.memory_space<semaphore_mem>>)
    %dma_start3A_1713 = arith.constant 67 : i32
    %dma_start3A_1714 = arith.constant 0 : i32
    %dma_start3A_1715 = arith.constant 384 : i32
    %dma_start3A_1716 = arith.constant 0 : i32
    %dma_start3A_1717 = tpu.memref_slice %arg7[%dma_start3A_1714, %dma_start3A_1715, %dma_start3A_1716] : memref<2x1024x32xf32, #tpu.memory_space<vmem>> -> memref<1x128x32xf32, #tpu.memory_space<vmem>>
    %dma_start3A_1718 = tpu.memref_squeeze %dma_start3A_1717 : memref<1x128x32xf32, #tpu.memory_space<vmem>> -> memref<128x32xf32, #tpu.memory_space<vmem>>
    %dma_start3A_1719 = arith.constant 0 : i32
    %dma_start3A_1720 = tpu.memref_slice %arg6[%dma_start3A_1713, %dma_start3A_1719] : memref<112x128xi32, #tpu.memory_space<vmem>> -> memref<1x128xi32, #tpu.memory_space<vmem>>
    %dma_start3A_1721 = tpu.memref_squeeze %dma_start3A_1720 : memref<1x128xi32, #tpu.memory_space<vmem>> -> memref<128xi32, #tpu.memory_space<vmem>>
    %dma_start3A_1722 = arith.constant 0 : i32
    %dma_start3A_1723 = arith.constant 0 : i32
    %dma_start3A_1724 = tpu.memref_slice %arg3[%dma_start3A_1722, %dma_start3A_1723] : memref<2600000x32xf32, #tpu.memory_space<hbm>> -> memref<2600000x32xf32, #tpu.memory_space<hbm>>
    tpu.enqueue_indirect_dma source(%dma_start3A_1724 : memref<2600000x32xf32, #tpu.memory_space<hbm>>) target(%dma_start3A_1718 : memref<128x32xf32, #tpu.memory_space<vmem>>) offsets(%dma_start3A_1721 : memref<128xi32, #tpu.memory_space<vmem>>) semaphore(%arg8 : memref<!tpu.dma_semaphore, #tpu.memory_space<semaphore_mem>>)
    %dma_start3A_1725 = arith.constant 68 : i32
    %dma_start3A_1726 = arith.constant 0 : i32
    %dma_start3A_1727 = arith.constant 512 : i32
    %dma_start3A_1728 = arith.constant 0 : i32
    %dma_start3A_1729 = tpu.memref_slice %arg7[%dma_start3A_1726, %dma_start3A_1727, %dma_start3A_1728] : memref<2x1024x32xf32, #tpu.memory_space<vmem>> -> memref<1x128x32xf32, #tpu.memory_space<vmem>>
    %dma_start3A_1730 = tpu.memref_squeeze %dma_start3A_1729 : memref<1x128x32xf32, #tpu.memory_space<vmem>> -> memref<128x32xf32, #tpu.memory_space<vmem>>
    %dma_start3A_1731 = arith.constant 0 : i32
    %dma_start3A_1732 = tpu.memref_slice %arg6[%dma_start3A_1725, %dma_start3A_1731] : memref<112x128xi32, #tpu.memory_space<vmem>> -> memref<1x128xi32, #tpu.memory_space<vmem>>
    %dma_start3A_1733 = tpu.memref_squeeze %dma_start3A_1732 : memref<1x128xi32, #tpu.memory_space<vmem>> -> memref<128xi32, #tpu.memory_space<vmem>>
    %dma_start3A_1734 = arith.constant 0 : i32
    %dma_start3A_1735 = arith.constant 0 : i32
    %dma_start3A_1736 = tpu.memref_slice %arg3[%dma_start3A_1734, %dma_start3A_1735] : memref<2600000x32xf32, #tpu.memory_space<hbm>> -> memref<2600000x32xf32, #tpu.memory_space<hbm>>
    tpu.enqueue_indirect_dma source(%dma_start3A_1736 : memref<2600000x32xf32, #tpu.memory_space<hbm>>) target(%dma_start3A_1730 : memref<128x32xf32, #tpu.memory_space<vmem>>) offsets(%dma_start3A_1733 : memref<128xi32, #tpu.memory_space<vmem>>) semaphore(%arg8 : memref<!tpu.dma_semaphore, #tpu.memory_space<semaphore_mem>>)
    %dma_start3A_1737 = arith.constant 69 : i32
    %dma_start3A_1738 = arith.constant 0 : i32
    %dma_start3A_1739 = arith.constant 640 : i32
    %dma_start3A_1740 = arith.constant 0 : i32
    %dma_start3A_1741 = tpu.memref_slice %arg7[%dma_start3A_1738, %dma_start3A_1739, %dma_start3A_1740] : memref<2x1024x32xf32, #tpu.memory_space<vmem>> -> memref<1x128x32xf32, #tpu.memory_space<vmem>>
    %dma_start3A_1742 = tpu.memref_squeeze %dma_start3A_1741 : memref<1x128x32xf32, #tpu.memory_space<vmem>> -> memref<128x32xf32, #tpu.memory_space<vmem>>
    %dma_start3A_1743 = arith.constant 0 : i32
    %dma_start3A_1744 = tpu.memref_slice %arg6[%dma_start3A_1737, %dma_start3A_1743] : memref<112x128xi32, #tpu.memory_space<vmem>> -> memref<1x128xi32, #tpu.memory_space<vmem>>
    %dma_start3A_1745 = tpu.memref_squeeze %dma_start3A_1744 : memref<1x128xi32, #tpu.memory_space<vmem>> -> memref<128xi32, #tpu.memory_space<vmem>>
    %dma_start3A_1746 = arith.constant 0 : i32
    %dma_start3A_1747 = arith.constant 0 : i32
    %dma_start3A_1748 = tpu.memref_slice %arg3[%dma_start3A_1746, %dma_start3A_1747] : memref<2600000x32xf32, #tpu.memory_space<hbm>> -> memref<2600000x32xf32, #tpu.memory_space<hbm>>
    tpu.enqueue_indirect_dma source(%dma_start3A_1748 : memref<2600000x32xf32, #tpu.memory_space<hbm>>) target(%dma_start3A_1742 : memref<128x32xf32, #tpu.memory_space<vmem>>) offsets(%dma_start3A_1745 : memref<128xi32, #tpu.memory_space<vmem>>) semaphore(%arg8 : memref<!tpu.dma_semaphore, #tpu.memory_space<semaphore_mem>>)
    %dma_start3A_1749 = arith.constant 70 : i32
    %dma_start3A_1750 = arith.constant 0 : i32
    %dma_start3A_1751 = arith.constant 768 : i32
    %dma_start3A_1752 = arith.constant 0 : i32
    %dma_start3A_1753 = tpu.memref_slice %arg7[%dma_start3A_1750, %dma_start3A_1751, %dma_start3A_1752] : memref<2x1024x32xf32, #tpu.memory_space<vmem>> -> memref<1x128x32xf32, #tpu.memory_space<vmem>>
    %dma_start3A_1754 = tpu.memref_squeeze %dma_start3A_1753 : memref<1x128x32xf32, #tpu.memory_space<vmem>> -> memref<128x32xf32, #tpu.memory_space<vmem>>
    %dma_start3A_1755 = arith.constant 0 : i32
    %dma_start3A_1756 = tpu.memref_slice %arg6[%dma_start3A_1749, %dma_start3A_1755] : memref<112x128xi32, #tpu.memory_space<vmem>> -> memref<1x128xi32, #tpu.memory_space<vmem>>
    %dma_start3A_1757 = tpu.memref_squeeze %dma_start3A_1756 : memref<1x128xi32, #tpu.memory_space<vmem>> -> memref<128xi32, #tpu.memory_space<vmem>>
    %dma_start3A_1758 = arith.constant 0 : i32
    %dma_start3A_1759 = arith.constant 0 : i32
    %dma_start3A_1760 = tpu.memref_slice %arg3[%dma_start3A_1758, %dma_start3A_1759] : memref<2600000x32xf32, #tpu.memory_space<hbm>> -> memref<2600000x32xf32, #tpu.memory_space<hbm>>
    tpu.enqueue_indirect_dma source(%dma_start3A_1760 : memref<2600000x32xf32, #tpu.memory_space<hbm>>) target(%dma_start3A_1754 : memref<128x32xf32, #tpu.memory_space<vmem>>) offsets(%dma_start3A_1757 : memref<128xi32, #tpu.memory_space<vmem>>) semaphore(%arg8 : memref<!tpu.dma_semaphore, #tpu.memory_space<semaphore_mem>>)
    %dma_start3A_1761 = arith.constant 71 : i32
    %dma_start3A_1762 = arith.constant 0 : i32
    %dma_start3A_1763 = arith.constant 896 : i32
    %dma_start3A_1764 = arith.constant 0 : i32
    %dma_start3A_1765 = tpu.memref_slice %arg7[%dma_start3A_1762, %dma_start3A_1763, %dma_start3A_1764] : memref<2x1024x32xf32, #tpu.memory_space<vmem>> -> memref<1x128x32xf32, #tpu.memory_space<vmem>>
    %dma_start3A_1766 = tpu.memref_squeeze %dma_start3A_1765 : memref<1x128x32xf32, #tpu.memory_space<vmem>> -> memref<128x32xf32, #tpu.memory_space<vmem>>
    %dma_start3A_1767 = arith.constant 0 : i32
    %dma_start3A_1768 = tpu.memref_slice %arg6[%dma_start3A_1761, %dma_start3A_1767] : memref<112x128xi32, #tpu.memory_space<vmem>> -> memref<1x128xi32, #tpu.memory_space<vmem>>
    %dma_start3A_1769 = tpu.memref_squeeze %dma_start3A_1768 : memref<1x128xi32, #tpu.memory_space<vmem>> -> memref<128xi32, #tpu.memory_space<vmem>>
    %dma_start3A_1770 = arith.constant 0 : i32
    %dma_start3A_1771 = arith.constant 0 : i32
    %dma_start3A_1772 = tpu.memref_slice %arg3[%dma_start3A_1770, %dma_start3A_1771] : memref<2600000x32xf32, #tpu.memory_space<hbm>> -> memref<2600000x32xf32, #tpu.memory_space<hbm>>
    tpu.enqueue_indirect_dma source(%dma_start3A_1772 : memref<2600000x32xf32, #tpu.memory_space<hbm>>) target(%dma_start3A_1766 : memref<128x32xf32, #tpu.memory_space<vmem>>) offsets(%dma_start3A_1769 : memref<128xi32, #tpu.memory_space<vmem>>) semaphore(%arg8 : memref<!tpu.dma_semaphore, #tpu.memory_space<semaphore_mem>>)
    %dma_wait3A_1773 = arith.constant 56 : i32
    %dma_wait3A_1774 = arith.constant 1 : i32
    %dma_wait3A_1775 = arith.constant 0 : i32
    %dma_wait3A_1776 = arith.constant 0 : i32
    %dma_wait3A_1777 = tpu.memref_slice %arg7[%dma_wait3A_1774, %dma_wait3A_1775, %dma_wait3A_1776] : memref<2x1024x32xf32, #tpu.memory_space<vmem>> -> memref<1x128x32xf32, #tpu.memory_space<vmem>>
    %dma_wait3A_1778 = tpu.memref_squeeze %dma_wait3A_1777 : memref<1x128x32xf32, #tpu.memory_space<vmem>> -> memref<128x32xf32, #tpu.memory_space<vmem>>
    %dma_wait3A_1779 = arith.constant 0 : i32
    %dma_wait3A_1780 = tpu.memref_slice %arg6[%dma_wait3A_1773, %dma_wait3A_1779] : memref<112x128xi32, #tpu.memory_space<vmem>> -> memref<1x128xi32, #tpu.memory_space<vmem>>
    %dma_wait3A_1781 = tpu.memref_squeeze %dma_wait3A_1780 : memref<1x128xi32, #tpu.memory_space<vmem>> -> memref<128xi32, #tpu.memory_space<vmem>>
    %dma_wait3A_1782 = arith.constant 0 : i32
    %dma_wait3A_1783 = arith.constant 0 : i32
    %dma_wait3A_1784 = tpu.memref_slice %arg3[%dma_wait3A_1782, %dma_wait3A_1783] : memref<2600000x32xf32, #tpu.memory_space<hbm>> -> memref<2600000x32xf32, #tpu.memory_space<hbm>>
    tpu.wait_indirect_dma semaphore(%arg8 : memref<!tpu.dma_semaphore, #tpu.memory_space<semaphore_mem>>) src(%dma_wait3A_1784 : memref<2600000x32xf32, #tpu.memory_space<hbm>>) dst(%dma_wait3A_1778 : memref<128x32xf32, #tpu.memory_space<vmem>>)
    %dma_wait3A_1785 = arith.constant 57 : i32
    %dma_wait3A_1786 = arith.constant 1 : i32
    %dma_wait3A_1787 = arith.constant 128 : i32
    %dma_wait3A_1788 = arith.constant 0 : i32
    %dma_wait3A_1789 = tpu.memref_slice %arg7[%dma_wait3A_1786, %dma_wait3A_1787, %dma_wait3A_1788] : memref<2x1024x32xf32, #tpu.memory_space<vmem>> -> memref<1x128x32xf32, #tpu.memory_space<vmem>>
    %dma_wait3A_1790 = tpu.memref_squeeze %dma_wait3A_1789 : memref<1x128x32xf32, #tpu.memory_space<vmem>> -> memref<128x32xf32, #tpu.memory_space<vmem>>
    %dma_wait3A_1791 = arith.constant 0 : i32
    %dma_wait3A_1792 = tpu.memref_slice %arg6[%dma_wait3A_1785, %dma_wait3A_1791] : memref<112x128xi32, #tpu.memory_space<vmem>> -> memref<1x128xi32, #tpu.memory_space<vmem>>
    %dma_wait3A_1793 = tpu.memref_squeeze %dma_wait3A_1792 : memref<1x128xi32, #tpu.memory_space<vmem>> -> memref<128xi32, #tpu.memory_space<vmem>>
    %dma_wait3A_1794 = arith.constant 0 : i32
    %dma_wait3A_1795 = arith.constant 0 : i32
    %dma_wait3A_1796 = tpu.memref_slice %arg3[%dma_wait3A_1794, %dma_wait3A_1795] : memref<2600000x32xf32, #tpu.memory_space<hbm>> -> memref<2600000x32xf32, #tpu.memory_space<hbm>>
    tpu.wait_indirect_dma semaphore(%arg8 : memref<!tpu.dma_semaphore, #tpu.memory_space<semaphore_mem>>) src(%dma_wait3A_1796 : memref<2600000x32xf32, #tpu.memory_space<hbm>>) dst(%dma_wait3A_1790 : memref<128x32xf32, #tpu.memory_space<vmem>>)
    %dma_wait3A_1797 = arith.constant 58 : i32
    %dma_wait3A_1798 = arith.constant 1 : i32
    %dma_wait3A_1799 = arith.constant 256 : i32
    %dma_wait3A_1800 = arith.constant 0 : i32
    %dma_wait3A_1801 = tpu.memref_slice %arg7[%dma_wait3A_1798, %dma_wait3A_1799, %dma_wait3A_1800] : memref<2x1024x32xf32, #tpu.memory_space<vmem>> -> memref<1x128x32xf32, #tpu.memory_space<vmem>>
    %dma_wait3A_1802 = tpu.memref_squeeze %dma_wait3A_1801 : memref<1x128x32xf32, #tpu.memory_space<vmem>> -> memref<128x32xf32, #tpu.memory_space<vmem>>
    %dma_wait3A_1803 = arith.constant 0 : i32
    %dma_wait3A_1804 = tpu.memref_slice %arg6[%dma_wait3A_1797, %dma_wait3A_1803] : memref<112x128xi32, #tpu.memory_space<vmem>> -> memref<1x128xi32, #tpu.memory_space<vmem>>
    %dma_wait3A_1805 = tpu.memref_squeeze %dma_wait3A_1804 : memref<1x128xi32, #tpu.memory_space<vmem>> -> memref<128xi32, #tpu.memory_space<vmem>>
    %dma_wait3A_1806 = arith.constant 0 : i32
    %dma_wait3A_1807 = arith.constant 0 : i32
    %dma_wait3A_1808 = tpu.memref_slice %arg3[%dma_wait3A_1806, %dma_wait3A_1807] : memref<2600000x32xf32, #tpu.memory_space<hbm>> -> memref<2600000x32xf32, #tpu.memory_space<hbm>>
    tpu.wait_indirect_dma semaphore(%arg8 : memref<!tpu.dma_semaphore, #tpu.memory_space<semaphore_mem>>) src(%dma_wait3A_1808 : memref<2600000x32xf32, #tpu.memory_space<hbm>>) dst(%dma_wait3A_1802 : memref<128x32xf32, #tpu.memory_space<vmem>>)
    %dma_wait3A_1809 = arith.constant 59 : i32
    %dma_wait3A_1810 = arith.constant 1 : i32
    %dma_wait3A_1811 = arith.constant 384 : i32
    %dma_wait3A_1812 = arith.constant 0 : i32
    %dma_wait3A_1813 = tpu.memref_slice %arg7[%dma_wait3A_1810, %dma_wait3A_1811, %dma_wait3A_1812] : memref<2x1024x32xf32, #tpu.memory_space<vmem>> -> memref<1x128x32xf32, #tpu.memory_space<vmem>>
    %dma_wait3A_1814 = tpu.memref_squeeze %dma_wait3A_1813 : memref<1x128x32xf32, #tpu.memory_space<vmem>> -> memref<128x32xf32, #tpu.memory_space<vmem>>
    %dma_wait3A_1815 = arith.constant 0 : i32
    %dma_wait3A_1816 = tpu.memref_slice %arg6[%dma_wait3A_1809, %dma_wait3A_1815] : memref<112x128xi32, #tpu.memory_space<vmem>> -> memref<1x128xi32, #tpu.memory_space<vmem>>
    %dma_wait3A_1817 = tpu.memref_squeeze %dma_wait3A_1816 : memref<1x128xi32, #tpu.memory_space<vmem>> -> memref<128xi32, #tpu.memory_space<vmem>>
    %dma_wait3A_1818 = arith.constant 0 : i32
    %dma_wait3A_1819 = arith.constant 0 : i32
    %dma_wait3A_1820 = tpu.memref_slice %arg3[%dma_wait3A_1818, %dma_wait3A_1819] : memref<2600000x32xf32, #tpu.memory_space<hbm>> -> memref<2600000x32xf32, #tpu.memory_space<hbm>>
    tpu.wait_indirect_dma semaphore(%arg8 : memref<!tpu.dma_semaphore, #tpu.memory_space<semaphore_mem>>) src(%dma_wait3A_1820 : memref<2600000x32xf32, #tpu.memory_space<hbm>>) dst(%dma_wait3A_1814 : memref<128x32xf32, #tpu.memory_space<vmem>>)
    %dma_wait3A_1821 = arith.constant 60 : i32
    %dma_wait3A_1822 = arith.constant 1 : i32
    %dma_wait3A_1823 = arith.constant 512 : i32
    %dma_wait3A_1824 = arith.constant 0 : i32
    %dma_wait3A_1825 = tpu.memref_slice %arg7[%dma_wait3A_1822, %dma_wait3A_1823, %dma_wait3A_1824] : memref<2x1024x32xf32, #tpu.memory_space<vmem>> -> memref<1x128x32xf32, #tpu.memory_space<vmem>>
    %dma_wait3A_1826 = tpu.memref_squeeze %dma_wait3A_1825 : memref<1x128x32xf32, #tpu.memory_space<vmem>> -> memref<128x32xf32, #tpu.memory_space<vmem>>
    %dma_wait3A_1827 = arith.constant 0 : i32
    %dma_wait3A_1828 = tpu.memref_slice %arg6[%dma_wait3A_1821, %dma_wait3A_1827] : memref<112x128xi32, #tpu.memory_space<vmem>> -> memref<1x128xi32, #tpu.memory_space<vmem>>
    %dma_wait3A_1829 = tpu.memref_squeeze %dma_wait3A_1828 : memref<1x128xi32, #tpu.memory_space<vmem>> -> memref<128xi32, #tpu.memory_space<vmem>>
    %dma_wait3A_1830 = arith.constant 0 : i32
    %dma_wait3A_1831 = arith.constant 0 : i32
    %dma_wait3A_1832 = tpu.memref_slice %arg3[%dma_wait3A_1830, %dma_wait3A_1831] : memref<2600000x32xf32, #tpu.memory_space<hbm>> -> memref<2600000x32xf32, #tpu.memory_space<hbm>>
    tpu.wait_indirect_dma semaphore(%arg8 : memref<!tpu.dma_semaphore, #tpu.memory_space<semaphore_mem>>) src(%dma_wait3A_1832 : memref<2600000x32xf32, #tpu.memory_space<hbm>>) dst(%dma_wait3A_1826 : memref<128x32xf32, #tpu.memory_space<vmem>>)
    %dma_wait3A_1833 = arith.constant 61 : i32
    %dma_wait3A_1834 = arith.constant 1 : i32
    %dma_wait3A_1835 = arith.constant 640 : i32
    %dma_wait3A_1836 = arith.constant 0 : i32
    %dma_wait3A_1837 = tpu.memref_slice %arg7[%dma_wait3A_1834, %dma_wait3A_1835, %dma_wait3A_1836] : memref<2x1024x32xf32, #tpu.memory_space<vmem>> -> memref<1x128x32xf32, #tpu.memory_space<vmem>>
    %dma_wait3A_1838 = tpu.memref_squeeze %dma_wait3A_1837 : memref<1x128x32xf32, #tpu.memory_space<vmem>> -> memref<128x32xf32, #tpu.memory_space<vmem>>
    %dma_wait3A_1839 = arith.constant 0 : i32
    %dma_wait3A_1840 = tpu.memref_slice %arg6[%dma_wait3A_1833, %dma_wait3A_1839] : memref<112x128xi32, #tpu.memory_space<vmem>> -> memref<1x128xi32, #tpu.memory_space<vmem>>
    %dma_wait3A_1841 = tpu.memref_squeeze %dma_wait3A_1840 : memref<1x128xi32, #tpu.memory_space<vmem>> -> memref<128xi32, #tpu.memory_space<vmem>>
    %dma_wait3A_1842 = arith.constant 0 : i32
    %dma_wait3A_1843 = arith.constant 0 : i32
    %dma_wait3A_1844 = tpu.memref_slice %arg3[%dma_wait3A_1842, %dma_wait3A_1843] : memref<2600000x32xf32, #tpu.memory_space<hbm>> -> memref<2600000x32xf32, #tpu.memory_space<hbm>>
    tpu.wait_indirect_dma semaphore(%arg8 : memref<!tpu.dma_semaphore, #tpu.memory_space<semaphore_mem>>) src(%dma_wait3A_1844 : memref<2600000x32xf32, #tpu.memory_space<hbm>>) dst(%dma_wait3A_1838 : memref<128x32xf32, #tpu.memory_space<vmem>>)
    %dma_wait3A_1845 = arith.constant 62 : i32
    %dma_wait3A_1846 = arith.constant 1 : i32
    %dma_wait3A_1847 = arith.constant 768 : i32
    %dma_wait3A_1848 = arith.constant 0 : i32
    %dma_wait3A_1849 = tpu.memref_slice %arg7[%dma_wait3A_1846, %dma_wait3A_1847, %dma_wait3A_1848] : memref<2x1024x32xf32, #tpu.memory_space<vmem>> -> memref<1x128x32xf32, #tpu.memory_space<vmem>>
    %dma_wait3A_1850 = tpu.memref_squeeze %dma_wait3A_1849 : memref<1x128x32xf32, #tpu.memory_space<vmem>> -> memref<128x32xf32, #tpu.memory_space<vmem>>
    %dma_wait3A_1851 = arith.constant 0 : i32
    %dma_wait3A_1852 = tpu.memref_slice %arg6[%dma_wait3A_1845, %dma_wait3A_1851] : memref<112x128xi32, #tpu.memory_space<vmem>> -> memref<1x128xi32, #tpu.memory_space<vmem>>
    %dma_wait3A_1853 = tpu.memref_squeeze %dma_wait3A_1852 : memref<1x128xi32, #tpu.memory_space<vmem>> -> memref<128xi32, #tpu.memory_space<vmem>>
    %dma_wait3A_1854 = arith.constant 0 : i32
    %dma_wait3A_1855 = arith.constant 0 : i32
    %dma_wait3A_1856 = tpu.memref_slice %arg3[%dma_wait3A_1854, %dma_wait3A_1855] : memref<2600000x32xf32, #tpu.memory_space<hbm>> -> memref<2600000x32xf32, #tpu.memory_space<hbm>>
    tpu.wait_indirect_dma semaphore(%arg8 : memref<!tpu.dma_semaphore, #tpu.memory_space<semaphore_mem>>) src(%dma_wait3A_1856 : memref<2600000x32xf32, #tpu.memory_space<hbm>>) dst(%dma_wait3A_1850 : memref<128x32xf32, #tpu.memory_space<vmem>>)
    %dma_wait3A_1857 = arith.constant 63 : i32
    %dma_wait3A_1858 = arith.constant 1 : i32
    %dma_wait3A_1859 = arith.constant 896 : i32
    %dma_wait3A_1860 = arith.constant 0 : i32
    %dma_wait3A_1861 = tpu.memref_slice %arg7[%dma_wait3A_1858, %dma_wait3A_1859, %dma_wait3A_1860] : memref<2x1024x32xf32, #tpu.memory_space<vmem>> -> memref<1x128x32xf32, #tpu.memory_space<vmem>>
    %dma_wait3A_1862 = tpu.memref_squeeze %dma_wait3A_1861 : memref<1x128x32xf32, #tpu.memory_space<vmem>> -> memref<128x32xf32, #tpu.memory_space<vmem>>
    %dma_wait3A_1863 = arith.constant 0 : i32
    %dma_wait3A_1864 = tpu.memref_slice %arg6[%dma_wait3A_1857, %dma_wait3A_1863] : memref<112x128xi32, #tpu.memory_space<vmem>> -> memref<1x128xi32, #tpu.memory_space<vmem>>
    %dma_wait3A_1865 = tpu.memref_squeeze %dma_wait3A_1864 : memref<1x128xi32, #tpu.memory_space<vmem>> -> memref<128xi32, #tpu.memory_space<vmem>>
    %dma_wait3A_1866 = arith.constant 0 : i32
    %dma_wait3A_1867 = arith.constant 0 : i32
    %dma_wait3A_1868 = tpu.memref_slice %arg3[%dma_wait3A_1866, %dma_wait3A_1867] : memref<2600000x32xf32, #tpu.memory_space<hbm>> -> memref<2600000x32xf32, #tpu.memory_space<hbm>>
    tpu.wait_indirect_dma semaphore(%arg8 : memref<!tpu.dma_semaphore, #tpu.memory_space<semaphore_mem>>) src(%dma_wait3A_1868 : memref<2600000x32xf32, #tpu.memory_space<hbm>>) dst(%dma_wait3A_1862 : memref<128x32xf32, #tpu.memory_space<vmem>>)
    %mul3A_1869 = arith.constant 2048 : i32
    %mul3A_1870 = arith.muli %add3A, %mul3A_1869 : i32
    %add3A_1871 = arith.constant 196608 : i32
    %add3A_1872 = arith.addi %add3A_1871, %mul3A_1870 : i32
    %add3A_1873 = arith.constant 1024 : i32
    %add3A_1874 = arith.addi %add3A_1872, %add3A_1873 : i32
    %dma_start3A_1875 = arith.constant 1 : i32
    %dma_start3A_1876 = arith.constant 0 : i32
    %dma_start3A_1877 = arith.constant 0 : i32
    %dma_start3A_1878 = tpu.memref_slice %arg7[%dma_start3A_1875, %dma_start3A_1876, %dma_start3A_1877] : memref<2x1024x32xf32, #tpu.memory_space<vmem>> -> memref<1x1024x32xf32, #tpu.memory_space<vmem>>
    %dma_start3A_1879 = tpu.memref_squeeze %dma_start3A_1878 : memref<1x1024x32xf32, #tpu.memory_space<vmem>> -> memref<1024x32xf32, #tpu.memory_space<vmem>>
    %dma_start3A_1880 = arith.constant 0 : i32
    %dma_start3A_1881 = tpu.memref_slice %arg4[%add3A_1874, %dma_start3A_1880] : memref<458752x32xf32, #tpu.memory_space<hbm>> -> memref<1024x32xf32, #tpu.memory_space<hbm>>
    %dma_start3A_1882 = arith.constant 0 : i32
    %dma_start3A_1883 = tpu.memref_slice %arg4[%add3A_1874, %dma_start3A_1882] : memref<458752x32xf32, #tpu.memory_space<hbm>> -> memref<1024x32xf32, #tpu.memory_space<hbm>>
    %dma_start3A_1884 = arith.constant 0 : i32
    %dma_start3A_1885 = arith.constant 0 : i32
    %dma_start3A_1886 = tpu.memref_slice %arg7[%dma_start3A_1875, %dma_start3A_1884, %dma_start3A_1885] : memref<2x1024x32xf32, #tpu.memory_space<vmem>> -> memref<1x1024x32xf32, #tpu.memory_space<vmem>>
    %dma_start3A_1887 = tpu.memref_squeeze %dma_start3A_1886 : memref<1x1024x32xf32, #tpu.memory_space<vmem>> -> memref<1024x32xf32, #tpu.memory_space<vmem>>
    tpu.enqueue_dma source(%dma_start3A_1887 : memref<1024x32xf32, #tpu.memory_space<vmem>>) target(%dma_start3A_1883 : memref<1024x32xf32, #tpu.memory_space<hbm>>) target_semaphore(%arg9 : memref<!tpu.dma_semaphore, #tpu.memory_space<semaphore_mem>>)
    %dma_wait3A_1888 = arith.constant 1 : i32
    %dma_wait3A_1889 = arith.constant 0 : i32
    %dma_wait3A_1890 = arith.constant 0 : i32
    %dma_wait3A_1891 = tpu.memref_slice %arg7[%dma_wait3A_1888, %dma_wait3A_1889, %dma_wait3A_1890] : memref<2x1024x32xf32, #tpu.memory_space<vmem>> -> memref<1x1024x32xf32, #tpu.memory_space<vmem>>
    %dma_wait3A_1892 = tpu.memref_squeeze %dma_wait3A_1891 : memref<1x1024x32xf32, #tpu.memory_space<vmem>> -> memref<1024x32xf32, #tpu.memory_space<vmem>>
    %dma_wait3A_1893 = arith.constant 0 : i32
    %dma_wait3A_1894 = tpu.memref_slice %arg4[%add3A_1874, %dma_wait3A_1893] : memref<458752x32xf32, #tpu.memory_space<hbm>> -> memref<1024x32xf32, #tpu.memory_space<hbm>>
    %dma_wait3A_1895 = arith.constant 0 : i32
    %dma_wait3A_1896 = tpu.memref_slice %arg4[%add3A_1874, %dma_wait3A_1895] : memref<458752x32xf32, #tpu.memory_space<hbm>> -> memref<1024x32xf32, #tpu.memory_space<hbm>>
    %dma_wait3A_1897 = arith.constant 0 : i32
    %dma_wait3A_1898 = arith.constant 0 : i32
    %dma_wait3A_1899 = tpu.memref_slice %arg7[%dma_wait3A_1888, %dma_wait3A_1897, %dma_wait3A_1898] : memref<2x1024x32xf32, #tpu.memory_space<vmem>> -> memref<1x1024x32xf32, #tpu.memory_space<vmem>>
    %dma_wait3A_1900 = tpu.memref_squeeze %dma_wait3A_1899 : memref<1x1024x32xf32, #tpu.memory_space<vmem>> -> memref<1024x32xf32, #tpu.memory_space<vmem>>
    tpu.wait_dma2 semaphore(%arg9 : memref<!tpu.dma_semaphore, #tpu.memory_space<semaphore_mem>>) src(%dma_wait3A_1900 : memref<1024x32xf32, #tpu.memory_space<vmem>>) dst(%dma_wait3A_1896 : memref<1024x32xf32, #tpu.memory_space<hbm>>)
    %dma_start3A_1901 = arith.constant 72 : i32
    %dma_start3A_1902 = arith.constant 1 : i32
    %dma_start3A_1903 = arith.constant 0 : i32
    %dma_start3A_1904 = arith.constant 0 : i32
    %dma_start3A_1905 = tpu.memref_slice %arg7[%dma_start3A_1902, %dma_start3A_1903, %dma_start3A_1904] : memref<2x1024x32xf32, #tpu.memory_space<vmem>> -> memref<1x128x32xf32, #tpu.memory_space<vmem>>
    %dma_start3A_1906 = tpu.memref_squeeze %dma_start3A_1905 : memref<1x128x32xf32, #tpu.memory_space<vmem>> -> memref<128x32xf32, #tpu.memory_space<vmem>>
    %dma_start3A_1907 = arith.constant 0 : i32
    %dma_start3A_1908 = tpu.memref_slice %arg6[%dma_start3A_1901, %dma_start3A_1907] : memref<112x128xi32, #tpu.memory_space<vmem>> -> memref<1x128xi32, #tpu.memory_space<vmem>>
    %dma_start3A_1909 = tpu.memref_squeeze %dma_start3A_1908 : memref<1x128xi32, #tpu.memory_space<vmem>> -> memref<128xi32, #tpu.memory_space<vmem>>
    %dma_start3A_1910 = arith.constant 0 : i32
    %dma_start3A_1911 = arith.constant 0 : i32
    %dma_start3A_1912 = tpu.memref_slice %arg3[%dma_start3A_1910, %dma_start3A_1911] : memref<2600000x32xf32, #tpu.memory_space<hbm>> -> memref<2600000x32xf32, #tpu.memory_space<hbm>>
    tpu.enqueue_indirect_dma source(%dma_start3A_1912 : memref<2600000x32xf32, #tpu.memory_space<hbm>>) target(%dma_start3A_1906 : memref<128x32xf32, #tpu.memory_space<vmem>>) offsets(%dma_start3A_1909 : memref<128xi32, #tpu.memory_space<vmem>>) semaphore(%arg8 : memref<!tpu.dma_semaphore, #tpu.memory_space<semaphore_mem>>)
    %dma_start3A_1913 = arith.constant 73 : i32
    %dma_start3A_1914 = arith.constant 1 : i32
    %dma_start3A_1915 = arith.constant 128 : i32
    %dma_start3A_1916 = arith.constant 0 : i32
    %dma_start3A_1917 = tpu.memref_slice %arg7[%dma_start3A_1914, %dma_start3A_1915, %dma_start3A_1916] : memref<2x1024x32xf32, #tpu.memory_space<vmem>> -> memref<1x128x32xf32, #tpu.memory_space<vmem>>
    %dma_start3A_1918 = tpu.memref_squeeze %dma_start3A_1917 : memref<1x128x32xf32, #tpu.memory_space<vmem>> -> memref<128x32xf32, #tpu.memory_space<vmem>>
    %dma_start3A_1919 = arith.constant 0 : i32
    %dma_start3A_1920 = tpu.memref_slice %arg6[%dma_start3A_1913, %dma_start3A_1919] : memref<112x128xi32, #tpu.memory_space<vmem>> -> memref<1x128xi32, #tpu.memory_space<vmem>>
    %dma_start3A_1921 = tpu.memref_squeeze %dma_start3A_1920 : memref<1x128xi32, #tpu.memory_space<vmem>> -> memref<128xi32, #tpu.memory_space<vmem>>
    %dma_start3A_1922 = arith.constant 0 : i32
    %dma_start3A_1923 = arith.constant 0 : i32
    %dma_start3A_1924 = tpu.memref_slice %arg3[%dma_start3A_1922, %dma_start3A_1923] : memref<2600000x32xf32, #tpu.memory_space<hbm>> -> memref<2600000x32xf32, #tpu.memory_space<hbm>>
    tpu.enqueue_indirect_dma source(%dma_start3A_1924 : memref<2600000x32xf32, #tpu.memory_space<hbm>>) target(%dma_start3A_1918 : memref<128x32xf32, #tpu.memory_space<vmem>>) offsets(%dma_start3A_1921 : memref<128xi32, #tpu.memory_space<vmem>>) semaphore(%arg8 : memref<!tpu.dma_semaphore, #tpu.memory_space<semaphore_mem>>)
    %dma_start3A_1925 = arith.constant 74 : i32
    %dma_start3A_1926 = arith.constant 1 : i32
    %dma_start3A_1927 = arith.constant 256 : i32
    %dma_start3A_1928 = arith.constant 0 : i32
    %dma_start3A_1929 = tpu.memref_slice %arg7[%dma_start3A_1926, %dma_start3A_1927, %dma_start3A_1928] : memref<2x1024x32xf32, #tpu.memory_space<vmem>> -> memref<1x128x32xf32, #tpu.memory_space<vmem>>
    %dma_start3A_1930 = tpu.memref_squeeze %dma_start3A_1929 : memref<1x128x32xf32, #tpu.memory_space<vmem>> -> memref<128x32xf32, #tpu.memory_space<vmem>>
    %dma_start3A_1931 = arith.constant 0 : i32
    %dma_start3A_1932 = tpu.memref_slice %arg6[%dma_start3A_1925, %dma_start3A_1931] : memref<112x128xi32, #tpu.memory_space<vmem>> -> memref<1x128xi32, #tpu.memory_space<vmem>>
    %dma_start3A_1933 = tpu.memref_squeeze %dma_start3A_1932 : memref<1x128xi32, #tpu.memory_space<vmem>> -> memref<128xi32, #tpu.memory_space<vmem>>
    %dma_start3A_1934 = arith.constant 0 : i32
    %dma_start3A_1935 = arith.constant 0 : i32
    %dma_start3A_1936 = tpu.memref_slice %arg3[%dma_start3A_1934, %dma_start3A_1935] : memref<2600000x32xf32, #tpu.memory_space<hbm>> -> memref<2600000x32xf32, #tpu.memory_space<hbm>>
    tpu.enqueue_indirect_dma source(%dma_start3A_1936 : memref<2600000x32xf32, #tpu.memory_space<hbm>>) target(%dma_start3A_1930 : memref<128x32xf32, #tpu.memory_space<vmem>>) offsets(%dma_start3A_1933 : memref<128xi32, #tpu.memory_space<vmem>>) semaphore(%arg8 : memref<!tpu.dma_semaphore, #tpu.memory_space<semaphore_mem>>)
    %dma_start3A_1937 = arith.constant 75 : i32
    %dma_start3A_1938 = arith.constant 1 : i32
    %dma_start3A_1939 = arith.constant 384 : i32
    %dma_start3A_1940 = arith.constant 0 : i32
    %dma_start3A_1941 = tpu.memref_slice %arg7[%dma_start3A_1938, %dma_start3A_1939, %dma_start3A_1940] : memref<2x1024x32xf32, #tpu.memory_space<vmem>> -> memref<1x128x32xf32, #tpu.memory_space<vmem>>
    %dma_start3A_1942 = tpu.memref_squeeze %dma_start3A_1941 : memref<1x128x32xf32, #tpu.memory_space<vmem>> -> memref<128x32xf32, #tpu.memory_space<vmem>>
    %dma_start3A_1943 = arith.constant 0 : i32
    %dma_start3A_1944 = tpu.memref_slice %arg6[%dma_start3A_1937, %dma_start3A_1943] : memref<112x128xi32, #tpu.memory_space<vmem>> -> memref<1x128xi32, #tpu.memory_space<vmem>>
    %dma_start3A_1945 = tpu.memref_squeeze %dma_start3A_1944 : memref<1x128xi32, #tpu.memory_space<vmem>> -> memref<128xi32, #tpu.memory_space<vmem>>
    %dma_start3A_1946 = arith.constant 0 : i32
    %dma_start3A_1947 = arith.constant 0 : i32
    %dma_start3A_1948 = tpu.memref_slice %arg3[%dma_start3A_1946, %dma_start3A_1947] : memref<2600000x32xf32, #tpu.memory_space<hbm>> -> memref<2600000x32xf32, #tpu.memory_space<hbm>>
    tpu.enqueue_indirect_dma source(%dma_start3A_1948 : memref<2600000x32xf32, #tpu.memory_space<hbm>>) target(%dma_start3A_1942 : memref<128x32xf32, #tpu.memory_space<vmem>>) offsets(%dma_start3A_1945 : memref<128xi32, #tpu.memory_space<vmem>>) semaphore(%arg8 : memref<!tpu.dma_semaphore, #tpu.memory_space<semaphore_mem>>)
    %dma_start3A_1949 = arith.constant 76 : i32
    %dma_start3A_1950 = arith.constant 1 : i32
    %dma_start3A_1951 = arith.constant 512 : i32
    %dma_start3A_1952 = arith.constant 0 : i32
    %dma_start3A_1953 = tpu.memref_slice %arg7[%dma_start3A_1950, %dma_start3A_1951, %dma_start3A_1952] : memref<2x1024x32xf32, #tpu.memory_space<vmem>> -> memref<1x128x32xf32, #tpu.memory_space<vmem>>
    %dma_start3A_1954 = tpu.memref_squeeze %dma_start3A_1953 : memref<1x128x32xf32, #tpu.memory_space<vmem>> -> memref<128x32xf32, #tpu.memory_space<vmem>>
    %dma_start3A_1955 = arith.constant 0 : i32
    %dma_start3A_1956 = tpu.memref_slice %arg6[%dma_start3A_1949, %dma_start3A_1955] : memref<112x128xi32, #tpu.memory_space<vmem>> -> memref<1x128xi32, #tpu.memory_space<vmem>>
    %dma_start3A_1957 = tpu.memref_squeeze %dma_start3A_1956 : memref<1x128xi32, #tpu.memory_space<vmem>> -> memref<128xi32, #tpu.memory_space<vmem>>
    %dma_start3A_1958 = arith.constant 0 : i32
    %dma_start3A_1959 = arith.constant 0 : i32
    %dma_start3A_1960 = tpu.memref_slice %arg3[%dma_start3A_1958, %dma_start3A_1959] : memref<2600000x32xf32, #tpu.memory_space<hbm>> -> memref<2600000x32xf32, #tpu.memory_space<hbm>>
    tpu.enqueue_indirect_dma source(%dma_start3A_1960 : memref<2600000x32xf32, #tpu.memory_space<hbm>>) target(%dma_start3A_1954 : memref<128x32xf32, #tpu.memory_space<vmem>>) offsets(%dma_start3A_1957 : memref<128xi32, #tpu.memory_space<vmem>>) semaphore(%arg8 : memref<!tpu.dma_semaphore, #tpu.memory_space<semaphore_mem>>)
    %dma_start3A_1961 = arith.constant 77 : i32
    %dma_start3A_1962 = arith.constant 1 : i32
    %dma_start3A_1963 = arith.constant 640 : i32
    %dma_start3A_1964 = arith.constant 0 : i32
    %dma_start3A_1965 = tpu.memref_slice %arg7[%dma_start3A_1962, %dma_start3A_1963, %dma_start3A_1964] : memref<2x1024x32xf32, #tpu.memory_space<vmem>> -> memref<1x128x32xf32, #tpu.memory_space<vmem>>
    %dma_start3A_1966 = tpu.memref_squeeze %dma_start3A_1965 : memref<1x128x32xf32, #tpu.memory_space<vmem>> -> memref<128x32xf32, #tpu.memory_space<vmem>>
    %dma_start3A_1967 = arith.constant 0 : i32
    %dma_start3A_1968 = tpu.memref_slice %arg6[%dma_start3A_1961, %dma_start3A_1967] : memref<112x128xi32, #tpu.memory_space<vmem>> -> memref<1x128xi32, #tpu.memory_space<vmem>>
    %dma_start3A_1969 = tpu.memref_squeeze %dma_start3A_1968 : memref<1x128xi32, #tpu.memory_space<vmem>> -> memref<128xi32, #tpu.memory_space<vmem>>
    %dma_start3A_1970 = arith.constant 0 : i32
    %dma_start3A_1971 = arith.constant 0 : i32
    %dma_start3A_1972 = tpu.memref_slice %arg3[%dma_start3A_1970, %dma_start3A_1971] : memref<2600000x32xf32, #tpu.memory_space<hbm>> -> memref<2600000x32xf32, #tpu.memory_space<hbm>>
    tpu.enqueue_indirect_dma source(%dma_start3A_1972 : memref<2600000x32xf32, #tpu.memory_space<hbm>>) target(%dma_start3A_1966 : memref<128x32xf32, #tpu.memory_space<vmem>>) offsets(%dma_start3A_1969 : memref<128xi32, #tpu.memory_space<vmem>>) semaphore(%arg8 : memref<!tpu.dma_semaphore, #tpu.memory_space<semaphore_mem>>)
    %dma_start3A_1973 = arith.constant 78 : i32
    %dma_start3A_1974 = arith.constant 1 : i32
    %dma_start3A_1975 = arith.constant 768 : i32
    %dma_start3A_1976 = arith.constant 0 : i32
    %dma_start3A_1977 = tpu.memref_slice %arg7[%dma_start3A_1974, %dma_start3A_1975, %dma_start3A_1976] : memref<2x1024x32xf32, #tpu.memory_space<vmem>> -> memref<1x128x32xf32, #tpu.memory_space<vmem>>
    %dma_start3A_1978 = tpu.memref_squeeze %dma_start3A_1977 : memref<1x128x32xf32, #tpu.memory_space<vmem>> -> memref<128x32xf32, #tpu.memory_space<vmem>>
    %dma_start3A_1979 = arith.constant 0 : i32
    %dma_start3A_1980 = tpu.memref_slice %arg6[%dma_start3A_1973, %dma_start3A_1979] : memref<112x128xi32, #tpu.memory_space<vmem>> -> memref<1x128xi32, #tpu.memory_space<vmem>>
    %dma_start3A_1981 = tpu.memref_squeeze %dma_start3A_1980 : memref<1x128xi32, #tpu.memory_space<vmem>> -> memref<128xi32, #tpu.memory_space<vmem>>
    %dma_start3A_1982 = arith.constant 0 : i32
    %dma_start3A_1983 = arith.constant 0 : i32
    %dma_start3A_1984 = tpu.memref_slice %arg3[%dma_start3A_1982, %dma_start3A_1983] : memref<2600000x32xf32, #tpu.memory_space<hbm>> -> memref<2600000x32xf32, #tpu.memory_space<hbm>>
    tpu.enqueue_indirect_dma source(%dma_start3A_1984 : memref<2600000x32xf32, #tpu.memory_space<hbm>>) target(%dma_start3A_1978 : memref<128x32xf32, #tpu.memory_space<vmem>>) offsets(%dma_start3A_1981 : memref<128xi32, #tpu.memory_space<vmem>>) semaphore(%arg8 : memref<!tpu.dma_semaphore, #tpu.memory_space<semaphore_mem>>)
    %dma_start3A_1985 = arith.constant 79 : i32
    %dma_start3A_1986 = arith.constant 1 : i32
    %dma_start3A_1987 = arith.constant 896 : i32
    %dma_start3A_1988 = arith.constant 0 : i32
    %dma_start3A_1989 = tpu.memref_slice %arg7[%dma_start3A_1986, %dma_start3A_1987, %dma_start3A_1988] : memref<2x1024x32xf32, #tpu.memory_space<vmem>> -> memref<1x128x32xf32, #tpu.memory_space<vmem>>
    %dma_start3A_1990 = tpu.memref_squeeze %dma_start3A_1989 : memref<1x128x32xf32, #tpu.memory_space<vmem>> -> memref<128x32xf32, #tpu.memory_space<vmem>>
    %dma_start3A_1991 = arith.constant 0 : i32
    %dma_start3A_1992 = tpu.memref_slice %arg6[%dma_start3A_1985, %dma_start3A_1991] : memref<112x128xi32, #tpu.memory_space<vmem>> -> memref<1x128xi32, #tpu.memory_space<vmem>>
    %dma_start3A_1993 = tpu.memref_squeeze %dma_start3A_1992 : memref<1x128xi32, #tpu.memory_space<vmem>> -> memref<128xi32, #tpu.memory_space<vmem>>
    %dma_start3A_1994 = arith.constant 0 : i32
    %dma_start3A_1995 = arith.constant 0 : i32
    %dma_start3A_1996 = tpu.memref_slice %arg3[%dma_start3A_1994, %dma_start3A_1995] : memref<2600000x32xf32, #tpu.memory_space<hbm>> -> memref<2600000x32xf32, #tpu.memory_space<hbm>>
    tpu.enqueue_indirect_dma source(%dma_start3A_1996 : memref<2600000x32xf32, #tpu.memory_space<hbm>>) target(%dma_start3A_1990 : memref<128x32xf32, #tpu.memory_space<vmem>>) offsets(%dma_start3A_1993 : memref<128xi32, #tpu.memory_space<vmem>>) semaphore(%arg8 : memref<!tpu.dma_semaphore, #tpu.memory_space<semaphore_mem>>)
    %dma_wait3A_1997 = arith.constant 64 : i32
    %dma_wait3A_1998 = arith.constant 0 : i32
    %dma_wait3A_1999 = arith.constant 0 : i32
    %dma_wait3A_2000 = arith.constant 0 : i32
    %dma_wait3A_2001 = tpu.memref_slice %arg7[%dma_wait3A_1998, %dma_wait3A_1999, %dma_wait3A_2000] : memref<2x1024x32xf32, #tpu.memory_space<vmem>> -> memref<1x128x32xf32, #tpu.memory_space<vmem>>
    %dma_wait3A_2002 = tpu.memref_squeeze %dma_wait3A_2001 : memref<1x128x32xf32, #tpu.memory_space<vmem>> -> memref<128x32xf32, #tpu.memory_space<vmem>>
    %dma_wait3A_2003 = arith.constant 0 : i32
    %dma_wait3A_2004 = tpu.memref_slice %arg6[%dma_wait3A_1997, %dma_wait3A_2003] : memref<112x128xi32, #tpu.memory_space<vmem>> -> memref<1x128xi32, #tpu.memory_space<vmem>>
    %dma_wait3A_2005 = tpu.memref_squeeze %dma_wait3A_2004 : memref<1x128xi32, #tpu.memory_space<vmem>> -> memref<128xi32, #tpu.memory_space<vmem>>
    %dma_wait3A_2006 = arith.constant 0 : i32
    %dma_wait3A_2007 = arith.constant 0 : i32
    %dma_wait3A_2008 = tpu.memref_slice %arg3[%dma_wait3A_2006, %dma_wait3A_2007] : memref<2600000x32xf32, #tpu.memory_space<hbm>> -> memref<2600000x32xf32, #tpu.memory_space<hbm>>
    tpu.wait_indirect_dma semaphore(%arg8 : memref<!tpu.dma_semaphore, #tpu.memory_space<semaphore_mem>>) src(%dma_wait3A_2008 : memref<2600000x32xf32, #tpu.memory_space<hbm>>) dst(%dma_wait3A_2002 : memref<128x32xf32, #tpu.memory_space<vmem>>)
    %dma_wait3A_2009 = arith.constant 65 : i32
    %dma_wait3A_2010 = arith.constant 0 : i32
    %dma_wait3A_2011 = arith.constant 128 : i32
    %dma_wait3A_2012 = arith.constant 0 : i32
    %dma_wait3A_2013 = tpu.memref_slice %arg7[%dma_wait3A_2010, %dma_wait3A_2011, %dma_wait3A_2012] : memref<2x1024x32xf32, #tpu.memory_space<vmem>> -> memref<1x128x32xf32, #tpu.memory_space<vmem>>
    %dma_wait3A_2014 = tpu.memref_squeeze %dma_wait3A_2013 : memref<1x128x32xf32, #tpu.memory_space<vmem>> -> memref<128x32xf32, #tpu.memory_space<vmem>>
    %dma_wait3A_2015 = arith.constant 0 : i32
    %dma_wait3A_2016 = tpu.memref_slice %arg6[%dma_wait3A_2009, %dma_wait3A_2015] : memref<112x128xi32, #tpu.memory_space<vmem>> -> memref<1x128xi32, #tpu.memory_space<vmem>>
    %dma_wait3A_2017 = tpu.memref_squeeze %dma_wait3A_2016 : memref<1x128xi32, #tpu.memory_space<vmem>> -> memref<128xi32, #tpu.memory_space<vmem>>
    %dma_wait3A_2018 = arith.constant 0 : i32
    %dma_wait3A_2019 = arith.constant 0 : i32
    %dma_wait3A_2020 = tpu.memref_slice %arg3[%dma_wait3A_2018, %dma_wait3A_2019] : memref<2600000x32xf32, #tpu.memory_space<hbm>> -> memref<2600000x32xf32, #tpu.memory_space<hbm>>
    tpu.wait_indirect_dma semaphore(%arg8 : memref<!tpu.dma_semaphore, #tpu.memory_space<semaphore_mem>>) src(%dma_wait3A_2020 : memref<2600000x32xf32, #tpu.memory_space<hbm>>) dst(%dma_wait3A_2014 : memref<128x32xf32, #tpu.memory_space<vmem>>)
    %dma_wait3A_2021 = arith.constant 66 : i32
    %dma_wait3A_2022 = arith.constant 0 : i32
    %dma_wait3A_2023 = arith.constant 256 : i32
    %dma_wait3A_2024 = arith.constant 0 : i32
    %dma_wait3A_2025 = tpu.memref_slice %arg7[%dma_wait3A_2022, %dma_wait3A_2023, %dma_wait3A_2024] : memref<2x1024x32xf32, #tpu.memory_space<vmem>> -> memref<1x128x32xf32, #tpu.memory_space<vmem>>
    %dma_wait3A_2026 = tpu.memref_squeeze %dma_wait3A_2025 : memref<1x128x32xf32, #tpu.memory_space<vmem>> -> memref<128x32xf32, #tpu.memory_space<vmem>>
    %dma_wait3A_2027 = arith.constant 0 : i32
    %dma_wait3A_2028 = tpu.memref_slice %arg6[%dma_wait3A_2021, %dma_wait3A_2027] : memref<112x128xi32, #tpu.memory_space<vmem>> -> memref<1x128xi32, #tpu.memory_space<vmem>>
    %dma_wait3A_2029 = tpu.memref_squeeze %dma_wait3A_2028 : memref<1x128xi32, #tpu.memory_space<vmem>> -> memref<128xi32, #tpu.memory_space<vmem>>
    %dma_wait3A_2030 = arith.constant 0 : i32
    %dma_wait3A_2031 = arith.constant 0 : i32
    %dma_wait3A_2032 = tpu.memref_slice %arg3[%dma_wait3A_2030, %dma_wait3A_2031] : memref<2600000x32xf32, #tpu.memory_space<hbm>> -> memref<2600000x32xf32, #tpu.memory_space<hbm>>
    tpu.wait_indirect_dma semaphore(%arg8 : memref<!tpu.dma_semaphore, #tpu.memory_space<semaphore_mem>>) src(%dma_wait3A_2032 : memref<2600000x32xf32, #tpu.memory_space<hbm>>) dst(%dma_wait3A_2026 : memref<128x32xf32, #tpu.memory_space<vmem>>)
    %dma_wait3A_2033 = arith.constant 67 : i32
    %dma_wait3A_2034 = arith.constant 0 : i32
    %dma_wait3A_2035 = arith.constant 384 : i32
    %dma_wait3A_2036 = arith.constant 0 : i32
    %dma_wait3A_2037 = tpu.memref_slice %arg7[%dma_wait3A_2034, %dma_wait3A_2035, %dma_wait3A_2036] : memref<2x1024x32xf32, #tpu.memory_space<vmem>> -> memref<1x128x32xf32, #tpu.memory_space<vmem>>
    %dma_wait3A_2038 = tpu.memref_squeeze %dma_wait3A_2037 : memref<1x128x32xf32, #tpu.memory_space<vmem>> -> memref<128x32xf32, #tpu.memory_space<vmem>>
    %dma_wait3A_2039 = arith.constant 0 : i32
    %dma_wait3A_2040 = tpu.memref_slice %arg6[%dma_wait3A_2033, %dma_wait3A_2039] : memref<112x128xi32, #tpu.memory_space<vmem>> -> memref<1x128xi32, #tpu.memory_space<vmem>>
    %dma_wait3A_2041 = tpu.memref_squeeze %dma_wait3A_2040 : memref<1x128xi32, #tpu.memory_space<vmem>> -> memref<128xi32, #tpu.memory_space<vmem>>
    %dma_wait3A_2042 = arith.constant 0 : i32
    %dma_wait3A_2043 = arith.constant 0 : i32
    %dma_wait3A_2044 = tpu.memref_slice %arg3[%dma_wait3A_2042, %dma_wait3A_2043] : memref<2600000x32xf32, #tpu.memory_space<hbm>> -> memref<2600000x32xf32, #tpu.memory_space<hbm>>
    tpu.wait_indirect_dma semaphore(%arg8 : memref<!tpu.dma_semaphore, #tpu.memory_space<semaphore_mem>>) src(%dma_wait3A_2044 : memref<2600000x32xf32, #tpu.memory_space<hbm>>) dst(%dma_wait3A_2038 : memref<128x32xf32, #tpu.memory_space<vmem>>)
    %dma_wait3A_2045 = arith.constant 68 : i32
    %dma_wait3A_2046 = arith.constant 0 : i32
    %dma_wait3A_2047 = arith.constant 512 : i32
    %dma_wait3A_2048 = arith.constant 0 : i32
    %dma_wait3A_2049 = tpu.memref_slice %arg7[%dma_wait3A_2046, %dma_wait3A_2047, %dma_wait3A_2048] : memref<2x1024x32xf32, #tpu.memory_space<vmem>> -> memref<1x128x32xf32, #tpu.memory_space<vmem>>
    %dma_wait3A_2050 = tpu.memref_squeeze %dma_wait3A_2049 : memref<1x128x32xf32, #tpu.memory_space<vmem>> -> memref<128x32xf32, #tpu.memory_space<vmem>>
    %dma_wait3A_2051 = arith.constant 0 : i32
    %dma_wait3A_2052 = tpu.memref_slice %arg6[%dma_wait3A_2045, %dma_wait3A_2051] : memref<112x128xi32, #tpu.memory_space<vmem>> -> memref<1x128xi32, #tpu.memory_space<vmem>>
    %dma_wait3A_2053 = tpu.memref_squeeze %dma_wait3A_2052 : memref<1x128xi32, #tpu.memory_space<vmem>> -> memref<128xi32, #tpu.memory_space<vmem>>
    %dma_wait3A_2054 = arith.constant 0 : i32
    %dma_wait3A_2055 = arith.constant 0 : i32
    %dma_wait3A_2056 = tpu.memref_slice %arg3[%dma_wait3A_2054, %dma_wait3A_2055] : memref<2600000x32xf32, #tpu.memory_space<hbm>> -> memref<2600000x32xf32, #tpu.memory_space<hbm>>
    tpu.wait_indirect_dma semaphore(%arg8 : memref<!tpu.dma_semaphore, #tpu.memory_space<semaphore_mem>>) src(%dma_wait3A_2056 : memref<2600000x32xf32, #tpu.memory_space<hbm>>) dst(%dma_wait3A_2050 : memref<128x32xf32, #tpu.memory_space<vmem>>)
    %dma_wait3A_2057 = arith.constant 69 : i32
    %dma_wait3A_2058 = arith.constant 0 : i32
    %dma_wait3A_2059 = arith.constant 640 : i32
    %dma_wait3A_2060 = arith.constant 0 : i32
    %dma_wait3A_2061 = tpu.memref_slice %arg7[%dma_wait3A_2058, %dma_wait3A_2059, %dma_wait3A_2060] : memref<2x1024x32xf32, #tpu.memory_space<vmem>> -> memref<1x128x32xf32, #tpu.memory_space<vmem>>
    %dma_wait3A_2062 = tpu.memref_squeeze %dma_wait3A_2061 : memref<1x128x32xf32, #tpu.memory_space<vmem>> -> memref<128x32xf32, #tpu.memory_space<vmem>>
    %dma_wait3A_2063 = arith.constant 0 : i32
    %dma_wait3A_2064 = tpu.memref_slice %arg6[%dma_wait3A_2057, %dma_wait3A_2063] : memref<112x128xi32, #tpu.memory_space<vmem>> -> memref<1x128xi32, #tpu.memory_space<vmem>>
    %dma_wait3A_2065 = tpu.memref_squeeze %dma_wait3A_2064 : memref<1x128xi32, #tpu.memory_space<vmem>> -> memref<128xi32, #tpu.memory_space<vmem>>
    %dma_wait3A_2066 = arith.constant 0 : i32
    %dma_wait3A_2067 = arith.constant 0 : i32
    %dma_wait3A_2068 = tpu.memref_slice %arg3[%dma_wait3A_2066, %dma_wait3A_2067] : memref<2600000x32xf32, #tpu.memory_space<hbm>> -> memref<2600000x32xf32, #tpu.memory_space<hbm>>
    tpu.wait_indirect_dma semaphore(%arg8 : memref<!tpu.dma_semaphore, #tpu.memory_space<semaphore_mem>>) src(%dma_wait3A_2068 : memref<2600000x32xf32, #tpu.memory_space<hbm>>) dst(%dma_wait3A_2062 : memref<128x32xf32, #tpu.memory_space<vmem>>)
    %dma_wait3A_2069 = arith.constant 70 : i32
    %dma_wait3A_2070 = arith.constant 0 : i32
    %dma_wait3A_2071 = arith.constant 768 : i32
    %dma_wait3A_2072 = arith.constant 0 : i32
    %dma_wait3A_2073 = tpu.memref_slice %arg7[%dma_wait3A_2070, %dma_wait3A_2071, %dma_wait3A_2072] : memref<2x1024x32xf32, #tpu.memory_space<vmem>> -> memref<1x128x32xf32, #tpu.memory_space<vmem>>
    %dma_wait3A_2074 = tpu.memref_squeeze %dma_wait3A_2073 : memref<1x128x32xf32, #tpu.memory_space<vmem>> -> memref<128x32xf32, #tpu.memory_space<vmem>>
    %dma_wait3A_2075 = arith.constant 0 : i32
    %dma_wait3A_2076 = tpu.memref_slice %arg6[%dma_wait3A_2069, %dma_wait3A_2075] : memref<112x128xi32, #tpu.memory_space<vmem>> -> memref<1x128xi32, #tpu.memory_space<vmem>>
    %dma_wait3A_2077 = tpu.memref_squeeze %dma_wait3A_2076 : memref<1x128xi32, #tpu.memory_space<vmem>> -> memref<128xi32, #tpu.memory_space<vmem>>
    %dma_wait3A_2078 = arith.constant 0 : i32
    %dma_wait3A_2079 = arith.constant 0 : i32
    %dma_wait3A_2080 = tpu.memref_slice %arg3[%dma_wait3A_2078, %dma_wait3A_2079] : memref<2600000x32xf32, #tpu.memory_space<hbm>> -> memref<2600000x32xf32, #tpu.memory_space<hbm>>
    tpu.wait_indirect_dma semaphore(%arg8 : memref<!tpu.dma_semaphore, #tpu.memory_space<semaphore_mem>>) src(%dma_wait3A_2080 : memref<2600000x32xf32, #tpu.memory_space<hbm>>) dst(%dma_wait3A_2074 : memref<128x32xf32, #tpu.memory_space<vmem>>)
    %dma_wait3A_2081 = arith.constant 71 : i32
    %dma_wait3A_2082 = arith.constant 0 : i32
    %dma_wait3A_2083 = arith.constant 896 : i32
    %dma_wait3A_2084 = arith.constant 0 : i32
    %dma_wait3A_2085 = tpu.memref_slice %arg7[%dma_wait3A_2082, %dma_wait3A_2083, %dma_wait3A_2084] : memref<2x1024x32xf32, #tpu.memory_space<vmem>> -> memref<1x128x32xf32, #tpu.memory_space<vmem>>
    %dma_wait3A_2086 = tpu.memref_squeeze %dma_wait3A_2085 : memref<1x128x32xf32, #tpu.memory_space<vmem>> -> memref<128x32xf32, #tpu.memory_space<vmem>>
    %dma_wait3A_2087 = arith.constant 0 : i32
    %dma_wait3A_2088 = tpu.memref_slice %arg6[%dma_wait3A_2081, %dma_wait3A_2087] : memref<112x128xi32, #tpu.memory_space<vmem>> -> memref<1x128xi32, #tpu.memory_space<vmem>>
    %dma_wait3A_2089 = tpu.memref_squeeze %dma_wait3A_2088 : memref<1x128xi32, #tpu.memory_space<vmem>> -> memref<128xi32, #tpu.memory_space<vmem>>
    %dma_wait3A_2090 = arith.constant 0 : i32
    %dma_wait3A_2091 = arith.constant 0 : i32
    %dma_wait3A_2092 = tpu.memref_slice %arg3[%dma_wait3A_2090, %dma_wait3A_2091] : memref<2600000x32xf32, #tpu.memory_space<hbm>> -> memref<2600000x32xf32, #tpu.memory_space<hbm>>
    tpu.wait_indirect_dma semaphore(%arg8 : memref<!tpu.dma_semaphore, #tpu.memory_space<semaphore_mem>>) src(%dma_wait3A_2092 : memref<2600000x32xf32, #tpu.memory_space<hbm>>) dst(%dma_wait3A_2086 : memref<128x32xf32, #tpu.memory_space<vmem>>)
    %mul3A_2093 = arith.constant 2048 : i32
    %mul3A_2094 = arith.muli %add3A, %mul3A_2093 : i32
    %add3A_2095 = arith.constant 262144 : i32
    %add3A_2096 = arith.addi %add3A_2095, %mul3A_2094 : i32
    %add3A_2097 = arith.constant 0 : i32
    %add3A_2098 = arith.addi %add3A_2096, %add3A_2097 : i32
    %dma_start3A_2099 = arith.constant 0 : i32
    %dma_start3A_2100 = arith.constant 0 : i32
    %dma_start3A_2101 = arith.constant 0 : i32
    %dma_start3A_2102 = tpu.memref_slice %arg7[%dma_start3A_2099, %dma_start3A_2100, %dma_start3A_2101] : memref<2x1024x32xf32, #tpu.memory_space<vmem>> -> memref<1x1024x32xf32, #tpu.memory_space<vmem>>
    %dma_start3A_2103 = tpu.memref_squeeze %dma_start3A_2102 : memref<1x1024x32xf32, #tpu.memory_space<vmem>> -> memref<1024x32xf32, #tpu.memory_space<vmem>>
    %dma_start3A_2104 = arith.constant 0 : i32
    %dma_start3A_2105 = tpu.memref_slice %arg4[%add3A_2098, %dma_start3A_2104] : memref<458752x32xf32, #tpu.memory_space<hbm>> -> memref<1024x32xf32, #tpu.memory_space<hbm>>
    %dma_start3A_2106 = arith.constant 0 : i32
    %dma_start3A_2107 = tpu.memref_slice %arg4[%add3A_2098, %dma_start3A_2106] : memref<458752x32xf32, #tpu.memory_space<hbm>> -> memref<1024x32xf32, #tpu.memory_space<hbm>>
    %dma_start3A_2108 = arith.constant 0 : i32
    %dma_start3A_2109 = arith.constant 0 : i32
    %dma_start3A_2110 = tpu.memref_slice %arg7[%dma_start3A_2099, %dma_start3A_2108, %dma_start3A_2109] : memref<2x1024x32xf32, #tpu.memory_space<vmem>> -> memref<1x1024x32xf32, #tpu.memory_space<vmem>>
    %dma_start3A_2111 = tpu.memref_squeeze %dma_start3A_2110 : memref<1x1024x32xf32, #tpu.memory_space<vmem>> -> memref<1024x32xf32, #tpu.memory_space<vmem>>
    tpu.enqueue_dma source(%dma_start3A_2111 : memref<1024x32xf32, #tpu.memory_space<vmem>>) target(%dma_start3A_2107 : memref<1024x32xf32, #tpu.memory_space<hbm>>) target_semaphore(%arg9 : memref<!tpu.dma_semaphore, #tpu.memory_space<semaphore_mem>>)
    %dma_wait3A_2112 = arith.constant 0 : i32
    %dma_wait3A_2113 = arith.constant 0 : i32
    %dma_wait3A_2114 = arith.constant 0 : i32
    %dma_wait3A_2115 = tpu.memref_slice %arg7[%dma_wait3A_2112, %dma_wait3A_2113, %dma_wait3A_2114] : memref<2x1024x32xf32, #tpu.memory_space<vmem>> -> memref<1x1024x32xf32, #tpu.memory_space<vmem>>
    %dma_wait3A_2116 = tpu.memref_squeeze %dma_wait3A_2115 : memref<1x1024x32xf32, #tpu.memory_space<vmem>> -> memref<1024x32xf32, #tpu.memory_space<vmem>>
    %dma_wait3A_2117 = arith.constant 0 : i32
    %dma_wait3A_2118 = tpu.memref_slice %arg4[%add3A_2098, %dma_wait3A_2117] : memref<458752x32xf32, #tpu.memory_space<hbm>> -> memref<1024x32xf32, #tpu.memory_space<hbm>>
    %dma_wait3A_2119 = arith.constant 0 : i32
    %dma_wait3A_2120 = tpu.memref_slice %arg4[%add3A_2098, %dma_wait3A_2119] : memref<458752x32xf32, #tpu.memory_space<hbm>> -> memref<1024x32xf32, #tpu.memory_space<hbm>>
    %dma_wait3A_2121 = arith.constant 0 : i32
    %dma_wait3A_2122 = arith.constant 0 : i32
    %dma_wait3A_2123 = tpu.memref_slice %arg7[%dma_wait3A_2112, %dma_wait3A_2121, %dma_wait3A_2122] : memref<2x1024x32xf32, #tpu.memory_space<vmem>> -> memref<1x1024x32xf32, #tpu.memory_space<vmem>>
    %dma_wait3A_2124 = tpu.memref_squeeze %dma_wait3A_2123 : memref<1x1024x32xf32, #tpu.memory_space<vmem>> -> memref<1024x32xf32, #tpu.memory_space<vmem>>
    tpu.wait_dma2 semaphore(%arg9 : memref<!tpu.dma_semaphore, #tpu.memory_space<semaphore_mem>>) src(%dma_wait3A_2124 : memref<1024x32xf32, #tpu.memory_space<vmem>>) dst(%dma_wait3A_2120 : memref<1024x32xf32, #tpu.memory_space<hbm>>)
    %dma_start3A_2125 = arith.constant 80 : i32
    %dma_start3A_2126 = arith.constant 0 : i32
    %dma_start3A_2127 = arith.constant 0 : i32
    %dma_start3A_2128 = arith.constant 0 : i32
    %dma_start3A_2129 = tpu.memref_slice %arg7[%dma_start3A_2126, %dma_start3A_2127, %dma_start3A_2128] : memref<2x1024x32xf32, #tpu.memory_space<vmem>> -> memref<1x128x32xf32, #tpu.memory_space<vmem>>
    %dma_start3A_2130 = tpu.memref_squeeze %dma_start3A_2129 : memref<1x128x32xf32, #tpu.memory_space<vmem>> -> memref<128x32xf32, #tpu.memory_space<vmem>>
    %dma_start3A_2131 = arith.constant 0 : i32
    %dma_start3A_2132 = tpu.memref_slice %arg6[%dma_start3A_2125, %dma_start3A_2131] : memref<112x128xi32, #tpu.memory_space<vmem>> -> memref<1x128xi32, #tpu.memory_space<vmem>>
    %dma_start3A_2133 = tpu.memref_squeeze %dma_start3A_2132 : memref<1x128xi32, #tpu.memory_space<vmem>> -> memref<128xi32, #tpu.memory_space<vmem>>
    %dma_start3A_2134 = arith.constant 0 : i32
    %dma_start3A_2135 = arith.constant 0 : i32
    %dma_start3A_2136 = tpu.memref_slice %arg3[%dma_start3A_2134, %dma_start3A_2135] : memref<2600000x32xf32, #tpu.memory_space<hbm>> -> memref<2600000x32xf32, #tpu.memory_space<hbm>>
    tpu.enqueue_indirect_dma source(%dma_start3A_2136 : memref<2600000x32xf32, #tpu.memory_space<hbm>>) target(%dma_start3A_2130 : memref<128x32xf32, #tpu.memory_space<vmem>>) offsets(%dma_start3A_2133 : memref<128xi32, #tpu.memory_space<vmem>>) semaphore(%arg8 : memref<!tpu.dma_semaphore, #tpu.memory_space<semaphore_mem>>)
    %dma_start3A_2137 = arith.constant 81 : i32
    %dma_start3A_2138 = arith.constant 0 : i32
    %dma_start3A_2139 = arith.constant 128 : i32
    %dma_start3A_2140 = arith.constant 0 : i32
    %dma_start3A_2141 = tpu.memref_slice %arg7[%dma_start3A_2138, %dma_start3A_2139, %dma_start3A_2140] : memref<2x1024x32xf32, #tpu.memory_space<vmem>> -> memref<1x128x32xf32, #tpu.memory_space<vmem>>
    %dma_start3A_2142 = tpu.memref_squeeze %dma_start3A_2141 : memref<1x128x32xf32, #tpu.memory_space<vmem>> -> memref<128x32xf32, #tpu.memory_space<vmem>>
    %dma_start3A_2143 = arith.constant 0 : i32
    %dma_start3A_2144 = tpu.memref_slice %arg6[%dma_start3A_2137, %dma_start3A_2143] : memref<112x128xi32, #tpu.memory_space<vmem>> -> memref<1x128xi32, #tpu.memory_space<vmem>>
    %dma_start3A_2145 = tpu.memref_squeeze %dma_start3A_2144 : memref<1x128xi32, #tpu.memory_space<vmem>> -> memref<128xi32, #tpu.memory_space<vmem>>
    %dma_start3A_2146 = arith.constant 0 : i32
    %dma_start3A_2147 = arith.constant 0 : i32
    %dma_start3A_2148 = tpu.memref_slice %arg3[%dma_start3A_2146, %dma_start3A_2147] : memref<2600000x32xf32, #tpu.memory_space<hbm>> -> memref<2600000x32xf32, #tpu.memory_space<hbm>>
    tpu.enqueue_indirect_dma source(%dma_start3A_2148 : memref<2600000x32xf32, #tpu.memory_space<hbm>>) target(%dma_start3A_2142 : memref<128x32xf32, #tpu.memory_space<vmem>>) offsets(%dma_start3A_2145 : memref<128xi32, #tpu.memory_space<vmem>>) semaphore(%arg8 : memref<!tpu.dma_semaphore, #tpu.memory_space<semaphore_mem>>)
    %dma_start3A_2149 = arith.constant 82 : i32
    %dma_start3A_2150 = arith.constant 0 : i32
    %dma_start3A_2151 = arith.constant 256 : i32
    %dma_start3A_2152 = arith.constant 0 : i32
    %dma_start3A_2153 = tpu.memref_slice %arg7[%dma_start3A_2150, %dma_start3A_2151, %dma_start3A_2152] : memref<2x1024x32xf32, #tpu.memory_space<vmem>> -> memref<1x128x32xf32, #tpu.memory_space<vmem>>
    %dma_start3A_2154 = tpu.memref_squeeze %dma_start3A_2153 : memref<1x128x32xf32, #tpu.memory_space<vmem>> -> memref<128x32xf32, #tpu.memory_space<vmem>>
    %dma_start3A_2155 = arith.constant 0 : i32
    %dma_start3A_2156 = tpu.memref_slice %arg6[%dma_start3A_2149, %dma_start3A_2155] : memref<112x128xi32, #tpu.memory_space<vmem>> -> memref<1x128xi32, #tpu.memory_space<vmem>>
    %dma_start3A_2157 = tpu.memref_squeeze %dma_start3A_2156 : memref<1x128xi32, #tpu.memory_space<vmem>> -> memref<128xi32, #tpu.memory_space<vmem>>
    %dma_start3A_2158 = arith.constant 0 : i32
    %dma_start3A_2159 = arith.constant 0 : i32
    %dma_start3A_2160 = tpu.memref_slice %arg3[%dma_start3A_2158, %dma_start3A_2159] : memref<2600000x32xf32, #tpu.memory_space<hbm>> -> memref<2600000x32xf32, #tpu.memory_space<hbm>>
    tpu.enqueue_indirect_dma source(%dma_start3A_2160 : memref<2600000x32xf32, #tpu.memory_space<hbm>>) target(%dma_start3A_2154 : memref<128x32xf32, #tpu.memory_space<vmem>>) offsets(%dma_start3A_2157 : memref<128xi32, #tpu.memory_space<vmem>>) semaphore(%arg8 : memref<!tpu.dma_semaphore, #tpu.memory_space<semaphore_mem>>)
    %dma_start3A_2161 = arith.constant 83 : i32
    %dma_start3A_2162 = arith.constant 0 : i32
    %dma_start3A_2163 = arith.constant 384 : i32
    %dma_start3A_2164 = arith.constant 0 : i32
    %dma_start3A_2165 = tpu.memref_slice %arg7[%dma_start3A_2162, %dma_start3A_2163, %dma_start3A_2164] : memref<2x1024x32xf32, #tpu.memory_space<vmem>> -> memref<1x128x32xf32, #tpu.memory_space<vmem>>
    %dma_start3A_2166 = tpu.memref_squeeze %dma_start3A_2165 : memref<1x128x32xf32, #tpu.memory_space<vmem>> -> memref<128x32xf32, #tpu.memory_space<vmem>>
    %dma_start3A_2167 = arith.constant 0 : i32
    %dma_start3A_2168 = tpu.memref_slice %arg6[%dma_start3A_2161, %dma_start3A_2167] : memref<112x128xi32, #tpu.memory_space<vmem>> -> memref<1x128xi32, #tpu.memory_space<vmem>>
    %dma_start3A_2169 = tpu.memref_squeeze %dma_start3A_2168 : memref<1x128xi32, #tpu.memory_space<vmem>> -> memref<128xi32, #tpu.memory_space<vmem>>
    %dma_start3A_2170 = arith.constant 0 : i32
    %dma_start3A_2171 = arith.constant 0 : i32
    %dma_start3A_2172 = tpu.memref_slice %arg3[%dma_start3A_2170, %dma_start3A_2171] : memref<2600000x32xf32, #tpu.memory_space<hbm>> -> memref<2600000x32xf32, #tpu.memory_space<hbm>>
    tpu.enqueue_indirect_dma source(%dma_start3A_2172 : memref<2600000x32xf32, #tpu.memory_space<hbm>>) target(%dma_start3A_2166 : memref<128x32xf32, #tpu.memory_space<vmem>>) offsets(%dma_start3A_2169 : memref<128xi32, #tpu.memory_space<vmem>>) semaphore(%arg8 : memref<!tpu.dma_semaphore, #tpu.memory_space<semaphore_mem>>)
    %dma_start3A_2173 = arith.constant 84 : i32
    %dma_start3A_2174 = arith.constant 0 : i32
    %dma_start3A_2175 = arith.constant 512 : i32
    %dma_start3A_2176 = arith.constant 0 : i32
    %dma_start3A_2177 = tpu.memref_slice %arg7[%dma_start3A_2174, %dma_start3A_2175, %dma_start3A_2176] : memref<2x1024x32xf32, #tpu.memory_space<vmem>> -> memref<1x128x32xf32, #tpu.memory_space<vmem>>
    %dma_start3A_2178 = tpu.memref_squeeze %dma_start3A_2177 : memref<1x128x32xf32, #tpu.memory_space<vmem>> -> memref<128x32xf32, #tpu.memory_space<vmem>>
    %dma_start3A_2179 = arith.constant 0 : i32
    %dma_start3A_2180 = tpu.memref_slice %arg6[%dma_start3A_2173, %dma_start3A_2179] : memref<112x128xi32, #tpu.memory_space<vmem>> -> memref<1x128xi32, #tpu.memory_space<vmem>>
    %dma_start3A_2181 = tpu.memref_squeeze %dma_start3A_2180 : memref<1x128xi32, #tpu.memory_space<vmem>> -> memref<128xi32, #tpu.memory_space<vmem>>
    %dma_start3A_2182 = arith.constant 0 : i32
    %dma_start3A_2183 = arith.constant 0 : i32
    %dma_start3A_2184 = tpu.memref_slice %arg3[%dma_start3A_2182, %dma_start3A_2183] : memref<2600000x32xf32, #tpu.memory_space<hbm>> -> memref<2600000x32xf32, #tpu.memory_space<hbm>>
    tpu.enqueue_indirect_dma source(%dma_start3A_2184 : memref<2600000x32xf32, #tpu.memory_space<hbm>>) target(%dma_start3A_2178 : memref<128x32xf32, #tpu.memory_space<vmem>>) offsets(%dma_start3A_2181 : memref<128xi32, #tpu.memory_space<vmem>>) semaphore(%arg8 : memref<!tpu.dma_semaphore, #tpu.memory_space<semaphore_mem>>)
    %dma_start3A_2185 = arith.constant 85 : i32
    %dma_start3A_2186 = arith.constant 0 : i32
    %dma_start3A_2187 = arith.constant 640 : i32
    %dma_start3A_2188 = arith.constant 0 : i32
    %dma_start3A_2189 = tpu.memref_slice %arg7[%dma_start3A_2186, %dma_start3A_2187, %dma_start3A_2188] : memref<2x1024x32xf32, #tpu.memory_space<vmem>> -> memref<1x128x32xf32, #tpu.memory_space<vmem>>
    %dma_start3A_2190 = tpu.memref_squeeze %dma_start3A_2189 : memref<1x128x32xf32, #tpu.memory_space<vmem>> -> memref<128x32xf32, #tpu.memory_space<vmem>>
    %dma_start3A_2191 = arith.constant 0 : i32
    %dma_start3A_2192 = tpu.memref_slice %arg6[%dma_start3A_2185, %dma_start3A_2191] : memref<112x128xi32, #tpu.memory_space<vmem>> -> memref<1x128xi32, #tpu.memory_space<vmem>>
    %dma_start3A_2193 = tpu.memref_squeeze %dma_start3A_2192 : memref<1x128xi32, #tpu.memory_space<vmem>> -> memref<128xi32, #tpu.memory_space<vmem>>
    %dma_start3A_2194 = arith.constant 0 : i32
    %dma_start3A_2195 = arith.constant 0 : i32
    %dma_start3A_2196 = tpu.memref_slice %arg3[%dma_start3A_2194, %dma_start3A_2195] : memref<2600000x32xf32, #tpu.memory_space<hbm>> -> memref<2600000x32xf32, #tpu.memory_space<hbm>>
    tpu.enqueue_indirect_dma source(%dma_start3A_2196 : memref<2600000x32xf32, #tpu.memory_space<hbm>>) target(%dma_start3A_2190 : memref<128x32xf32, #tpu.memory_space<vmem>>) offsets(%dma_start3A_2193 : memref<128xi32, #tpu.memory_space<vmem>>) semaphore(%arg8 : memref<!tpu.dma_semaphore, #tpu.memory_space<semaphore_mem>>)
    %dma_start3A_2197 = arith.constant 86 : i32
    %dma_start3A_2198 = arith.constant 0 : i32
    %dma_start3A_2199 = arith.constant 768 : i32
    %dma_start3A_2200 = arith.constant 0 : i32
    %dma_start3A_2201 = tpu.memref_slice %arg7[%dma_start3A_2198, %dma_start3A_2199, %dma_start3A_2200] : memref<2x1024x32xf32, #tpu.memory_space<vmem>> -> memref<1x128x32xf32, #tpu.memory_space<vmem>>
    %dma_start3A_2202 = tpu.memref_squeeze %dma_start3A_2201 : memref<1x128x32xf32, #tpu.memory_space<vmem>> -> memref<128x32xf32, #tpu.memory_space<vmem>>
    %dma_start3A_2203 = arith.constant 0 : i32
    %dma_start3A_2204 = tpu.memref_slice %arg6[%dma_start3A_2197, %dma_start3A_2203] : memref<112x128xi32, #tpu.memory_space<vmem>> -> memref<1x128xi32, #tpu.memory_space<vmem>>
    %dma_start3A_2205 = tpu.memref_squeeze %dma_start3A_2204 : memref<1x128xi32, #tpu.memory_space<vmem>> -> memref<128xi32, #tpu.memory_space<vmem>>
    %dma_start3A_2206 = arith.constant 0 : i32
    %dma_start3A_2207 = arith.constant 0 : i32
    %dma_start3A_2208 = tpu.memref_slice %arg3[%dma_start3A_2206, %dma_start3A_2207] : memref<2600000x32xf32, #tpu.memory_space<hbm>> -> memref<2600000x32xf32, #tpu.memory_space<hbm>>
    tpu.enqueue_indirect_dma source(%dma_start3A_2208 : memref<2600000x32xf32, #tpu.memory_space<hbm>>) target(%dma_start3A_2202 : memref<128x32xf32, #tpu.memory_space<vmem>>) offsets(%dma_start3A_2205 : memref<128xi32, #tpu.memory_space<vmem>>) semaphore(%arg8 : memref<!tpu.dma_semaphore, #tpu.memory_space<semaphore_mem>>)
    %dma_start3A_2209 = arith.constant 87 : i32
    %dma_start3A_2210 = arith.constant 0 : i32
    %dma_start3A_2211 = arith.constant 896 : i32
    %dma_start3A_2212 = arith.constant 0 : i32
    %dma_start3A_2213 = tpu.memref_slice %arg7[%dma_start3A_2210, %dma_start3A_2211, %dma_start3A_2212] : memref<2x1024x32xf32, #tpu.memory_space<vmem>> -> memref<1x128x32xf32, #tpu.memory_space<vmem>>
    %dma_start3A_2214 = tpu.memref_squeeze %dma_start3A_2213 : memref<1x128x32xf32, #tpu.memory_space<vmem>> -> memref<128x32xf32, #tpu.memory_space<vmem>>
    %dma_start3A_2215 = arith.constant 0 : i32
    %dma_start3A_2216 = tpu.memref_slice %arg6[%dma_start3A_2209, %dma_start3A_2215] : memref<112x128xi32, #tpu.memory_space<vmem>> -> memref<1x128xi32, #tpu.memory_space<vmem>>
    %dma_start3A_2217 = tpu.memref_squeeze %dma_start3A_2216 : memref<1x128xi32, #tpu.memory_space<vmem>> -> memref<128xi32, #tpu.memory_space<vmem>>
    %dma_start3A_2218 = arith.constant 0 : i32
    %dma_start3A_2219 = arith.constant 0 : i32
    %dma_start3A_2220 = tpu.memref_slice %arg3[%dma_start3A_2218, %dma_start3A_2219] : memref<2600000x32xf32, #tpu.memory_space<hbm>> -> memref<2600000x32xf32, #tpu.memory_space<hbm>>
    tpu.enqueue_indirect_dma source(%dma_start3A_2220 : memref<2600000x32xf32, #tpu.memory_space<hbm>>) target(%dma_start3A_2214 : memref<128x32xf32, #tpu.memory_space<vmem>>) offsets(%dma_start3A_2217 : memref<128xi32, #tpu.memory_space<vmem>>) semaphore(%arg8 : memref<!tpu.dma_semaphore, #tpu.memory_space<semaphore_mem>>)
    %dma_wait3A_2221 = arith.constant 72 : i32
    %dma_wait3A_2222 = arith.constant 1 : i32
    %dma_wait3A_2223 = arith.constant 0 : i32
    %dma_wait3A_2224 = arith.constant 0 : i32
    %dma_wait3A_2225 = tpu.memref_slice %arg7[%dma_wait3A_2222, %dma_wait3A_2223, %dma_wait3A_2224] : memref<2x1024x32xf32, #tpu.memory_space<vmem>> -> memref<1x128x32xf32, #tpu.memory_space<vmem>>
    %dma_wait3A_2226 = tpu.memref_squeeze %dma_wait3A_2225 : memref<1x128x32xf32, #tpu.memory_space<vmem>> -> memref<128x32xf32, #tpu.memory_space<vmem>>
    %dma_wait3A_2227 = arith.constant 0 : i32
    %dma_wait3A_2228 = tpu.memref_slice %arg6[%dma_wait3A_2221, %dma_wait3A_2227] : memref<112x128xi32, #tpu.memory_space<vmem>> -> memref<1x128xi32, #tpu.memory_space<vmem>>
    %dma_wait3A_2229 = tpu.memref_squeeze %dma_wait3A_2228 : memref<1x128xi32, #tpu.memory_space<vmem>> -> memref<128xi32, #tpu.memory_space<vmem>>
    %dma_wait3A_2230 = arith.constant 0 : i32
    %dma_wait3A_2231 = arith.constant 0 : i32
    %dma_wait3A_2232 = tpu.memref_slice %arg3[%dma_wait3A_2230, %dma_wait3A_2231] : memref<2600000x32xf32, #tpu.memory_space<hbm>> -> memref<2600000x32xf32, #tpu.memory_space<hbm>>
    tpu.wait_indirect_dma semaphore(%arg8 : memref<!tpu.dma_semaphore, #tpu.memory_space<semaphore_mem>>) src(%dma_wait3A_2232 : memref<2600000x32xf32, #tpu.memory_space<hbm>>) dst(%dma_wait3A_2226 : memref<128x32xf32, #tpu.memory_space<vmem>>)
    %dma_wait3A_2233 = arith.constant 73 : i32
    %dma_wait3A_2234 = arith.constant 1 : i32
    %dma_wait3A_2235 = arith.constant 128 : i32
    %dma_wait3A_2236 = arith.constant 0 : i32
    %dma_wait3A_2237 = tpu.memref_slice %arg7[%dma_wait3A_2234, %dma_wait3A_2235, %dma_wait3A_2236] : memref<2x1024x32xf32, #tpu.memory_space<vmem>> -> memref<1x128x32xf32, #tpu.memory_space<vmem>>
    %dma_wait3A_2238 = tpu.memref_squeeze %dma_wait3A_2237 : memref<1x128x32xf32, #tpu.memory_space<vmem>> -> memref<128x32xf32, #tpu.memory_space<vmem>>
    %dma_wait3A_2239 = arith.constant 0 : i32
    %dma_wait3A_2240 = tpu.memref_slice %arg6[%dma_wait3A_2233, %dma_wait3A_2239] : memref<112x128xi32, #tpu.memory_space<vmem>> -> memref<1x128xi32, #tpu.memory_space<vmem>>
    %dma_wait3A_2241 = tpu.memref_squeeze %dma_wait3A_2240 : memref<1x128xi32, #tpu.memory_space<vmem>> -> memref<128xi32, #tpu.memory_space<vmem>>
    %dma_wait3A_2242 = arith.constant 0 : i32
    %dma_wait3A_2243 = arith.constant 0 : i32
    %dma_wait3A_2244 = tpu.memref_slice %arg3[%dma_wait3A_2242, %dma_wait3A_2243] : memref<2600000x32xf32, #tpu.memory_space<hbm>> -> memref<2600000x32xf32, #tpu.memory_space<hbm>>
    tpu.wait_indirect_dma semaphore(%arg8 : memref<!tpu.dma_semaphore, #tpu.memory_space<semaphore_mem>>) src(%dma_wait3A_2244 : memref<2600000x32xf32, #tpu.memory_space<hbm>>) dst(%dma_wait3A_2238 : memref<128x32xf32, #tpu.memory_space<vmem>>)
    %dma_wait3A_2245 = arith.constant 74 : i32
    %dma_wait3A_2246 = arith.constant 1 : i32
    %dma_wait3A_2247 = arith.constant 256 : i32
    %dma_wait3A_2248 = arith.constant 0 : i32
    %dma_wait3A_2249 = tpu.memref_slice %arg7[%dma_wait3A_2246, %dma_wait3A_2247, %dma_wait3A_2248] : memref<2x1024x32xf32, #tpu.memory_space<vmem>> -> memref<1x128x32xf32, #tpu.memory_space<vmem>>
    %dma_wait3A_2250 = tpu.memref_squeeze %dma_wait3A_2249 : memref<1x128x32xf32, #tpu.memory_space<vmem>> -> memref<128x32xf32, #tpu.memory_space<vmem>>
    %dma_wait3A_2251 = arith.constant 0 : i32
    %dma_wait3A_2252 = tpu.memref_slice %arg6[%dma_wait3A_2245, %dma_wait3A_2251] : memref<112x128xi32, #tpu.memory_space<vmem>> -> memref<1x128xi32, #tpu.memory_space<vmem>>
    %dma_wait3A_2253 = tpu.memref_squeeze %dma_wait3A_2252 : memref<1x128xi32, #tpu.memory_space<vmem>> -> memref<128xi32, #tpu.memory_space<vmem>>
    %dma_wait3A_2254 = arith.constant 0 : i32
    %dma_wait3A_2255 = arith.constant 0 : i32
    %dma_wait3A_2256 = tpu.memref_slice %arg3[%dma_wait3A_2254, %dma_wait3A_2255] : memref<2600000x32xf32, #tpu.memory_space<hbm>> -> memref<2600000x32xf32, #tpu.memory_space<hbm>>
    tpu.wait_indirect_dma semaphore(%arg8 : memref<!tpu.dma_semaphore, #tpu.memory_space<semaphore_mem>>) src(%dma_wait3A_2256 : memref<2600000x32xf32, #tpu.memory_space<hbm>>) dst(%dma_wait3A_2250 : memref<128x32xf32, #tpu.memory_space<vmem>>)
    %dma_wait3A_2257 = arith.constant 75 : i32
    %dma_wait3A_2258 = arith.constant 1 : i32
    %dma_wait3A_2259 = arith.constant 384 : i32
    %dma_wait3A_2260 = arith.constant 0 : i32
    %dma_wait3A_2261 = tpu.memref_slice %arg7[%dma_wait3A_2258, %dma_wait3A_2259, %dma_wait3A_2260] : memref<2x1024x32xf32, #tpu.memory_space<vmem>> -> memref<1x128x32xf32, #tpu.memory_space<vmem>>
    %dma_wait3A_2262 = tpu.memref_squeeze %dma_wait3A_2261 : memref<1x128x32xf32, #tpu.memory_space<vmem>> -> memref<128x32xf32, #tpu.memory_space<vmem>>
    %dma_wait3A_2263 = arith.constant 0 : i32
    %dma_wait3A_2264 = tpu.memref_slice %arg6[%dma_wait3A_2257, %dma_wait3A_2263] : memref<112x128xi32, #tpu.memory_space<vmem>> -> memref<1x128xi32, #tpu.memory_space<vmem>>
    %dma_wait3A_2265 = tpu.memref_squeeze %dma_wait3A_2264 : memref<1x128xi32, #tpu.memory_space<vmem>> -> memref<128xi32, #tpu.memory_space<vmem>>
    %dma_wait3A_2266 = arith.constant 0 : i32
    %dma_wait3A_2267 = arith.constant 0 : i32
    %dma_wait3A_2268 = tpu.memref_slice %arg3[%dma_wait3A_2266, %dma_wait3A_2267] : memref<2600000x32xf32, #tpu.memory_space<hbm>> -> memref<2600000x32xf32, #tpu.memory_space<hbm>>
    tpu.wait_indirect_dma semaphore(%arg8 : memref<!tpu.dma_semaphore, #tpu.memory_space<semaphore_mem>>) src(%dma_wait3A_2268 : memref<2600000x32xf32, #tpu.memory_space<hbm>>) dst(%dma_wait3A_2262 : memref<128x32xf32, #tpu.memory_space<vmem>>)
    %dma_wait3A_2269 = arith.constant 76 : i32
    %dma_wait3A_2270 = arith.constant 1 : i32
    %dma_wait3A_2271 = arith.constant 512 : i32
    %dma_wait3A_2272 = arith.constant 0 : i32
    %dma_wait3A_2273 = tpu.memref_slice %arg7[%dma_wait3A_2270, %dma_wait3A_2271, %dma_wait3A_2272] : memref<2x1024x32xf32, #tpu.memory_space<vmem>> -> memref<1x128x32xf32, #tpu.memory_space<vmem>>
    %dma_wait3A_2274 = tpu.memref_squeeze %dma_wait3A_2273 : memref<1x128x32xf32, #tpu.memory_space<vmem>> -> memref<128x32xf32, #tpu.memory_space<vmem>>
    %dma_wait3A_2275 = arith.constant 0 : i32
    %dma_wait3A_2276 = tpu.memref_slice %arg6[%dma_wait3A_2269, %dma_wait3A_2275] : memref<112x128xi32, #tpu.memory_space<vmem>> -> memref<1x128xi32, #tpu.memory_space<vmem>>
    %dma_wait3A_2277 = tpu.memref_squeeze %dma_wait3A_2276 : memref<1x128xi32, #tpu.memory_space<vmem>> -> memref<128xi32, #tpu.memory_space<vmem>>
    %dma_wait3A_2278 = arith.constant 0 : i32
    %dma_wait3A_2279 = arith.constant 0 : i32
    %dma_wait3A_2280 = tpu.memref_slice %arg3[%dma_wait3A_2278, %dma_wait3A_2279] : memref<2600000x32xf32, #tpu.memory_space<hbm>> -> memref<2600000x32xf32, #tpu.memory_space<hbm>>
    tpu.wait_indirect_dma semaphore(%arg8 : memref<!tpu.dma_semaphore, #tpu.memory_space<semaphore_mem>>) src(%dma_wait3A_2280 : memref<2600000x32xf32, #tpu.memory_space<hbm>>) dst(%dma_wait3A_2274 : memref<128x32xf32, #tpu.memory_space<vmem>>)
    %dma_wait3A_2281 = arith.constant 77 : i32
    %dma_wait3A_2282 = arith.constant 1 : i32
    %dma_wait3A_2283 = arith.constant 640 : i32
    %dma_wait3A_2284 = arith.constant 0 : i32
    %dma_wait3A_2285 = tpu.memref_slice %arg7[%dma_wait3A_2282, %dma_wait3A_2283, %dma_wait3A_2284] : memref<2x1024x32xf32, #tpu.memory_space<vmem>> -> memref<1x128x32xf32, #tpu.memory_space<vmem>>
    %dma_wait3A_2286 = tpu.memref_squeeze %dma_wait3A_2285 : memref<1x128x32xf32, #tpu.memory_space<vmem>> -> memref<128x32xf32, #tpu.memory_space<vmem>>
    %dma_wait3A_2287 = arith.constant 0 : i32
    %dma_wait3A_2288 = tpu.memref_slice %arg6[%dma_wait3A_2281, %dma_wait3A_2287] : memref<112x128xi32, #tpu.memory_space<vmem>> -> memref<1x128xi32, #tpu.memory_space<vmem>>
    %dma_wait3A_2289 = tpu.memref_squeeze %dma_wait3A_2288 : memref<1x128xi32, #tpu.memory_space<vmem>> -> memref<128xi32, #tpu.memory_space<vmem>>
    %dma_wait3A_2290 = arith.constant 0 : i32
    %dma_wait3A_2291 = arith.constant 0 : i32
    %dma_wait3A_2292 = tpu.memref_slice %arg3[%dma_wait3A_2290, %dma_wait3A_2291] : memref<2600000x32xf32, #tpu.memory_space<hbm>> -> memref<2600000x32xf32, #tpu.memory_space<hbm>>
    tpu.wait_indirect_dma semaphore(%arg8 : memref<!tpu.dma_semaphore, #tpu.memory_space<semaphore_mem>>) src(%dma_wait3A_2292 : memref<2600000x32xf32, #tpu.memory_space<hbm>>) dst(%dma_wait3A_2286 : memref<128x32xf32, #tpu.memory_space<vmem>>)
    %dma_wait3A_2293 = arith.constant 78 : i32
    %dma_wait3A_2294 = arith.constant 1 : i32
    %dma_wait3A_2295 = arith.constant 768 : i32
    %dma_wait3A_2296 = arith.constant 0 : i32
    %dma_wait3A_2297 = tpu.memref_slice %arg7[%dma_wait3A_2294, %dma_wait3A_2295, %dma_wait3A_2296] : memref<2x1024x32xf32, #tpu.memory_space<vmem>> -> memref<1x128x32xf32, #tpu.memory_space<vmem>>
    %dma_wait3A_2298 = tpu.memref_squeeze %dma_wait3A_2297 : memref<1x128x32xf32, #tpu.memory_space<vmem>> -> memref<128x32xf32, #tpu.memory_space<vmem>>
    %dma_wait3A_2299 = arith.constant 0 : i32
    %dma_wait3A_2300 = tpu.memref_slice %arg6[%dma_wait3A_2293, %dma_wait3A_2299] : memref<112x128xi32, #tpu.memory_space<vmem>> -> memref<1x128xi32, #tpu.memory_space<vmem>>
    %dma_wait3A_2301 = tpu.memref_squeeze %dma_wait3A_2300 : memref<1x128xi32, #tpu.memory_space<vmem>> -> memref<128xi32, #tpu.memory_space<vmem>>
    %dma_wait3A_2302 = arith.constant 0 : i32
    %dma_wait3A_2303 = arith.constant 0 : i32
    %dma_wait3A_2304 = tpu.memref_slice %arg3[%dma_wait3A_2302, %dma_wait3A_2303] : memref<2600000x32xf32, #tpu.memory_space<hbm>> -> memref<2600000x32xf32, #tpu.memory_space<hbm>>
    tpu.wait_indirect_dma semaphore(%arg8 : memref<!tpu.dma_semaphore, #tpu.memory_space<semaphore_mem>>) src(%dma_wait3A_2304 : memref<2600000x32xf32, #tpu.memory_space<hbm>>) dst(%dma_wait3A_2298 : memref<128x32xf32, #tpu.memory_space<vmem>>)
    %dma_wait3A_2305 = arith.constant 79 : i32
    %dma_wait3A_2306 = arith.constant 1 : i32
    %dma_wait3A_2307 = arith.constant 896 : i32
    %dma_wait3A_2308 = arith.constant 0 : i32
    %dma_wait3A_2309 = tpu.memref_slice %arg7[%dma_wait3A_2306, %dma_wait3A_2307, %dma_wait3A_2308] : memref<2x1024x32xf32, #tpu.memory_space<vmem>> -> memref<1x128x32xf32, #tpu.memory_space<vmem>>
    %dma_wait3A_2310 = tpu.memref_squeeze %dma_wait3A_2309 : memref<1x128x32xf32, #tpu.memory_space<vmem>> -> memref<128x32xf32, #tpu.memory_space<vmem>>
    %dma_wait3A_2311 = arith.constant 0 : i32
    %dma_wait3A_2312 = tpu.memref_slice %arg6[%dma_wait3A_2305, %dma_wait3A_2311] : memref<112x128xi32, #tpu.memory_space<vmem>> -> memref<1x128xi32, #tpu.memory_space<vmem>>
    %dma_wait3A_2313 = tpu.memref_squeeze %dma_wait3A_2312 : memref<1x128xi32, #tpu.memory_space<vmem>> -> memref<128xi32, #tpu.memory_space<vmem>>
    %dma_wait3A_2314 = arith.constant 0 : i32
    %dma_wait3A_2315 = arith.constant 0 : i32
    %dma_wait3A_2316 = tpu.memref_slice %arg3[%dma_wait3A_2314, %dma_wait3A_2315] : memref<2600000x32xf32, #tpu.memory_space<hbm>> -> memref<2600000x32xf32, #tpu.memory_space<hbm>>
    tpu.wait_indirect_dma semaphore(%arg8 : memref<!tpu.dma_semaphore, #tpu.memory_space<semaphore_mem>>) src(%dma_wait3A_2316 : memref<2600000x32xf32, #tpu.memory_space<hbm>>) dst(%dma_wait3A_2310 : memref<128x32xf32, #tpu.memory_space<vmem>>)
    %mul3A_2317 = arith.constant 2048 : i32
    %mul3A_2318 = arith.muli %add3A, %mul3A_2317 : i32
    %add3A_2319 = arith.constant 262144 : i32
    %add3A_2320 = arith.addi %add3A_2319, %mul3A_2318 : i32
    %add3A_2321 = arith.constant 1024 : i32
    %add3A_2322 = arith.addi %add3A_2320, %add3A_2321 : i32
    %dma_start3A_2323 = arith.constant 1 : i32
    %dma_start3A_2324 = arith.constant 0 : i32
    %dma_start3A_2325 = arith.constant 0 : i32
    %dma_start3A_2326 = tpu.memref_slice %arg7[%dma_start3A_2323, %dma_start3A_2324, %dma_start3A_2325] : memref<2x1024x32xf32, #tpu.memory_space<vmem>> -> memref<1x1024x32xf32, #tpu.memory_space<vmem>>
    %dma_start3A_2327 = tpu.memref_squeeze %dma_start3A_2326 : memref<1x1024x32xf32, #tpu.memory_space<vmem>> -> memref<1024x32xf32, #tpu.memory_space<vmem>>
    %dma_start3A_2328 = arith.constant 0 : i32
    %dma_start3A_2329 = tpu.memref_slice %arg4[%add3A_2322, %dma_start3A_2328] : memref<458752x32xf32, #tpu.memory_space<hbm>> -> memref<1024x32xf32, #tpu.memory_space<hbm>>
    %dma_start3A_2330 = arith.constant 0 : i32
    %dma_start3A_2331 = tpu.memref_slice %arg4[%add3A_2322, %dma_start3A_2330] : memref<458752x32xf32, #tpu.memory_space<hbm>> -> memref<1024x32xf32, #tpu.memory_space<hbm>>
    %dma_start3A_2332 = arith.constant 0 : i32
    %dma_start3A_2333 = arith.constant 0 : i32
    %dma_start3A_2334 = tpu.memref_slice %arg7[%dma_start3A_2323, %dma_start3A_2332, %dma_start3A_2333] : memref<2x1024x32xf32, #tpu.memory_space<vmem>> -> memref<1x1024x32xf32, #tpu.memory_space<vmem>>
    %dma_start3A_2335 = tpu.memref_squeeze %dma_start3A_2334 : memref<1x1024x32xf32, #tpu.memory_space<vmem>> -> memref<1024x32xf32, #tpu.memory_space<vmem>>
    tpu.enqueue_dma source(%dma_start3A_2335 : memref<1024x32xf32, #tpu.memory_space<vmem>>) target(%dma_start3A_2331 : memref<1024x32xf32, #tpu.memory_space<hbm>>) target_semaphore(%arg9 : memref<!tpu.dma_semaphore, #tpu.memory_space<semaphore_mem>>)
    %dma_wait3A_2336 = arith.constant 1 : i32
    %dma_wait3A_2337 = arith.constant 0 : i32
    %dma_wait3A_2338 = arith.constant 0 : i32
    %dma_wait3A_2339 = tpu.memref_slice %arg7[%dma_wait3A_2336, %dma_wait3A_2337, %dma_wait3A_2338] : memref<2x1024x32xf32, #tpu.memory_space<vmem>> -> memref<1x1024x32xf32, #tpu.memory_space<vmem>>
    %dma_wait3A_2340 = tpu.memref_squeeze %dma_wait3A_2339 : memref<1x1024x32xf32, #tpu.memory_space<vmem>> -> memref<1024x32xf32, #tpu.memory_space<vmem>>
    %dma_wait3A_2341 = arith.constant 0 : i32
    %dma_wait3A_2342 = tpu.memref_slice %arg4[%add3A_2322, %dma_wait3A_2341] : memref<458752x32xf32, #tpu.memory_space<hbm>> -> memref<1024x32xf32, #tpu.memory_space<hbm>>
    %dma_wait3A_2343 = arith.constant 0 : i32
    %dma_wait3A_2344 = tpu.memref_slice %arg4[%add3A_2322, %dma_wait3A_2343] : memref<458752x32xf32, #tpu.memory_space<hbm>> -> memref<1024x32xf32, #tpu.memory_space<hbm>>
    %dma_wait3A_2345 = arith.constant 0 : i32
    %dma_wait3A_2346 = arith.constant 0 : i32
    %dma_wait3A_2347 = tpu.memref_slice %arg7[%dma_wait3A_2336, %dma_wait3A_2345, %dma_wait3A_2346] : memref<2x1024x32xf32, #tpu.memory_space<vmem>> -> memref<1x1024x32xf32, #tpu.memory_space<vmem>>
    %dma_wait3A_2348 = tpu.memref_squeeze %dma_wait3A_2347 : memref<1x1024x32xf32, #tpu.memory_space<vmem>> -> memref<1024x32xf32, #tpu.memory_space<vmem>>
    tpu.wait_dma2 semaphore(%arg9 : memref<!tpu.dma_semaphore, #tpu.memory_space<semaphore_mem>>) src(%dma_wait3A_2348 : memref<1024x32xf32, #tpu.memory_space<vmem>>) dst(%dma_wait3A_2344 : memref<1024x32xf32, #tpu.memory_space<hbm>>)
    %dma_start3A_2349 = arith.constant 88 : i32
    %dma_start3A_2350 = arith.constant 1 : i32
    %dma_start3A_2351 = arith.constant 0 : i32
    %dma_start3A_2352 = arith.constant 0 : i32
    %dma_start3A_2353 = tpu.memref_slice %arg7[%dma_start3A_2350, %dma_start3A_2351, %dma_start3A_2352] : memref<2x1024x32xf32, #tpu.memory_space<vmem>> -> memref<1x128x32xf32, #tpu.memory_space<vmem>>
    %dma_start3A_2354 = tpu.memref_squeeze %dma_start3A_2353 : memref<1x128x32xf32, #tpu.memory_space<vmem>> -> memref<128x32xf32, #tpu.memory_space<vmem>>
    %dma_start3A_2355 = arith.constant 0 : i32
    %dma_start3A_2356 = tpu.memref_slice %arg6[%dma_start3A_2349, %dma_start3A_2355] : memref<112x128xi32, #tpu.memory_space<vmem>> -> memref<1x128xi32, #tpu.memory_space<vmem>>
    %dma_start3A_2357 = tpu.memref_squeeze %dma_start3A_2356 : memref<1x128xi32, #tpu.memory_space<vmem>> -> memref<128xi32, #tpu.memory_space<vmem>>
    %dma_start3A_2358 = arith.constant 0 : i32
    %dma_start3A_2359 = arith.constant 0 : i32
    %dma_start3A_2360 = tpu.memref_slice %arg3[%dma_start3A_2358, %dma_start3A_2359] : memref<2600000x32xf32, #tpu.memory_space<hbm>> -> memref<2600000x32xf32, #tpu.memory_space<hbm>>
    tpu.enqueue_indirect_dma source(%dma_start3A_2360 : memref<2600000x32xf32, #tpu.memory_space<hbm>>) target(%dma_start3A_2354 : memref<128x32xf32, #tpu.memory_space<vmem>>) offsets(%dma_start3A_2357 : memref<128xi32, #tpu.memory_space<vmem>>) semaphore(%arg8 : memref<!tpu.dma_semaphore, #tpu.memory_space<semaphore_mem>>)
    %dma_start3A_2361 = arith.constant 89 : i32
    %dma_start3A_2362 = arith.constant 1 : i32
    %dma_start3A_2363 = arith.constant 128 : i32
    %dma_start3A_2364 = arith.constant 0 : i32
    %dma_start3A_2365 = tpu.memref_slice %arg7[%dma_start3A_2362, %dma_start3A_2363, %dma_start3A_2364] : memref<2x1024x32xf32, #tpu.memory_space<vmem>> -> memref<1x128x32xf32, #tpu.memory_space<vmem>>
    %dma_start3A_2366 = tpu.memref_squeeze %dma_start3A_2365 : memref<1x128x32xf32, #tpu.memory_space<vmem>> -> memref<128x32xf32, #tpu.memory_space<vmem>>
    %dma_start3A_2367 = arith.constant 0 : i32
    %dma_start3A_2368 = tpu.memref_slice %arg6[%dma_start3A_2361, %dma_start3A_2367] : memref<112x128xi32, #tpu.memory_space<vmem>> -> memref<1x128xi32, #tpu.memory_space<vmem>>
    %dma_start3A_2369 = tpu.memref_squeeze %dma_start3A_2368 : memref<1x128xi32, #tpu.memory_space<vmem>> -> memref<128xi32, #tpu.memory_space<vmem>>
    %dma_start3A_2370 = arith.constant 0 : i32
    %dma_start3A_2371 = arith.constant 0 : i32
    %dma_start3A_2372 = tpu.memref_slice %arg3[%dma_start3A_2370, %dma_start3A_2371] : memref<2600000x32xf32, #tpu.memory_space<hbm>> -> memref<2600000x32xf32, #tpu.memory_space<hbm>>
    tpu.enqueue_indirect_dma source(%dma_start3A_2372 : memref<2600000x32xf32, #tpu.memory_space<hbm>>) target(%dma_start3A_2366 : memref<128x32xf32, #tpu.memory_space<vmem>>) offsets(%dma_start3A_2369 : memref<128xi32, #tpu.memory_space<vmem>>) semaphore(%arg8 : memref<!tpu.dma_semaphore, #tpu.memory_space<semaphore_mem>>)
    %dma_start3A_2373 = arith.constant 90 : i32
    %dma_start3A_2374 = arith.constant 1 : i32
    %dma_start3A_2375 = arith.constant 256 : i32
    %dma_start3A_2376 = arith.constant 0 : i32
    %dma_start3A_2377 = tpu.memref_slice %arg7[%dma_start3A_2374, %dma_start3A_2375, %dma_start3A_2376] : memref<2x1024x32xf32, #tpu.memory_space<vmem>> -> memref<1x128x32xf32, #tpu.memory_space<vmem>>
    %dma_start3A_2378 = tpu.memref_squeeze %dma_start3A_2377 : memref<1x128x32xf32, #tpu.memory_space<vmem>> -> memref<128x32xf32, #tpu.memory_space<vmem>>
    %dma_start3A_2379 = arith.constant 0 : i32
    %dma_start3A_2380 = tpu.memref_slice %arg6[%dma_start3A_2373, %dma_start3A_2379] : memref<112x128xi32, #tpu.memory_space<vmem>> -> memref<1x128xi32, #tpu.memory_space<vmem>>
    %dma_start3A_2381 = tpu.memref_squeeze %dma_start3A_2380 : memref<1x128xi32, #tpu.memory_space<vmem>> -> memref<128xi32, #tpu.memory_space<vmem>>
    %dma_start3A_2382 = arith.constant 0 : i32
    %dma_start3A_2383 = arith.constant 0 : i32
    %dma_start3A_2384 = tpu.memref_slice %arg3[%dma_start3A_2382, %dma_start3A_2383] : memref<2600000x32xf32, #tpu.memory_space<hbm>> -> memref<2600000x32xf32, #tpu.memory_space<hbm>>
    tpu.enqueue_indirect_dma source(%dma_start3A_2384 : memref<2600000x32xf32, #tpu.memory_space<hbm>>) target(%dma_start3A_2378 : memref<128x32xf32, #tpu.memory_space<vmem>>) offsets(%dma_start3A_2381 : memref<128xi32, #tpu.memory_space<vmem>>) semaphore(%arg8 : memref<!tpu.dma_semaphore, #tpu.memory_space<semaphore_mem>>)
    %dma_start3A_2385 = arith.constant 91 : i32
    %dma_start3A_2386 = arith.constant 1 : i32
    %dma_start3A_2387 = arith.constant 384 : i32
    %dma_start3A_2388 = arith.constant 0 : i32
    %dma_start3A_2389 = tpu.memref_slice %arg7[%dma_start3A_2386, %dma_start3A_2387, %dma_start3A_2388] : memref<2x1024x32xf32, #tpu.memory_space<vmem>> -> memref<1x128x32xf32, #tpu.memory_space<vmem>>
    %dma_start3A_2390 = tpu.memref_squeeze %dma_start3A_2389 : memref<1x128x32xf32, #tpu.memory_space<vmem>> -> memref<128x32xf32, #tpu.memory_space<vmem>>
    %dma_start3A_2391 = arith.constant 0 : i32
    %dma_start3A_2392 = tpu.memref_slice %arg6[%dma_start3A_2385, %dma_start3A_2391] : memref<112x128xi32, #tpu.memory_space<vmem>> -> memref<1x128xi32, #tpu.memory_space<vmem>>
    %dma_start3A_2393 = tpu.memref_squeeze %dma_start3A_2392 : memref<1x128xi32, #tpu.memory_space<vmem>> -> memref<128xi32, #tpu.memory_space<vmem>>
    %dma_start3A_2394 = arith.constant 0 : i32
    %dma_start3A_2395 = arith.constant 0 : i32
    %dma_start3A_2396 = tpu.memref_slice %arg3[%dma_start3A_2394, %dma_start3A_2395] : memref<2600000x32xf32, #tpu.memory_space<hbm>> -> memref<2600000x32xf32, #tpu.memory_space<hbm>>
    tpu.enqueue_indirect_dma source(%dma_start3A_2396 : memref<2600000x32xf32, #tpu.memory_space<hbm>>) target(%dma_start3A_2390 : memref<128x32xf32, #tpu.memory_space<vmem>>) offsets(%dma_start3A_2393 : memref<128xi32, #tpu.memory_space<vmem>>) semaphore(%arg8 : memref<!tpu.dma_semaphore, #tpu.memory_space<semaphore_mem>>)
    %dma_start3A_2397 = arith.constant 92 : i32
    %dma_start3A_2398 = arith.constant 1 : i32
    %dma_start3A_2399 = arith.constant 512 : i32
    %dma_start3A_2400 = arith.constant 0 : i32
    %dma_start3A_2401 = tpu.memref_slice %arg7[%dma_start3A_2398, %dma_start3A_2399, %dma_start3A_2400] : memref<2x1024x32xf32, #tpu.memory_space<vmem>> -> memref<1x128x32xf32, #tpu.memory_space<vmem>>
    %dma_start3A_2402 = tpu.memref_squeeze %dma_start3A_2401 : memref<1x128x32xf32, #tpu.memory_space<vmem>> -> memref<128x32xf32, #tpu.memory_space<vmem>>
    %dma_start3A_2403 = arith.constant 0 : i32
    %dma_start3A_2404 = tpu.memref_slice %arg6[%dma_start3A_2397, %dma_start3A_2403] : memref<112x128xi32, #tpu.memory_space<vmem>> -> memref<1x128xi32, #tpu.memory_space<vmem>>
    %dma_start3A_2405 = tpu.memref_squeeze %dma_start3A_2404 : memref<1x128xi32, #tpu.memory_space<vmem>> -> memref<128xi32, #tpu.memory_space<vmem>>
    %dma_start3A_2406 = arith.constant 0 : i32
    %dma_start3A_2407 = arith.constant 0 : i32
    %dma_start3A_2408 = tpu.memref_slice %arg3[%dma_start3A_2406, %dma_start3A_2407] : memref<2600000x32xf32, #tpu.memory_space<hbm>> -> memref<2600000x32xf32, #tpu.memory_space<hbm>>
    tpu.enqueue_indirect_dma source(%dma_start3A_2408 : memref<2600000x32xf32, #tpu.memory_space<hbm>>) target(%dma_start3A_2402 : memref<128x32xf32, #tpu.memory_space<vmem>>) offsets(%dma_start3A_2405 : memref<128xi32, #tpu.memory_space<vmem>>) semaphore(%arg8 : memref<!tpu.dma_semaphore, #tpu.memory_space<semaphore_mem>>)
    %dma_start3A_2409 = arith.constant 93 : i32
    %dma_start3A_2410 = arith.constant 1 : i32
    %dma_start3A_2411 = arith.constant 640 : i32
    %dma_start3A_2412 = arith.constant 0 : i32
    %dma_start3A_2413 = tpu.memref_slice %arg7[%dma_start3A_2410, %dma_start3A_2411, %dma_start3A_2412] : memref<2x1024x32xf32, #tpu.memory_space<vmem>> -> memref<1x128x32xf32, #tpu.memory_space<vmem>>
    %dma_start3A_2414 = tpu.memref_squeeze %dma_start3A_2413 : memref<1x128x32xf32, #tpu.memory_space<vmem>> -> memref<128x32xf32, #tpu.memory_space<vmem>>
    %dma_start3A_2415 = arith.constant 0 : i32
    %dma_start3A_2416 = tpu.memref_slice %arg6[%dma_start3A_2409, %dma_start3A_2415] : memref<112x128xi32, #tpu.memory_space<vmem>> -> memref<1x128xi32, #tpu.memory_space<vmem>>
    %dma_start3A_2417 = tpu.memref_squeeze %dma_start3A_2416 : memref<1x128xi32, #tpu.memory_space<vmem>> -> memref<128xi32, #tpu.memory_space<vmem>>
    %dma_start3A_2418 = arith.constant 0 : i32
    %dma_start3A_2419 = arith.constant 0 : i32
    %dma_start3A_2420 = tpu.memref_slice %arg3[%dma_start3A_2418, %dma_start3A_2419] : memref<2600000x32xf32, #tpu.memory_space<hbm>> -> memref<2600000x32xf32, #tpu.memory_space<hbm>>
    tpu.enqueue_indirect_dma source(%dma_start3A_2420 : memref<2600000x32xf32, #tpu.memory_space<hbm>>) target(%dma_start3A_2414 : memref<128x32xf32, #tpu.memory_space<vmem>>) offsets(%dma_start3A_2417 : memref<128xi32, #tpu.memory_space<vmem>>) semaphore(%arg8 : memref<!tpu.dma_semaphore, #tpu.memory_space<semaphore_mem>>)
    %dma_start3A_2421 = arith.constant 94 : i32
    %dma_start3A_2422 = arith.constant 1 : i32
    %dma_start3A_2423 = arith.constant 768 : i32
    %dma_start3A_2424 = arith.constant 0 : i32
    %dma_start3A_2425 = tpu.memref_slice %arg7[%dma_start3A_2422, %dma_start3A_2423, %dma_start3A_2424] : memref<2x1024x32xf32, #tpu.memory_space<vmem>> -> memref<1x128x32xf32, #tpu.memory_space<vmem>>
    %dma_start3A_2426 = tpu.memref_squeeze %dma_start3A_2425 : memref<1x128x32xf32, #tpu.memory_space<vmem>> -> memref<128x32xf32, #tpu.memory_space<vmem>>
    %dma_start3A_2427 = arith.constant 0 : i32
    %dma_start3A_2428 = tpu.memref_slice %arg6[%dma_start3A_2421, %dma_start3A_2427] : memref<112x128xi32, #tpu.memory_space<vmem>> -> memref<1x128xi32, #tpu.memory_space<vmem>>
    %dma_start3A_2429 = tpu.memref_squeeze %dma_start3A_2428 : memref<1x128xi32, #tpu.memory_space<vmem>> -> memref<128xi32, #tpu.memory_space<vmem>>
    %dma_start3A_2430 = arith.constant 0 : i32
    %dma_start3A_2431 = arith.constant 0 : i32
    %dma_start3A_2432 = tpu.memref_slice %arg3[%dma_start3A_2430, %dma_start3A_2431] : memref<2600000x32xf32, #tpu.memory_space<hbm>> -> memref<2600000x32xf32, #tpu.memory_space<hbm>>
    tpu.enqueue_indirect_dma source(%dma_start3A_2432 : memref<2600000x32xf32, #tpu.memory_space<hbm>>) target(%dma_start3A_2426 : memref<128x32xf32, #tpu.memory_space<vmem>>) offsets(%dma_start3A_2429 : memref<128xi32, #tpu.memory_space<vmem>>) semaphore(%arg8 : memref<!tpu.dma_semaphore, #tpu.memory_space<semaphore_mem>>)
    %dma_start3A_2433 = arith.constant 95 : i32
    %dma_start3A_2434 = arith.constant 1 : i32
    %dma_start3A_2435 = arith.constant 896 : i32
    %dma_start3A_2436 = arith.constant 0 : i32
    %dma_start3A_2437 = tpu.memref_slice %arg7[%dma_start3A_2434, %dma_start3A_2435, %dma_start3A_2436] : memref<2x1024x32xf32, #tpu.memory_space<vmem>> -> memref<1x128x32xf32, #tpu.memory_space<vmem>>
    %dma_start3A_2438 = tpu.memref_squeeze %dma_start3A_2437 : memref<1x128x32xf32, #tpu.memory_space<vmem>> -> memref<128x32xf32, #tpu.memory_space<vmem>>
    %dma_start3A_2439 = arith.constant 0 : i32
    %dma_start3A_2440 = tpu.memref_slice %arg6[%dma_start3A_2433, %dma_start3A_2439] : memref<112x128xi32, #tpu.memory_space<vmem>> -> memref<1x128xi32, #tpu.memory_space<vmem>>
    %dma_start3A_2441 = tpu.memref_squeeze %dma_start3A_2440 : memref<1x128xi32, #tpu.memory_space<vmem>> -> memref<128xi32, #tpu.memory_space<vmem>>
    %dma_start3A_2442 = arith.constant 0 : i32
    %dma_start3A_2443 = arith.constant 0 : i32
    %dma_start3A_2444 = tpu.memref_slice %arg3[%dma_start3A_2442, %dma_start3A_2443] : memref<2600000x32xf32, #tpu.memory_space<hbm>> -> memref<2600000x32xf32, #tpu.memory_space<hbm>>
    tpu.enqueue_indirect_dma source(%dma_start3A_2444 : memref<2600000x32xf32, #tpu.memory_space<hbm>>) target(%dma_start3A_2438 : memref<128x32xf32, #tpu.memory_space<vmem>>) offsets(%dma_start3A_2441 : memref<128xi32, #tpu.memory_space<vmem>>) semaphore(%arg8 : memref<!tpu.dma_semaphore, #tpu.memory_space<semaphore_mem>>)
    %dma_wait3A_2445 = arith.constant 80 : i32
    %dma_wait3A_2446 = arith.constant 0 : i32
    %dma_wait3A_2447 = arith.constant 0 : i32
    %dma_wait3A_2448 = arith.constant 0 : i32
    %dma_wait3A_2449 = tpu.memref_slice %arg7[%dma_wait3A_2446, %dma_wait3A_2447, %dma_wait3A_2448] : memref<2x1024x32xf32, #tpu.memory_space<vmem>> -> memref<1x128x32xf32, #tpu.memory_space<vmem>>
    %dma_wait3A_2450 = tpu.memref_squeeze %dma_wait3A_2449 : memref<1x128x32xf32, #tpu.memory_space<vmem>> -> memref<128x32xf32, #tpu.memory_space<vmem>>
    %dma_wait3A_2451 = arith.constant 0 : i32
    %dma_wait3A_2452 = tpu.memref_slice %arg6[%dma_wait3A_2445, %dma_wait3A_2451] : memref<112x128xi32, #tpu.memory_space<vmem>> -> memref<1x128xi32, #tpu.memory_space<vmem>>
    %dma_wait3A_2453 = tpu.memref_squeeze %dma_wait3A_2452 : memref<1x128xi32, #tpu.memory_space<vmem>> -> memref<128xi32, #tpu.memory_space<vmem>>
    %dma_wait3A_2454 = arith.constant 0 : i32
    %dma_wait3A_2455 = arith.constant 0 : i32
    %dma_wait3A_2456 = tpu.memref_slice %arg3[%dma_wait3A_2454, %dma_wait3A_2455] : memref<2600000x32xf32, #tpu.memory_space<hbm>> -> memref<2600000x32xf32, #tpu.memory_space<hbm>>
    tpu.wait_indirect_dma semaphore(%arg8 : memref<!tpu.dma_semaphore, #tpu.memory_space<semaphore_mem>>) src(%dma_wait3A_2456 : memref<2600000x32xf32, #tpu.memory_space<hbm>>) dst(%dma_wait3A_2450 : memref<128x32xf32, #tpu.memory_space<vmem>>)
    %dma_wait3A_2457 = arith.constant 81 : i32
    %dma_wait3A_2458 = arith.constant 0 : i32
    %dma_wait3A_2459 = arith.constant 128 : i32
    %dma_wait3A_2460 = arith.constant 0 : i32
    %dma_wait3A_2461 = tpu.memref_slice %arg7[%dma_wait3A_2458, %dma_wait3A_2459, %dma_wait3A_2460] : memref<2x1024x32xf32, #tpu.memory_space<vmem>> -> memref<1x128x32xf32, #tpu.memory_space<vmem>>
    %dma_wait3A_2462 = tpu.memref_squeeze %dma_wait3A_2461 : memref<1x128x32xf32, #tpu.memory_space<vmem>> -> memref<128x32xf32, #tpu.memory_space<vmem>>
    %dma_wait3A_2463 = arith.constant 0 : i32
    %dma_wait3A_2464 = tpu.memref_slice %arg6[%dma_wait3A_2457, %dma_wait3A_2463] : memref<112x128xi32, #tpu.memory_space<vmem>> -> memref<1x128xi32, #tpu.memory_space<vmem>>
    %dma_wait3A_2465 = tpu.memref_squeeze %dma_wait3A_2464 : memref<1x128xi32, #tpu.memory_space<vmem>> -> memref<128xi32, #tpu.memory_space<vmem>>
    %dma_wait3A_2466 = arith.constant 0 : i32
    %dma_wait3A_2467 = arith.constant 0 : i32
    %dma_wait3A_2468 = tpu.memref_slice %arg3[%dma_wait3A_2466, %dma_wait3A_2467] : memref<2600000x32xf32, #tpu.memory_space<hbm>> -> memref<2600000x32xf32, #tpu.memory_space<hbm>>
    tpu.wait_indirect_dma semaphore(%arg8 : memref<!tpu.dma_semaphore, #tpu.memory_space<semaphore_mem>>) src(%dma_wait3A_2468 : memref<2600000x32xf32, #tpu.memory_space<hbm>>) dst(%dma_wait3A_2462 : memref<128x32xf32, #tpu.memory_space<vmem>>)
    %dma_wait3A_2469 = arith.constant 82 : i32
    %dma_wait3A_2470 = arith.constant 0 : i32
    %dma_wait3A_2471 = arith.constant 256 : i32
    %dma_wait3A_2472 = arith.constant 0 : i32
    %dma_wait3A_2473 = tpu.memref_slice %arg7[%dma_wait3A_2470, %dma_wait3A_2471, %dma_wait3A_2472] : memref<2x1024x32xf32, #tpu.memory_space<vmem>> -> memref<1x128x32xf32, #tpu.memory_space<vmem>>
    %dma_wait3A_2474 = tpu.memref_squeeze %dma_wait3A_2473 : memref<1x128x32xf32, #tpu.memory_space<vmem>> -> memref<128x32xf32, #tpu.memory_space<vmem>>
    %dma_wait3A_2475 = arith.constant 0 : i32
    %dma_wait3A_2476 = tpu.memref_slice %arg6[%dma_wait3A_2469, %dma_wait3A_2475] : memref<112x128xi32, #tpu.memory_space<vmem>> -> memref<1x128xi32, #tpu.memory_space<vmem>>
    %dma_wait3A_2477 = tpu.memref_squeeze %dma_wait3A_2476 : memref<1x128xi32, #tpu.memory_space<vmem>> -> memref<128xi32, #tpu.memory_space<vmem>>
    %dma_wait3A_2478 = arith.constant 0 : i32
    %dma_wait3A_2479 = arith.constant 0 : i32
    %dma_wait3A_2480 = tpu.memref_slice %arg3[%dma_wait3A_2478, %dma_wait3A_2479] : memref<2600000x32xf32, #tpu.memory_space<hbm>> -> memref<2600000x32xf32, #tpu.memory_space<hbm>>
    tpu.wait_indirect_dma semaphore(%arg8 : memref<!tpu.dma_semaphore, #tpu.memory_space<semaphore_mem>>) src(%dma_wait3A_2480 : memref<2600000x32xf32, #tpu.memory_space<hbm>>) dst(%dma_wait3A_2474 : memref<128x32xf32, #tpu.memory_space<vmem>>)
    %dma_wait3A_2481 = arith.constant 83 : i32
    %dma_wait3A_2482 = arith.constant 0 : i32
    %dma_wait3A_2483 = arith.constant 384 : i32
    %dma_wait3A_2484 = arith.constant 0 : i32
    %dma_wait3A_2485 = tpu.memref_slice %arg7[%dma_wait3A_2482, %dma_wait3A_2483, %dma_wait3A_2484] : memref<2x1024x32xf32, #tpu.memory_space<vmem>> -> memref<1x128x32xf32, #tpu.memory_space<vmem>>
    %dma_wait3A_2486 = tpu.memref_squeeze %dma_wait3A_2485 : memref<1x128x32xf32, #tpu.memory_space<vmem>> -> memref<128x32xf32, #tpu.memory_space<vmem>>
    %dma_wait3A_2487 = arith.constant 0 : i32
    %dma_wait3A_2488 = tpu.memref_slice %arg6[%dma_wait3A_2481, %dma_wait3A_2487] : memref<112x128xi32, #tpu.memory_space<vmem>> -> memref<1x128xi32, #tpu.memory_space<vmem>>
    %dma_wait3A_2489 = tpu.memref_squeeze %dma_wait3A_2488 : memref<1x128xi32, #tpu.memory_space<vmem>> -> memref<128xi32, #tpu.memory_space<vmem>>
    %dma_wait3A_2490 = arith.constant 0 : i32
    %dma_wait3A_2491 = arith.constant 0 : i32
    %dma_wait3A_2492 = tpu.memref_slice %arg3[%dma_wait3A_2490, %dma_wait3A_2491] : memref<2600000x32xf32, #tpu.memory_space<hbm>> -> memref<2600000x32xf32, #tpu.memory_space<hbm>>
    tpu.wait_indirect_dma semaphore(%arg8 : memref<!tpu.dma_semaphore, #tpu.memory_space<semaphore_mem>>) src(%dma_wait3A_2492 : memref<2600000x32xf32, #tpu.memory_space<hbm>>) dst(%dma_wait3A_2486 : memref<128x32xf32, #tpu.memory_space<vmem>>)
    %dma_wait3A_2493 = arith.constant 84 : i32
    %dma_wait3A_2494 = arith.constant 0 : i32
    %dma_wait3A_2495 = arith.constant 512 : i32
    %dma_wait3A_2496 = arith.constant 0 : i32
    %dma_wait3A_2497 = tpu.memref_slice %arg7[%dma_wait3A_2494, %dma_wait3A_2495, %dma_wait3A_2496] : memref<2x1024x32xf32, #tpu.memory_space<vmem>> -> memref<1x128x32xf32, #tpu.memory_space<vmem>>
    %dma_wait3A_2498 = tpu.memref_squeeze %dma_wait3A_2497 : memref<1x128x32xf32, #tpu.memory_space<vmem>> -> memref<128x32xf32, #tpu.memory_space<vmem>>
    %dma_wait3A_2499 = arith.constant 0 : i32
    %dma_wait3A_2500 = tpu.memref_slice %arg6[%dma_wait3A_2493, %dma_wait3A_2499] : memref<112x128xi32, #tpu.memory_space<vmem>> -> memref<1x128xi32, #tpu.memory_space<vmem>>
    %dma_wait3A_2501 = tpu.memref_squeeze %dma_wait3A_2500 : memref<1x128xi32, #tpu.memory_space<vmem>> -> memref<128xi32, #tpu.memory_space<vmem>>
    %dma_wait3A_2502 = arith.constant 0 : i32
    %dma_wait3A_2503 = arith.constant 0 : i32
    %dma_wait3A_2504 = tpu.memref_slice %arg3[%dma_wait3A_2502, %dma_wait3A_2503] : memref<2600000x32xf32, #tpu.memory_space<hbm>> -> memref<2600000x32xf32, #tpu.memory_space<hbm>>
    tpu.wait_indirect_dma semaphore(%arg8 : memref<!tpu.dma_semaphore, #tpu.memory_space<semaphore_mem>>) src(%dma_wait3A_2504 : memref<2600000x32xf32, #tpu.memory_space<hbm>>) dst(%dma_wait3A_2498 : memref<128x32xf32, #tpu.memory_space<vmem>>)
    %dma_wait3A_2505 = arith.constant 85 : i32
    %dma_wait3A_2506 = arith.constant 0 : i32
    %dma_wait3A_2507 = arith.constant 640 : i32
    %dma_wait3A_2508 = arith.constant 0 : i32
    %dma_wait3A_2509 = tpu.memref_slice %arg7[%dma_wait3A_2506, %dma_wait3A_2507, %dma_wait3A_2508] : memref<2x1024x32xf32, #tpu.memory_space<vmem>> -> memref<1x128x32xf32, #tpu.memory_space<vmem>>
    %dma_wait3A_2510 = tpu.memref_squeeze %dma_wait3A_2509 : memref<1x128x32xf32, #tpu.memory_space<vmem>> -> memref<128x32xf32, #tpu.memory_space<vmem>>
    %dma_wait3A_2511 = arith.constant 0 : i32
    %dma_wait3A_2512 = tpu.memref_slice %arg6[%dma_wait3A_2505, %dma_wait3A_2511] : memref<112x128xi32, #tpu.memory_space<vmem>> -> memref<1x128xi32, #tpu.memory_space<vmem>>
    %dma_wait3A_2513 = tpu.memref_squeeze %dma_wait3A_2512 : memref<1x128xi32, #tpu.memory_space<vmem>> -> memref<128xi32, #tpu.memory_space<vmem>>
    %dma_wait3A_2514 = arith.constant 0 : i32
    %dma_wait3A_2515 = arith.constant 0 : i32
    %dma_wait3A_2516 = tpu.memref_slice %arg3[%dma_wait3A_2514, %dma_wait3A_2515] : memref<2600000x32xf32, #tpu.memory_space<hbm>> -> memref<2600000x32xf32, #tpu.memory_space<hbm>>
    tpu.wait_indirect_dma semaphore(%arg8 : memref<!tpu.dma_semaphore, #tpu.memory_space<semaphore_mem>>) src(%dma_wait3A_2516 : memref<2600000x32xf32, #tpu.memory_space<hbm>>) dst(%dma_wait3A_2510 : memref<128x32xf32, #tpu.memory_space<vmem>>)
    %dma_wait3A_2517 = arith.constant 86 : i32
    %dma_wait3A_2518 = arith.constant 0 : i32
    %dma_wait3A_2519 = arith.constant 768 : i32
    %dma_wait3A_2520 = arith.constant 0 : i32
    %dma_wait3A_2521 = tpu.memref_slice %arg7[%dma_wait3A_2518, %dma_wait3A_2519, %dma_wait3A_2520] : memref<2x1024x32xf32, #tpu.memory_space<vmem>> -> memref<1x128x32xf32, #tpu.memory_space<vmem>>
    %dma_wait3A_2522 = tpu.memref_squeeze %dma_wait3A_2521 : memref<1x128x32xf32, #tpu.memory_space<vmem>> -> memref<128x32xf32, #tpu.memory_space<vmem>>
    %dma_wait3A_2523 = arith.constant 0 : i32
    %dma_wait3A_2524 = tpu.memref_slice %arg6[%dma_wait3A_2517, %dma_wait3A_2523] : memref<112x128xi32, #tpu.memory_space<vmem>> -> memref<1x128xi32, #tpu.memory_space<vmem>>
    %dma_wait3A_2525 = tpu.memref_squeeze %dma_wait3A_2524 : memref<1x128xi32, #tpu.memory_space<vmem>> -> memref<128xi32, #tpu.memory_space<vmem>>
    %dma_wait3A_2526 = arith.constant 0 : i32
    %dma_wait3A_2527 = arith.constant 0 : i32
    %dma_wait3A_2528 = tpu.memref_slice %arg3[%dma_wait3A_2526, %dma_wait3A_2527] : memref<2600000x32xf32, #tpu.memory_space<hbm>> -> memref<2600000x32xf32, #tpu.memory_space<hbm>>
    tpu.wait_indirect_dma semaphore(%arg8 : memref<!tpu.dma_semaphore, #tpu.memory_space<semaphore_mem>>) src(%dma_wait3A_2528 : memref<2600000x32xf32, #tpu.memory_space<hbm>>) dst(%dma_wait3A_2522 : memref<128x32xf32, #tpu.memory_space<vmem>>)
    %dma_wait3A_2529 = arith.constant 87 : i32
    %dma_wait3A_2530 = arith.constant 0 : i32
    %dma_wait3A_2531 = arith.constant 896 : i32
    %dma_wait3A_2532 = arith.constant 0 : i32
    %dma_wait3A_2533 = tpu.memref_slice %arg7[%dma_wait3A_2530, %dma_wait3A_2531, %dma_wait3A_2532] : memref<2x1024x32xf32, #tpu.memory_space<vmem>> -> memref<1x128x32xf32, #tpu.memory_space<vmem>>
    %dma_wait3A_2534 = tpu.memref_squeeze %dma_wait3A_2533 : memref<1x128x32xf32, #tpu.memory_space<vmem>> -> memref<128x32xf32, #tpu.memory_space<vmem>>
    %dma_wait3A_2535 = arith.constant 0 : i32
    %dma_wait3A_2536 = tpu.memref_slice %arg6[%dma_wait3A_2529, %dma_wait3A_2535] : memref<112x128xi32, #tpu.memory_space<vmem>> -> memref<1x128xi32, #tpu.memory_space<vmem>>
    %dma_wait3A_2537 = tpu.memref_squeeze %dma_wait3A_2536 : memref<1x128xi32, #tpu.memory_space<vmem>> -> memref<128xi32, #tpu.memory_space<vmem>>
    %dma_wait3A_2538 = arith.constant 0 : i32
    %dma_wait3A_2539 = arith.constant 0 : i32
    %dma_wait3A_2540 = tpu.memref_slice %arg3[%dma_wait3A_2538, %dma_wait3A_2539] : memref<2600000x32xf32, #tpu.memory_space<hbm>> -> memref<2600000x32xf32, #tpu.memory_space<hbm>>
    tpu.wait_indirect_dma semaphore(%arg8 : memref<!tpu.dma_semaphore, #tpu.memory_space<semaphore_mem>>) src(%dma_wait3A_2540 : memref<2600000x32xf32, #tpu.memory_space<hbm>>) dst(%dma_wait3A_2534 : memref<128x32xf32, #tpu.memory_space<vmem>>)
    %mul3A_2541 = arith.constant 2048 : i32
    %mul3A_2542 = arith.muli %add3A, %mul3A_2541 : i32
    %add3A_2543 = arith.constant 327680 : i32
    %add3A_2544 = arith.addi %add3A_2543, %mul3A_2542 : i32
    %add3A_2545 = arith.constant 0 : i32
    %add3A_2546 = arith.addi %add3A_2544, %add3A_2545 : i32
    %dma_start3A_2547 = arith.constant 0 : i32
    %dma_start3A_2548 = arith.constant 0 : i32
    %dma_start3A_2549 = arith.constant 0 : i32
    %dma_start3A_2550 = tpu.memref_slice %arg7[%dma_start3A_2547, %dma_start3A_2548, %dma_start3A_2549] : memref<2x1024x32xf32, #tpu.memory_space<vmem>> -> memref<1x1024x32xf32, #tpu.memory_space<vmem>>
    %dma_start3A_2551 = tpu.memref_squeeze %dma_start3A_2550 : memref<1x1024x32xf32, #tpu.memory_space<vmem>> -> memref<1024x32xf32, #tpu.memory_space<vmem>>
    %dma_start3A_2552 = arith.constant 0 : i32
    %dma_start3A_2553 = tpu.memref_slice %arg4[%add3A_2546, %dma_start3A_2552] : memref<458752x32xf32, #tpu.memory_space<hbm>> -> memref<1024x32xf32, #tpu.memory_space<hbm>>
    %dma_start3A_2554 = arith.constant 0 : i32
    %dma_start3A_2555 = tpu.memref_slice %arg4[%add3A_2546, %dma_start3A_2554] : memref<458752x32xf32, #tpu.memory_space<hbm>> -> memref<1024x32xf32, #tpu.memory_space<hbm>>
    %dma_start3A_2556 = arith.constant 0 : i32
    %dma_start3A_2557 = arith.constant 0 : i32
    %dma_start3A_2558 = tpu.memref_slice %arg7[%dma_start3A_2547, %dma_start3A_2556, %dma_start3A_2557] : memref<2x1024x32xf32, #tpu.memory_space<vmem>> -> memref<1x1024x32xf32, #tpu.memory_space<vmem>>
    %dma_start3A_2559 = tpu.memref_squeeze %dma_start3A_2558 : memref<1x1024x32xf32, #tpu.memory_space<vmem>> -> memref<1024x32xf32, #tpu.memory_space<vmem>>
    tpu.enqueue_dma source(%dma_start3A_2559 : memref<1024x32xf32, #tpu.memory_space<vmem>>) target(%dma_start3A_2555 : memref<1024x32xf32, #tpu.memory_space<hbm>>) target_semaphore(%arg9 : memref<!tpu.dma_semaphore, #tpu.memory_space<semaphore_mem>>)
    %dma_wait3A_2560 = arith.constant 0 : i32
    %dma_wait3A_2561 = arith.constant 0 : i32
    %dma_wait3A_2562 = arith.constant 0 : i32
    %dma_wait3A_2563 = tpu.memref_slice %arg7[%dma_wait3A_2560, %dma_wait3A_2561, %dma_wait3A_2562] : memref<2x1024x32xf32, #tpu.memory_space<vmem>> -> memref<1x1024x32xf32, #tpu.memory_space<vmem>>
    %dma_wait3A_2564 = tpu.memref_squeeze %dma_wait3A_2563 : memref<1x1024x32xf32, #tpu.memory_space<vmem>> -> memref<1024x32xf32, #tpu.memory_space<vmem>>
    %dma_wait3A_2565 = arith.constant 0 : i32
    %dma_wait3A_2566 = tpu.memref_slice %arg4[%add3A_2546, %dma_wait3A_2565] : memref<458752x32xf32, #tpu.memory_space<hbm>> -> memref<1024x32xf32, #tpu.memory_space<hbm>>
    %dma_wait3A_2567 = arith.constant 0 : i32
    %dma_wait3A_2568 = tpu.memref_slice %arg4[%add3A_2546, %dma_wait3A_2567] : memref<458752x32xf32, #tpu.memory_space<hbm>> -> memref<1024x32xf32, #tpu.memory_space<hbm>>
    %dma_wait3A_2569 = arith.constant 0 : i32
    %dma_wait3A_2570 = arith.constant 0 : i32
    %dma_wait3A_2571 = tpu.memref_slice %arg7[%dma_wait3A_2560, %dma_wait3A_2569, %dma_wait3A_2570] : memref<2x1024x32xf32, #tpu.memory_space<vmem>> -> memref<1x1024x32xf32, #tpu.memory_space<vmem>>
    %dma_wait3A_2572 = tpu.memref_squeeze %dma_wait3A_2571 : memref<1x1024x32xf32, #tpu.memory_space<vmem>> -> memref<1024x32xf32, #tpu.memory_space<vmem>>
    tpu.wait_dma2 semaphore(%arg9 : memref<!tpu.dma_semaphore, #tpu.memory_space<semaphore_mem>>) src(%dma_wait3A_2572 : memref<1024x32xf32, #tpu.memory_space<vmem>>) dst(%dma_wait3A_2568 : memref<1024x32xf32, #tpu.memory_space<hbm>>)
    %dma_start3A_2573 = arith.constant 96 : i32
    %dma_start3A_2574 = arith.constant 0 : i32
    %dma_start3A_2575 = arith.constant 0 : i32
    %dma_start3A_2576 = arith.constant 0 : i32
    %dma_start3A_2577 = tpu.memref_slice %arg7[%dma_start3A_2574, %dma_start3A_2575, %dma_start3A_2576] : memref<2x1024x32xf32, #tpu.memory_space<vmem>> -> memref<1x128x32xf32, #tpu.memory_space<vmem>>
    %dma_start3A_2578 = tpu.memref_squeeze %dma_start3A_2577 : memref<1x128x32xf32, #tpu.memory_space<vmem>> -> memref<128x32xf32, #tpu.memory_space<vmem>>
    %dma_start3A_2579 = arith.constant 0 : i32
    %dma_start3A_2580 = tpu.memref_slice %arg6[%dma_start3A_2573, %dma_start3A_2579] : memref<112x128xi32, #tpu.memory_space<vmem>> -> memref<1x128xi32, #tpu.memory_space<vmem>>
    %dma_start3A_2581 = tpu.memref_squeeze %dma_start3A_2580 : memref<1x128xi32, #tpu.memory_space<vmem>> -> memref<128xi32, #tpu.memory_space<vmem>>
    %dma_start3A_2582 = arith.constant 0 : i32
    %dma_start3A_2583 = arith.constant 0 : i32
    %dma_start3A_2584 = tpu.memref_slice %arg3[%dma_start3A_2582, %dma_start3A_2583] : memref<2600000x32xf32, #tpu.memory_space<hbm>> -> memref<2600000x32xf32, #tpu.memory_space<hbm>>
    tpu.enqueue_indirect_dma source(%dma_start3A_2584 : memref<2600000x32xf32, #tpu.memory_space<hbm>>) target(%dma_start3A_2578 : memref<128x32xf32, #tpu.memory_space<vmem>>) offsets(%dma_start3A_2581 : memref<128xi32, #tpu.memory_space<vmem>>) semaphore(%arg8 : memref<!tpu.dma_semaphore, #tpu.memory_space<semaphore_mem>>)
    %dma_start3A_2585 = arith.constant 97 : i32
    %dma_start3A_2586 = arith.constant 0 : i32
    %dma_start3A_2587 = arith.constant 128 : i32
    %dma_start3A_2588 = arith.constant 0 : i32
    %dma_start3A_2589 = tpu.memref_slice %arg7[%dma_start3A_2586, %dma_start3A_2587, %dma_start3A_2588] : memref<2x1024x32xf32, #tpu.memory_space<vmem>> -> memref<1x128x32xf32, #tpu.memory_space<vmem>>
    %dma_start3A_2590 = tpu.memref_squeeze %dma_start3A_2589 : memref<1x128x32xf32, #tpu.memory_space<vmem>> -> memref<128x32xf32, #tpu.memory_space<vmem>>
    %dma_start3A_2591 = arith.constant 0 : i32
    %dma_start3A_2592 = tpu.memref_slice %arg6[%dma_start3A_2585, %dma_start3A_2591] : memref<112x128xi32, #tpu.memory_space<vmem>> -> memref<1x128xi32, #tpu.memory_space<vmem>>
    %dma_start3A_2593 = tpu.memref_squeeze %dma_start3A_2592 : memref<1x128xi32, #tpu.memory_space<vmem>> -> memref<128xi32, #tpu.memory_space<vmem>>
    %dma_start3A_2594 = arith.constant 0 : i32
    %dma_start3A_2595 = arith.constant 0 : i32
    %dma_start3A_2596 = tpu.memref_slice %arg3[%dma_start3A_2594, %dma_start3A_2595] : memref<2600000x32xf32, #tpu.memory_space<hbm>> -> memref<2600000x32xf32, #tpu.memory_space<hbm>>
    tpu.enqueue_indirect_dma source(%dma_start3A_2596 : memref<2600000x32xf32, #tpu.memory_space<hbm>>) target(%dma_start3A_2590 : memref<128x32xf32, #tpu.memory_space<vmem>>) offsets(%dma_start3A_2593 : memref<128xi32, #tpu.memory_space<vmem>>) semaphore(%arg8 : memref<!tpu.dma_semaphore, #tpu.memory_space<semaphore_mem>>)
    %dma_start3A_2597 = arith.constant 98 : i32
    %dma_start3A_2598 = arith.constant 0 : i32
    %dma_start3A_2599 = arith.constant 256 : i32
    %dma_start3A_2600 = arith.constant 0 : i32
    %dma_start3A_2601 = tpu.memref_slice %arg7[%dma_start3A_2598, %dma_start3A_2599, %dma_start3A_2600] : memref<2x1024x32xf32, #tpu.memory_space<vmem>> -> memref<1x128x32xf32, #tpu.memory_space<vmem>>
    %dma_start3A_2602 = tpu.memref_squeeze %dma_start3A_2601 : memref<1x128x32xf32, #tpu.memory_space<vmem>> -> memref<128x32xf32, #tpu.memory_space<vmem>>
    %dma_start3A_2603 = arith.constant 0 : i32
    %dma_start3A_2604 = tpu.memref_slice %arg6[%dma_start3A_2597, %dma_start3A_2603] : memref<112x128xi32, #tpu.memory_space<vmem>> -> memref<1x128xi32, #tpu.memory_space<vmem>>
    %dma_start3A_2605 = tpu.memref_squeeze %dma_start3A_2604 : memref<1x128xi32, #tpu.memory_space<vmem>> -> memref<128xi32, #tpu.memory_space<vmem>>
    %dma_start3A_2606 = arith.constant 0 : i32
    %dma_start3A_2607 = arith.constant 0 : i32
    %dma_start3A_2608 = tpu.memref_slice %arg3[%dma_start3A_2606, %dma_start3A_2607] : memref<2600000x32xf32, #tpu.memory_space<hbm>> -> memref<2600000x32xf32, #tpu.memory_space<hbm>>
    tpu.enqueue_indirect_dma source(%dma_start3A_2608 : memref<2600000x32xf32, #tpu.memory_space<hbm>>) target(%dma_start3A_2602 : memref<128x32xf32, #tpu.memory_space<vmem>>) offsets(%dma_start3A_2605 : memref<128xi32, #tpu.memory_space<vmem>>) semaphore(%arg8 : memref<!tpu.dma_semaphore, #tpu.memory_space<semaphore_mem>>)
    %dma_start3A_2609 = arith.constant 99 : i32
    %dma_start3A_2610 = arith.constant 0 : i32
    %dma_start3A_2611 = arith.constant 384 : i32
    %dma_start3A_2612 = arith.constant 0 : i32
    %dma_start3A_2613 = tpu.memref_slice %arg7[%dma_start3A_2610, %dma_start3A_2611, %dma_start3A_2612] : memref<2x1024x32xf32, #tpu.memory_space<vmem>> -> memref<1x128x32xf32, #tpu.memory_space<vmem>>
    %dma_start3A_2614 = tpu.memref_squeeze %dma_start3A_2613 : memref<1x128x32xf32, #tpu.memory_space<vmem>> -> memref<128x32xf32, #tpu.memory_space<vmem>>
    %dma_start3A_2615 = arith.constant 0 : i32
    %dma_start3A_2616 = tpu.memref_slice %arg6[%dma_start3A_2609, %dma_start3A_2615] : memref<112x128xi32, #tpu.memory_space<vmem>> -> memref<1x128xi32, #tpu.memory_space<vmem>>
    %dma_start3A_2617 = tpu.memref_squeeze %dma_start3A_2616 : memref<1x128xi32, #tpu.memory_space<vmem>> -> memref<128xi32, #tpu.memory_space<vmem>>
    %dma_start3A_2618 = arith.constant 0 : i32
    %dma_start3A_2619 = arith.constant 0 : i32
    %dma_start3A_2620 = tpu.memref_slice %arg3[%dma_start3A_2618, %dma_start3A_2619] : memref<2600000x32xf32, #tpu.memory_space<hbm>> -> memref<2600000x32xf32, #tpu.memory_space<hbm>>
    tpu.enqueue_indirect_dma source(%dma_start3A_2620 : memref<2600000x32xf32, #tpu.memory_space<hbm>>) target(%dma_start3A_2614 : memref<128x32xf32, #tpu.memory_space<vmem>>) offsets(%dma_start3A_2617 : memref<128xi32, #tpu.memory_space<vmem>>) semaphore(%arg8 : memref<!tpu.dma_semaphore, #tpu.memory_space<semaphore_mem>>)
    %dma_start3A_2621 = arith.constant 100 : i32
    %dma_start3A_2622 = arith.constant 0 : i32
    %dma_start3A_2623 = arith.constant 512 : i32
    %dma_start3A_2624 = arith.constant 0 : i32
    %dma_start3A_2625 = tpu.memref_slice %arg7[%dma_start3A_2622, %dma_start3A_2623, %dma_start3A_2624] : memref<2x1024x32xf32, #tpu.memory_space<vmem>> -> memref<1x128x32xf32, #tpu.memory_space<vmem>>
    %dma_start3A_2626 = tpu.memref_squeeze %dma_start3A_2625 : memref<1x128x32xf32, #tpu.memory_space<vmem>> -> memref<128x32xf32, #tpu.memory_space<vmem>>
    %dma_start3A_2627 = arith.constant 0 : i32
    %dma_start3A_2628 = tpu.memref_slice %arg6[%dma_start3A_2621, %dma_start3A_2627] : memref<112x128xi32, #tpu.memory_space<vmem>> -> memref<1x128xi32, #tpu.memory_space<vmem>>
    %dma_start3A_2629 = tpu.memref_squeeze %dma_start3A_2628 : memref<1x128xi32, #tpu.memory_space<vmem>> -> memref<128xi32, #tpu.memory_space<vmem>>
    %dma_start3A_2630 = arith.constant 0 : i32
    %dma_start3A_2631 = arith.constant 0 : i32
    %dma_start3A_2632 = tpu.memref_slice %arg3[%dma_start3A_2630, %dma_start3A_2631] : memref<2600000x32xf32, #tpu.memory_space<hbm>> -> memref<2600000x32xf32, #tpu.memory_space<hbm>>
    tpu.enqueue_indirect_dma source(%dma_start3A_2632 : memref<2600000x32xf32, #tpu.memory_space<hbm>>) target(%dma_start3A_2626 : memref<128x32xf32, #tpu.memory_space<vmem>>) offsets(%dma_start3A_2629 : memref<128xi32, #tpu.memory_space<vmem>>) semaphore(%arg8 : memref<!tpu.dma_semaphore, #tpu.memory_space<semaphore_mem>>)
    %dma_start3A_2633 = arith.constant 101 : i32
    %dma_start3A_2634 = arith.constant 0 : i32
    %dma_start3A_2635 = arith.constant 640 : i32
    %dma_start3A_2636 = arith.constant 0 : i32
    %dma_start3A_2637 = tpu.memref_slice %arg7[%dma_start3A_2634, %dma_start3A_2635, %dma_start3A_2636] : memref<2x1024x32xf32, #tpu.memory_space<vmem>> -> memref<1x128x32xf32, #tpu.memory_space<vmem>>
    %dma_start3A_2638 = tpu.memref_squeeze %dma_start3A_2637 : memref<1x128x32xf32, #tpu.memory_space<vmem>> -> memref<128x32xf32, #tpu.memory_space<vmem>>
    %dma_start3A_2639 = arith.constant 0 : i32
    %dma_start3A_2640 = tpu.memref_slice %arg6[%dma_start3A_2633, %dma_start3A_2639] : memref<112x128xi32, #tpu.memory_space<vmem>> -> memref<1x128xi32, #tpu.memory_space<vmem>>
    %dma_start3A_2641 = tpu.memref_squeeze %dma_start3A_2640 : memref<1x128xi32, #tpu.memory_space<vmem>> -> memref<128xi32, #tpu.memory_space<vmem>>
    %dma_start3A_2642 = arith.constant 0 : i32
    %dma_start3A_2643 = arith.constant 0 : i32
    %dma_start3A_2644 = tpu.memref_slice %arg3[%dma_start3A_2642, %dma_start3A_2643] : memref<2600000x32xf32, #tpu.memory_space<hbm>> -> memref<2600000x32xf32, #tpu.memory_space<hbm>>
    tpu.enqueue_indirect_dma source(%dma_start3A_2644 : memref<2600000x32xf32, #tpu.memory_space<hbm>>) target(%dma_start3A_2638 : memref<128x32xf32, #tpu.memory_space<vmem>>) offsets(%dma_start3A_2641 : memref<128xi32, #tpu.memory_space<vmem>>) semaphore(%arg8 : memref<!tpu.dma_semaphore, #tpu.memory_space<semaphore_mem>>)
    %dma_start3A_2645 = arith.constant 102 : i32
    %dma_start3A_2646 = arith.constant 0 : i32
    %dma_start3A_2647 = arith.constant 768 : i32
    %dma_start3A_2648 = arith.constant 0 : i32
    %dma_start3A_2649 = tpu.memref_slice %arg7[%dma_start3A_2646, %dma_start3A_2647, %dma_start3A_2648] : memref<2x1024x32xf32, #tpu.memory_space<vmem>> -> memref<1x128x32xf32, #tpu.memory_space<vmem>>
    %dma_start3A_2650 = tpu.memref_squeeze %dma_start3A_2649 : memref<1x128x32xf32, #tpu.memory_space<vmem>> -> memref<128x32xf32, #tpu.memory_space<vmem>>
    %dma_start3A_2651 = arith.constant 0 : i32
    %dma_start3A_2652 = tpu.memref_slice %arg6[%dma_start3A_2645, %dma_start3A_2651] : memref<112x128xi32, #tpu.memory_space<vmem>> -> memref<1x128xi32, #tpu.memory_space<vmem>>
    %dma_start3A_2653 = tpu.memref_squeeze %dma_start3A_2652 : memref<1x128xi32, #tpu.memory_space<vmem>> -> memref<128xi32, #tpu.memory_space<vmem>>
    %dma_start3A_2654 = arith.constant 0 : i32
    %dma_start3A_2655 = arith.constant 0 : i32
    %dma_start3A_2656 = tpu.memref_slice %arg3[%dma_start3A_2654, %dma_start3A_2655] : memref<2600000x32xf32, #tpu.memory_space<hbm>> -> memref<2600000x32xf32, #tpu.memory_space<hbm>>
    tpu.enqueue_indirect_dma source(%dma_start3A_2656 : memref<2600000x32xf32, #tpu.memory_space<hbm>>) target(%dma_start3A_2650 : memref<128x32xf32, #tpu.memory_space<vmem>>) offsets(%dma_start3A_2653 : memref<128xi32, #tpu.memory_space<vmem>>) semaphore(%arg8 : memref<!tpu.dma_semaphore, #tpu.memory_space<semaphore_mem>>)
    %dma_start3A_2657 = arith.constant 103 : i32
    %dma_start3A_2658 = arith.constant 0 : i32
    %dma_start3A_2659 = arith.constant 896 : i32
    %dma_start3A_2660 = arith.constant 0 : i32
    %dma_start3A_2661 = tpu.memref_slice %arg7[%dma_start3A_2658, %dma_start3A_2659, %dma_start3A_2660] : memref<2x1024x32xf32, #tpu.memory_space<vmem>> -> memref<1x128x32xf32, #tpu.memory_space<vmem>>
    %dma_start3A_2662 = tpu.memref_squeeze %dma_start3A_2661 : memref<1x128x32xf32, #tpu.memory_space<vmem>> -> memref<128x32xf32, #tpu.memory_space<vmem>>
    %dma_start3A_2663 = arith.constant 0 : i32
    %dma_start3A_2664 = tpu.memref_slice %arg6[%dma_start3A_2657, %dma_start3A_2663] : memref<112x128xi32, #tpu.memory_space<vmem>> -> memref<1x128xi32, #tpu.memory_space<vmem>>
    %dma_start3A_2665 = tpu.memref_squeeze %dma_start3A_2664 : memref<1x128xi32, #tpu.memory_space<vmem>> -> memref<128xi32, #tpu.memory_space<vmem>>
    %dma_start3A_2666 = arith.constant 0 : i32
    %dma_start3A_2667 = arith.constant 0 : i32
    %dma_start3A_2668 = tpu.memref_slice %arg3[%dma_start3A_2666, %dma_start3A_2667] : memref<2600000x32xf32, #tpu.memory_space<hbm>> -> memref<2600000x32xf32, #tpu.memory_space<hbm>>
    tpu.enqueue_indirect_dma source(%dma_start3A_2668 : memref<2600000x32xf32, #tpu.memory_space<hbm>>) target(%dma_start3A_2662 : memref<128x32xf32, #tpu.memory_space<vmem>>) offsets(%dma_start3A_2665 : memref<128xi32, #tpu.memory_space<vmem>>) semaphore(%arg8 : memref<!tpu.dma_semaphore, #tpu.memory_space<semaphore_mem>>)
    %dma_wait3A_2669 = arith.constant 88 : i32
    %dma_wait3A_2670 = arith.constant 1 : i32
    %dma_wait3A_2671 = arith.constant 0 : i32
    %dma_wait3A_2672 = arith.constant 0 : i32
    %dma_wait3A_2673 = tpu.memref_slice %arg7[%dma_wait3A_2670, %dma_wait3A_2671, %dma_wait3A_2672] : memref<2x1024x32xf32, #tpu.memory_space<vmem>> -> memref<1x128x32xf32, #tpu.memory_space<vmem>>
    %dma_wait3A_2674 = tpu.memref_squeeze %dma_wait3A_2673 : memref<1x128x32xf32, #tpu.memory_space<vmem>> -> memref<128x32xf32, #tpu.memory_space<vmem>>
    %dma_wait3A_2675 = arith.constant 0 : i32
    %dma_wait3A_2676 = tpu.memref_slice %arg6[%dma_wait3A_2669, %dma_wait3A_2675] : memref<112x128xi32, #tpu.memory_space<vmem>> -> memref<1x128xi32, #tpu.memory_space<vmem>>
    %dma_wait3A_2677 = tpu.memref_squeeze %dma_wait3A_2676 : memref<1x128xi32, #tpu.memory_space<vmem>> -> memref<128xi32, #tpu.memory_space<vmem>>
    %dma_wait3A_2678 = arith.constant 0 : i32
    %dma_wait3A_2679 = arith.constant 0 : i32
    %dma_wait3A_2680 = tpu.memref_slice %arg3[%dma_wait3A_2678, %dma_wait3A_2679] : memref<2600000x32xf32, #tpu.memory_space<hbm>> -> memref<2600000x32xf32, #tpu.memory_space<hbm>>
    tpu.wait_indirect_dma semaphore(%arg8 : memref<!tpu.dma_semaphore, #tpu.memory_space<semaphore_mem>>) src(%dma_wait3A_2680 : memref<2600000x32xf32, #tpu.memory_space<hbm>>) dst(%dma_wait3A_2674 : memref<128x32xf32, #tpu.memory_space<vmem>>)
    %dma_wait3A_2681 = arith.constant 89 : i32
    %dma_wait3A_2682 = arith.constant 1 : i32
    %dma_wait3A_2683 = arith.constant 128 : i32
    %dma_wait3A_2684 = arith.constant 0 : i32
    %dma_wait3A_2685 = tpu.memref_slice %arg7[%dma_wait3A_2682, %dma_wait3A_2683, %dma_wait3A_2684] : memref<2x1024x32xf32, #tpu.memory_space<vmem>> -> memref<1x128x32xf32, #tpu.memory_space<vmem>>
    %dma_wait3A_2686 = tpu.memref_squeeze %dma_wait3A_2685 : memref<1x128x32xf32, #tpu.memory_space<vmem>> -> memref<128x32xf32, #tpu.memory_space<vmem>>
    %dma_wait3A_2687 = arith.constant 0 : i32
    %dma_wait3A_2688 = tpu.memref_slice %arg6[%dma_wait3A_2681, %dma_wait3A_2687] : memref<112x128xi32, #tpu.memory_space<vmem>> -> memref<1x128xi32, #tpu.memory_space<vmem>>
    %dma_wait3A_2689 = tpu.memref_squeeze %dma_wait3A_2688 : memref<1x128xi32, #tpu.memory_space<vmem>> -> memref<128xi32, #tpu.memory_space<vmem>>
    %dma_wait3A_2690 = arith.constant 0 : i32
    %dma_wait3A_2691 = arith.constant 0 : i32
    %dma_wait3A_2692 = tpu.memref_slice %arg3[%dma_wait3A_2690, %dma_wait3A_2691] : memref<2600000x32xf32, #tpu.memory_space<hbm>> -> memref<2600000x32xf32, #tpu.memory_space<hbm>>
    tpu.wait_indirect_dma semaphore(%arg8 : memref<!tpu.dma_semaphore, #tpu.memory_space<semaphore_mem>>) src(%dma_wait3A_2692 : memref<2600000x32xf32, #tpu.memory_space<hbm>>) dst(%dma_wait3A_2686 : memref<128x32xf32, #tpu.memory_space<vmem>>)
    %dma_wait3A_2693 = arith.constant 90 : i32
    %dma_wait3A_2694 = arith.constant 1 : i32
    %dma_wait3A_2695 = arith.constant 256 : i32
    %dma_wait3A_2696 = arith.constant 0 : i32
    %dma_wait3A_2697 = tpu.memref_slice %arg7[%dma_wait3A_2694, %dma_wait3A_2695, %dma_wait3A_2696] : memref<2x1024x32xf32, #tpu.memory_space<vmem>> -> memref<1x128x32xf32, #tpu.memory_space<vmem>>
    %dma_wait3A_2698 = tpu.memref_squeeze %dma_wait3A_2697 : memref<1x128x32xf32, #tpu.memory_space<vmem>> -> memref<128x32xf32, #tpu.memory_space<vmem>>
    %dma_wait3A_2699 = arith.constant 0 : i32
    %dma_wait3A_2700 = tpu.memref_slice %arg6[%dma_wait3A_2693, %dma_wait3A_2699] : memref<112x128xi32, #tpu.memory_space<vmem>> -> memref<1x128xi32, #tpu.memory_space<vmem>>
    %dma_wait3A_2701 = tpu.memref_squeeze %dma_wait3A_2700 : memref<1x128xi32, #tpu.memory_space<vmem>> -> memref<128xi32, #tpu.memory_space<vmem>>
    %dma_wait3A_2702 = arith.constant 0 : i32
    %dma_wait3A_2703 = arith.constant 0 : i32
    %dma_wait3A_2704 = tpu.memref_slice %arg3[%dma_wait3A_2702, %dma_wait3A_2703] : memref<2600000x32xf32, #tpu.memory_space<hbm>> -> memref<2600000x32xf32, #tpu.memory_space<hbm>>
    tpu.wait_indirect_dma semaphore(%arg8 : memref<!tpu.dma_semaphore, #tpu.memory_space<semaphore_mem>>) src(%dma_wait3A_2704 : memref<2600000x32xf32, #tpu.memory_space<hbm>>) dst(%dma_wait3A_2698 : memref<128x32xf32, #tpu.memory_space<vmem>>)
    %dma_wait3A_2705 = arith.constant 91 : i32
    %dma_wait3A_2706 = arith.constant 1 : i32
    %dma_wait3A_2707 = arith.constant 384 : i32
    %dma_wait3A_2708 = arith.constant 0 : i32
    %dma_wait3A_2709 = tpu.memref_slice %arg7[%dma_wait3A_2706, %dma_wait3A_2707, %dma_wait3A_2708] : memref<2x1024x32xf32, #tpu.memory_space<vmem>> -> memref<1x128x32xf32, #tpu.memory_space<vmem>>
    %dma_wait3A_2710 = tpu.memref_squeeze %dma_wait3A_2709 : memref<1x128x32xf32, #tpu.memory_space<vmem>> -> memref<128x32xf32, #tpu.memory_space<vmem>>
    %dma_wait3A_2711 = arith.constant 0 : i32
    %dma_wait3A_2712 = tpu.memref_slice %arg6[%dma_wait3A_2705, %dma_wait3A_2711] : memref<112x128xi32, #tpu.memory_space<vmem>> -> memref<1x128xi32, #tpu.memory_space<vmem>>
    %dma_wait3A_2713 = tpu.memref_squeeze %dma_wait3A_2712 : memref<1x128xi32, #tpu.memory_space<vmem>> -> memref<128xi32, #tpu.memory_space<vmem>>
    %dma_wait3A_2714 = arith.constant 0 : i32
    %dma_wait3A_2715 = arith.constant 0 : i32
    %dma_wait3A_2716 = tpu.memref_slice %arg3[%dma_wait3A_2714, %dma_wait3A_2715] : memref<2600000x32xf32, #tpu.memory_space<hbm>> -> memref<2600000x32xf32, #tpu.memory_space<hbm>>
    tpu.wait_indirect_dma semaphore(%arg8 : memref<!tpu.dma_semaphore, #tpu.memory_space<semaphore_mem>>) src(%dma_wait3A_2716 : memref<2600000x32xf32, #tpu.memory_space<hbm>>) dst(%dma_wait3A_2710 : memref<128x32xf32, #tpu.memory_space<vmem>>)
    %dma_wait3A_2717 = arith.constant 92 : i32
    %dma_wait3A_2718 = arith.constant 1 : i32
    %dma_wait3A_2719 = arith.constant 512 : i32
    %dma_wait3A_2720 = arith.constant 0 : i32
    %dma_wait3A_2721 = tpu.memref_slice %arg7[%dma_wait3A_2718, %dma_wait3A_2719, %dma_wait3A_2720] : memref<2x1024x32xf32, #tpu.memory_space<vmem>> -> memref<1x128x32xf32, #tpu.memory_space<vmem>>
    %dma_wait3A_2722 = tpu.memref_squeeze %dma_wait3A_2721 : memref<1x128x32xf32, #tpu.memory_space<vmem>> -> memref<128x32xf32, #tpu.memory_space<vmem>>
    %dma_wait3A_2723 = arith.constant 0 : i32
    %dma_wait3A_2724 = tpu.memref_slice %arg6[%dma_wait3A_2717, %dma_wait3A_2723] : memref<112x128xi32, #tpu.memory_space<vmem>> -> memref<1x128xi32, #tpu.memory_space<vmem>>
    %dma_wait3A_2725 = tpu.memref_squeeze %dma_wait3A_2724 : memref<1x128xi32, #tpu.memory_space<vmem>> -> memref<128xi32, #tpu.memory_space<vmem>>
    %dma_wait3A_2726 = arith.constant 0 : i32
    %dma_wait3A_2727 = arith.constant 0 : i32
    %dma_wait3A_2728 = tpu.memref_slice %arg3[%dma_wait3A_2726, %dma_wait3A_2727] : memref<2600000x32xf32, #tpu.memory_space<hbm>> -> memref<2600000x32xf32, #tpu.memory_space<hbm>>
    tpu.wait_indirect_dma semaphore(%arg8 : memref<!tpu.dma_semaphore, #tpu.memory_space<semaphore_mem>>) src(%dma_wait3A_2728 : memref<2600000x32xf32, #tpu.memory_space<hbm>>) dst(%dma_wait3A_2722 : memref<128x32xf32, #tpu.memory_space<vmem>>)
    %dma_wait3A_2729 = arith.constant 93 : i32
    %dma_wait3A_2730 = arith.constant 1 : i32
    %dma_wait3A_2731 = arith.constant 640 : i32
    %dma_wait3A_2732 = arith.constant 0 : i32
    %dma_wait3A_2733 = tpu.memref_slice %arg7[%dma_wait3A_2730, %dma_wait3A_2731, %dma_wait3A_2732] : memref<2x1024x32xf32, #tpu.memory_space<vmem>> -> memref<1x128x32xf32, #tpu.memory_space<vmem>>
    %dma_wait3A_2734 = tpu.memref_squeeze %dma_wait3A_2733 : memref<1x128x32xf32, #tpu.memory_space<vmem>> -> memref<128x32xf32, #tpu.memory_space<vmem>>
    %dma_wait3A_2735 = arith.constant 0 : i32
    %dma_wait3A_2736 = tpu.memref_slice %arg6[%dma_wait3A_2729, %dma_wait3A_2735] : memref<112x128xi32, #tpu.memory_space<vmem>> -> memref<1x128xi32, #tpu.memory_space<vmem>>
    %dma_wait3A_2737 = tpu.memref_squeeze %dma_wait3A_2736 : memref<1x128xi32, #tpu.memory_space<vmem>> -> memref<128xi32, #tpu.memory_space<vmem>>
    %dma_wait3A_2738 = arith.constant 0 : i32
    %dma_wait3A_2739 = arith.constant 0 : i32
    %dma_wait3A_2740 = tpu.memref_slice %arg3[%dma_wait3A_2738, %dma_wait3A_2739] : memref<2600000x32xf32, #tpu.memory_space<hbm>> -> memref<2600000x32xf32, #tpu.memory_space<hbm>>
    tpu.wait_indirect_dma semaphore(%arg8 : memref<!tpu.dma_semaphore, #tpu.memory_space<semaphore_mem>>) src(%dma_wait3A_2740 : memref<2600000x32xf32, #tpu.memory_space<hbm>>) dst(%dma_wait3A_2734 : memref<128x32xf32, #tpu.memory_space<vmem>>)
    %dma_wait3A_2741 = arith.constant 94 : i32
    %dma_wait3A_2742 = arith.constant 1 : i32
    %dma_wait3A_2743 = arith.constant 768 : i32
    %dma_wait3A_2744 = arith.constant 0 : i32
    %dma_wait3A_2745 = tpu.memref_slice %arg7[%dma_wait3A_2742, %dma_wait3A_2743, %dma_wait3A_2744] : memref<2x1024x32xf32, #tpu.memory_space<vmem>> -> memref<1x128x32xf32, #tpu.memory_space<vmem>>
    %dma_wait3A_2746 = tpu.memref_squeeze %dma_wait3A_2745 : memref<1x128x32xf32, #tpu.memory_space<vmem>> -> memref<128x32xf32, #tpu.memory_space<vmem>>
    %dma_wait3A_2747 = arith.constant 0 : i32
    %dma_wait3A_2748 = tpu.memref_slice %arg6[%dma_wait3A_2741, %dma_wait3A_2747] : memref<112x128xi32, #tpu.memory_space<vmem>> -> memref<1x128xi32, #tpu.memory_space<vmem>>
    %dma_wait3A_2749 = tpu.memref_squeeze %dma_wait3A_2748 : memref<1x128xi32, #tpu.memory_space<vmem>> -> memref<128xi32, #tpu.memory_space<vmem>>
    %dma_wait3A_2750 = arith.constant 0 : i32
    %dma_wait3A_2751 = arith.constant 0 : i32
    %dma_wait3A_2752 = tpu.memref_slice %arg3[%dma_wait3A_2750, %dma_wait3A_2751] : memref<2600000x32xf32, #tpu.memory_space<hbm>> -> memref<2600000x32xf32, #tpu.memory_space<hbm>>
    tpu.wait_indirect_dma semaphore(%arg8 : memref<!tpu.dma_semaphore, #tpu.memory_space<semaphore_mem>>) src(%dma_wait3A_2752 : memref<2600000x32xf32, #tpu.memory_space<hbm>>) dst(%dma_wait3A_2746 : memref<128x32xf32, #tpu.memory_space<vmem>>)
    %dma_wait3A_2753 = arith.constant 95 : i32
    %dma_wait3A_2754 = arith.constant 1 : i32
    %dma_wait3A_2755 = arith.constant 896 : i32
    %dma_wait3A_2756 = arith.constant 0 : i32
    %dma_wait3A_2757 = tpu.memref_slice %arg7[%dma_wait3A_2754, %dma_wait3A_2755, %dma_wait3A_2756] : memref<2x1024x32xf32, #tpu.memory_space<vmem>> -> memref<1x128x32xf32, #tpu.memory_space<vmem>>
    %dma_wait3A_2758 = tpu.memref_squeeze %dma_wait3A_2757 : memref<1x128x32xf32, #tpu.memory_space<vmem>> -> memref<128x32xf32, #tpu.memory_space<vmem>>
    %dma_wait3A_2759 = arith.constant 0 : i32
    %dma_wait3A_2760 = tpu.memref_slice %arg6[%dma_wait3A_2753, %dma_wait3A_2759] : memref<112x128xi32, #tpu.memory_space<vmem>> -> memref<1x128xi32, #tpu.memory_space<vmem>>
    %dma_wait3A_2761 = tpu.memref_squeeze %dma_wait3A_2760 : memref<1x128xi32, #tpu.memory_space<vmem>> -> memref<128xi32, #tpu.memory_space<vmem>>
    %dma_wait3A_2762 = arith.constant 0 : i32
    %dma_wait3A_2763 = arith.constant 0 : i32
    %dma_wait3A_2764 = tpu.memref_slice %arg3[%dma_wait3A_2762, %dma_wait3A_2763] : memref<2600000x32xf32, #tpu.memory_space<hbm>> -> memref<2600000x32xf32, #tpu.memory_space<hbm>>
    tpu.wait_indirect_dma semaphore(%arg8 : memref<!tpu.dma_semaphore, #tpu.memory_space<semaphore_mem>>) src(%dma_wait3A_2764 : memref<2600000x32xf32, #tpu.memory_space<hbm>>) dst(%dma_wait3A_2758 : memref<128x32xf32, #tpu.memory_space<vmem>>)
    %mul3A_2765 = arith.constant 2048 : i32
    %mul3A_2766 = arith.muli %add3A, %mul3A_2765 : i32
    %add3A_2767 = arith.constant 327680 : i32
    %add3A_2768 = arith.addi %add3A_2767, %mul3A_2766 : i32
    %add3A_2769 = arith.constant 1024 : i32
    %add3A_2770 = arith.addi %add3A_2768, %add3A_2769 : i32
    %dma_start3A_2771 = arith.constant 1 : i32
    %dma_start3A_2772 = arith.constant 0 : i32
    %dma_start3A_2773 = arith.constant 0 : i32
    %dma_start3A_2774 = tpu.memref_slice %arg7[%dma_start3A_2771, %dma_start3A_2772, %dma_start3A_2773] : memref<2x1024x32xf32, #tpu.memory_space<vmem>> -> memref<1x1024x32xf32, #tpu.memory_space<vmem>>
    %dma_start3A_2775 = tpu.memref_squeeze %dma_start3A_2774 : memref<1x1024x32xf32, #tpu.memory_space<vmem>> -> memref<1024x32xf32, #tpu.memory_space<vmem>>
    %dma_start3A_2776 = arith.constant 0 : i32
    %dma_start3A_2777 = tpu.memref_slice %arg4[%add3A_2770, %dma_start3A_2776] : memref<458752x32xf32, #tpu.memory_space<hbm>> -> memref<1024x32xf32, #tpu.memory_space<hbm>>
    %dma_start3A_2778 = arith.constant 0 : i32
    %dma_start3A_2779 = tpu.memref_slice %arg4[%add3A_2770, %dma_start3A_2778] : memref<458752x32xf32, #tpu.memory_space<hbm>> -> memref<1024x32xf32, #tpu.memory_space<hbm>>
    %dma_start3A_2780 = arith.constant 0 : i32
    %dma_start3A_2781 = arith.constant 0 : i32
    %dma_start3A_2782 = tpu.memref_slice %arg7[%dma_start3A_2771, %dma_start3A_2780, %dma_start3A_2781] : memref<2x1024x32xf32, #tpu.memory_space<vmem>> -> memref<1x1024x32xf32, #tpu.memory_space<vmem>>
    %dma_start3A_2783 = tpu.memref_squeeze %dma_start3A_2782 : memref<1x1024x32xf32, #tpu.memory_space<vmem>> -> memref<1024x32xf32, #tpu.memory_space<vmem>>
    tpu.enqueue_dma source(%dma_start3A_2783 : memref<1024x32xf32, #tpu.memory_space<vmem>>) target(%dma_start3A_2779 : memref<1024x32xf32, #tpu.memory_space<hbm>>) target_semaphore(%arg9 : memref<!tpu.dma_semaphore, #tpu.memory_space<semaphore_mem>>)
    %dma_wait3A_2784 = arith.constant 1 : i32
    %dma_wait3A_2785 = arith.constant 0 : i32
    %dma_wait3A_2786 = arith.constant 0 : i32
    %dma_wait3A_2787 = tpu.memref_slice %arg7[%dma_wait3A_2784, %dma_wait3A_2785, %dma_wait3A_2786] : memref<2x1024x32xf32, #tpu.memory_space<vmem>> -> memref<1x1024x32xf32, #tpu.memory_space<vmem>>
    %dma_wait3A_2788 = tpu.memref_squeeze %dma_wait3A_2787 : memref<1x1024x32xf32, #tpu.memory_space<vmem>> -> memref<1024x32xf32, #tpu.memory_space<vmem>>
    %dma_wait3A_2789 = arith.constant 0 : i32
    %dma_wait3A_2790 = tpu.memref_slice %arg4[%add3A_2770, %dma_wait3A_2789] : memref<458752x32xf32, #tpu.memory_space<hbm>> -> memref<1024x32xf32, #tpu.memory_space<hbm>>
    %dma_wait3A_2791 = arith.constant 0 : i32
    %dma_wait3A_2792 = tpu.memref_slice %arg4[%add3A_2770, %dma_wait3A_2791] : memref<458752x32xf32, #tpu.memory_space<hbm>> -> memref<1024x32xf32, #tpu.memory_space<hbm>>
    %dma_wait3A_2793 = arith.constant 0 : i32
    %dma_wait3A_2794 = arith.constant 0 : i32
    %dma_wait3A_2795 = tpu.memref_slice %arg7[%dma_wait3A_2784, %dma_wait3A_2793, %dma_wait3A_2794] : memref<2x1024x32xf32, #tpu.memory_space<vmem>> -> memref<1x1024x32xf32, #tpu.memory_space<vmem>>
    %dma_wait3A_2796 = tpu.memref_squeeze %dma_wait3A_2795 : memref<1x1024x32xf32, #tpu.memory_space<vmem>> -> memref<1024x32xf32, #tpu.memory_space<vmem>>
    tpu.wait_dma2 semaphore(%arg9 : memref<!tpu.dma_semaphore, #tpu.memory_space<semaphore_mem>>) src(%dma_wait3A_2796 : memref<1024x32xf32, #tpu.memory_space<vmem>>) dst(%dma_wait3A_2792 : memref<1024x32xf32, #tpu.memory_space<hbm>>)
    %dma_start3A_2797 = arith.constant 104 : i32
    %dma_start3A_2798 = arith.constant 1 : i32
    %dma_start3A_2799 = arith.constant 0 : i32
    %dma_start3A_2800 = arith.constant 0 : i32
    %dma_start3A_2801 = tpu.memref_slice %arg7[%dma_start3A_2798, %dma_start3A_2799, %dma_start3A_2800] : memref<2x1024x32xf32, #tpu.memory_space<vmem>> -> memref<1x128x32xf32, #tpu.memory_space<vmem>>
    %dma_start3A_2802 = tpu.memref_squeeze %dma_start3A_2801 : memref<1x128x32xf32, #tpu.memory_space<vmem>> -> memref<128x32xf32, #tpu.memory_space<vmem>>
    %dma_start3A_2803 = arith.constant 0 : i32
    %dma_start3A_2804 = tpu.memref_slice %arg6[%dma_start3A_2797, %dma_start3A_2803] : memref<112x128xi32, #tpu.memory_space<vmem>> -> memref<1x128xi32, #tpu.memory_space<vmem>>
    %dma_start3A_2805 = tpu.memref_squeeze %dma_start3A_2804 : memref<1x128xi32, #tpu.memory_space<vmem>> -> memref<128xi32, #tpu.memory_space<vmem>>
    %dma_start3A_2806 = arith.constant 0 : i32
    %dma_start3A_2807 = arith.constant 0 : i32
    %dma_start3A_2808 = tpu.memref_slice %arg3[%dma_start3A_2806, %dma_start3A_2807] : memref<2600000x32xf32, #tpu.memory_space<hbm>> -> memref<2600000x32xf32, #tpu.memory_space<hbm>>
    tpu.enqueue_indirect_dma source(%dma_start3A_2808 : memref<2600000x32xf32, #tpu.memory_space<hbm>>) target(%dma_start3A_2802 : memref<128x32xf32, #tpu.memory_space<vmem>>) offsets(%dma_start3A_2805 : memref<128xi32, #tpu.memory_space<vmem>>) semaphore(%arg8 : memref<!tpu.dma_semaphore, #tpu.memory_space<semaphore_mem>>)
    %dma_start3A_2809 = arith.constant 105 : i32
    %dma_start3A_2810 = arith.constant 1 : i32
    %dma_start3A_2811 = arith.constant 128 : i32
    %dma_start3A_2812 = arith.constant 0 : i32
    %dma_start3A_2813 = tpu.memref_slice %arg7[%dma_start3A_2810, %dma_start3A_2811, %dma_start3A_2812] : memref<2x1024x32xf32, #tpu.memory_space<vmem>> -> memref<1x128x32xf32, #tpu.memory_space<vmem>>
    %dma_start3A_2814 = tpu.memref_squeeze %dma_start3A_2813 : memref<1x128x32xf32, #tpu.memory_space<vmem>> -> memref<128x32xf32, #tpu.memory_space<vmem>>
    %dma_start3A_2815 = arith.constant 0 : i32
    %dma_start3A_2816 = tpu.memref_slice %arg6[%dma_start3A_2809, %dma_start3A_2815] : memref<112x128xi32, #tpu.memory_space<vmem>> -> memref<1x128xi32, #tpu.memory_space<vmem>>
    %dma_start3A_2817 = tpu.memref_squeeze %dma_start3A_2816 : memref<1x128xi32, #tpu.memory_space<vmem>> -> memref<128xi32, #tpu.memory_space<vmem>>
    %dma_start3A_2818 = arith.constant 0 : i32
    %dma_start3A_2819 = arith.constant 0 : i32
    %dma_start3A_2820 = tpu.memref_slice %arg3[%dma_start3A_2818, %dma_start3A_2819] : memref<2600000x32xf32, #tpu.memory_space<hbm>> -> memref<2600000x32xf32, #tpu.memory_space<hbm>>
    tpu.enqueue_indirect_dma source(%dma_start3A_2820 : memref<2600000x32xf32, #tpu.memory_space<hbm>>) target(%dma_start3A_2814 : memref<128x32xf32, #tpu.memory_space<vmem>>) offsets(%dma_start3A_2817 : memref<128xi32, #tpu.memory_space<vmem>>) semaphore(%arg8 : memref<!tpu.dma_semaphore, #tpu.memory_space<semaphore_mem>>)
    %dma_start3A_2821 = arith.constant 106 : i32
    %dma_start3A_2822 = arith.constant 1 : i32
    %dma_start3A_2823 = arith.constant 256 : i32
    %dma_start3A_2824 = arith.constant 0 : i32
    %dma_start3A_2825 = tpu.memref_slice %arg7[%dma_start3A_2822, %dma_start3A_2823, %dma_start3A_2824] : memref<2x1024x32xf32, #tpu.memory_space<vmem>> -> memref<1x128x32xf32, #tpu.memory_space<vmem>>
    %dma_start3A_2826 = tpu.memref_squeeze %dma_start3A_2825 : memref<1x128x32xf32, #tpu.memory_space<vmem>> -> memref<128x32xf32, #tpu.memory_space<vmem>>
    %dma_start3A_2827 = arith.constant 0 : i32
    %dma_start3A_2828 = tpu.memref_slice %arg6[%dma_start3A_2821, %dma_start3A_2827] : memref<112x128xi32, #tpu.memory_space<vmem>> -> memref<1x128xi32, #tpu.memory_space<vmem>>
    %dma_start3A_2829 = tpu.memref_squeeze %dma_start3A_2828 : memref<1x128xi32, #tpu.memory_space<vmem>> -> memref<128xi32, #tpu.memory_space<vmem>>
    %dma_start3A_2830 = arith.constant 0 : i32
    %dma_start3A_2831 = arith.constant 0 : i32
    %dma_start3A_2832 = tpu.memref_slice %arg3[%dma_start3A_2830, %dma_start3A_2831] : memref<2600000x32xf32, #tpu.memory_space<hbm>> -> memref<2600000x32xf32, #tpu.memory_space<hbm>>
    tpu.enqueue_indirect_dma source(%dma_start3A_2832 : memref<2600000x32xf32, #tpu.memory_space<hbm>>) target(%dma_start3A_2826 : memref<128x32xf32, #tpu.memory_space<vmem>>) offsets(%dma_start3A_2829 : memref<128xi32, #tpu.memory_space<vmem>>) semaphore(%arg8 : memref<!tpu.dma_semaphore, #tpu.memory_space<semaphore_mem>>)
    %dma_start3A_2833 = arith.constant 107 : i32
    %dma_start3A_2834 = arith.constant 1 : i32
    %dma_start3A_2835 = arith.constant 384 : i32
    %dma_start3A_2836 = arith.constant 0 : i32
    %dma_start3A_2837 = tpu.memref_slice %arg7[%dma_start3A_2834, %dma_start3A_2835, %dma_start3A_2836] : memref<2x1024x32xf32, #tpu.memory_space<vmem>> -> memref<1x128x32xf32, #tpu.memory_space<vmem>>
    %dma_start3A_2838 = tpu.memref_squeeze %dma_start3A_2837 : memref<1x128x32xf32, #tpu.memory_space<vmem>> -> memref<128x32xf32, #tpu.memory_space<vmem>>
    %dma_start3A_2839 = arith.constant 0 : i32
    %dma_start3A_2840 = tpu.memref_slice %arg6[%dma_start3A_2833, %dma_start3A_2839] : memref<112x128xi32, #tpu.memory_space<vmem>> -> memref<1x128xi32, #tpu.memory_space<vmem>>
    %dma_start3A_2841 = tpu.memref_squeeze %dma_start3A_2840 : memref<1x128xi32, #tpu.memory_space<vmem>> -> memref<128xi32, #tpu.memory_space<vmem>>
    %dma_start3A_2842 = arith.constant 0 : i32
    %dma_start3A_2843 = arith.constant 0 : i32
    %dma_start3A_2844 = tpu.memref_slice %arg3[%dma_start3A_2842, %dma_start3A_2843] : memref<2600000x32xf32, #tpu.memory_space<hbm>> -> memref<2600000x32xf32, #tpu.memory_space<hbm>>
    tpu.enqueue_indirect_dma source(%dma_start3A_2844 : memref<2600000x32xf32, #tpu.memory_space<hbm>>) target(%dma_start3A_2838 : memref<128x32xf32, #tpu.memory_space<vmem>>) offsets(%dma_start3A_2841 : memref<128xi32, #tpu.memory_space<vmem>>) semaphore(%arg8 : memref<!tpu.dma_semaphore, #tpu.memory_space<semaphore_mem>>)
    %dma_start3A_2845 = arith.constant 108 : i32
    %dma_start3A_2846 = arith.constant 1 : i32
    %dma_start3A_2847 = arith.constant 512 : i32
    %dma_start3A_2848 = arith.constant 0 : i32
    %dma_start3A_2849 = tpu.memref_slice %arg7[%dma_start3A_2846, %dma_start3A_2847, %dma_start3A_2848] : memref<2x1024x32xf32, #tpu.memory_space<vmem>> -> memref<1x128x32xf32, #tpu.memory_space<vmem>>
    %dma_start3A_2850 = tpu.memref_squeeze %dma_start3A_2849 : memref<1x128x32xf32, #tpu.memory_space<vmem>> -> memref<128x32xf32, #tpu.memory_space<vmem>>
    %dma_start3A_2851 = arith.constant 0 : i32
    %dma_start3A_2852 = tpu.memref_slice %arg6[%dma_start3A_2845, %dma_start3A_2851] : memref<112x128xi32, #tpu.memory_space<vmem>> -> memref<1x128xi32, #tpu.memory_space<vmem>>
    %dma_start3A_2853 = tpu.memref_squeeze %dma_start3A_2852 : memref<1x128xi32, #tpu.memory_space<vmem>> -> memref<128xi32, #tpu.memory_space<vmem>>
    %dma_start3A_2854 = arith.constant 0 : i32
    %dma_start3A_2855 = arith.constant 0 : i32
    %dma_start3A_2856 = tpu.memref_slice %arg3[%dma_start3A_2854, %dma_start3A_2855] : memref<2600000x32xf32, #tpu.memory_space<hbm>> -> memref<2600000x32xf32, #tpu.memory_space<hbm>>
    tpu.enqueue_indirect_dma source(%dma_start3A_2856 : memref<2600000x32xf32, #tpu.memory_space<hbm>>) target(%dma_start3A_2850 : memref<128x32xf32, #tpu.memory_space<vmem>>) offsets(%dma_start3A_2853 : memref<128xi32, #tpu.memory_space<vmem>>) semaphore(%arg8 : memref<!tpu.dma_semaphore, #tpu.memory_space<semaphore_mem>>)
    %dma_start3A_2857 = arith.constant 109 : i32
    %dma_start3A_2858 = arith.constant 1 : i32
    %dma_start3A_2859 = arith.constant 640 : i32
    %dma_start3A_2860 = arith.constant 0 : i32
    %dma_start3A_2861 = tpu.memref_slice %arg7[%dma_start3A_2858, %dma_start3A_2859, %dma_start3A_2860] : memref<2x1024x32xf32, #tpu.memory_space<vmem>> -> memref<1x128x32xf32, #tpu.memory_space<vmem>>
    %dma_start3A_2862 = tpu.memref_squeeze %dma_start3A_2861 : memref<1x128x32xf32, #tpu.memory_space<vmem>> -> memref<128x32xf32, #tpu.memory_space<vmem>>
    %dma_start3A_2863 = arith.constant 0 : i32
    %dma_start3A_2864 = tpu.memref_slice %arg6[%dma_start3A_2857, %dma_start3A_2863] : memref<112x128xi32, #tpu.memory_space<vmem>> -> memref<1x128xi32, #tpu.memory_space<vmem>>
    %dma_start3A_2865 = tpu.memref_squeeze %dma_start3A_2864 : memref<1x128xi32, #tpu.memory_space<vmem>> -> memref<128xi32, #tpu.memory_space<vmem>>
    %dma_start3A_2866 = arith.constant 0 : i32
    %dma_start3A_2867 = arith.constant 0 : i32
    %dma_start3A_2868 = tpu.memref_slice %arg3[%dma_start3A_2866, %dma_start3A_2867] : memref<2600000x32xf32, #tpu.memory_space<hbm>> -> memref<2600000x32xf32, #tpu.memory_space<hbm>>
    tpu.enqueue_indirect_dma source(%dma_start3A_2868 : memref<2600000x32xf32, #tpu.memory_space<hbm>>) target(%dma_start3A_2862 : memref<128x32xf32, #tpu.memory_space<vmem>>) offsets(%dma_start3A_2865 : memref<128xi32, #tpu.memory_space<vmem>>) semaphore(%arg8 : memref<!tpu.dma_semaphore, #tpu.memory_space<semaphore_mem>>)
    %dma_start3A_2869 = arith.constant 110 : i32
    %dma_start3A_2870 = arith.constant 1 : i32
    %dma_start3A_2871 = arith.constant 768 : i32
    %dma_start3A_2872 = arith.constant 0 : i32
    %dma_start3A_2873 = tpu.memref_slice %arg7[%dma_start3A_2870, %dma_start3A_2871, %dma_start3A_2872] : memref<2x1024x32xf32, #tpu.memory_space<vmem>> -> memref<1x128x32xf32, #tpu.memory_space<vmem>>
    %dma_start3A_2874 = tpu.memref_squeeze %dma_start3A_2873 : memref<1x128x32xf32, #tpu.memory_space<vmem>> -> memref<128x32xf32, #tpu.memory_space<vmem>>
    %dma_start3A_2875 = arith.constant 0 : i32
    %dma_start3A_2876 = tpu.memref_slice %arg6[%dma_start3A_2869, %dma_start3A_2875] : memref<112x128xi32, #tpu.memory_space<vmem>> -> memref<1x128xi32, #tpu.memory_space<vmem>>
    %dma_start3A_2877 = tpu.memref_squeeze %dma_start3A_2876 : memref<1x128xi32, #tpu.memory_space<vmem>> -> memref<128xi32, #tpu.memory_space<vmem>>
    %dma_start3A_2878 = arith.constant 0 : i32
    %dma_start3A_2879 = arith.constant 0 : i32
    %dma_start3A_2880 = tpu.memref_slice %arg3[%dma_start3A_2878, %dma_start3A_2879] : memref<2600000x32xf32, #tpu.memory_space<hbm>> -> memref<2600000x32xf32, #tpu.memory_space<hbm>>
    tpu.enqueue_indirect_dma source(%dma_start3A_2880 : memref<2600000x32xf32, #tpu.memory_space<hbm>>) target(%dma_start3A_2874 : memref<128x32xf32, #tpu.memory_space<vmem>>) offsets(%dma_start3A_2877 : memref<128xi32, #tpu.memory_space<vmem>>) semaphore(%arg8 : memref<!tpu.dma_semaphore, #tpu.memory_space<semaphore_mem>>)
    %dma_start3A_2881 = arith.constant 111 : i32
    %dma_start3A_2882 = arith.constant 1 : i32
    %dma_start3A_2883 = arith.constant 896 : i32
    %dma_start3A_2884 = arith.constant 0 : i32
    %dma_start3A_2885 = tpu.memref_slice %arg7[%dma_start3A_2882, %dma_start3A_2883, %dma_start3A_2884] : memref<2x1024x32xf32, #tpu.memory_space<vmem>> -> memref<1x128x32xf32, #tpu.memory_space<vmem>>
    %dma_start3A_2886 = tpu.memref_squeeze %dma_start3A_2885 : memref<1x128x32xf32, #tpu.memory_space<vmem>> -> memref<128x32xf32, #tpu.memory_space<vmem>>
    %dma_start3A_2887 = arith.constant 0 : i32
    %dma_start3A_2888 = tpu.memref_slice %arg6[%dma_start3A_2881, %dma_start3A_2887] : memref<112x128xi32, #tpu.memory_space<vmem>> -> memref<1x128xi32, #tpu.memory_space<vmem>>
    %dma_start3A_2889 = tpu.memref_squeeze %dma_start3A_2888 : memref<1x128xi32, #tpu.memory_space<vmem>> -> memref<128xi32, #tpu.memory_space<vmem>>
    %dma_start3A_2890 = arith.constant 0 : i32
    %dma_start3A_2891 = arith.constant 0 : i32
    %dma_start3A_2892 = tpu.memref_slice %arg3[%dma_start3A_2890, %dma_start3A_2891] : memref<2600000x32xf32, #tpu.memory_space<hbm>> -> memref<2600000x32xf32, #tpu.memory_space<hbm>>
    tpu.enqueue_indirect_dma source(%dma_start3A_2892 : memref<2600000x32xf32, #tpu.memory_space<hbm>>) target(%dma_start3A_2886 : memref<128x32xf32, #tpu.memory_space<vmem>>) offsets(%dma_start3A_2889 : memref<128xi32, #tpu.memory_space<vmem>>) semaphore(%arg8 : memref<!tpu.dma_semaphore, #tpu.memory_space<semaphore_mem>>)
    %dma_wait3A_2893 = arith.constant 96 : i32
    %dma_wait3A_2894 = arith.constant 0 : i32
    %dma_wait3A_2895 = arith.constant 0 : i32
    %dma_wait3A_2896 = arith.constant 0 : i32
    %dma_wait3A_2897 = tpu.memref_slice %arg7[%dma_wait3A_2894, %dma_wait3A_2895, %dma_wait3A_2896] : memref<2x1024x32xf32, #tpu.memory_space<vmem>> -> memref<1x128x32xf32, #tpu.memory_space<vmem>>
    %dma_wait3A_2898 = tpu.memref_squeeze %dma_wait3A_2897 : memref<1x128x32xf32, #tpu.memory_space<vmem>> -> memref<128x32xf32, #tpu.memory_space<vmem>>
    %dma_wait3A_2899 = arith.constant 0 : i32
    %dma_wait3A_2900 = tpu.memref_slice %arg6[%dma_wait3A_2893, %dma_wait3A_2899] : memref<112x128xi32, #tpu.memory_space<vmem>> -> memref<1x128xi32, #tpu.memory_space<vmem>>
    %dma_wait3A_2901 = tpu.memref_squeeze %dma_wait3A_2900 : memref<1x128xi32, #tpu.memory_space<vmem>> -> memref<128xi32, #tpu.memory_space<vmem>>
    %dma_wait3A_2902 = arith.constant 0 : i32
    %dma_wait3A_2903 = arith.constant 0 : i32
    %dma_wait3A_2904 = tpu.memref_slice %arg3[%dma_wait3A_2902, %dma_wait3A_2903] : memref<2600000x32xf32, #tpu.memory_space<hbm>> -> memref<2600000x32xf32, #tpu.memory_space<hbm>>
    tpu.wait_indirect_dma semaphore(%arg8 : memref<!tpu.dma_semaphore, #tpu.memory_space<semaphore_mem>>) src(%dma_wait3A_2904 : memref<2600000x32xf32, #tpu.memory_space<hbm>>) dst(%dma_wait3A_2898 : memref<128x32xf32, #tpu.memory_space<vmem>>)
    %dma_wait3A_2905 = arith.constant 97 : i32
    %dma_wait3A_2906 = arith.constant 0 : i32
    %dma_wait3A_2907 = arith.constant 128 : i32
    %dma_wait3A_2908 = arith.constant 0 : i32
    %dma_wait3A_2909 = tpu.memref_slice %arg7[%dma_wait3A_2906, %dma_wait3A_2907, %dma_wait3A_2908] : memref<2x1024x32xf32, #tpu.memory_space<vmem>> -> memref<1x128x32xf32, #tpu.memory_space<vmem>>
    %dma_wait3A_2910 = tpu.memref_squeeze %dma_wait3A_2909 : memref<1x128x32xf32, #tpu.memory_space<vmem>> -> memref<128x32xf32, #tpu.memory_space<vmem>>
    %dma_wait3A_2911 = arith.constant 0 : i32
    %dma_wait3A_2912 = tpu.memref_slice %arg6[%dma_wait3A_2905, %dma_wait3A_2911] : memref<112x128xi32, #tpu.memory_space<vmem>> -> memref<1x128xi32, #tpu.memory_space<vmem>>
    %dma_wait3A_2913 = tpu.memref_squeeze %dma_wait3A_2912 : memref<1x128xi32, #tpu.memory_space<vmem>> -> memref<128xi32, #tpu.memory_space<vmem>>
    %dma_wait3A_2914 = arith.constant 0 : i32
    %dma_wait3A_2915 = arith.constant 0 : i32
    %dma_wait3A_2916 = tpu.memref_slice %arg3[%dma_wait3A_2914, %dma_wait3A_2915] : memref<2600000x32xf32, #tpu.memory_space<hbm>> -> memref<2600000x32xf32, #tpu.memory_space<hbm>>
    tpu.wait_indirect_dma semaphore(%arg8 : memref<!tpu.dma_semaphore, #tpu.memory_space<semaphore_mem>>) src(%dma_wait3A_2916 : memref<2600000x32xf32, #tpu.memory_space<hbm>>) dst(%dma_wait3A_2910 : memref<128x32xf32, #tpu.memory_space<vmem>>)
    %dma_wait3A_2917 = arith.constant 98 : i32
    %dma_wait3A_2918 = arith.constant 0 : i32
    %dma_wait3A_2919 = arith.constant 256 : i32
    %dma_wait3A_2920 = arith.constant 0 : i32
    %dma_wait3A_2921 = tpu.memref_slice %arg7[%dma_wait3A_2918, %dma_wait3A_2919, %dma_wait3A_2920] : memref<2x1024x32xf32, #tpu.memory_space<vmem>> -> memref<1x128x32xf32, #tpu.memory_space<vmem>>
    %dma_wait3A_2922 = tpu.memref_squeeze %dma_wait3A_2921 : memref<1x128x32xf32, #tpu.memory_space<vmem>> -> memref<128x32xf32, #tpu.memory_space<vmem>>
    %dma_wait3A_2923 = arith.constant 0 : i32
    %dma_wait3A_2924 = tpu.memref_slice %arg6[%dma_wait3A_2917, %dma_wait3A_2923] : memref<112x128xi32, #tpu.memory_space<vmem>> -> memref<1x128xi32, #tpu.memory_space<vmem>>
    %dma_wait3A_2925 = tpu.memref_squeeze %dma_wait3A_2924 : memref<1x128xi32, #tpu.memory_space<vmem>> -> memref<128xi32, #tpu.memory_space<vmem>>
    %dma_wait3A_2926 = arith.constant 0 : i32
    %dma_wait3A_2927 = arith.constant 0 : i32
    %dma_wait3A_2928 = tpu.memref_slice %arg3[%dma_wait3A_2926, %dma_wait3A_2927] : memref<2600000x32xf32, #tpu.memory_space<hbm>> -> memref<2600000x32xf32, #tpu.memory_space<hbm>>
    tpu.wait_indirect_dma semaphore(%arg8 : memref<!tpu.dma_semaphore, #tpu.memory_space<semaphore_mem>>) src(%dma_wait3A_2928 : memref<2600000x32xf32, #tpu.memory_space<hbm>>) dst(%dma_wait3A_2922 : memref<128x32xf32, #tpu.memory_space<vmem>>)
    %dma_wait3A_2929 = arith.constant 99 : i32
    %dma_wait3A_2930 = arith.constant 0 : i32
    %dma_wait3A_2931 = arith.constant 384 : i32
    %dma_wait3A_2932 = arith.constant 0 : i32
    %dma_wait3A_2933 = tpu.memref_slice %arg7[%dma_wait3A_2930, %dma_wait3A_2931, %dma_wait3A_2932] : memref<2x1024x32xf32, #tpu.memory_space<vmem>> -> memref<1x128x32xf32, #tpu.memory_space<vmem>>
    %dma_wait3A_2934 = tpu.memref_squeeze %dma_wait3A_2933 : memref<1x128x32xf32, #tpu.memory_space<vmem>> -> memref<128x32xf32, #tpu.memory_space<vmem>>
    %dma_wait3A_2935 = arith.constant 0 : i32
    %dma_wait3A_2936 = tpu.memref_slice %arg6[%dma_wait3A_2929, %dma_wait3A_2935] : memref<112x128xi32, #tpu.memory_space<vmem>> -> memref<1x128xi32, #tpu.memory_space<vmem>>
    %dma_wait3A_2937 = tpu.memref_squeeze %dma_wait3A_2936 : memref<1x128xi32, #tpu.memory_space<vmem>> -> memref<128xi32, #tpu.memory_space<vmem>>
    %dma_wait3A_2938 = arith.constant 0 : i32
    %dma_wait3A_2939 = arith.constant 0 : i32
    %dma_wait3A_2940 = tpu.memref_slice %arg3[%dma_wait3A_2938, %dma_wait3A_2939] : memref<2600000x32xf32, #tpu.memory_space<hbm>> -> memref<2600000x32xf32, #tpu.memory_space<hbm>>
    tpu.wait_indirect_dma semaphore(%arg8 : memref<!tpu.dma_semaphore, #tpu.memory_space<semaphore_mem>>) src(%dma_wait3A_2940 : memref<2600000x32xf32, #tpu.memory_space<hbm>>) dst(%dma_wait3A_2934 : memref<128x32xf32, #tpu.memory_space<vmem>>)
    %dma_wait3A_2941 = arith.constant 100 : i32
    %dma_wait3A_2942 = arith.constant 0 : i32
    %dma_wait3A_2943 = arith.constant 512 : i32
    %dma_wait3A_2944 = arith.constant 0 : i32
    %dma_wait3A_2945 = tpu.memref_slice %arg7[%dma_wait3A_2942, %dma_wait3A_2943, %dma_wait3A_2944] : memref<2x1024x32xf32, #tpu.memory_space<vmem>> -> memref<1x128x32xf32, #tpu.memory_space<vmem>>
    %dma_wait3A_2946 = tpu.memref_squeeze %dma_wait3A_2945 : memref<1x128x32xf32, #tpu.memory_space<vmem>> -> memref<128x32xf32, #tpu.memory_space<vmem>>
    %dma_wait3A_2947 = arith.constant 0 : i32
    %dma_wait3A_2948 = tpu.memref_slice %arg6[%dma_wait3A_2941, %dma_wait3A_2947] : memref<112x128xi32, #tpu.memory_space<vmem>> -> memref<1x128xi32, #tpu.memory_space<vmem>>
    %dma_wait3A_2949 = tpu.memref_squeeze %dma_wait3A_2948 : memref<1x128xi32, #tpu.memory_space<vmem>> -> memref<128xi32, #tpu.memory_space<vmem>>
    %dma_wait3A_2950 = arith.constant 0 : i32
    %dma_wait3A_2951 = arith.constant 0 : i32
    %dma_wait3A_2952 = tpu.memref_slice %arg3[%dma_wait3A_2950, %dma_wait3A_2951] : memref<2600000x32xf32, #tpu.memory_space<hbm>> -> memref<2600000x32xf32, #tpu.memory_space<hbm>>
    tpu.wait_indirect_dma semaphore(%arg8 : memref<!tpu.dma_semaphore, #tpu.memory_space<semaphore_mem>>) src(%dma_wait3A_2952 : memref<2600000x32xf32, #tpu.memory_space<hbm>>) dst(%dma_wait3A_2946 : memref<128x32xf32, #tpu.memory_space<vmem>>)
    %dma_wait3A_2953 = arith.constant 101 : i32
    %dma_wait3A_2954 = arith.constant 0 : i32
    %dma_wait3A_2955 = arith.constant 640 : i32
    %dma_wait3A_2956 = arith.constant 0 : i32
    %dma_wait3A_2957 = tpu.memref_slice %arg7[%dma_wait3A_2954, %dma_wait3A_2955, %dma_wait3A_2956] : memref<2x1024x32xf32, #tpu.memory_space<vmem>> -> memref<1x128x32xf32, #tpu.memory_space<vmem>>
    %dma_wait3A_2958 = tpu.memref_squeeze %dma_wait3A_2957 : memref<1x128x32xf32, #tpu.memory_space<vmem>> -> memref<128x32xf32, #tpu.memory_space<vmem>>
    %dma_wait3A_2959 = arith.constant 0 : i32
    %dma_wait3A_2960 = tpu.memref_slice %arg6[%dma_wait3A_2953, %dma_wait3A_2959] : memref<112x128xi32, #tpu.memory_space<vmem>> -> memref<1x128xi32, #tpu.memory_space<vmem>>
    %dma_wait3A_2961 = tpu.memref_squeeze %dma_wait3A_2960 : memref<1x128xi32, #tpu.memory_space<vmem>> -> memref<128xi32, #tpu.memory_space<vmem>>
    %dma_wait3A_2962 = arith.constant 0 : i32
    %dma_wait3A_2963 = arith.constant 0 : i32
    %dma_wait3A_2964 = tpu.memref_slice %arg3[%dma_wait3A_2962, %dma_wait3A_2963] : memref<2600000x32xf32, #tpu.memory_space<hbm>> -> memref<2600000x32xf32, #tpu.memory_space<hbm>>
    tpu.wait_indirect_dma semaphore(%arg8 : memref<!tpu.dma_semaphore, #tpu.memory_space<semaphore_mem>>) src(%dma_wait3A_2964 : memref<2600000x32xf32, #tpu.memory_space<hbm>>) dst(%dma_wait3A_2958 : memref<128x32xf32, #tpu.memory_space<vmem>>)
    %dma_wait3A_2965 = arith.constant 102 : i32
    %dma_wait3A_2966 = arith.constant 0 : i32
    %dma_wait3A_2967 = arith.constant 768 : i32
    %dma_wait3A_2968 = arith.constant 0 : i32
    %dma_wait3A_2969 = tpu.memref_slice %arg7[%dma_wait3A_2966, %dma_wait3A_2967, %dma_wait3A_2968] : memref<2x1024x32xf32, #tpu.memory_space<vmem>> -> memref<1x128x32xf32, #tpu.memory_space<vmem>>
    %dma_wait3A_2970 = tpu.memref_squeeze %dma_wait3A_2969 : memref<1x128x32xf32, #tpu.memory_space<vmem>> -> memref<128x32xf32, #tpu.memory_space<vmem>>
    %dma_wait3A_2971 = arith.constant 0 : i32
    %dma_wait3A_2972 = tpu.memref_slice %arg6[%dma_wait3A_2965, %dma_wait3A_2971] : memref<112x128xi32, #tpu.memory_space<vmem>> -> memref<1x128xi32, #tpu.memory_space<vmem>>
    %dma_wait3A_2973 = tpu.memref_squeeze %dma_wait3A_2972 : memref<1x128xi32, #tpu.memory_space<vmem>> -> memref<128xi32, #tpu.memory_space<vmem>>
    %dma_wait3A_2974 = arith.constant 0 : i32
    %dma_wait3A_2975 = arith.constant 0 : i32
    %dma_wait3A_2976 = tpu.memref_slice %arg3[%dma_wait3A_2974, %dma_wait3A_2975] : memref<2600000x32xf32, #tpu.memory_space<hbm>> -> memref<2600000x32xf32, #tpu.memory_space<hbm>>
    tpu.wait_indirect_dma semaphore(%arg8 : memref<!tpu.dma_semaphore, #tpu.memory_space<semaphore_mem>>) src(%dma_wait3A_2976 : memref<2600000x32xf32, #tpu.memory_space<hbm>>) dst(%dma_wait3A_2970 : memref<128x32xf32, #tpu.memory_space<vmem>>)
    %dma_wait3A_2977 = arith.constant 103 : i32
    %dma_wait3A_2978 = arith.constant 0 : i32
    %dma_wait3A_2979 = arith.constant 896 : i32
    %dma_wait3A_2980 = arith.constant 0 : i32
    %dma_wait3A_2981 = tpu.memref_slice %arg7[%dma_wait3A_2978, %dma_wait3A_2979, %dma_wait3A_2980] : memref<2x1024x32xf32, #tpu.memory_space<vmem>> -> memref<1x128x32xf32, #tpu.memory_space<vmem>>
    %dma_wait3A_2982 = tpu.memref_squeeze %dma_wait3A_2981 : memref<1x128x32xf32, #tpu.memory_space<vmem>> -> memref<128x32xf32, #tpu.memory_space<vmem>>
    %dma_wait3A_2983 = arith.constant 0 : i32
    %dma_wait3A_2984 = tpu.memref_slice %arg6[%dma_wait3A_2977, %dma_wait3A_2983] : memref<112x128xi32, #tpu.memory_space<vmem>> -> memref<1x128xi32, #tpu.memory_space<vmem>>
    %dma_wait3A_2985 = tpu.memref_squeeze %dma_wait3A_2984 : memref<1x128xi32, #tpu.memory_space<vmem>> -> memref<128xi32, #tpu.memory_space<vmem>>
    %dma_wait3A_2986 = arith.constant 0 : i32
    %dma_wait3A_2987 = arith.constant 0 : i32
    %dma_wait3A_2988 = tpu.memref_slice %arg3[%dma_wait3A_2986, %dma_wait3A_2987] : memref<2600000x32xf32, #tpu.memory_space<hbm>> -> memref<2600000x32xf32, #tpu.memory_space<hbm>>
    tpu.wait_indirect_dma semaphore(%arg8 : memref<!tpu.dma_semaphore, #tpu.memory_space<semaphore_mem>>) src(%dma_wait3A_2988 : memref<2600000x32xf32, #tpu.memory_space<hbm>>) dst(%dma_wait3A_2982 : memref<128x32xf32, #tpu.memory_space<vmem>>)
    %mul3A_2989 = arith.constant 2048 : i32
    %mul3A_2990 = arith.muli %add3A, %mul3A_2989 : i32
    %add3A_2991 = arith.constant 393216 : i32
    %add3A_2992 = arith.addi %add3A_2991, %mul3A_2990 : i32
    %add3A_2993 = arith.constant 0 : i32
    %add3A_2994 = arith.addi %add3A_2992, %add3A_2993 : i32
    %dma_start3A_2995 = arith.constant 0 : i32
    %dma_start3A_2996 = arith.constant 0 : i32
    %dma_start3A_2997 = arith.constant 0 : i32
    %dma_start3A_2998 = tpu.memref_slice %arg7[%dma_start3A_2995, %dma_start3A_2996, %dma_start3A_2997] : memref<2x1024x32xf32, #tpu.memory_space<vmem>> -> memref<1x1024x32xf32, #tpu.memory_space<vmem>>
    %dma_start3A_2999 = tpu.memref_squeeze %dma_start3A_2998 : memref<1x1024x32xf32, #tpu.memory_space<vmem>> -> memref<1024x32xf32, #tpu.memory_space<vmem>>
    %dma_start3A_3000 = arith.constant 0 : i32
    %dma_start3A_3001 = tpu.memref_slice %arg4[%add3A_2994, %dma_start3A_3000] : memref<458752x32xf32, #tpu.memory_space<hbm>> -> memref<1024x32xf32, #tpu.memory_space<hbm>>
    %dma_start3A_3002 = arith.constant 0 : i32
    %dma_start3A_3003 = tpu.memref_slice %arg4[%add3A_2994, %dma_start3A_3002] : memref<458752x32xf32, #tpu.memory_space<hbm>> -> memref<1024x32xf32, #tpu.memory_space<hbm>>
    %dma_start3A_3004 = arith.constant 0 : i32
    %dma_start3A_3005 = arith.constant 0 : i32
    %dma_start3A_3006 = tpu.memref_slice %arg7[%dma_start3A_2995, %dma_start3A_3004, %dma_start3A_3005] : memref<2x1024x32xf32, #tpu.memory_space<vmem>> -> memref<1x1024x32xf32, #tpu.memory_space<vmem>>
    %dma_start3A_3007 = tpu.memref_squeeze %dma_start3A_3006 : memref<1x1024x32xf32, #tpu.memory_space<vmem>> -> memref<1024x32xf32, #tpu.memory_space<vmem>>
    tpu.enqueue_dma source(%dma_start3A_3007 : memref<1024x32xf32, #tpu.memory_space<vmem>>) target(%dma_start3A_3003 : memref<1024x32xf32, #tpu.memory_space<hbm>>) target_semaphore(%arg9 : memref<!tpu.dma_semaphore, #tpu.memory_space<semaphore_mem>>)
    %dma_wait3A_3008 = arith.constant 104 : i32
    %dma_wait3A_3009 = arith.constant 1 : i32
    %dma_wait3A_3010 = arith.constant 0 : i32
    %dma_wait3A_3011 = arith.constant 0 : i32
    %dma_wait3A_3012 = tpu.memref_slice %arg7[%dma_wait3A_3009, %dma_wait3A_3010, %dma_wait3A_3011] : memref<2x1024x32xf32, #tpu.memory_space<vmem>> -> memref<1x128x32xf32, #tpu.memory_space<vmem>>
    %dma_wait3A_3013 = tpu.memref_squeeze %dma_wait3A_3012 : memref<1x128x32xf32, #tpu.memory_space<vmem>> -> memref<128x32xf32, #tpu.memory_space<vmem>>
    %dma_wait3A_3014 = arith.constant 0 : i32
    %dma_wait3A_3015 = tpu.memref_slice %arg6[%dma_wait3A_3008, %dma_wait3A_3014] : memref<112x128xi32, #tpu.memory_space<vmem>> -> memref<1x128xi32, #tpu.memory_space<vmem>>
    %dma_wait3A_3016 = tpu.memref_squeeze %dma_wait3A_3015 : memref<1x128xi32, #tpu.memory_space<vmem>> -> memref<128xi32, #tpu.memory_space<vmem>>
    %dma_wait3A_3017 = arith.constant 0 : i32
    %dma_wait3A_3018 = arith.constant 0 : i32
    %dma_wait3A_3019 = tpu.memref_slice %arg3[%dma_wait3A_3017, %dma_wait3A_3018] : memref<2600000x32xf32, #tpu.memory_space<hbm>> -> memref<2600000x32xf32, #tpu.memory_space<hbm>>
    tpu.wait_indirect_dma semaphore(%arg8 : memref<!tpu.dma_semaphore, #tpu.memory_space<semaphore_mem>>) src(%dma_wait3A_3019 : memref<2600000x32xf32, #tpu.memory_space<hbm>>) dst(%dma_wait3A_3013 : memref<128x32xf32, #tpu.memory_space<vmem>>)
    %dma_wait3A_3020 = arith.constant 105 : i32
    %dma_wait3A_3021 = arith.constant 1 : i32
    %dma_wait3A_3022 = arith.constant 128 : i32
    %dma_wait3A_3023 = arith.constant 0 : i32
    %dma_wait3A_3024 = tpu.memref_slice %arg7[%dma_wait3A_3021, %dma_wait3A_3022, %dma_wait3A_3023] : memref<2x1024x32xf32, #tpu.memory_space<vmem>> -> memref<1x128x32xf32, #tpu.memory_space<vmem>>
    %dma_wait3A_3025 = tpu.memref_squeeze %dma_wait3A_3024 : memref<1x128x32xf32, #tpu.memory_space<vmem>> -> memref<128x32xf32, #tpu.memory_space<vmem>>
    %dma_wait3A_3026 = arith.constant 0 : i32
    %dma_wait3A_3027 = tpu.memref_slice %arg6[%dma_wait3A_3020, %dma_wait3A_3026] : memref<112x128xi32, #tpu.memory_space<vmem>> -> memref<1x128xi32, #tpu.memory_space<vmem>>
    %dma_wait3A_3028 = tpu.memref_squeeze %dma_wait3A_3027 : memref<1x128xi32, #tpu.memory_space<vmem>> -> memref<128xi32, #tpu.memory_space<vmem>>
    %dma_wait3A_3029 = arith.constant 0 : i32
    %dma_wait3A_3030 = arith.constant 0 : i32
    %dma_wait3A_3031 = tpu.memref_slice %arg3[%dma_wait3A_3029, %dma_wait3A_3030] : memref<2600000x32xf32, #tpu.memory_space<hbm>> -> memref<2600000x32xf32, #tpu.memory_space<hbm>>
    tpu.wait_indirect_dma semaphore(%arg8 : memref<!tpu.dma_semaphore, #tpu.memory_space<semaphore_mem>>) src(%dma_wait3A_3031 : memref<2600000x32xf32, #tpu.memory_space<hbm>>) dst(%dma_wait3A_3025 : memref<128x32xf32, #tpu.memory_space<vmem>>)
    %dma_wait3A_3032 = arith.constant 106 : i32
    %dma_wait3A_3033 = arith.constant 1 : i32
    %dma_wait3A_3034 = arith.constant 256 : i32
    %dma_wait3A_3035 = arith.constant 0 : i32
    %dma_wait3A_3036 = tpu.memref_slice %arg7[%dma_wait3A_3033, %dma_wait3A_3034, %dma_wait3A_3035] : memref<2x1024x32xf32, #tpu.memory_space<vmem>> -> memref<1x128x32xf32, #tpu.memory_space<vmem>>
    %dma_wait3A_3037 = tpu.memref_squeeze %dma_wait3A_3036 : memref<1x128x32xf32, #tpu.memory_space<vmem>> -> memref<128x32xf32, #tpu.memory_space<vmem>>
    %dma_wait3A_3038 = arith.constant 0 : i32
    %dma_wait3A_3039 = tpu.memref_slice %arg6[%dma_wait3A_3032, %dma_wait3A_3038] : memref<112x128xi32, #tpu.memory_space<vmem>> -> memref<1x128xi32, #tpu.memory_space<vmem>>
    %dma_wait3A_3040 = tpu.memref_squeeze %dma_wait3A_3039 : memref<1x128xi32, #tpu.memory_space<vmem>> -> memref<128xi32, #tpu.memory_space<vmem>>
    %dma_wait3A_3041 = arith.constant 0 : i32
    %dma_wait3A_3042 = arith.constant 0 : i32
    %dma_wait3A_3043 = tpu.memref_slice %arg3[%dma_wait3A_3041, %dma_wait3A_3042] : memref<2600000x32xf32, #tpu.memory_space<hbm>> -> memref<2600000x32xf32, #tpu.memory_space<hbm>>
    tpu.wait_indirect_dma semaphore(%arg8 : memref<!tpu.dma_semaphore, #tpu.memory_space<semaphore_mem>>) src(%dma_wait3A_3043 : memref<2600000x32xf32, #tpu.memory_space<hbm>>) dst(%dma_wait3A_3037 : memref<128x32xf32, #tpu.memory_space<vmem>>)
    %dma_wait3A_3044 = arith.constant 107 : i32
    %dma_wait3A_3045 = arith.constant 1 : i32
    %dma_wait3A_3046 = arith.constant 384 : i32
    %dma_wait3A_3047 = arith.constant 0 : i32
    %dma_wait3A_3048 = tpu.memref_slice %arg7[%dma_wait3A_3045, %dma_wait3A_3046, %dma_wait3A_3047] : memref<2x1024x32xf32, #tpu.memory_space<vmem>> -> memref<1x128x32xf32, #tpu.memory_space<vmem>>
    %dma_wait3A_3049 = tpu.memref_squeeze %dma_wait3A_3048 : memref<1x128x32xf32, #tpu.memory_space<vmem>> -> memref<128x32xf32, #tpu.memory_space<vmem>>
    %dma_wait3A_3050 = arith.constant 0 : i32
    %dma_wait3A_3051 = tpu.memref_slice %arg6[%dma_wait3A_3044, %dma_wait3A_3050] : memref<112x128xi32, #tpu.memory_space<vmem>> -> memref<1x128xi32, #tpu.memory_space<vmem>>
    %dma_wait3A_3052 = tpu.memref_squeeze %dma_wait3A_3051 : memref<1x128xi32, #tpu.memory_space<vmem>> -> memref<128xi32, #tpu.memory_space<vmem>>
    %dma_wait3A_3053 = arith.constant 0 : i32
    %dma_wait3A_3054 = arith.constant 0 : i32
    %dma_wait3A_3055 = tpu.memref_slice %arg3[%dma_wait3A_3053, %dma_wait3A_3054] : memref<2600000x32xf32, #tpu.memory_space<hbm>> -> memref<2600000x32xf32, #tpu.memory_space<hbm>>
    tpu.wait_indirect_dma semaphore(%arg8 : memref<!tpu.dma_semaphore, #tpu.memory_space<semaphore_mem>>) src(%dma_wait3A_3055 : memref<2600000x32xf32, #tpu.memory_space<hbm>>) dst(%dma_wait3A_3049 : memref<128x32xf32, #tpu.memory_space<vmem>>)
    %dma_wait3A_3056 = arith.constant 108 : i32
    %dma_wait3A_3057 = arith.constant 1 : i32
    %dma_wait3A_3058 = arith.constant 512 : i32
    %dma_wait3A_3059 = arith.constant 0 : i32
    %dma_wait3A_3060 = tpu.memref_slice %arg7[%dma_wait3A_3057, %dma_wait3A_3058, %dma_wait3A_3059] : memref<2x1024x32xf32, #tpu.memory_space<vmem>> -> memref<1x128x32xf32, #tpu.memory_space<vmem>>
    %dma_wait3A_3061 = tpu.memref_squeeze %dma_wait3A_3060 : memref<1x128x32xf32, #tpu.memory_space<vmem>> -> memref<128x32xf32, #tpu.memory_space<vmem>>
    %dma_wait3A_3062 = arith.constant 0 : i32
    %dma_wait3A_3063 = tpu.memref_slice %arg6[%dma_wait3A_3056, %dma_wait3A_3062] : memref<112x128xi32, #tpu.memory_space<vmem>> -> memref<1x128xi32, #tpu.memory_space<vmem>>
    %dma_wait3A_3064 = tpu.memref_squeeze %dma_wait3A_3063 : memref<1x128xi32, #tpu.memory_space<vmem>> -> memref<128xi32, #tpu.memory_space<vmem>>
    %dma_wait3A_3065 = arith.constant 0 : i32
    %dma_wait3A_3066 = arith.constant 0 : i32
    %dma_wait3A_3067 = tpu.memref_slice %arg3[%dma_wait3A_3065, %dma_wait3A_3066] : memref<2600000x32xf32, #tpu.memory_space<hbm>> -> memref<2600000x32xf32, #tpu.memory_space<hbm>>
    tpu.wait_indirect_dma semaphore(%arg8 : memref<!tpu.dma_semaphore, #tpu.memory_space<semaphore_mem>>) src(%dma_wait3A_3067 : memref<2600000x32xf32, #tpu.memory_space<hbm>>) dst(%dma_wait3A_3061 : memref<128x32xf32, #tpu.memory_space<vmem>>)
    %dma_wait3A_3068 = arith.constant 109 : i32
    %dma_wait3A_3069 = arith.constant 1 : i32
    %dma_wait3A_3070 = arith.constant 640 : i32
    %dma_wait3A_3071 = arith.constant 0 : i32
    %dma_wait3A_3072 = tpu.memref_slice %arg7[%dma_wait3A_3069, %dma_wait3A_3070, %dma_wait3A_3071] : memref<2x1024x32xf32, #tpu.memory_space<vmem>> -> memref<1x128x32xf32, #tpu.memory_space<vmem>>
    %dma_wait3A_3073 = tpu.memref_squeeze %dma_wait3A_3072 : memref<1x128x32xf32, #tpu.memory_space<vmem>> -> memref<128x32xf32, #tpu.memory_space<vmem>>
    %dma_wait3A_3074 = arith.constant 0 : i32
    %dma_wait3A_3075 = tpu.memref_slice %arg6[%dma_wait3A_3068, %dma_wait3A_3074] : memref<112x128xi32, #tpu.memory_space<vmem>> -> memref<1x128xi32, #tpu.memory_space<vmem>>
    %dma_wait3A_3076 = tpu.memref_squeeze %dma_wait3A_3075 : memref<1x128xi32, #tpu.memory_space<vmem>> -> memref<128xi32, #tpu.memory_space<vmem>>
    %dma_wait3A_3077 = arith.constant 0 : i32
    %dma_wait3A_3078 = arith.constant 0 : i32
    %dma_wait3A_3079 = tpu.memref_slice %arg3[%dma_wait3A_3077, %dma_wait3A_3078] : memref<2600000x32xf32, #tpu.memory_space<hbm>> -> memref<2600000x32xf32, #tpu.memory_space<hbm>>
    tpu.wait_indirect_dma semaphore(%arg8 : memref<!tpu.dma_semaphore, #tpu.memory_space<semaphore_mem>>) src(%dma_wait3A_3079 : memref<2600000x32xf32, #tpu.memory_space<hbm>>) dst(%dma_wait3A_3073 : memref<128x32xf32, #tpu.memory_space<vmem>>)
    %dma_wait3A_3080 = arith.constant 110 : i32
    %dma_wait3A_3081 = arith.constant 1 : i32
    %dma_wait3A_3082 = arith.constant 768 : i32
    %dma_wait3A_3083 = arith.constant 0 : i32
    %dma_wait3A_3084 = tpu.memref_slice %arg7[%dma_wait3A_3081, %dma_wait3A_3082, %dma_wait3A_3083] : memref<2x1024x32xf32, #tpu.memory_space<vmem>> -> memref<1x128x32xf32, #tpu.memory_space<vmem>>
    %dma_wait3A_3085 = tpu.memref_squeeze %dma_wait3A_3084 : memref<1x128x32xf32, #tpu.memory_space<vmem>> -> memref<128x32xf32, #tpu.memory_space<vmem>>
    %dma_wait3A_3086 = arith.constant 0 : i32
    %dma_wait3A_3087 = tpu.memref_slice %arg6[%dma_wait3A_3080, %dma_wait3A_3086] : memref<112x128xi32, #tpu.memory_space<vmem>> -> memref<1x128xi32, #tpu.memory_space<vmem>>
    %dma_wait3A_3088 = tpu.memref_squeeze %dma_wait3A_3087 : memref<1x128xi32, #tpu.memory_space<vmem>> -> memref<128xi32, #tpu.memory_space<vmem>>
    %dma_wait3A_3089 = arith.constant 0 : i32
    %dma_wait3A_3090 = arith.constant 0 : i32
    %dma_wait3A_3091 = tpu.memref_slice %arg3[%dma_wait3A_3089, %dma_wait3A_3090] : memref<2600000x32xf32, #tpu.memory_space<hbm>> -> memref<2600000x32xf32, #tpu.memory_space<hbm>>
    tpu.wait_indirect_dma semaphore(%arg8 : memref<!tpu.dma_semaphore, #tpu.memory_space<semaphore_mem>>) src(%dma_wait3A_3091 : memref<2600000x32xf32, #tpu.memory_space<hbm>>) dst(%dma_wait3A_3085 : memref<128x32xf32, #tpu.memory_space<vmem>>)
    %dma_wait3A_3092 = arith.constant 111 : i32
    %dma_wait3A_3093 = arith.constant 1 : i32
    %dma_wait3A_3094 = arith.constant 896 : i32
    %dma_wait3A_3095 = arith.constant 0 : i32
    %dma_wait3A_3096 = tpu.memref_slice %arg7[%dma_wait3A_3093, %dma_wait3A_3094, %dma_wait3A_3095] : memref<2x1024x32xf32, #tpu.memory_space<vmem>> -> memref<1x128x32xf32, #tpu.memory_space<vmem>>
    %dma_wait3A_3097 = tpu.memref_squeeze %dma_wait3A_3096 : memref<1x128x32xf32, #tpu.memory_space<vmem>> -> memref<128x32xf32, #tpu.memory_space<vmem>>
    %dma_wait3A_3098 = arith.constant 0 : i32
    %dma_wait3A_3099 = tpu.memref_slice %arg6[%dma_wait3A_3092, %dma_wait3A_3098] : memref<112x128xi32, #tpu.memory_space<vmem>> -> memref<1x128xi32, #tpu.memory_space<vmem>>
    %dma_wait3A_3100 = tpu.memref_squeeze %dma_wait3A_3099 : memref<1x128xi32, #tpu.memory_space<vmem>> -> memref<128xi32, #tpu.memory_space<vmem>>
    %dma_wait3A_3101 = arith.constant 0 : i32
    %dma_wait3A_3102 = arith.constant 0 : i32
    %dma_wait3A_3103 = tpu.memref_slice %arg3[%dma_wait3A_3101, %dma_wait3A_3102] : memref<2600000x32xf32, #tpu.memory_space<hbm>> -> memref<2600000x32xf32, #tpu.memory_space<hbm>>
    tpu.wait_indirect_dma semaphore(%arg8 : memref<!tpu.dma_semaphore, #tpu.memory_space<semaphore_mem>>) src(%dma_wait3A_3103 : memref<2600000x32xf32, #tpu.memory_space<hbm>>) dst(%dma_wait3A_3097 : memref<128x32xf32, #tpu.memory_space<vmem>>)
    %mul3A_3104 = arith.constant 2048 : i32
    %mul3A_3105 = arith.muli %add3A, %mul3A_3104 : i32
    %add3A_3106 = arith.constant 393216 : i32
    %add3A_3107 = arith.addi %add3A_3106, %mul3A_3105 : i32
    %add3A_3108 = arith.constant 1024 : i32
    %add3A_3109 = arith.addi %add3A_3107, %add3A_3108 : i32
    %dma_start3A_3110 = arith.constant 1 : i32
    %dma_start3A_3111 = arith.constant 0 : i32
    %dma_start3A_3112 = arith.constant 0 : i32
    %dma_start3A_3113 = tpu.memref_slice %arg7[%dma_start3A_3110, %dma_start3A_3111, %dma_start3A_3112] : memref<2x1024x32xf32, #tpu.memory_space<vmem>> -> memref<1x1024x32xf32, #tpu.memory_space<vmem>>
    %dma_start3A_3114 = tpu.memref_squeeze %dma_start3A_3113 : memref<1x1024x32xf32, #tpu.memory_space<vmem>> -> memref<1024x32xf32, #tpu.memory_space<vmem>>
    %dma_start3A_3115 = arith.constant 0 : i32
    %dma_start3A_3116 = tpu.memref_slice %arg4[%add3A_3109, %dma_start3A_3115] : memref<458752x32xf32, #tpu.memory_space<hbm>> -> memref<1024x32xf32, #tpu.memory_space<hbm>>
    %dma_start3A_3117 = arith.constant 0 : i32
    %dma_start3A_3118 = tpu.memref_slice %arg4[%add3A_3109, %dma_start3A_3117] : memref<458752x32xf32, #tpu.memory_space<hbm>> -> memref<1024x32xf32, #tpu.memory_space<hbm>>
    %dma_start3A_3119 = arith.constant 0 : i32
    %dma_start3A_3120 = arith.constant 0 : i32
    %dma_start3A_3121 = tpu.memref_slice %arg7[%dma_start3A_3110, %dma_start3A_3119, %dma_start3A_3120] : memref<2x1024x32xf32, #tpu.memory_space<vmem>> -> memref<1x1024x32xf32, #tpu.memory_space<vmem>>
    %dma_start3A_3122 = tpu.memref_squeeze %dma_start3A_3121 : memref<1x1024x32xf32, #tpu.memory_space<vmem>> -> memref<1024x32xf32, #tpu.memory_space<vmem>>
    tpu.enqueue_dma source(%dma_start3A_3122 : memref<1024x32xf32, #tpu.memory_space<vmem>>) target(%dma_start3A_3118 : memref<1024x32xf32, #tpu.memory_space<hbm>>) target_semaphore(%arg9 : memref<!tpu.dma_semaphore, #tpu.memory_space<semaphore_mem>>)
    %dma_wait3A_3123 = arith.constant 0 : i32
    %dma_wait3A_3124 = arith.constant 0 : i32
    %dma_wait3A_3125 = arith.constant 0 : i32
    %dma_wait3A_3126 = tpu.memref_slice %arg7[%dma_wait3A_3123, %dma_wait3A_3124, %dma_wait3A_3125] : memref<2x1024x32xf32, #tpu.memory_space<vmem>> -> memref<1x1024x32xf32, #tpu.memory_space<vmem>>
    %dma_wait3A_3127 = tpu.memref_squeeze %dma_wait3A_3126 : memref<1x1024x32xf32, #tpu.memory_space<vmem>> -> memref<1024x32xf32, #tpu.memory_space<vmem>>
    %dma_wait3A_3128 = arith.constant 0 : i32
    %dma_wait3A_3129 = tpu.memref_slice %arg4[%add3A_2994, %dma_wait3A_3128] : memref<458752x32xf32, #tpu.memory_space<hbm>> -> memref<1024x32xf32, #tpu.memory_space<hbm>>
    %dma_wait3A_3130 = arith.constant 0 : i32
    %dma_wait3A_3131 = tpu.memref_slice %arg4[%add3A_2994, %dma_wait3A_3130] : memref<458752x32xf32, #tpu.memory_space<hbm>> -> memref<1024x32xf32, #tpu.memory_space<hbm>>
    %dma_wait3A_3132 = arith.constant 0 : i32
    %dma_wait3A_3133 = arith.constant 0 : i32
    %dma_wait3A_3134 = tpu.memref_slice %arg7[%dma_wait3A_3123, %dma_wait3A_3132, %dma_wait3A_3133] : memref<2x1024x32xf32, #tpu.memory_space<vmem>> -> memref<1x1024x32xf32, #tpu.memory_space<vmem>>
    %dma_wait3A_3135 = tpu.memref_squeeze %dma_wait3A_3134 : memref<1x1024x32xf32, #tpu.memory_space<vmem>> -> memref<1024x32xf32, #tpu.memory_space<vmem>>
    tpu.wait_dma2 semaphore(%arg9 : memref<!tpu.dma_semaphore, #tpu.memory_space<semaphore_mem>>) src(%dma_wait3A_3135 : memref<1024x32xf32, #tpu.memory_space<vmem>>) dst(%dma_wait3A_3131 : memref<1024x32xf32, #tpu.memory_space<hbm>>)
    %dma_wait3A_3136 = arith.constant 1 : i32
    %dma_wait3A_3137 = arith.constant 0 : i32
    %dma_wait3A_3138 = arith.constant 0 : i32
    %dma_wait3A_3139 = tpu.memref_slice %arg7[%dma_wait3A_3136, %dma_wait3A_3137, %dma_wait3A_3138] : memref<2x1024x32xf32, #tpu.memory_space<vmem>> -> memref<1x1024x32xf32, #tpu.memory_space<vmem>>
    %dma_wait3A_3140 = tpu.memref_squeeze %dma_wait3A_3139 : memref<1x1024x32xf32, #tpu.memory_space<vmem>> -> memref<1024x32xf32, #tpu.memory_space<vmem>>
    %dma_wait3A_3141 = arith.constant 0 : i32
    %dma_wait3A_3142 = tpu.memref_slice %arg4[%add3A_3109, %dma_wait3A_3141] : memref<458752x32xf32, #tpu.memory_space<hbm>> -> memref<1024x32xf32, #tpu.memory_space<hbm>>
    %dma_wait3A_3143 = arith.constant 0 : i32
    %dma_wait3A_3144 = tpu.memref_slice %arg4[%add3A_3109, %dma_wait3A_3143] : memref<458752x32xf32, #tpu.memory_space<hbm>> -> memref<1024x32xf32, #tpu.memory_space<hbm>>
    %dma_wait3A_3145 = arith.constant 0 : i32
    %dma_wait3A_3146 = arith.constant 0 : i32
    %dma_wait3A_3147 = tpu.memref_slice %arg7[%dma_wait3A_3136, %dma_wait3A_3145, %dma_wait3A_3146] : memref<2x1024x32xf32, #tpu.memory_space<vmem>> -> memref<1x1024x32xf32, #tpu.memory_space<vmem>>
    %dma_wait3A_3148 = tpu.memref_squeeze %dma_wait3A_3147 : memref<1x1024x32xf32, #tpu.memory_space<vmem>> -> memref<1024x32xf32, #tpu.memory_space<vmem>>
    tpu.wait_dma2 semaphore(%arg9 : memref<!tpu.dma_semaphore, #tpu.memory_space<semaphore_mem>>) src(%dma_wait3A_3148 : memref<1024x32xf32, #tpu.memory_space<vmem>>) dst(%dma_wait3A_3144 : memref<1024x32xf32, #tpu.memory_space<hbm>>)
    return
  }
}

module attributes {stable_mosaic.version = 14 : i64} {
  func.func @_mlp_body(%arg0: i32, %arg1: memref<16384x13xf32, #tpu.memory_space<vmem>>, %arg2: memref<7x128x8x128xf32, #tpu.memory_space<vmem>>, %arg3: memref<128x896xf32, #tpu.memory_space<vmem>>, %arg4: memref<128x13xf32, #tpu.memory_space<vmem>>, %arg5: memref<128xf32, #tpu.memory_space<vmem>>, %arg6: memref<13xf32, #tpu.memory_space<vmem>>, %arg7: memref<13xf32, #tpu.memory_space<vmem>>, %arg8: memref<1024x128xf32, #tpu.memory_space<vmem>>, %arg9: memref<2x13xf32, #tpu.memory_space<vmem>>) attributes {dimension_semantics = [#tpu.dimension_semantics<arbitrary>], iteration_bounds = array<i64: 16>, scalar_prefetch = 0 : i64, scratch_operands = 1 : i64, tpu.core_type = #tpu.core_type<tc>, window_params = [{pipeline_mode = #tpu.pipeline_mode<synchronous>, transform_indices = @transform_0, window_bounds = array<i64: 16384, 13>}, {transform_indices = @transform_1, window_bounds = array<i64: 7, 128, 8, 128>}, {pipeline_mode = #tpu.pipeline_mode<synchronous>, transform_indices = @transform_2, window_bounds = array<i64: 128, 896>}, {pipeline_mode = #tpu.pipeline_mode<synchronous>, transform_indices = @transform_3, window_bounds = array<i64: 128, 13>}, {pipeline_mode = #tpu.pipeline_mode<synchronous>, transform_indices = @transform_4, window_bounds = array<i64: 128>}, {pipeline_mode = #tpu.pipeline_mode<synchronous>, transform_indices = @transform_5, window_bounds = array<i64: 13>}, {pipeline_mode = #tpu.pipeline_mode<synchronous>, transform_indices = @transform_6, window_bounds = array<i64: 13>}, {transform_indices = @transform_7, window_bounds = array<i64: 1024, 128>}]} {
    %eq3A = arith.constant 0 : i32
    %eq3A_0 = arith.cmpi eq, %arg0, %eq3A : i32
    %convert_element_type3A = arith.extui %eq3A_0 : i1 to i32
    %cond3A = arith.constant 0 : i32
    %cond3A_1 = arith.cmpi ne, %convert_element_type3A, %cond3A : i32
    scf.if %cond3A_1 {
      %get3A_95 = arith.constant 0 : index
      %get3A_96 = arith.constant 0 : index
      %get3A_97 = vector.load %arg1[%get3A_95, %get3A_96] : memref<16384x13xf32, #tpu.memory_space<vmem>>, vector<16384x13xf32>
      %reduce_sum3A = arith.constant dense<0.000000e+00> : vector<13xf32>
      %reduce_sum3A_98 = vector.multi_reduction <add>, %get3A_97, %reduce_sum3A [0] : vector<16384x13xf32> to vector<13xf32>
      %div3A = arith.constant 1.638400e+04 : f32
      %div3A_99 = vector.broadcast %div3A : f32 to vector<13xf32>
      %div3A_100 = arith.divf %reduce_sum3A_98, %div3A_99 : vector<13xf32>
      %mul3A_101 = arith.mulf %get3A_97, %get3A_97 : vector<16384x13xf32>
      %reduce_sum3A_102 = arith.constant dense<0.000000e+00> : vector<13xf32>
      %reduce_sum3A_103 = vector.multi_reduction <add>, %mul3A_101, %reduce_sum3A_102 [0] : vector<16384x13xf32> to vector<13xf32>
      %div3A_104 = arith.constant 1.638400e+04 : f32
      %div3A_105 = vector.broadcast %div3A_104 : f32 to vector<13xf32>
      %div3A_106 = arith.divf %reduce_sum3A_103, %div3A_105 : vector<13xf32>
      %mul3A_107 = arith.mulf %div3A_100, %div3A_100 : vector<13xf32>
      %sub3A = arith.subf %div3A_106, %mul3A_107 : vector<13xf32>
      %get3A_108 = arith.constant 0 : index
      %get3A_109 = vector.load %arg6[%get3A_108] : memref<13xf32, #tpu.memory_space<vmem>>, vector<13xf32>
      %add3A_110 = arith.constant 9.99999974E-6 : f32
      %add3A_111 = vector.broadcast %add3A_110 : f32 to vector<13xf32>
      %add3A_112 = arith.addf %sub3A, %add3A_111 : vector<13xf32>
      %rsqrt3A = math.rsqrt %add3A_112 : vector<13xf32>
      %mul3A_113 = arith.mulf %get3A_109, %rsqrt3A : vector<13xf32>
      %swap3A_114 = arith.constant 0 : index
      %swap3A_115 = arith.constant 0 : index
      %swap3A_116 = vector.load %arg9[%swap3A_114, %swap3A_115] : memref<2x13xf32, #tpu.memory_space<vmem>>, vector<1x13xf32>
      %swap3A_117 = vector.shape_cast %swap3A_116 : vector<1x13xf32> to vector<13xf32>
      %swap3A_118 = vector.shape_cast %mul3A_113 : vector<13xf32> to vector<1x13xf32>
      tpu.vector_store %arg9[%swap3A_114, %swap3A_115], %swap3A_118 {strides = array<i32>} : memref<2x13xf32, #tpu.memory_space<vmem>>, vector<1x13xf32>,
      %get3A_119 = arith.constant 0 : index
      %get3A_120 = vector.load %arg7[%get3A_119] : memref<13xf32, #tpu.memory_space<vmem>>, vector<13xf32>
      %mul3A_121 = arith.mulf %div3A_100, %mul3A_113 : vector<13xf32>
      %sub3A_122 = arith.subf %get3A_120, %mul3A_121 : vector<13xf32>
      %swap3A_123 = arith.constant 1 : index
      %swap3A_124 = arith.constant 0 : index
      %swap3A_125 = vector.load %arg9[%swap3A_123, %swap3A_124] : memref<2x13xf32, #tpu.memory_space<vmem>>, vector<1x13xf32>
      %swap3A_126 = vector.shape_cast %swap3A_125 : vector<1x13xf32> to vector<13xf32>
      %swap3A_127 = vector.shape_cast %sub3A_122 : vector<13xf32> to vector<1x13xf32>
      tpu.vector_store %arg9[%swap3A_123, %swap3A_124], %swap3A_127 {strides = array<i32>} : memref<2x13xf32, #tpu.memory_space<vmem>>, vector<1x13xf32>,
    } else {
    }
    %get3A = arith.constant 0 : index
    %get3A_2 = arith.constant 0 : index
    %get3A_3 = vector.load %arg9[%get3A, %get3A_2] : memref<2x13xf32, #tpu.memory_space<vmem>>, vector<1x13xf32>
    %get3A_4 = vector.shape_cast %get3A_3 : vector<1x13xf32> to vector<13xf32>
    %get3A_5 = arith.constant 1 : index
    %get3A_6 = arith.constant 0 : index
    %get3A_7 = vector.load %arg9[%get3A_5, %get3A_6] : memref<2x13xf32, #tpu.memory_space<vmem>>, vector<1x13xf32>
    %get3A_8 = vector.shape_cast %get3A_7 : vector<1x13xf32> to vector<13xf32>
    %mul3A = arith.constant 1024 : i32
    %mul3A_9 = arith.muli %arg0, %mul3A : i32
    %get3A_10 = arith.index_cast %mul3A_9 : i32 to index
    %get3A_11 = arith.constant 0 : index
    %get3A_12 = vector.load %arg1[%get3A_10, %get3A_11] : memref<16384x13xf32, #tpu.memory_space<vmem>>, vector<1024x13xf32>
    %broadcast_in_dim3A = vector.shape_cast %get3A_4 : vector<13xf32> to vector<1x13xf32>
    %mul3A_13 = vector.broadcast %broadcast_in_dim3A : vector<1x13xf32> to vector<1024x13xf32>
    %mul3A_14 = arith.mulf %get3A_12, %mul3A_13 : vector<1024x13xf32>
    %broadcast_in_dim3A_15 = vector.shape_cast %get3A_8 : vector<13xf32> to vector<1x13xf32>
    %add3A = vector.broadcast %broadcast_in_dim3A_15 : vector<1x13xf32> to vector<1024x13xf32>
    %add3A_16 = arith.addf %mul3A_14, %add3A : vector<1024x13xf32>
    %get3A_17 = arith.constant 0 : index
    %get3A_18 = arith.constant 0 : index
    %get3A_19 = vector.load %arg4[%get3A_17, %get3A_18] : memref<128x13xf32, #tpu.memory_space<vmem>>, vector<128x13xf32>
    %dot_general3A = arith.constant dense<0.000000e+00> : vector<1024x128xf32>
    %dot_general3A_20 = tpu.matmul %add3A_16, %get3A_19, %dot_general3A {dimension_numbers = #tpu.dot_dimension_numbers<[1], [1], [0], [0], [0, 0, 1, 0], [], []>, transpose_lhs_hint = false} : vector<1024x13xf32>, vector<128x13xf32>, vector<1024x128xf32> -> vector<1024x128xf32>
    %get3A_21 = arith.constant 0 : index
    %get3A_22 = arith.constant 0 : index
    %get3A_23 = arith.constant 0 : index
    %get3A_24 = arith.constant 0 : index
    %get3A_25 = vector.load %arg2[%get3A_21, %get3A_22, %get3A_23, %get3A_24] : memref<7x128x8x128xf32, #tpu.memory_space<vmem>>, vector<7x128x8x128xf32>
    %slice3A = vector.extract_strided_slice %get3A_25 {offsets = [0, 0, 0, 0], sizes = [1, 128, 8, 128], strides = [1, 1, 1, 1]} : vector<7x128x8x128xf32> to vector<1x128x8x128xf32>
    %squeeze3A = vector.shape_cast %slice3A : vector<1x128x8x128xf32> to vector<128x8x128xf32>
    %reshape3A = vector.shape_cast %squeeze3A : vector<128x8x128xf32> to vector<1024x128xf32>
    %get3A_26 = arith.constant 0 : index
    %get3A_27 = arith.constant 0 : index
    %get3A_28 = vector.load %arg3[%get3A_26, %get3A_27] : memref<128x896xf32, #tpu.memory_space<vmem>>, vector<128x128xf32>
    %dot_general3A_29 = arith.constant dense<0.000000e+00> : vector<1024x128xf32>
    %dot_general3A_30 = tpu.matmul %reshape3A, %get3A_28, %dot_general3A_29 {dimension_numbers = #tpu.dot_dimension_numbers<[1], [1], [0], [0], [0, 0, 1, 0], [], []>, transpose_lhs_hint = false} : vector<1024x128xf32>, vector<128x128xf32>, vector<1024x128xf32> -> vector<1024x128xf32>
    %add3A_31 = arith.addf %dot_general3A_20, %dot_general3A_30 : vector<1024x128xf32>
    %slice3A_32 = vector.extract_strided_slice %get3A_25 {offsets = [1, 0, 0, 0], sizes = [1, 128, 8, 128], strides = [1, 1, 1, 1]} : vector<7x128x8x128xf32> to vector<1x128x8x128xf32>
    %squeeze3A_33 = vector.shape_cast %slice3A_32 : vector<1x128x8x128xf32> to vector<128x8x128xf32>
    %reshape3A_34 = vector.shape_cast %squeeze3A_33 : vector<128x8x128xf32> to vector<1024x128xf32>
    %get3A_35 = arith.constant 0 : index
    %get3A_36 = arith.constant 128 : index
    %get3A_37 = vector.load %arg3[%get3A_35, %get3A_36] : memref<128x896xf32, #tpu.memory_space<vmem>>, vector<128x128xf32>
    %dot_general3A_38 = arith.constant dense<0.000000e+00> : vector<1024x128xf32>
    %dot_general3A_39 = tpu.matmul %reshape3A_34, %get3A_37, %dot_general3A_38 {dimension_numbers = #tpu.dot_dimension_numbers<[1], [1], [0], [0], [0, 0, 1, 0], [], []>, transpose_lhs_hint = false} : vector<1024x128xf32>, vector<128x128xf32>, vector<1024x128xf32> -> vector<1024x128xf32>
    %add3A_40 = arith.addf %add3A_31, %dot_general3A_39 : vector<1024x128xf32>
    %slice3A_41 = vector.extract_strided_slice %get3A_25 {offsets = [2, 0, 0, 0], sizes = [1, 128, 8, 128], strides = [1, 1, 1, 1]} : vector<7x128x8x128xf32> to vector<1x128x8x128xf32>
    %squeeze3A_42 = vector.shape_cast %slice3A_41 : vector<1x128x8x128xf32> to vector<128x8x128xf32>
    %reshape3A_43 = vector.shape_cast %squeeze3A_42 : vector<128x8x128xf32> to vector<1024x128xf32>
    %get3A_44 = arith.constant 0 : index
    %get3A_45 = arith.constant 256 : index
    %get3A_46 = vector.load %arg3[%get3A_44, %get3A_45] : memref<128x896xf32, #tpu.memory_space<vmem>>, vector<128x128xf32>
    %dot_general3A_47 = arith.constant dense<0.000000e+00> : vector<1024x128xf32>
    %dot_general3A_48 = tpu.matmul %reshape3A_43, %get3A_46, %dot_general3A_47 {dimension_numbers = #tpu.dot_dimension_numbers<[1], [1], [0], [0], [0, 0, 1, 0], [], []>, transpose_lhs_hint = false} : vector<1024x128xf32>, vector<128x128xf32>, vector<1024x128xf32> -> vector<1024x128xf32>
    %add3A_49 = arith.addf %add3A_40, %dot_general3A_48 : vector<1024x128xf32>
    %slice3A_50 = vector.extract_strided_slice %get3A_25 {offsets = [3, 0, 0, 0], sizes = [1, 128, 8, 128], strides = [1, 1, 1, 1]} : vector<7x128x8x128xf32> to vector<1x128x8x128xf32>
    %squeeze3A_51 = vector.shape_cast %slice3A_50 : vector<1x128x8x128xf32> to vector<128x8x128xf32>
    %reshape3A_52 = vector.shape_cast %squeeze3A_51 : vector<128x8x128xf32> to vector<1024x128xf32>
    %get3A_53 = arith.constant 0 : index
    %get3A_54 = arith.constant 384 : index
    %get3A_55 = vector.load %arg3[%get3A_53, %get3A_54] : memref<128x896xf32, #tpu.memory_space<vmem>>, vector<128x128xf32>
    %dot_general3A_56 = arith.constant dense<0.000000e+00> : vector<1024x128xf32>
    %dot_general3A_57 = tpu.matmul %reshape3A_52, %get3A_55, %dot_general3A_56 {dimension_numbers = #tpu.dot_dimension_numbers<[1], [1], [0], [0], [0, 0, 1, 0], [], []>, transpose_lhs_hint = false} : vector<1024x128xf32>, vector<128x128xf32>, vector<1024x128xf32> -> vector<1024x128xf32>
    %add3A_58 = arith.addf %add3A_49, %dot_general3A_57 : vector<1024x128xf32>
    %slice3A_59 = vector.extract_strided_slice %get3A_25 {offsets = [4, 0, 0, 0], sizes = [1, 128, 8, 128], strides = [1, 1, 1, 1]} : vector<7x128x8x128xf32> to vector<1x128x8x128xf32>
    %squeeze3A_60 = vector.shape_cast %slice3A_59 : vector<1x128x8x128xf32> to vector<128x8x128xf32>
    %reshape3A_61 = vector.shape_cast %squeeze3A_60 : vector<128x8x128xf32> to vector<1024x128xf32>
    %get3A_62 = arith.constant 0 : index
    %get3A_63 = arith.constant 512 : index
    %get3A_64 = vector.load %arg3[%get3A_62, %get3A_63] : memref<128x896xf32, #tpu.memory_space<vmem>>, vector<128x128xf32>
    %dot_general3A_65 = arith.constant dense<0.000000e+00> : vector<1024x128xf32>
    %dot_general3A_66 = tpu.matmul %reshape3A_61, %get3A_64, %dot_general3A_65 {dimension_numbers = #tpu.dot_dimension_numbers<[1], [1], [0], [0], [0, 0, 1, 0], [], []>, transpose_lhs_hint = false} : vector<1024x128xf32>, vector<128x128xf32>, vector<1024x128xf32> -> vector<1024x128xf32>
    %add3A_67 = arith.addf %add3A_58, %dot_general3A_66 : vector<1024x128xf32>
    %slice3A_68 = vector.extract_strided_slice %get3A_25 {offsets = [5, 0, 0, 0], sizes = [1, 128, 8, 128], strides = [1, 1, 1, 1]} : vector<7x128x8x128xf32> to vector<1x128x8x128xf32>
    %squeeze3A_69 = vector.shape_cast %slice3A_68 : vector<1x128x8x128xf32> to vector<128x8x128xf32>
    %reshape3A_70 = vector.shape_cast %squeeze3A_69 : vector<128x8x128xf32> to vector<1024x128xf32>
    %get3A_71 = arith.constant 0 : index
    %get3A_72 = arith.constant 640 : index
    %get3A_73 = vector.load %arg3[%get3A_71, %get3A_72] : memref<128x896xf32, #tpu.memory_space<vmem>>, vector<128x128xf32>
    %dot_general3A_74 = arith.constant dense<0.000000e+00> : vector<1024x128xf32>
    %dot_general3A_75 = tpu.matmul %reshape3A_70, %get3A_73, %dot_general3A_74 {dimension_numbers = #tpu.dot_dimension_numbers<[1], [1], [0], [0], [0, 0, 1, 0], [], []>, transpose_lhs_hint = false} : vector<1024x128xf32>, vector<128x128xf32>, vector<1024x128xf32> -> vector<1024x128xf32>
    %add3A_76 = arith.addf %add3A_67, %dot_general3A_75 : vector<1024x128xf32>
    %slice3A_77 = vector.extract_strided_slice %get3A_25 {offsets = [6, 0, 0, 0], sizes = [1, 128, 8, 128], strides = [1, 1, 1, 1]} : vector<7x128x8x128xf32> to vector<1x128x8x128xf32>
    %squeeze3A_78 = vector.shape_cast %slice3A_77 : vector<1x128x8x128xf32> to vector<128x8x128xf32>
    %reshape3A_79 = vector.shape_cast %squeeze3A_78 : vector<128x8x128xf32> to vector<1024x128xf32>
    %get3A_80 = arith.constant 0 : index
    %get3A_81 = arith.constant 768 : index
    %get3A_82 = vector.load %arg3[%get3A_80, %get3A_81] : memref<128x896xf32, #tpu.memory_space<vmem>>, vector<128x128xf32>
    %dot_general3A_83 = arith.constant dense<0.000000e+00> : vector<1024x128xf32>
    %dot_general3A_84 = tpu.matmul %reshape3A_79, %get3A_82, %dot_general3A_83 {dimension_numbers = #tpu.dot_dimension_numbers<[1], [1], [0], [0], [0, 0, 1, 0], [], []>, transpose_lhs_hint = false} : vector<1024x128xf32>, vector<128x128xf32>, vector<1024x128xf32> -> vector<1024x128xf32>
    %add3A_85 = arith.addf %add3A_76, %dot_general3A_84 : vector<1024x128xf32>
    %get3A_86 = arith.constant 0 : index
    %get3A_87 = vector.load %arg5[%get3A_86] : memref<128xf32, #tpu.memory_space<vmem>>, vector<128xf32>
    %broadcast_in_dim3A_88 = vector.shape_cast %get3A_87 : vector<128xf32> to vector<1x128xf32>
    %add3A_89 = vector.broadcast %broadcast_in_dim3A_88 : vector<1x128xf32> to vector<1024x128xf32>
    %add3A_90 = arith.addf %add3A_85, %add3A_89 : vector<1024x128xf32>
    %max3A = arith.constant 0.000000e+00 : f32
    %max3A_91 = vector.broadcast %max3A : f32 to vector<1024x128xf32>
    %max3A_92 = arith.maximumf %add3A_90, %max3A_91 : vector<1024x128xf32>
    %swap3A = arith.constant 0 : index
    %swap3A_93 = arith.constant 0 : index
    %swap3A_94 = vector.load %arg8[%swap3A, %swap3A_93] : memref<1024x128xf32, #tpu.memory_space<vmem>>, vector<1024x128xf32>
    tpu.vector_store %arg8[%swap3A, %swap3A_93], %max3A_92 {strides = array<i32>} : memref<1024x128xf32, #tpu.memory_space<vmem>>, vector<1024x128xf32>,
    return
  }
  func.func @transform_0(%arg0: i32) -> (i32, i32) {
    %c0_i32 = arith.constant 0 : i32
    %c0_i32_0 = arith.constant 0 : i32
    %c0_i32_1 = arith.constant 0 : i32
    return %c0_i32, %c0_i32_0 : i32, i32
  }
  func.func @transform_1(%arg0: i32) -> (i32, i32, i32, i32) {
    %c0_i32 = arith.constant 0 : i32
    %c0_i32_0 = arith.constant 0 : i32
    %c0_i32_1 = arith.constant 0 : i32
    %c0_i32_2 = arith.constant 0 : i32
    return %c0_i32, %arg0, %c0_i32_0, %c0_i32_1 : i32, i32, i32, i32
  }
  func.func @transform_2(%arg0: i32) -> (i32, i32) {
    %c0_i32 = arith.constant 0 : i32
    %c0_i32_0 = arith.constant 0 : i32
    %c0_i32_1 = arith.constant 0 : i32
    return %c0_i32, %c0_i32_0 : i32, i32
  }
  func.func @transform_3(%arg0: i32) -> (i32, i32) {
    %c0_i32 = arith.constant 0 : i32
    %c0_i32_0 = arith.constant 0 : i32
    %c0_i32_1 = arith.constant 0 : i32
    return %c0_i32, %c0_i32_0 : i32, i32
  }
  func.func @transform_4(%arg0: i32) -> i32 {
    %c0_i32 = arith.constant 0 : i32
    %c0_i32_0 = arith.constant 0 : i32
    return %c0_i32 : i32
  }
  func.func @transform_5(%arg0: i32) -> i32 {
    %c0_i32 = arith.constant 0 : i32
    %c0_i32_0 = arith.constant 0 : i32
    return %c0_i32 : i32
  }
  func.func @transform_6(%arg0: i32) -> i32 {
    %c0_i32 = arith.constant 0 : i32
    %c0_i32_0 = arith.constant 0 : i32
    return %c0_i32 : i32
  }
  func.func @transform_7(%arg0: i32) -> (i32, i32) {
    %c0_i32 = arith.constant 0 : i32
    %c0_i32_0 = arith.constant 0 : i32
    return %arg0, %c0_i32 : i32, i32
  }
}

</mosaic_0001>

<sc_bundles>
// kernel: kernel.4.cloned.1.call-start
scs
__scs_entry_jumppad:
0x0: {  	(pc) =	sbr.rel $0x88, $3  }
0x1: {  	(tag) =	ssettag $0x0;
	lr =	simm.s32 $0x1  }
0x2: {  	[smem:$0x3F9A] =	sst lr;
	_ =	strace $0xD0000000  }
0x3: {  	_ = 	snop  }
0x4: {  	_ = 	snop  }
0x5: {  	_ = 	snop  }
0x6: {  	_ = 	snop  }
0x7: {  	_ = 	snop  }
__scs_overlays_trampoline_lowered:
0x8: {  	[smem:$0x3FA9] =	sst s0  }
0x9: {  	[smem:$0x3FAA] =	sst s1  }
0xa: {  	[smem:$0x3FAB] =	sst s2  }
0xb: {  	[smem:$0x3FAC] =	sst s3  }
0xc: {  	[smem:$0x3FAD] =	sst s4  }
0xd: {  	[smem:$0x3FAE] =	sst s5  }
0xe: {  	[smem:$0x3FAF] =	sst s6  }
0xf: {  	[smem:$0x3FB0] =	sst s7  }
0x10: {  	[smem:$0x3FB1] =	sst s8  }
0x11: {  	[smem:$0x3FB2] =	sst s9;
	s0 =	simm.s32 @!p0 $0x0  }
0x12: {  	s1 =	sld [smem:$0x3F98];
	s0 =	simm.s32 @p0 $0x1  }
0x13: {  	[smem:$0x3FB3] =	sst s0;
	s0 =	simm.s32 @!p1 $0x0  }
0x14: {  	s2 =	sld [smem:$0x3F97];
	s0 =	simm.s32 @p1 $0x1  }
0x15: {  	[smem:$0x3FB4] =	sst s0;
	s0 =	simm.s32 @!p2 $0x0  }
0x16: {  	s3 =	sld [smem:$0x3FDB];
	s0 =	simm.s32 @p2 $0x1  }
0x17: {  	s4 =	simm.s32 $0x1BF5;
	[smem:$0x3FB6] =	sst s0  }
0x18: {  	s0 =	sld [smem:$0x3F99];
	_ =	swait.ge [sflag:s4], $0x0  }
0x19: {  	s7 =	sld [smem:$0x3F9A]  }
0x1a: {  	s8 =	sadd.s32 $0xFFFFE003, lr  }
0x1b: {  	s9 =	sadd.s32 $0xFFFFFEF7, lr;
	s5 =	simm.s32 $0xFFFFFFFF;
	p2 =	slt.u32 s8, $0xFFFFF086  }
0x1c: {  	p1 =	slt.u32 s9, $0xF7A;
	s5 =	simm.s32 @!p2 $0x0  }
0x1d: {  	s5 =	simm.s32 @p1 $0x1;
	p0 =	seq.s32 s7, s2  }
0x1e: {  	s7 =	smul.u32 @!p0 $0xF7A, s2;
	p2 =	seq.s32 @!p0 s5, $0x0  }
0x1f: {  	s9 =	smul.u32 $0xF7A, s1;
	s8 =	simm.s32 @!p0 $0x1BF5;
	p2 =	por !p2, p0  }
0x20: {  	[sflag:s8] =	ssyncset.s32 @!p0 $0xFFFFF086;
	s6 =	sadd.s32 @!p0 s3, s7;
	s7 =	simm.s32 @!p0 $0x108  }
0x21: {  	s3 =	sadd.s32 s3, s9;
	s6 =	sadd.s32 @!p0 $0x88, s6;
	s7 =	simm.s32 @p2 $0x1082  }
0x22: {  	[simem:s7], [sflag:s8] =	dma.local @!p0 [hbm:s6], $0xF7A  }
0x23: {  	s9 =	sor.u32 $0xD0000000, s2;
	s6 =	simm.s32 $0x108;
	_ =	swait.ge @!p0 [sflag:s8], $0x0  }
0x24: {  	s3 =	sadd.s32 $0x88, s3;
	s6 =	simm.s32 @!p1 $0x1082;
	[sflag:s4] =	ssyncset.s32 $0xFFFFF086  }
0x25: {  	[simem:s6], [sflag:s4] =	dma.local [hbm:s3], $0xF7A  }
0x26: {  	[smem:$0x3F9A] =	sst s1;
	(tag) =	ssettag s2;
	_ =	strace s9  }
0x27: {  	s1 =	sld [smem:$0x3FAA]  }
0x28: {  	s2 =	sld [smem:$0x3FAB]  }
0x29: {  	s4 =	sld [smem:$0x3FAD]  }
0x2a: {  	p0 =	seq.s32 s5, $0x0;
	s5 =	sld [smem:$0x3FAE]  }
0x2b: {  	s6 =	sld [smem:$0x3FAF]  }
0x2c: {  	s7 =	sld [smem:$0x3FB0]  }
0x2d: {  	s3 =	simm.s32 $0x108;
	s8 =	sld [smem:$0x3FB1]  }
0x2e: {  	s3 =	simm.s32 @!p0 $0x1082;
	s9 =	sld [smem:$0x3FB2]  }
0x2f: {  	lr =	sadd.s32 s0, s3;
	s0 =	sld [smem:$0x3FA9]  }
0x30: {  	s3 =	sld [smem:$0x3FAC]  }
0x31: {  	[smem:$0x3FB5] =	sst s10  }
0x32: {  	s10 =	sld [smem:$0x3FB3];
	_ =	sdelay $0x3  }
0x33: {  	p0 =	seq.s32 s10, $0x1;
	s10 =	sld [smem:$0x3FB5];
	_ =	sdelay $0x3  }
0x34: {  	[smem:$0x3FB5] =	sst s10  }
0x35: {  	s10 =	sld [smem:$0x3FB4];
	_ =	sdelay $0x3  }
0x36: {  	p1 =	seq.s32 s10, $0x1;
	s10 =	sld [smem:$0x3FB5];
	_ =	sdelay $0x3  }
0x37: {  	[smem:$0x3FB5] =	sst s10  }
0x38: {  	s10 =	sld [smem:$0x3FB6]  }
0x39: {  	_ = 	snop;
	(pc) =	sbr.ind lr, $3  }
0x3a: {  	_ = 	snop  }
0x3b: {  	_ = 	snop  }
0x3c: {  	p2 =	seq.s32 s10, $0x1;
	s10 =	sld [smem:$0x3FB5]  }
0x3d: {  	_ =	shalt  }
0x3e: {  	_ =	shalt  }
0x3f: {  	_ =	shalt  }
0x40: {  	_ =	shalt  }
0x41: {  	_ =	shalt  }
0x42: {  	_ =	shalt  }
0x43: {  	_ =	shalt  }
0x44: {  	_ =	shalt  }
0x45: {  	_ =	shalt  }
0x46: {  	_ =	shalt  }
0x47: {  	_ =	shalt  }
0x48: {  	_ =	shalt  }
0x49: {  	_ =	shalt  }
0x4a: {  	_ =	shalt  }
0x4b: {  	_ =	shalt  }
0x4c: {  	_ =	shalt  }
0x4d: {  	_ =	shalt  }
0x4e: {  	_ =	shalt  }
0x4f: {  	_ =	shalt  }
0x50: {  	_ =	shalt  }
0x51: {  	_ =	shalt  }
0x52: {  	_ =	shalt  }
0x53: {  	_ =	shalt  }
0x54: {  	_ =	shalt  }
0x55: {  	_ =	shalt  }
0x56: {  	_ =	shalt  }
0x57: {  	_ =	shalt  }
0x58: {  	_ =	shalt  }
0x59: {  	_ =	shalt  }
0x5a: {  	_ =	shalt  }
0x5b: {  	_ =	shalt  }
0x5c: {  	_ =	shalt  }
0x5d: {  	_ =	shalt  }
0x5e: {  	_ =	shalt  }
0x5f: {  	_ =	shalt  }
0x60: {  	_ =	shalt  }
0x61: {  	_ =	shalt  }
0x62: {  	_ =	shalt  }
0x63: {  	_ =	shalt  }
0x64: {  	_ =	shalt  }
0x65: {  	_ =	shalt  }
0x66: {  	_ =	shalt  }
0x67: {  	_ =	shalt  }
0x68: {  	_ =	shalt  }
0x69: {  	_ =	shalt  }
0x6a: {  	_ =	shalt  }
0x6b: {  	_ =	shalt  }
0x6c: {  	_ =	shalt  }
0x6d: {  	_ =	shalt  }
0x6e: {  	_ =	shalt  }
0x6f: {  	_ =	shalt  }
0x70: {  	_ =	shalt  }
0x71: {  	_ =	shalt  }
0x72: {  	_ =	shalt  }
0x73: {  	_ =	shalt  }
0x74: {  	_ =	shalt  }
0x75: {  	_ =	shalt  }
0x76: {  	_ =	shalt  }
0x77: {  	_ =	shalt  }
0x78: {  	_ =	shalt  }
0x79: {  	_ =	shalt  }
0x7a: {  	_ =	shalt  }
0x7b: {  	_ =	shalt  }
0x7c: {  	_ =	shalt  }
0x7d: {  	_ =	shalt  }
0x7e: {  	_ =	shalt  }
0x7f: {  	_ =	shalt  }
0x80: {  	_ =	shalt  }
0x81: {  	_ =	shalt  }
0x82: {  	_ =	shalt  }
0x83: {  	_ =	shalt  }
0x84: {  	_ =	shalt  }
0x85: {  	_ =	shalt  }
0x86: {  	_ =	shalt  }
0x87: {  	_ =	shalt  }
.Lfunc_end0:
.L_simem_size_0:
called_computation_lowered:
.L_overlay_start_0:
0x88: {  	s2 =	sld [smem:$0x3FD9]  }
0x89: {  	s3 =	sld [smem:$0x3FFE];
	_ =	sdelay $0x1  }
0x8a: {  	s1 =	srdreg.scid  }
0x8b: {  	s0 =	sand.u32 $0x1, s1  }
0x8c: {  	s17 =	sshll.u32 s0, $0xA;
	s2 =	sadd.s32 s3, s2  }
0x8d: {  	s2 =	sadd.s32 s2, s17  }
0x8e: {  	[smem:$0x3FC1] =	sst s2  }
0x8f: {  	_ = 	snop  }
0x90: {  	s2 =	sld [smem:$0x3FD0];
	(tm) =	ssettm $0x1  }
0x91: {  	s18 =	sld [smem:$0x3FFB];
	_ =	sdelay $0x3  }
0x92: {  	_ =	strace s18  }
0x93: {  	s3 =	sld [smem:$0x3FFC];
	_ =	sdelay $0x3  }
0x94: {  	_ =	strace s3  }
0x95: {  	s3 =	sld [smem:$0x3FFD];
	_ =	sdelay $0x3  }
0x96: {  	_ =	strace s3  }
0x97: {  	_ =	strace $0x8FFFFFFF  }
0x98: {  	s19 =	sld [smem:$0x3FDB];
	_ =	sdelay $0x1  }
0x99: {  	s4 =	simm.s32 $_scs_section_size  }
0x9a: {  	s5 =	simm.s32 $_size__tile_overlayer_lowered;
	s6 =	simm.s32 $_tile_overlayer_lowered  }
0x9b: {  	s22 =	simm.s32 $0x1BFF;
	s21 =	sshll.u32 s6, $0x1;
	s3 =	sadd.s32 s4, s19  }
0x9c: {  	s7 =	simm.s32 $0x0;
	s20 =	sshll.u32 s5, $0x1;
	s5 =	sadd.s32 s21, s3  }
0x9d: {  	[timem:s7], [sflag:s22] =	dma.local [hbm:s5], s20  }
0x9e: {  	_ =	swait.ge [sflag:s22], s20  }
0x9f: {  	s4 =	ssub.s32 $0x0, s20;
	[sflag:s22] =	ssyncset.done $0x0  }
0xa0: {  	[sflag:s22] =	ssyncadd.s32 s4;
	_ =	sdelay $0x1  }
0xa1: {  	s23 =	simm.s32 $0x1B8B  }
0xa2: {  	_ =	swait.ge [sflag:s23], $0x1  }
0xa3: {  	[sflag:s23] =	ssyncset.done $0x0  }
0xa4: {  	s25 =	simm.s32 $0x1B8E;
	s24 =	sld [smem:$0x3FFE];
	[sflag:s23] =	ssyncadd.s32 $0xFFFFFFFF  }
0xa5: {  	s26 =	simm.s32 $execute0_lowered;
	[smem:$0x3FD2] =	sst s25  }
0xa6: {  	s5 =	sshll.u32 s26, $0x1;
	_ =	strace $0x80000046;
	[dreg:$0x1] =	wrdreg $0xFFFFFFFF  }
0xa7: {  	s28 =	simm.s32 $_size_execute0_lowered;
	s3 =	sadd.s32 s3, s5;
	[dreg:$0x0] =	wrdreg $0x0  }
0xa8: {  	s5 =	sshll.u32 s28, $0x1;
	[dreg:$0x2] =	wrdreg s3  }
0xa9: {  	[dreg:$0x3] =	wrdreg s5  }
0xaa: {  	[dreg:$0x4] =	wrdreg $0xC0  }
0xab: {  	_ =	task [dreg:s7], $0x5FFFF  }
0xac: {  	[dreg:$0x1] =	wrdreg $0xFFFFFFFF  }
0xad: {  	[dreg:$0x0] =	wrdreg $0x60  }
0xae: {  	[dreg:$0x2] =	wrdreg s2  }
0xaf: {  	[dreg:$0x3] =	wrdreg s24  }
0xb0: {  	[dreg:$0x4] =	wrdreg $0x9  }
0xb1: {  	_ =	task.clear_ibuf [dreg:s7], $0x5FFFF;
	_ =	strace $0x90000046  }
0xb2: {  	s29 =	simm.s32 $0x9;
	_ =	strace $0x80000048  }
0xb3: {  	_ =	swait.ge [sflag:s29], $0x1  }
0xb4: {  	[sflag:s29] =	ssyncadd.s32 $0xFFFFFFFF  }
0xb5: {  	_ =	strace $0x90000048  }
0xb6: {  	_ =	sfence  }
0xb7: {  	s30 =	sld [smem:$0x0];
	_ =	sdelay $0x2  }
0xb8: {  	s31 =	sshll.u32 s1, $0xD;
	s1 =	sshrl.u32 s1, $0x2  }
0xb9: {  	s3 =	sand.u32 $0x4000, s31;
	s1 =	sadd.s32 s1, s30  }
0xba: {  	s0 =	sor.u32 s3, s0;
	s1 =	sshll.u32 s1, $0x11  }
0xbb: {  	s0 =	sor.u32 s1, s0  }
0xbc: {  	s0 =	sadd.s32 $0x8F2B, s0  }
0xbd: {  	[sflag:s0] =	ssyncadd.remote.s32 $0x1  }
0xbe: {  	_ =	sfence.sel $0xFFFF  }
0xbf: {  	[dreg:$0x0] =	wrdreg $0xFFFFFFFF;
	(pc) =	sbr.abs _section_cstart, $3  }
0xc0: {  	[dreg:$0x1] =	wrdreg $0xFFFFFFFF  }
0xc1: {  	_ =	task.clear_ibuf [dreg:s7], $0x2FFFF;
	_ =	strace $0x9FFFFFFF  }
0xc2: {  	(tm) =	ssettm $0x7FFFFFFF  }
0xc3: {  	_ =	shalt  }
tec
execute0_lowered:
.L_overlay_start_1:
0x0: {  	(tag) =	ssettag $0x1  }
0x1: {  	s1 =	srdreg.scid;
	s10 =	stileid.u32  }
0x2: {  	s0 =	rddreg [dreg:$0x0];
	s1 =	sand.u32 $0x1, s1;
	s3 =	sshll.u32 s10, $0x1  }
0x3: {  	s4 =	rddreg [dreg:$0x1];
	s2 =	simm.s32 $0x0;
	s5 =	sor.u32 s1, s3  }
0x4: {  	s29 =	simm.s32 $0x8C00;
	s7 =	ssub.s32 $0x2, s1;
	s8 =	sshll.u32 s5, $0xD  }
0x5: {  	s3 =	sadd.s32 $0x27ADA00, s4;
	s9 =	sshrl.u32 s7, $0x1;
	s4 =	sadd.s32 s8, s4  }
0x6: {  	[smem:$0x7FF] =	sst s2;
	s7 =	ssub.s32 s7, s9;
	s9 =	sadd.s32 $0x41600, s4  }
0x7: {  	_ =	strace $0x80000047;
	s11 =	sadd.s32 $0x42600, s4;
	[dreg:$0x4] =	wrdreg s9  }
0x8: {  	s31 =	simm.s32 $0x9C00;
	s12 =	sadd.s32 $0x81600, s4;
	[dreg:$0x5] =	wrdreg s11  }
0x9: {  	s28 =	simm.s32 $0xBC00;
	s15 =	sadd.s32 $0x82600, s4;
	[dreg:$0x6] =	wrdreg s12  }
0xa: {  	s30 =	simm.s32 $0xDC00;
	s16 =	sadd.s32 $0x1600, s4;
	[dreg:$0x7] =	wrdreg s15  }
0xb: {  	s21 =	smul.u32 $0x6800, s10;
	s17 =	sadd.s32 $0x101600, s4;
	[dreg:$0x8] =	wrdreg s16  }
0xc: {  	s10 =	simm.s32 $0x15C00;
	s18 =	sadd.s32 $0x102600, s4;
	[dreg:$0x9] =	wrdreg s17  }
0xd: {  	s1 =	smul.u32 $0x3400, s1;
	s19 =	sadd.s32 $0xC1600, s4;
	[dreg:$0xa] =	wrdreg s18  }
0xe: {  	s6 =	smul.u32 $0x3400, s5;
	s20 =	sadd.s32 $0x141600, s4;
	[dreg:$0xb] =	wrdreg s19  }
0xf: {  	s13 =	smul.u32 $0x3F, s5;
	s22 =	sadd.s32 $0xC2600, s4;
	[dreg:$0xc] =	wrdreg s20  }
0x10: {  	s14 =	sshll.u32 s5, $0x6;
	s23 =	sadd.s32 $0x142600, s4;
	[dreg:$0xd] =	wrdreg s22  }
0x11: {  	s5 =	simm.s32 $0x10C00;
	s24 =	sadd.s32 $0x2600, s4;
	[dreg:$0xe] =	wrdreg s23  }
0x12: {  	s8 =	simm.s32 $0x13C00;
	s25 =	sadd.s32 $0x181600, s4;
	[dreg:$0xf] =	wrdreg s24  }
0x13: {  	s6 =	sshrl.u32 s6, $0x3;
	s4 =	sadd.s32 $0x182600, s4;
	[dreg:$0x10] =	wrdreg s25  }
0x14: {  	s26 =	smax.u32 s7, $0x1;
	s7 =	simm.s32 $0x12C00;
	[dreg:$0x11] =	wrdreg s4  }
0x15: {  	v1 =	vmov s13;
	s13 =	simm.s32 $0x0;
	s0 =	sadd.s32 s0, s6;
	[dreg:$0x12] =	wrdreg s26  }
0x16: {  	s20 =	sadd.s32 s1, s21;
	s21 =	simm.s32 $0x3;
	s22 =	simm.s32 $0x3400  }
0x17: {  	s23 =	simm.s32 $0x80;
	s24 =	simm.s32 $0x6C00;
	s26 =	simm.s32 $0x7C00  }
0x18: {  	s1 =	simm.s32 $0xCC00;
	s25 =	simm.s32 $0xEC00;
	s4 =	simm.s32 $0xFC00  }
0x19: {  	v0 =	vlaneseq.u32;
	s6 =	simm.s32 $0x11C00;
	s9 =	simm.s32 $0x14C00;
	s11 =	simm.s32 $0x1  }
0x1a: {  	v3 =	vmul.u32 $0xB5, v0;
	v2 =	vmov s14;
	s12 =	simm.s32 $0x2;
	[dreg:$0x3] =	wrdreg s0;
	s0 =	simm.s32 $0xAC00  }
.LBB2_1:
0x1b: {  	s14 =	simm.s32 $0x70;
	s15 =	simm.s32 $0x0;
	s19 =	simm.s32 $0x10  }
0x1c: {  	s17 =	simm.s32 $0x20;
	s16 =	simm.s32 $0x60;
	s18 =	simm.s32 $0x30;
	v4 =	vmov s14;
	v5 =	vmov s15;
	v6 =	vmov s19  }
0x1d: {  	v7 =	vmov s17;
	s19 =	simm.s32 $0x40;
	v8 =	vmov s16;
	v9 =	vmov s18  }
0x1e: {  	s17 =	simm.s32 $0x50;
	v4 =	vmul.u32 $0xB5, v4;
	v10 =	vmov s19;
	v8 =	vmul.u32 $0xB5, v8  }
0x1f: {  	s18 =	rddreg [dreg:$0x3];
	v5 =	vmul.u32 $0xB5, v5;
	v6 =	vmul.u32 $0xB5, v6;
	v11 =	vmov s17  }
0x20: {  	[tilespmem:s2], [sflag:$0x3] =	stream.linear.gather [hbm4b:s18+s2], $0x3400, $0x38;
	v7 =	vmul.u32 $0xB5, v7;
	v9 =	vmul.u32 $0xB5, v9;
	v8 =	vadd.s32 v1, v8;
	[tilespmem:$0x16C00] =	vst v63  }
0x21: {  	_ =	swait.ge [sflag:s21], $0x3400;
	v10 =	vmul.u32 $0xB5, v10;
	v5 =	vadd.s32 v1, v5;
	v8 =	vbroadcast v8, $0x0  }
0x22: {  	v11 =	vmul.u32 $0xB5, v11;
	[sflag:s21] =	ssyncset.done $0x0;
	v6 =	vadd.s32 v1, v6;
	v5 =	vbroadcast v5, $0x0  }
0x23: {  	s14 =	simm.s32 $0x3440;
	v7 =	vadd.s32 v1, v7;
	[sflag:s21] =	ssyncadd.s32 $0xFFFFCC00;
	v6 =	vbroadcast v6, $0x0;
	v8 =	vadd.s32 v3, v8  }
0x24: {  	v9 =	vadd.s32 v1, v9;
	v7 =	vbroadcast v7, $0x0;
	v5 =	vadd.s32 v3, v5;
	[tilespmem:s14+$0x20] =	vst v8  }
0x25: {  	[tilespmem:s14+$0xFFFFFFC0] =	vst v5;
	v5 =	vadd.s32 v3, v6;
	v6 =	vbroadcast v9, $0x0;
	v8 =	vadd.s32 v1, v10  }
0x26: {  	[tilespmem:s14+$0xFFFFFFD0] =	vst v5;
	v5 =	vadd.s32 v3, v7;
	v7 =	vbroadcast v8, $0x0;
	v8 =	vadd.s32 v1, v11  }
0x27: {  	v4 =	vadd.s32 v1, v4;
	[tilespmem:s14+$0xFFFFFFE0] =	vst v5;
	v5 =	vadd.s32 v3, v6;
	v6 =	vbroadcast v8, $0x0  }
0x28: {  	s15 =	simm.s32 $0xF0;
	[tilespmem:s14+$0xFFFFFFF0] =	vst v5;
	v5 =	vadd.s32 v3, v7;
	v7 =	vbroadcast v4, $0x0  }
0x29: {  	s16 =	simm.s32 $0x170;
	s19 =	simm.s32 $0x80;
	v4 =	vmov s15;
	[tilespmem:s14+$0x0] =	vst v5;
	v5 =	vadd.s32 v3, v6  }
0x2a: {  	s17 =	simm.s32 $0x90;
	s18 =	simm.s32 $0xE0;
	v6 =	vmov s19;
	s19 =	simm.s32 $0xA0;
	v4 =	vmul.u32 $0xB5, v4;
	[tilespmem:s14+$0x10] =	vst v5;
	v5 =	vadd.s32 v3, v7  }
.LBB2_2:
0x2b: {  	p0 =	sne.s32 s16, $0x37F0;
	v7 =	vmov s17;
	v8 =	vmov s19;
	s17 =	sadd.s32 $0xFFFFFFC0, s15;
	s19 =	sadd.s32 $0xFFFFFFD0, s15;
	v9 =	vmov s18;
	[tilespmem:s14+$0x30] =	vst v5  }
0x2c: {  	v5 =	vmov s17;
	v10 =	vmov s19;
	s17 =	sadd.s32 $0xFFFFFFE0, s15;
	v9 =	vmul.u32 $0xB5, v9;
	s15 =	smov.u32 s16  }
0x2d: {  	v6 =	vmul.u32 $0xB5, v6;
	v7 =	vmul.u32 $0xB5, v7;
	v11 =	vmov s17  }
0x2e: {  	v8 =	vmul.u32 $0xB5, v8;
	v5 =	vmul.u32 $0xB5, v5;
	v9 =	vadd.s32 v1, v9  }
0x2f: {  	v6 =	vadd.s32 v1, v6;
	v10 =	vmul.u32 $0xB5, v10;
	v9 =	vbroadcast v9, $0x0  }
0x30: {  	v6 =	vbroadcast v6, $0x0;
	v7 =	vadd.s32 v1, v7;
	v11 =	vmul.u32 $0xB5, v11  }
0x31: {  	s14 =	sadd.s32 $0x80, s14;
	v8 =	vadd.s32 v1, v8;
	v7 =	vbroadcast v7, $0x0;
	v9 =	vadd.s32 v3, v9  }
0x32: {  	v8 =	vbroadcast v8, $0x0;
	v5 =	vadd.s32 v1, v5;
	v6 =	vadd.s32 v3, v6;
	[tilespmem:s14+$0x20] =	vst v9  }
0x33: {  	v5 =	vbroadcast v5, $0x0;
	[tilespmem:s14+$0xFFFFFFC0] =	vst v6;
	v6 =	vadd.s32 v3, v7;
	v7 =	vadd.s32 v1, v10  }
.Ltmp0:
0x34: {  	[tilespmem:s14+$0xFFFFFFD0] =	vst v6;
	v6 =	vadd.s32 v3, v8;
	v7 =	vbroadcast v7, $0x0;
	v8 =	vadd.s32 v1, v11;
	(pc) =	sbr.rel @p0 .LBB2_2-.Ltmp0, $4  }
0x35: {  	v4 =	vadd.s32 v1, v4;
	v5 =	vadd.s32 v3, v5;
	[tilespmem:s14+$0xFFFFFFE0] =	vst v6;
	v6 =	vbroadcast v8, $0x0  }
0x36: {  	[tilespmem:s14+$0xFFFFFFF0] =	vst v5;
	v5 =	vadd.s32 v3, v7;
	v7 =	vbroadcast v4, $0x0  }
0x37: {  	s18 =	sadd.s32 $0xFFFFFF90, s16;
	s17 =	sadd.s32 $0xFFFFFFA0, s16;
	v4 =	vmov s16;
	[tilespmem:s14+$0x0] =	vst v5;
	v5 =	vadd.s32 v3, v6  }
0x38: {  	s19 =	sadd.s32 $0xFFFFFFB0, s15;
	s16 =	sadd.s32 $0x80, s16;
	v6 =	vmov s18;
	s18 =	sadd.s32 $0xFFFFFFF0, s15;
	v4 =	vmul.u32 $0xB5, v4;
	[tilespmem:s14+$0x10] =	vst v5;
	v5 =	vadd.s32 v3, v7  }
0x39: {  	v7 =	vmov s17  }
0x3a: {  	v8 =	vmov s19;
	s16 =	sadd.s32 $0xFFFFFFC0, s15;
	s19 =	sadd.s32 $0xFFFFFFD0, s15;
	v9 =	vmov s18;
	v6 =	vmul.u32 $0xB5, v6  }
0x3b: {  	v10 =	vmov s16;
	v11 =	vmov s19;
	v9 =	vmul.u32 $0xB5, v9  }
0x3c: {  	s16 =	sadd.s32 $0xFFFFFFE0, s15;
	v7 =	vmul.u32 $0xB5, v7;
	v8 =	vmul.u32 $0xB5, v8;
	v4 =	vadd.s32 v1, v4  }
0x3d: {  	s15 =	sadd.s32 $0x0, s20;
	v12 =	vmov s16;
	v10 =	vmul.u32 $0xB5, v10;
	v6 =	vadd.s32 v1, v6  }
0x3e: {  	v11 =	vmul.u32 $0xB5, v11;
	v13 =	vor.u32 s15, v0;
	v4 =	vbroadcast v4, $0x0  }
0x3f: {  	v9 =	vadd.s32 v1, v9;
	v6 =	vbroadcast v6, $0x0;
	v7 =	vadd.s32 v1, v7  }
0x40: {  	s17 =	sadd.s32 $0x10, s15;
	s18 =	sadd.s32 $0x20, s15;
	v12 =	vmul.u32 $0xB5, v12;
	v8 =	vadd.s32 v1, v8;
	v14 =	vmulhi.u32 $0x4EC4EC4F, v13  }
0x41: {  	s19 =	sadd.s32 $0x30, s15;
	v15 =	vor.u32 s17, v0;
	v17 =	vor.u32 s18, v0;
	v9 =	vbroadcast v9, $0x0  }
0x42: {  	v18 =	vor.u32 s19, v0;
	v7 =	vbroadcast v7, $0x0;
	v8 =	vbroadcast v8, $0x0  }
0x43: {  	s18 =	sadd.s32 $0x40, s15;
	s19 =	sadd.s32 $0x50, s15;
	v10 =	vadd.s32 v1, v10;
	v11 =	vadd.s32 v1, v11;
	v4 =	vadd.s32 v3, v4  }
0x44: {  	v16 =	vmulhi.u32 $0x4EC4EC4F, v15;
	v19 =	vor.u32 s18, v0;
	v20 =	vor.u32 s19, v0  }
0x45: {  	v23 =	vmulhi.u32 $0x4EC4EC4F, v17;
	v6 =	vadd.s32 v3, v6;
	v10 =	vbroadcast v10, $0x0  }
0x46: {  	v11 =	vbroadcast v11, $0x0;
	v12 =	vadd.s32 v1, v12;
	v14 =	vshrl.u32 v14, $0x3  }
0x47: {  	v21 =	vmulhi.u32 $0x4EC4EC4F, v20;
	v9 =	vadd.s32 v3, v9;
	v7 =	vadd.s32 v3, v7  }
0x48: {  	v8 =	vadd.s32 v3, v8;
	v12 =	vbroadcast v12, $0x0;
	v14 =	vmul.u32 $0x1A, v14  }
0x49: {  	s18 =	sadd.s32 $0x80, s14;
	v16 =	vshrl.u32 v16, $0x3;
	v10 =	vadd.s32 v3, v10;
	v11 =	vadd.s32 v3, v11  }
0x4a: {  	v16 =	vmul.u32 $0x1A, v16;
	[tilespmem:s18+$0xFFFFFFE0] =	vst v8;
	v8 =	vshrl.u32 v23, $0x3;
	v12 =	vadd.s32 v3, v12  }
0x4b: {  	v22 =	vshrl.u32 v14, $0x1;
	v13 =	vsub.s32 v13, v14;
	v8 =	vmul.u32 $0x1A, v8  }
0x4c: {  	[tilespmem:s18+$0xFFFFFFF0] =	vst v10;
	v10 =	vmulhi.u32 $0x4EC4EC4F, v19;
	v14 =	vmul.u32 $0x4EC4EC5, v22;
	v22 =	vmul.u32 $0x14, v22  }
0x4d: {  	v24 =	vand.u32 $0x3, v13;
	v15 =	vsub.s32 v15, v16;
	v16 =	vshrl.u32 v16, $0x1  }
0x4e: {  	[tilespmem:s14+$0x30] =	vst v5;
	v25 =	vshll.u32 v13, $0x9;
	v13 =	vmul.u32 $0x186A0, v13;
	v55 =	vmul.u32 $0x4EC4EC5, v16  }
0x4f: {  	s19 =	sadd.s32 $0x60, s15;
	[tilespmem:s18+$0x20] =	vst v9;
	v25 =	vand.u32 $0x3800, v25;
	v9 =	vshll.u32 v15, $0x9;
	v16 =	vmul.u32 $0x14, v16  }
0x50: {  	[tilespmem:s18+$0x0] =	vst v11;
	v11 =	vsub.s32 v17, v8;
	v8 =	vshrl.u32 v8, $0x1;
	v17 =	vor.u32 s19, v0  }
0x51: {  	[tilespmem:s18+$0x30] =	vst v4;
	v14 =	vshrl.u32 v14, $0x3;
	v22 =	vand.u32 $0x1C, v22;
	v9 =	vand.u32 $0x3800, v9  }
0x52: {  	[tilespmem:s18+$0x10] =	vst v12;
	v4 =	vmul.u32 $0x4EC4EC5, v8;
	v12 =	vshll.u32 v11, $0x9;
	v14 =	vsub.s32 v14, v2  }
0x53: {  	v8 =	vmul.u32 $0x14, v8;
	v59 =	vmulhi.u32 $0x4EC4EC4F, v17;
	v14 =	vshll.u32 v14, $0x5  }
0x54: {  	v22 =	vor.u32 v24, v22;
	v25 =	vadd.s32 v25, v14;
	v14 =	vand.u32 $0x60, v14  }
0x55: {  	[tilespmem:s18+$0xFFFFFFD0] =	vst v7;
	v56 =	vshrl.u32 v55, $0x3;
	v7 =	vand.u32 $0x1C, v16;
	v5 =	vor.u32 v14, v22  }
0x56: {  	[tilespmem:s18+$0xFFFFFFC0] =	vst v6;
	v14 =	vand.u32 $0x3, v15;
	v22 =	vsub.s32 v56, v2;
	v6 =	vand.u32 $0xFFFFFF80, v25  }
0x57: {  	v22 =	vshll.u32 v22, $0x5;
	v5 =	vor.u32 v6, v5;
	v6 =	vmulhi.u32 $0x4EC4EC4F, v18  }
0x58: {  	v7 =	vor.u32 v14, v7;
	v9 =	vadd.s32 v9, v22;
	v16 =	vand.u32 $0x60, v22  }
0x59: {  	s14 =	simm.s32 $0x40;
	v9 =	vand.u32 $0xFFFFFF80, v9;
	v7 =	vor.u32 v16, v7;
	v6 =	vshrl.u32 v6, $0x3  }
0x5a: {  	v6 =	vmul.u32 $0x1A, v6;
	v7 =	vor.u32 v9, v7;
	v9 =	vshrl.u32 v10, $0x3;
	v10 =	vld [tilespmem:s14+$0xFFFFFFC0]  }
0x5b: {  	v12 =	vand.u32 $0x3800, v12;
	v4 =	vshrl.u32 v4, $0x3;
	v8 =	vand.u32 $0x1C, v8  }
0x5c: {  	v4 =	vsub.s32 v4, v2;
	v18 =	vsub.s32 v18, v6;
	v6 =	vshrl.u32 v6, $0x1  }
0x5d: {  	v4 =	vshll.u32 v4, $0x5;
	v14 =	vand.u32 $0x3, v11;
	v57 =	vmul.u32 $0x4EC4EC5, v6  }
0x5e: {  	v8 =	vor.u32 v14, v8;
	v9 =	vmul.u32 $0x1A, v9;
	v6 =	vmul.u32 $0x14, v6  }
0x5f: {  	v58 =	vmul.u32 $0x186A0, v18;
	v10 =	vadd.s32 v13, v10;
	v13 =	vshrl.u32 v57, $0x3  }
0x60: {  	v14 =	vand.u32 $0x3, v18;
	v6 =	vand.u32 $0x1C, v6;
	v13 =	vsub.s32 v13, v2  }
0x61: {  	v18 =	vshll.u32 v18, $0x9;
	v6 =	vor.u32 v14, v6;
	v13 =	vshll.u32 v13, $0x5  }
0x62: {  	v14 =	vmul.u32 $0x186A0, v15;
	v15 =	vand.u32 $0x3800, v18;
	[tilespmem:v5+s22+$0x0] =	vst.idx.msk $0xffff, v10;
	v18 =	vand.u32 $0x60, v13  }
0x63: {  	v5 =	vand.u32 $0x60, v4;
	v10 =	vshrl.u32 v9, $0x1;
	v6 =	vor.u32 v18, v6;
	v18 =	vld [tilespmem:s14+$0xFFFFFFD0]  }
0x64: {  	v5 =	vor.u32 v5, v8;
	v8 =	vadd.s32 v15, v13;
	v13 =	vmul.u32 $0x4EC4EC5, v10  }
0x65: {  	v12 =	vadd.s32 v12, v4;
	v16 =	vshrl.u32 v21, $0x3;
	v4 =	vand.u32 $0xFFFFFF80, v8  }
0x66: {  	v8 =	vsub.s32 v19, v9;
	v15 =	vor.u32 v4, v6;
	v4 =	vshrl.u32 v13, $0x3  }
0x67: {  	v10 =	vmul.u32 $0x14, v10;
	v6 =	vshll.u32 v8, $0x9;
	v9 =	vsub.s32 v4, v2  }
0x68: {  	v13 =	vmul.u32 $0x1A, v16;
	v9 =	vshll.u32 v9, $0x5;
	v14 =	vadd.s32 v14, v18  }
0x69: {  	v6 =	vand.u32 $0x3800, v6;
	v4 =	vmul.u32 $0x186A0, v8;
	v16 =	vand.u32 $0x60, v9;
	[tilespmem:v7+s22+$0x0] =	vst.idx.msk $0xffff, v14  }
0x6a: {  	v6 =	vadd.s32 v6, v9;
	v7 =	vand.u32 $0x3, v8;
	v8 =	vshrl.u32 v13, $0x1;
	v9 =	vld [tilespmem:s14+$0xFFFFFFE0]  }
0x6b: {  	v11 =	vmul.u32 $0x186A0, v11;
	v12 =	vand.u32 $0xFFFFFF80, v12;
	v14 =	vmul.u32 $0x4EC4EC5, v8  }
0x6c: {  	s15 =	sadd.s32 $0x70, s15;
	v12 =	vor.u32 v12, v5;
	v19 =	vshrl.u32 v59, $0x3;
	v10 =	vand.u32 $0x1C, v10  }
0x6d: {  	v18 =	vor.u32 s15, v0;
	v13 =	vsub.s32 v20, v13;
	v5 =	vshrl.u32 v14, $0x3  }
0x6e: {  	v62 =	vmulhi.u32 $0x4EC4EC4F, v18;
	v14 =	vshll.u32 v13, $0x9;
	v5 =	vsub.s32 v5, v2  }
0x6f: {  	v60 =	vshll.u32 v5, $0x5;
	v9 =	vadd.s32 v11, v9;
	v11 =	vand.u32 $0x3800, v14  }
0x70: {  	v7 =	vor.u32 v7, v10;
	v10 =	vadd.s32 v11, v60;
	v11 =	vmul.u32 $0x1A, v19  }
0x71: {  	v6 =	vand.u32 $0xFFFFFF80, v6;
	v8 =	vmul.u32 $0x14, v8;
	v7 =	vor.u32 v16, v7;
	[tilespmem:v12+s22+$0x0] =	vst.idx.msk $0xffff, v9  }
0x72: {  	v9 =	vshrl.u32 v62, $0x3;
	v12 =	vld [tilespmem:s14+$0xFFFFFFF0];
	v16 =	vsub.s32 v17, v11;
	v11 =	vshrl.u32 v11, $0x1  }
0x73: {  	v14 =	vmul.u32 $0x1A, v9;
	v9 =	vor.u32 v6, v7;
	v7 =	vmul.u32 $0x4EC4EC5, v11  }
0x74: {  	v61 =	vand.u32 $0x3, v13;
	v6 =	vmul.u32 $0x186A0, v13;
	v11 =	vmul.u32 $0x14, v11  }
0x75: {  	v13 =	vshll.u32 v16, $0x9;
	v17 =	vand.u32 $0x3, v16;
	v7 =	vshrl.u32 v7, $0x3  }
0x76: {  	v13 =	vand.u32 $0x3800, v13;
	v11 =	vand.u32 $0x1C, v11;
	v7 =	vsub.s32 v7, v2  }
0x77: {  	v11 =	vor.u32 v17, v11;
	v17 =	vshrl.u32 v14, $0x1;
	v19 =	vadd.s32 v58, v12  }
0x78: {  	v12 =	vsub.s32 v18, v14;
	v7 =	vshll.u32 v7, $0x5;
	v63 =	vmul.u32 $0x4EC4EC5, v17  }
0x79: {  	v17 =	vmul.u32 $0x14, v17;
	v13 =	vadd.s32 v13, v7;
	v7 =	vand.u32 $0x60, v7  }
0x7a: {  	v14 =	vand.u32 $0xFFFFFF80, v10;
	v18 =	vshll.u32 v12, $0x9;
	[tilespmem:v15+s22+$0x0] =	vst.idx.msk $0xffff, v19;
	v10 =	vor.u32 v7, v11  }
0x7b: {  	v7 =	vmul.u32 $0x186A0, v16;
	v16 =	vand.u32 $0x3800, v18;
	v18 =	vand.u32 $0x1C, v17;
	v17 =	vld [tilespmem:s14+$0x0]  }
0x7c: {  	v8 =	vand.u32 $0x1C, v8;
	v11 =	vand.u32 $0xFFFFFF80, v13;
	v13 =	vshrl.u32 v63, $0x3  }
0x7d: {  	v8 =	vor.u32 v61, v8;
	v13 =	vsub.s32 v13, v2  }
0x7e: {  	v5 =	vand.u32 $0x60, v60;
	v15 =	vand.u32 $0x3, v12;
	v13 =	vshll.u32 v13, $0x5  }
0x7f: {  	s16 =	simm.s32 $0x80;
	s15 =	simm.s32 $0x40;
	v15 =	vor.u32 v15, v18;
	v16 =	vadd.s32 v16, v13;
	v13 =	vand.u32 $0x60, v13  }
.LBB2_4:
0x80: {  	s17 =	sadd.s32 s16, s20;
	p0 =	sne.s32 s16, $0x3380;
	s16 =	sadd.s32 $0x80, s16;
	v4 =	vadd.s32 v4, v17;
	v5 =	vor.u32 v5, v8;
	v8 =	vmul.u32 $0x186A0, v12  }
0x81: {  	v12 =	vor.u32 s17, v0;
	s18 =	sadd.s32 $0x10, s17;
	s19 =	sadd.s32 $0x20, s17;
	[tilespmem:v9+s22+$0x0] =	vst.idx.msk $0xffff, v4;
	v9 =	vor.u32 v14, v5;
	v14 =	vand.u32 $0xFFFFFF80, v16  }
0x82: {  	v5 =	vmulhi.u32 $0x4EC4EC4F, v12;
	v16 =	vor.u32 s18, v0;
	v17 =	vor.u32 s19, v0;
	s18 =	sadd.s32 $0x30, s17;
	s19 =	sadd.s32 $0x40, s17;
	v18 =	vld [tilespmem:s14+$0x10]  }
0x83: {  	v19 =	vmulhi.u32 $0x4EC4EC4F, v16;
	v20 =	vor.u32 s18, v0;
	v4 =	vor.u32 s19, v0;
	s18 =	sadd.s32 $0x50, s17  }
0x84: {  	v10 =	vor.u32 v11, v10;
	v21 =	vshrl.u32 v5, $0x3;
	v5 =	vor.u32 s18, v0  }
0x85: {  	v11 =	vmul.u32 $0x1A, v21;
	v19 =	vshrl.u32 v19, $0x3;
	v21 =	vmulhi.u32 $0x4EC4EC4F, v5  }
0x86: {  	v13 =	vor.u32 v13, v15;
	v22 =	vmulhi.u32 $0x4EC4EC4F, v17;
	v19 =	vmul.u32 $0x1A, v19  }
0x87: {  	s14 =	sadd.s32 $0x80, s14;
	v12 =	vsub.s32 v12, v11;
	v11 =	vshrl.u32 v11, $0x1;
	v6 =	vadd.s32 v6, v18  }
0x88: {  	v15 =	vmul.u32 $0x4EC4EC5, v11;
	v18 =	vand.u32 $0x3, v12;
	v16 =	vsub.s32 v16, v19;
	[tilespmem:v9+s22+$0x0] =	vst.idx.msk $0xffff, v6  }
0x89: {  	v13 =	vor.u32 v14, v13;
	v6 =	vmul.u32 $0x186A0, v12;
	v9 =	vshrl.u32 v19, $0x1;
	v19 =	vld [tilespmem:s15+$0x20]  }
0x8a: {  	v23 =	vand.u32 $0x3, v16;
	v14 =	vshrl.u32 v15, $0x3;
	v15 =	vmul.u32 $0x4EC4EC5, v9  }
0x8b: {  	v12 =	vshll.u32 v12, $0x9;
	v11 =	vmul.u32 $0x14, v11;
	v14 =	vsub.s32 v14, v2  }
0x8c: {  	v12 =	vand.u32 $0x3800, v12;
	v24 =	vshll.u32 v16, $0x9;
	v14 =	vshll.u32 v14, $0x5  }
0x8d: {  	v9 =	vmul.u32 $0x14, v9;
	v12 =	vadd.s32 v12, v14;
	v14 =	vand.u32 $0x60, v14  }
0x8e: {  	v15 =	vshrl.u32 v15, $0x3;
	v12 =	vand.u32 $0xFFFFFF80, v12;
	v7 =	vadd.s32 v7, v19  }
0x8f: {  	v11 =	vand.u32 $0x1C, v11;
	v9 =	vand.u32 $0x1C, v9;
	v15 =	vsub.s32 v15, v2;
	[tilespmem:v10+s22+$0x0] =	vst.idx.msk $0xffff, v7  }
0x90: {  	v7 =	vor.u32 v18, v11;
	v10 =	vand.u32 $0x3800, v24;
	v11 =	vshll.u32 v15, $0x5;
	v15 =	vld [tilespmem:s15+$0x30];
	s15 =	smov.u32 s14  }
0x91: {  	v7 =	vor.u32 v14, v7;
	v10 =	vadd.s32 v10, v11;
	v11 =	vand.u32 $0x60, v11  }
0x92: {  	v7 =	vor.u32 v12, v7;
	v10 =	vand.u32 $0xFFFFFF80, v10;
	v12 =	vmulhi.u32 $0x4EC4EC4F, v20  }
0x93: {  	v9 =	vor.u32 v23, v9;
	v14 =	vshrl.u32 v22, $0x3  }
0x94: {  	v9 =	vor.u32 v11, v9;
	v11 =	vmul.u32 $0x1A, v14  }
0x95: {  	v14 =	vmulhi.u32 $0x4EC4EC4F, v4;
	v12 =	vshrl.u32 v12, $0x3;
	v8 =	vadd.s32 v8, v15  }
0x96: {  	v12 =	vmul.u32 $0x1A, v12;
	v15 =	vsub.s32 v17, v11;
	v11 =	vshrl.u32 v11, $0x1;
	[tilespmem:v13+s22+$0x0] =	vst.idx.msk $0xffff, v8  }
0x97: {  	v9 =	vor.u32 v10, v9;
	v10 =	vmul.u32 $0x4EC4EC5, v11;
	v13 =	vshrl.u32 v14, $0x3;
	v8 =	vld [tilespmem:s14+$0xFFFFFFC0]  }
0x98: {  	v14 =	vshll.u32 v15, $0x9;
	v11 =	vmul.u32 $0x14, v11;
	v17 =	vand.u32 $0x3, v15  }
0x99: {  	s18 =	sadd.s32 $0x60, s17;
	v15 =	vmul.u32 $0x186A0, v15;
	v14 =	vand.u32 $0x3800, v14;
	v10 =	vshrl.u32 v10, $0x3  }
0x9a: {  	v19 =	vor.u32 s18, v0;
	v18 =	vshrl.u32 v21, $0x3;
	v10 =	vsub.s32 v10, v2  }
0x9b: {  	v20 =	vsub.s32 v20, v12;
	v12 =	vshrl.u32 v12, $0x1;
	v11 =	vand.u32 $0x1C, v11  }
0x9c: {  	v21 =	vmul.u32 $0x4EC4EC5, v12;
	v12 =	vmul.u32 $0x14, v12;
	v22 =	vmul.u32 $0x186A0, v20  }
0x9d: {  	v6 =	vadd.s32 v6, v8;
	v8 =	vshll.u32 v10, $0x5;
	v10 =	vmul.u32 $0x1A, v13  }
0x9e: {  	v12 =	vand.u32 $0x1C, v12;
	v13 =	vshrl.u32 v21, $0x3;
	v21 =	vmulhi.u32 $0x4EC4EC4F, v19  }
0x9f: {  	[tilespmem:v7+s22+$0x0] =	vst.idx.msk $0xffff, v6;
	v6 =	vsub.s32 v13, v2;
	v7 =	vshll.u32 v20, $0x9;
	v13 =	vand.u32 $0x3, v20  }
0xa0: {  	v11 =	vor.u32 v17, v11;
	v20 =	vld [tilespmem:s14+$0xFFFFFFD0];
	v6 =	vshll.u32 v6, $0x5;
	v12 =	vor.u32 v13, v12  }
0xa1: {  	v13 =	vmul.u32 $0x186A0, v16;
	v7 =	vand.u32 $0x3800, v7;
	v16 =	vand.u32 $0x60, v6  }
0xa2: {  	v17 =	vand.u32 $0x60, v8;
	v12 =	vor.u32 v16, v12;
	v16 =	vshrl.u32 v10, $0x1  }
0xa3: {  	v11 =	vor.u32 v17, v11;
	v6 =	vadd.s32 v7, v6;
	v7 =	vmul.u32 $0x4EC4EC5, v16  }
0xa4: {  	v8 =	vadd.s32 v14, v8;
	v6 =	vand.u32 $0xFFFFFF80, v6;
	v10 =	vsub.s32 v4, v10  }
0xa5: {  	v12 =	vor.u32 v6, v12;
	v6 =	vshll.u32 v10, $0x9;
	v4 =	vshrl.u32 v7, $0x3  }
0xa6: {  	v6 =	vand.u32 $0x3800, v6;
	v7 =	vsub.s32 v4, v2;
	v4 =	vmul.u32 $0x186A0, v10  }
0xa7: {  	s17 =	sadd.s32 $0x70, s17;
	v14 =	vmul.u32 $0x1A, v18;
	v8 =	vand.u32 $0xFFFFFF80, v8;
	v7 =	vshll.u32 v7, $0x5  }
0xa8: {  	v18 =	vor.u32 s17, v0;
	v13 =	vadd.s32 v13, v20;
	v17 =	vand.u32 $0x60, v7  }
0xa9: {  	v6 =	vadd.s32 v6, v7;
	v7 =	vand.u32 $0x3, v10;
	[tilespmem:v9+s22+$0x0] =	vst.idx.msk $0xffff, v13;
	v9 =	vshrl.u32 v14, $0x1  }
0xaa: {  	v13 =	vmul.u32 $0x14, v16;
	v10 =	vld [tilespmem:s14+$0xFFFFFFE0];
	v16 =	vmul.u32 $0x4EC4EC5, v9;
	v9 =	vmul.u32 $0x14, v9  }
0xab: {  	v20 =	vshrl.u32 v21, $0x3;
	v6 =	vand.u32 $0xFFFFFF80, v6;
	v14 =	vsub.s32 v5, v14  }
0xac: {  	v8 =	vor.u32 v8, v11;
	v5 =	vshrl.u32 v16, $0x3;
	v9 =	vand.u32 $0x1C, v9  }
0xad: {  	v11 =	vand.u32 $0x1C, v13;
	v13 =	vshll.u32 v14, $0x9;
	v5 =	vsub.s32 v5, v2  }
0xae: {  	v23 =	vmulhi.u32 $0x4EC4EC4F, v18;
	v21 =	vand.u32 $0x3, v14;
	v16 =	vshll.u32 v5, $0x5  }
0xaf: {  	v13 =	vand.u32 $0x3800, v13;
	v10 =	vadd.s32 v15, v10;
	v5 =	vand.u32 $0x60, v16  }
0xb0: {  	v7 =	vor.u32 v7, v11;
	v11 =	vadd.s32 v13, v16;
	v13 =	vmul.u32 $0x1A, v20  }
0xb1: {  	v7 =	vor.u32 v17, v7;
	[tilespmem:v8+s22+$0x0] =	vst.idx.msk $0xffff, v10;
	v8 =	vor.u32 v21, v9;
	v9 =	vshrl.u32 v23, $0x3  }
0xb2: {  	v15 =	vsub.s32 v19, v13;
	v13 =	vshrl.u32 v13, $0x1;
	v10 =	vld [tilespmem:s14+$0xFFFFFFF0];
	v16 =	vmul.u32 $0x1A, v9  }
0xb3: {  	v9 =	vor.u32 v6, v7;
	v7 =	vmul.u32 $0x4EC4EC5, v13;
	v13 =	vmul.u32 $0x14, v13  }
0xb4: {  	v6 =	vmul.u32 $0x186A0, v14;
	v14 =	vshll.u32 v15, $0x9;
	v17 =	vand.u32 $0x3, v15  }
0xb5: {  	v14 =	vand.u32 $0x3800, v14;
	v7 =	vshrl.u32 v7, $0x3;
	v13 =	vand.u32 $0x1C, v13  }
0xb6: {  	v19 =	vshrl.u32 v16, $0x1;
	v7 =	vsub.s32 v7, v2;
	v13 =	vor.u32 v17, v13  }
0xb7: {  	v20 =	vmul.u32 $0x4EC4EC5, v19;
	v7 =	vshll.u32 v7, $0x5;
	v10 =	vadd.s32 v22, v10  }
0xb8: {  	v21 =	vadd.s32 v14, v7;
	v7 =	vand.u32 $0x60, v7;
	[tilespmem:v12+s22+$0x0] =	vst.idx.msk $0xffff, v10;
	v12 =	vsub.s32 v18, v16  }
.Ltmp1:
0xb9: {  	v14 =	vand.u32 $0xFFFFFF80, v11;
	v10 =	vor.u32 v7, v13;
	v13 =	vmul.u32 $0x14, v19;
	v17 =	vld [tilespmem:s14+$0x0];
	(pc) =	sbr.rel @p0 .LBB2_4-.Ltmp1, $4  }
0xba: {  	v11 =	vand.u32 $0xFFFFFF80, v21;
	v16 =	vshrl.u32 v20, $0x3;
	v18 =	vshll.u32 v12, $0x9  }
0xbb: {  	v7 =	vmul.u32 $0x186A0, v15;
	v15 =	vsub.s32 v16, v2;
	v16 =	vand.u32 $0x3800, v18  }
0xbc: {  	v15 =	vshll.u32 v15, $0x5;
	v18 =	vand.u32 $0x3, v12;
	v19 =	vand.u32 $0x1C, v13  }
0xbd: {  	v16 =	vadd.s32 v16, v15;
	v13 =	vand.u32 $0x60, v15;
	v15 =	vor.u32 v18, v19  }
0xbe: {  	_ =	sdelay $0x2  }
0xbf: {  	v4 =	vadd.s32 v4, v17  }
0xc0: {  	[tilespmem:v9+s22+$0x0] =	vst.idx.msk $0xffff, v4  }
0xc1: {  	v5 =	vor.u32 v5, v8;
	v4 =	vld [tilespmem:s14+$0x10]  }
0xc2: {  	v5 =	vor.u32 v14, v5;
	_ =	sdelay $0x3  }
0xc3: {  	v4 =	vadd.s32 v6, v4  }
0xc4: {  	[tilespmem:v5+s22+$0x0] =	vst.idx.msk $0xffff, v4  }
0xc5: {  	v4 =	vld [tilespmem:s15+$0x20]  }
0xc6: {  	v5 =	vor.u32 v11, v10;
	_ =	sdelay $0x3  }
0xc7: {  	v4 =	vadd.s32 v7, v4  }
0xc8: {  	[tilespmem:v5+s22+$0x0] =	vst.idx.msk $0xffff, v4  }
0xc9: {  	v62 =	vor.u32 v13, v15;
	v5 =	vand.u32 $0xFFFFFF80, v16;
	v4 =	vld [tilespmem:s15+$0x30]  }
0xca: {  	v5 =	vor.u32 v5, v62;
	_ =	sdelay $0x1  }
0xcb: {  	v63 =	vmul.u32 $0x186A0, v12;
	_ =	sdelay $0x1  }
0xcc: {  	v4 =	vadd.s32 v63, v4  }
0xcd: {  	[tilespmem:v5+s22+$0x0] =	vst.idx.msk $0xffff, v4  }
0xce: {  	[tilespmem:s24], [sflag:$0x1] =	stream.indirect.gather [hbm4b:s3+s23], $0x20, s22, s23, $0xb8;
	[tilespmem:$0x16C00] =	vst v63  }
0xcf: {  	s19 =	simm.s32 $0x3480  }
0xd0: {  	[tilespmem:s26], [sflag:$0x1] =	stream.indirect.gather [hbm4b:s3+s23], $0x20, s19, s23, $0xb8;
	[tilespmem:$0x16C00] =	vst v63  }
0xd1: {  	s15 =	simm.s32 $0x3500  }
0xd2: {  	[tilespmem:s29], [sflag:$0x1] =	stream.indirect.gather [hbm4b:s3+s23], $0x20, s15, s23, $0xb8;
	[tilespmem:$0x16C00] =	vst v63  }
0xd3: {  	s16 =	simm.s32 $0x3580  }
0xd4: {  	[tilespmem:s31], [sflag:$0x1] =	stream.indirect.gather [hbm4b:s3+s23], $0x20, s16, s23, $0xb8;
	[tilespmem:$0x16C00] =	vst v63  }
0xd5: {  	s17 =	simm.s32 $0x3600  }
0xd6: {  	[tilespmem:s0], [sflag:$0x1] =	stream.indirect.gather [hbm4b:s3+s23], $0x20, s17, s23, $0xb8;
	[tilespmem:$0x16C00] =	vst v63  }
0xd7: {  	s18 =	simm.s32 $0x3680  }
0xd8: {  	[tilespmem:s28], [sflag:$0x1] =	stream.indirect.gather [hbm4b:s3+s23], $0x20, s18, s23, $0xb8;
	[tilespmem:$0x16C00] =	vst v63  }
0xd9: {  	s19 =	simm.s32 $0x3700  }
0xda: {  	[tilespmem:s1], [sflag:$0x1] =	stream.indirect.gather [hbm4b:s3+s23], $0x20, s19, s23, $0xb8;
	[tilespmem:$0x16C00] =	vst v63  }
0xdb: {  	s15 =	simm.s32 $0x3780  }
0xdc: {  	[tilespmem:s30], [sflag:$0x1] =	stream.indirect.gather [hbm4b:s3+s23], $0x20, s15, s23, $0xb8;
	[tilespmem:$0x16C00] =	vst v63  }
0xdd: {  	s16 =	simm.s32 $0x3800  }
0xde: {  	[tilespmem:s25], [sflag:$0x1] =	stream.indirect.gather [hbm4b:s3+s23], $0x20, s16, s23, $0xb8;
	[tilespmem:$0x16C00] =	vst v63  }
0xdf: {  	s17 =	simm.s32 $0x3880  }
0xe0: {  	[tilespmem:s4], [sflag:$0x1] =	stream.indirect.gather [hbm4b:s3+s23], $0x20, s17, s23, $0xb8;
	[tilespmem:$0x16C00] =	vst v63  }
0xe1: {  	s18 =	simm.s32 $0x3900  }
0xe2: {  	[tilespmem:s5], [sflag:$0x1] =	stream.indirect.gather [hbm4b:s3+s23], $0x20, s18, s23, $0xb8;
	[tilespmem:$0x16C00] =	vst v63  }
0xe3: {  	s19 =	simm.s32 $0x3980  }
0xe4: {  	[tilespmem:s6], [sflag:$0x1] =	stream.indirect.gather [hbm4b:s3+s23], $0x20, s19, s23, $0xb8;
	[tilespmem:$0x16C00] =	vst v63  }
0xe5: {  	s15 =	simm.s32 $0x3A00  }
0xe6: {  	[tilespmem:s7], [sflag:$0x1] =	stream.indirect.gather [hbm4b:s3+s23], $0x20, s15, s23, $0xb8;
	[tilespmem:$0x16C00] =	vst v63  }
0xe7: {  	s16 =	simm.s32 $0x3A80  }
0xe8: {  	[tilespmem:s8], [sflag:$0x1] =	stream.indirect.gather [hbm4b:s3+s23], $0x20, s16, s23, $0xb8;
	[tilespmem:$0x16C00] =	vst v63  }
0xe9: {  	s17 =	simm.s32 $0x3B00  }
0xea: {  	[tilespmem:s9], [sflag:$0x1] =	stream.indirect.gather [hbm4b:s3+s23], $0x20, s17, s23, $0xb8;
	[tilespmem:$0x16C00] =	vst v63  }
0xeb: {  	s18 =	simm.s32 $0x3B80  }
0xec: {  	[tilespmem:s10], [sflag:$0x1] =	stream.indirect.gather [hbm4b:s3+s23], $0x20, s18, s23, $0xb8;
	[tilespmem:$0x16C00] =	vst v63  }
0xed: {  	_ =	swait.ge [sflag:s11], $0x1000  }
0xee: {  	[sflag:s11] =	ssyncset.done $0x0  }
0xef: {  	[sflag:s11] =	ssyncadd.s32 $0xFFFFF000  }
0xf0: {  	_ =	swait.ge [sflag:s11], $0x1000  }
0xf1: {  	[sflag:s11] =	ssyncset.done $0x0  }
0xf2: {  	[sflag:s11] =	ssyncadd.s32 $0xFFFFF000  }
0xf3: {  	_ =	swait.ge [sflag:s11], $0x1000  }
0xf4: {  	[sflag:s11] =	ssyncset.done $0x0  }
0xf5: {  	[sflag:s11] =	ssyncadd.s32 $0xFFFFF000  }
0xf6: {  	_ =	swait.ge [sflag:s11], $0x1000  }
0xf7: {  	[sflag:s11] =	ssyncset.done $0x0  }
0xf8: {  	[sflag:s11] =	ssyncadd.s32 $0xFFFFF000  }
0xf9: {  	_ =	swait.ge [sflag:s11], $0x1000  }
0xfa: {  	[sflag:s11] =	ssyncset.done $0x0  }
0xfb: {  	[sflag:s11] =	ssyncadd.s32 $0xFFFFF000  }
0xfc: {  	_ =	swait.ge [sflag:s11], $0x1000  }
0xfd: {  	[sflag:s11] =	ssyncset.done $0x0  }
0xfe: {  	[sflag:s11] =	ssyncadd.s32 $0xFFFFF000  }
0xff: {  	_ =	swait.ge [sflag:s11], $0x1000  }
0x100: {  	[sflag:s11] =	ssyncset.done $0x0  }
0x101: {  	[sflag:s11] =	ssyncadd.s32 $0xFFFFF000  }
0x102: {  	_ =	swait.ge [sflag:s11], $0x1000  }
0x103: {  	[sflag:s11] =	ssyncset.done $0x0  }
0x104: {  	s19 =	rddreg [dreg:$0x8];
	[sflag:s11] =	ssyncadd.s32 $0xFFFFF000  }
0x105: {  	[hbm4b:s19+s2] =	stream.linear.scatter [tilespmem:s24], [sflag:$0x2], $0x8000, $0x38;
	[tilespmem:$0x16C00] =	vst v63  }
0x106: {  	_ =	swait.ge [sflag:s12], $0x8000  }
0x107: {  	[sflag:s12] =	ssyncset.done $0x0  }
0x108: {  	s15 =	simm.s32 $0x3C00;
	[sflag:s12] =	ssyncadd.s32 $0xFFFF8000  }
0x109: {  	[tilespmem:s24], [sflag:$0x1] =	stream.indirect.gather [hbm4b:s3+s23], $0x20, s15, s23, $0xb8;
	[tilespmem:$0x16C00] =	vst v63  }
0x10a: {  	s16 =	simm.s32 $0x3C80  }
0x10b: {  	[tilespmem:s26], [sflag:$0x1] =	stream.indirect.gather [hbm4b:s3+s23], $0x20, s16, s23, $0xb8;
	[tilespmem:$0x16C00] =	vst v63  }
0x10c: {  	s17 =	simm.s32 $0x3D00  }
0x10d: {  	[tilespmem:s29], [sflag:$0x1] =	stream.indirect.gather [hbm4b:s3+s23], $0x20, s17, s23, $0xb8;
	[tilespmem:$0x16C00] =	vst v63  }
0x10e: {  	s18 =	simm.s32 $0x3D80  }
0x10f: {  	[tilespmem:s31], [sflag:$0x1] =	stream.indirect.gather [hbm4b:s3+s23], $0x20, s18, s23, $0xb8;
	[tilespmem:$0x16C00] =	vst v63  }
0x110: {  	s19 =	simm.s32 $0x3E00  }
0x111: {  	[tilespmem:s0], [sflag:$0x1] =	stream.indirect.gather [hbm4b:s3+s23], $0x20, s19, s23, $0xb8;
	[tilespmem:$0x16C00] =	vst v63  }
0x112: {  	s15 =	simm.s32 $0x3E80  }
0x113: {  	[tilespmem:s28], [sflag:$0x1] =	stream.indirect.gather [hbm4b:s3+s23], $0x20, s15, s23, $0xb8;
	[tilespmem:$0x16C00] =	vst v63  }
0x114: {  	s16 =	simm.s32 $0x3F00  }
0x115: {  	[tilespmem:s1], [sflag:$0x1] =	stream.indirect.gather [hbm4b:s3+s23], $0x20, s16, s23, $0xb8;
	[tilespmem:$0x16C00] =	vst v63  }
0x116: {  	s17 =	simm.s32 $0x3F80  }
0x117: {  	[tilespmem:s30], [sflag:$0x1] =	stream.indirect.gather [hbm4b:s3+s23], $0x20, s17, s23, $0xb8;
	[tilespmem:$0x16C00] =	vst v63  }
0x118: {  	_ =	swait.ge [sflag:s11], $0x1000  }
0x119: {  	[sflag:s11] =	ssyncset.done $0x0  }
0x11a: {  	[sflag:s11] =	ssyncadd.s32 $0xFFFFF000  }
0x11b: {  	_ =	swait.ge [sflag:s11], $0x1000  }
0x11c: {  	[sflag:s11] =	ssyncset.done $0x0  }
0x11d: {  	[sflag:s11] =	ssyncadd.s32 $0xFFFFF000  }
0x11e: {  	_ =	swait.ge [sflag:s11], $0x1000  }
0x11f: {  	[sflag:s11] =	ssyncset.done $0x0  }
0x120: {  	[sflag:s11] =	ssyncadd.s32 $0xFFFFF000  }
0x121: {  	_ =	swait.ge [sflag:s11], $0x1000  }
0x122: {  	[sflag:s11] =	ssyncset.done $0x0  }
0x123: {  	[sflag:s11] =	ssyncadd.s32 $0xFFFFF000  }
0x124: {  	_ =	swait.ge [sflag:s11], $0x1000  }
0x125: {  	[sflag:s11] =	ssyncset.done $0x0  }
0x126: {  	[sflag:s11] =	ssyncadd.s32 $0xFFFFF000  }
0x127: {  	_ =	swait.ge [sflag:s11], $0x1000  }
0x128: {  	[sflag:s11] =	ssyncset.done $0x0  }
0x129: {  	[sflag:s11] =	ssyncadd.s32 $0xFFFFF000  }
0x12a: {  	_ =	swait.ge [sflag:s11], $0x1000  }
0x12b: {  	[sflag:s11] =	ssyncset.done $0x0  }
0x12c: {  	[sflag:s11] =	ssyncadd.s32 $0xFFFFF000  }
0x12d: {  	_ =	swait.ge [sflag:s11], $0x1000  }
0x12e: {  	[sflag:s11] =	ssyncset.done $0x0  }
0x12f: {  	s18 =	rddreg [dreg:$0xf];
	[sflag:s11] =	ssyncadd.s32 $0xFFFFF000  }
0x130: {  	[hbm4b:s18+s2] =	stream.linear.scatter [tilespmem:s25], [sflag:$0x2], $0x8000, $0x38;
	[tilespmem:$0x16C00] =	vst v63  }
0x131: {  	_ =	swait.ge [sflag:s12], $0x8000  }
0x132: {  	[sflag:s12] =	ssyncset.done $0x0  }
0x133: {  	s19 =	simm.s32 $0x4000;
	[sflag:s12] =	ssyncadd.s32 $0xFFFF8000  }
0x134: {  	[tilespmem:s25], [sflag:$0x1] =	stream.indirect.gather [hbm4b:s3+s23], $0x20, s19, s23, $0xb8;
	[tilespmem:$0x16C00] =	vst v63  }
0x135: {  	s15 =	simm.s32 $0x4080  }
0x136: {  	[tilespmem:s4], [sflag:$0x1] =	stream.indirect.gather [hbm4b:s3+s23], $0x20, s15, s23, $0xb8;
	[tilespmem:$0x16C00] =	vst v63  }
0x137: {  	s16 =	simm.s32 $0x4100  }
0x138: {  	[tilespmem:s5], [sflag:$0x1] =	stream.indirect.gather [hbm4b:s3+s23], $0x20, s16, s23, $0xb8;
	[tilespmem:$0x16C00] =	vst v63  }
0x139: {  	s17 =	simm.s32 $0x4180  }
0x13a: {  	[tilespmem:s6], [sflag:$0x1] =	stream.indirect.gather [hbm4b:s3+s23], $0x20, s17, s23, $0xb8;
	[tilespmem:$0x16C00] =	vst v63  }
0x13b: {  	s18 =	simm.s32 $0x4200  }
0x13c: {  	[tilespmem:s7], [sflag:$0x1] =	stream.indirect.gather [hbm4b:s3+s23], $0x20, s18, s23, $0xb8;
	[tilespmem:$0x16C00] =	vst v63  }
0x13d: {  	s19 =	simm.s32 $0x4280  }
0x13e: {  	[tilespmem:s8], [sflag:$0x1] =	stream.indirect.gather [hbm4b:s3+s23], $0x20, s19, s23, $0xb8;
	[tilespmem:$0x16C00] =	vst v63  }
0x13f: {  	s15 =	simm.s32 $0x4300  }
0x140: {  	[tilespmem:s9], [sflag:$0x1] =	stream.indirect.gather [hbm4b:s3+s23], $0x20, s15, s23, $0xb8;
	[tilespmem:$0x16C00] =	vst v63  }
0x141: {  	s16 =	simm.s32 $0x4380  }
0x142: {  	[tilespmem:s10], [sflag:$0x1] =	stream.indirect.gather [hbm4b:s3+s23], $0x20, s16, s23, $0xb8;
	[tilespmem:$0x16C00] =	vst v63  }
0x143: {  	_ =	swait.ge [sflag:s11], $0x1000  }
0x144: {  	[sflag:s11] =	ssyncset.done $0x0  }
0x145: {  	[sflag:s11] =	ssyncadd.s32 $0xFFFFF000  }
0x146: {  	_ =	swait.ge [sflag:s11], $0x1000  }
0x147: {  	[sflag:s11] =	ssyncset.done $0x0  }
0x148: {  	[sflag:s11] =	ssyncadd.s32 $0xFFFFF000  }
0x149: {  	_ =	swait.ge [sflag:s11], $0x1000  }
0x14a: {  	[sflag:s11] =	ssyncset.done $0x0  }
0x14b: {  	[sflag:s11] =	ssyncadd.s32 $0xFFFFF000  }
0x14c: {  	_ =	swait.ge [sflag:s11], $0x1000  }
0x14d: {  	[sflag:s11] =	ssyncset.done $0x0  }
0x14e: {  	[sflag:s11] =	ssyncadd.s32 $0xFFFFF000  }
0x14f: {  	_ =	swait.ge [sflag:s11], $0x1000  }
0x150: {  	[sflag:s11] =	ssyncset.done $0x0  }
0x151: {  	[sflag:s11] =	ssyncadd.s32 $0xFFFFF000  }
0x152: {  	_ =	swait.ge [sflag:s11], $0x1000  }
0x153: {  	[sflag:s11] =	ssyncset.done $0x0  }
0x154: {  	[sflag:s11] =	ssyncadd.s32 $0xFFFFF000  }
0x155: {  	_ =	swait.ge [sflag:s11], $0x1000  }
0x156: {  	[sflag:s11] =	ssyncset.done $0x0  }
0x157: {  	[sflag:s11] =	ssyncadd.s32 $0xFFFFF000  }
0x158: {  	_ =	swait.ge [sflag:s11], $0x1000  }
0x159: {  	[sflag:s11] =	ssyncset.done $0x0  }
0x15a: {  	s17 =	rddreg [dreg:$0x4];
	[sflag:s11] =	ssyncadd.s32 $0xFFFFF000  }
0x15b: {  	[hbm4b:s17+s2] =	stream.linear.scatter [tilespmem:s24], [sflag:$0x2], $0x8000, $0x38;
	[tilespmem:$0x16C00] =	vst v63  }
0x15c: {  	_ =	swait.ge [sflag:s12], $0x8000  }
0x15d: {  	[sflag:s12] =	ssyncset.done $0x0  }
0x15e: {  	s18 =	simm.s32 $0x4400;
	[sflag:s12] =	ssyncadd.s32 $0xFFFF8000  }
0x15f: {  	[tilespmem:s24], [sflag:$0x1] =	stream.indirect.gather [hbm4b:s3+s23], $0x20, s18, s23, $0xb8;
	[tilespmem:$0x16C00] =	vst v63  }
0x160: {  	s19 =	simm.s32 $0x4480  }
0x161: {  	[tilespmem:s26], [sflag:$0x1] =	stream.indirect.gather [hbm4b:s3+s23], $0x20, s19, s23, $0xb8;
	[tilespmem:$0x16C00] =	vst v63  }
0x162: {  	s15 =	simm.s32 $0x4500  }
0x163: {  	[tilespmem:s29], [sflag:$0x1] =	stream.indirect.gather [hbm4b:s3+s23], $0x20, s15, s23, $0xb8;
	[tilespmem:$0x16C00] =	vst v63  }
0x164: {  	s16 =	simm.s32 $0x4580  }
0x165: {  	[tilespmem:s31], [sflag:$0x1] =	stream.indirect.gather [hbm4b:s3+s23], $0x20, s16, s23, $0xb8;
	[tilespmem:$0x16C00] =	vst v63  }
0x166: {  	s17 =	simm.s32 $0x4600  }
0x167: {  	[tilespmem:s0], [sflag:$0x1] =	stream.indirect.gather [hbm4b:s3+s23], $0x20, s17, s23, $0xb8;
	[tilespmem:$0x16C00] =	vst v63  }
0x168: {  	s18 =	simm.s32 $0x4680  }
0x169: {  	[tilespmem:s28], [sflag:$0x1] =	stream.indirect.gather [hbm4b:s3+s23], $0x20, s18, s23, $0xb8;
	[tilespmem:$0x16C00] =	vst v63  }
0x16a: {  	s19 =	simm.s32 $0x4700  }
0x16b: {  	[tilespmem:s1], [sflag:$0x1] =	stream.indirect.gather [hbm4b:s3+s23], $0x20, s19, s23, $0xb8;
	[tilespmem:$0x16C00] =	vst v63  }
0x16c: {  	s15 =	simm.s32 $0x4780  }
0x16d: {  	[tilespmem:s30], [sflag:$0x1] =	stream.indirect.gather [hbm4b:s3+s23], $0x20, s15, s23, $0xb8;
	[tilespmem:$0x16C00] =	vst v63  }
0x16e: {  	_ =	swait.ge [sflag:s11], $0x1000  }
0x16f: {  	[sflag:s11] =	ssyncset.done $0x0  }
0x170: {  	[sflag:s11] =	ssyncadd.s32 $0xFFFFF000  }
0x171: {  	_ =	swait.ge [sflag:s11], $0x1000  }
0x172: {  	[sflag:s11] =	ssyncset.done $0x0  }
0x173: {  	[sflag:s11] =	ssyncadd.s32 $0xFFFFF000  }
0x174: {  	_ =	swait.ge [sflag:s11], $0x1000  }
0x175: {  	[sflag:s11] =	ssyncset.done $0x0  }
0x176: {  	[sflag:s11] =	ssyncadd.s32 $0xFFFFF000  }
0x177: {  	_ =	swait.ge [sflag:s11], $0x1000  }
0x178: {  	[sflag:s11] =	ssyncset.done $0x0  }
0x179: {  	[sflag:s11] =	ssyncadd.s32 $0xFFFFF000  }
0x17a: {  	_ =	swait.ge [sflag:s11], $0x1000  }
0x17b: {  	[sflag:s11] =	ssyncset.done $0x0  }
0x17c: {  	[sflag:s11] =	ssyncadd.s32 $0xFFFFF000  }
0x17d: {  	_ =	swait.ge [sflag:s11], $0x1000  }
0x17e: {  	[sflag:s11] =	ssyncset.done $0x0  }
0x17f: {  	[sflag:s11] =	ssyncadd.s32 $0xFFFFF000  }
0x180: {  	_ =	swait.ge [sflag:s11], $0x1000  }
0x181: {  	[sflag:s11] =	ssyncset.done $0x0  }
0x182: {  	[sflag:s11] =	ssyncadd.s32 $0xFFFFF000  }
0x183: {  	_ =	swait.ge [sflag:s11], $0x1000  }
0x184: {  	[sflag:s11] =	ssyncset.done $0x0  }
0x185: {  	s16 =	rddreg [dreg:$0x5];
	[sflag:s11] =	ssyncadd.s32 $0xFFFFF000  }
0x186: {  	[hbm4b:s16+s2] =	stream.linear.scatter [tilespmem:s25], [sflag:$0x2], $0x8000, $0x38;
	[tilespmem:$0x16C00] =	vst v63  }
0x187: {  	_ =	swait.ge [sflag:s12], $0x8000  }
0x188: {  	[sflag:s12] =	ssyncset.done $0x0  }
0x189: {  	s17 =	simm.s32 $0x4800;
	[sflag:s12] =	ssyncadd.s32 $0xFFFF8000  }
0x18a: {  	[tilespmem:s25], [sflag:$0x1] =	stream.indirect.gather [hbm4b:s3+s23], $0x20, s17, s23, $0xb8;
	[tilespmem:$0x16C00] =	vst v63  }
0x18b: {  	s18 =	simm.s32 $0x4880  }
0x18c: {  	[tilespmem:s4], [sflag:$0x1] =	stream.indirect.gather [hbm4b:s3+s23], $0x20, s18, s23, $0xb8;
	[tilespmem:$0x16C00] =	vst v63  }
0x18d: {  	s19 =	simm.s32 $0x4900  }
0x18e: {  	[tilespmem:s5], [sflag:$0x1] =	stream.indirect.gather [hbm4b:s3+s23], $0x20, s19, s23, $0xb8;
	[tilespmem:$0x16C00] =	vst v63  }
0x18f: {  	s15 =	simm.s32 $0x4980  }
0x190: {  	[tilespmem:s6], [sflag:$0x1] =	stream.indirect.gather [hbm4b:s3+s23], $0x20, s15, s23, $0xb8;
	[tilespmem:$0x16C00] =	vst v63  }
0x191: {  	s16 =	simm.s32 $0x4A00  }
0x192: {  	[tilespmem:s7], [sflag:$0x1] =	stream.indirect.gather [hbm4b:s3+s23], $0x20, s16, s23, $0xb8;
	[tilespmem:$0x16C00] =	vst v63  }
0x193: {  	s17 =	simm.s32 $0x4A80  }
0x194: {  	[tilespmem:s8], [sflag:$0x1] =	stream.indirect.gather [hbm4b:s3+s23], $0x20, s17, s23, $0xb8;
	[tilespmem:$0x16C00] =	vst v63  }
0x195: {  	s18 =	simm.s32 $0x4B00  }
0x196: {  	[tilespmem:s9], [sflag:$0x1] =	stream.indirect.gather [hbm4b:s3+s23], $0x20, s18, s23, $0xb8;
	[tilespmem:$0x16C00] =	vst v63  }
0x197: {  	s19 =	simm.s32 $0x4B80  }
0x198: {  	[tilespmem:s10], [sflag:$0x1] =	stream.indirect.gather [hbm4b:s3+s23], $0x20, s19, s23, $0xb8;
	[tilespmem:$0x16C00] =	vst v63  }
0x199: {  	_ =	swait.ge [sflag:s11], $0x1000  }
0x19a: {  	[sflag:s11] =	ssyncset.done $0x0  }
0x19b: {  	[sflag:s11] =	ssyncadd.s32 $0xFFFFF000  }
0x19c: {  	_ =	swait.ge [sflag:s11], $0x1000  }
0x19d: {  	[sflag:s11] =	ssyncset.done $0x0  }
0x19e: {  	[sflag:s11] =	ssyncadd.s32 $0xFFFFF000  }
0x19f: {  	_ =	swait.ge [sflag:s11], $0x1000  }
0x1a0: {  	[sflag:s11] =	ssyncset.done $0x0  }
0x1a1: {  	[sflag:s11] =	ssyncadd.s32 $0xFFFFF000  }
0x1a2: {  	_ =	swait.ge [sflag:s11], $0x1000  }
0x1a3: {  	[sflag:s11] =	ssyncset.done $0x0  }
0x1a4: {  	[sflag:s11] =	ssyncadd.s32 $0xFFFFF000  }
0x1a5: {  	_ =	swait.ge [sflag:s11], $0x1000  }
0x1a6: {  	[sflag:s11] =	ssyncset.done $0x0  }
0x1a7: {  	[sflag:s11] =	ssyncadd.s32 $0xFFFFF000  }
0x1a8: {  	_ =	swait.ge [sflag:s11], $0x1000  }
0x1a9: {  	[sflag:s11] =	ssyncset.done $0x0  }
0x1aa: {  	[sflag:s11] =	ssyncadd.s32 $0xFFFFF000  }
0x1ab: {  	_ =	swait.ge [sflag:s11], $0x1000  }
0x1ac: {  	[sflag:s11] =	ssyncset.done $0x0  }
0x1ad: {  	[sflag:s11] =	ssyncadd.s32 $0xFFFFF000  }
0x1ae: {  	_ =	swait.ge [sflag:s11], $0x1000  }
0x1af: {  	[sflag:s11] =	ssyncset.done $0x0  }
0x1b0: {  	s15 =	rddreg [dreg:$0x6];
	[sflag:s11] =	ssyncadd.s32 $0xFFFFF000  }
0x1b1: {  	[hbm4b:s15+s2] =	stream.linear.scatter [tilespmem:s24], [sflag:$0x2], $0x8000, $0x38;
	[tilespmem:$0x16C00] =	vst v63  }
0x1b2: {  	_ =	swait.ge [sflag:s12], $0x8000  }
0x1b3: {  	[sflag:s12] =	ssyncset.done $0x0  }
0x1b4: {  	s16 =	simm.s32 $0x4C00;
	[sflag:s12] =	ssyncadd.s32 $0xFFFF8000  }
0x1b5: {  	[tilespmem:s24], [sflag:$0x1] =	stream.indirect.gather [hbm4b:s3+s23], $0x20, s16, s23, $0xb8;
	[tilespmem:$0x16C00] =	vst v63  }
0x1b6: {  	s17 =	simm.s32 $0x4C80  }
0x1b7: {  	[tilespmem:s26], [sflag:$0x1] =	stream.indirect.gather [hbm4b:s3+s23], $0x20, s17, s23, $0xb8;
	[tilespmem:$0x16C00] =	vst v63  }
0x1b8: {  	s18 =	simm.s32 $0x4D00  }
0x1b9: {  	[tilespmem:s29], [sflag:$0x1] =	stream.indirect.gather [hbm4b:s3+s23], $0x20, s18, s23, $0xb8;
	[tilespmem:$0x16C00] =	vst v63  }
0x1ba: {  	s19 =	simm.s32 $0x4D80  }
0x1bb: {  	[tilespmem:s31], [sflag:$0x1] =	stream.indirect.gather [hbm4b:s3+s23], $0x20, s19, s23, $0xb8;
	[tilespmem:$0x16C00] =	vst v63  }
0x1bc: {  	s15 =	simm.s32 $0x4E00  }
0x1bd: {  	[tilespmem:s0], [sflag:$0x1] =	stream.indirect.gather [hbm4b:s3+s23], $0x20, s15, s23, $0xb8;
	[tilespmem:$0x16C00] =	vst v63  }
0x1be: {  	s16 =	simm.s32 $0x4E80  }
0x1bf: {  	[tilespmem:s28], [sflag:$0x1] =	stream.indirect.gather [hbm4b:s3+s23], $0x20, s16, s23, $0xb8;
	[tilespmem:$0x16C00] =	vst v63  }
0x1c0: {  	s17 =	simm.s32 $0x4F00  }
0x1c1: {  	[tilespmem:s1], [sflag:$0x1] =	stream.indirect.gather [hbm4b:s3+s23], $0x20, s17, s23, $0xb8;
	[tilespmem:$0x16C00] =	vst v63  }
0x1c2: {  	s18 =	simm.s32 $0x4F80  }
0x1c3: {  	[tilespmem:s30], [sflag:$0x1] =	stream.indirect.gather [hbm4b:s3+s23], $0x20, s18, s23, $0xb8;
	[tilespmem:$0x16C00] =	vst v63  }
0x1c4: {  	_ =	swait.ge [sflag:s11], $0x1000  }
0x1c5: {  	[sflag:s11] =	ssyncset.done $0x0  }
0x1c6: {  	[sflag:s11] =	ssyncadd.s32 $0xFFFFF000  }
0x1c7: {  	_ =	swait.ge [sflag:s11], $0x1000  }
0x1c8: {  	[sflag:s11] =	ssyncset.done $0x0  }
0x1c9: {  	[sflag:s11] =	ssyncadd.s32 $0xFFFFF000  }
0x1ca: {  	_ =	swait.ge [sflag:s11], $0x1000  }
0x1cb: {  	[sflag:s11] =	ssyncset.done $0x0  }
0x1cc: {  	[sflag:s11] =	ssyncadd.s32 $0xFFFFF000  }
0x1cd: {  	_ =	swait.ge [sflag:s11], $0x1000  }
0x1ce: {  	[sflag:s11] =	ssyncset.done $0x0  }
0x1cf: {  	[sflag:s11] =	ssyncadd.s32 $0xFFFFF000  }
0x1d0: {  	_ =	swait.ge [sflag:s11], $0x1000  }
0x1d1: {  	[sflag:s11] =	ssyncset.done $0x0  }
0x1d2: {  	[sflag:s11] =	ssyncadd.s32 $0xFFFFF000  }
0x1d3: {  	_ =	swait.ge [sflag:s11], $0x1000  }
0x1d4: {  	[sflag:s11] =	ssyncset.done $0x0  }
0x1d5: {  	[sflag:s11] =	ssyncadd.s32 $0xFFFFF000  }
0x1d6: {  	_ =	swait.ge [sflag:s11], $0x1000  }
0x1d7: {  	[sflag:s11] =	ssyncset.done $0x0  }
0x1d8: {  	[sflag:s11] =	ssyncadd.s32 $0xFFFFF000  }
0x1d9: {  	_ =	swait.ge [sflag:s11], $0x1000  }
0x1da: {  	[sflag:s11] =	ssyncset.done $0x0  }
0x1db: {  	s19 =	rddreg [dreg:$0x7];
	[sflag:s11] =	ssyncadd.s32 $0xFFFFF000  }
0x1dc: {  	[hbm4b:s19+s2] =	stream.linear.scatter [tilespmem:s25], [sflag:$0x2], $0x8000, $0x38;
	[tilespmem:$0x16C00] =	vst v63  }
0x1dd: {  	_ =	swait.ge [sflag:s12], $0x8000  }
0x1de: {  	[sflag:s12] =	ssyncset.done $0x0  }
0x1df: {  	s15 =	simm.s32 $0x5000;
	[sflag:s12] =	ssyncadd.s32 $0xFFFF8000  }
0x1e0: {  	[tilespmem:s25], [sflag:$0x1] =	stream.indirect.gather [hbm4b:s3+s23], $0x20, s15, s23, $0xb8;
	[tilespmem:$0x16C00] =	vst v63  }
0x1e1: {  	s16 =	simm.s32 $0x5080  }
0x1e2: {  	[tilespmem:s4], [sflag:$0x1] =	stream.indirect.gather [hbm4b:s3+s23], $0x20, s16, s23, $0xb8;
	[tilespmem:$0x16C00] =	vst v63  }
0x1e3: {  	s17 =	simm.s32 $0x5100  }
0x1e4: {  	[tilespmem:s5], [sflag:$0x1] =	stream.indirect.gather [hbm4b:s3+s23], $0x20, s17, s23, $0xb8;
	[tilespmem:$0x16C00] =	vst v63  }
0x1e5: {  	s18 =	simm.s32 $0x5180  }
0x1e6: {  	[tilespmem:s6], [sflag:$0x1] =	stream.indirect.gather [hbm4b:s3+s23], $0x20, s18, s23, $0xb8;
	[tilespmem:$0x16C00] =	vst v63  }
0x1e7: {  	s19 =	simm.s32 $0x5200  }
0x1e8: {  	[tilespmem:s7], [sflag:$0x1] =	stream.indirect.gather [hbm4b:s3+s23], $0x20, s19, s23, $0xb8;
	[tilespmem:$0x16C00] =	vst v63  }
0x1e9: {  	s15 =	simm.s32 $0x5280  }
0x1ea: {  	[tilespmem:s8], [sflag:$0x1] =	stream.indirect.gather [hbm4b:s3+s23], $0x20, s15, s23, $0xb8;
	[tilespmem:$0x16C00] =	vst v63  }
0x1eb: {  	s16 =	simm.s32 $0x5300  }
0x1ec: {  	[tilespmem:s9], [sflag:$0x1] =	stream.indirect.gather [hbm4b:s3+s23], $0x20, s16, s23, $0xb8;
	[tilespmem:$0x16C00] =	vst v63  }
0x1ed: {  	s17 =	simm.s32 $0x5380  }
0x1ee: {  	[tilespmem:s10], [sflag:$0x1] =	stream.indirect.gather [hbm4b:s3+s23], $0x20, s17, s23, $0xb8;
	[tilespmem:$0x16C00] =	vst v63  }
0x1ef: {  	_ =	swait.ge [sflag:s11], $0x1000  }
0x1f0: {  	[sflag:s11] =	ssyncset.done $0x0  }
0x1f1: {  	[sflag:s11] =	ssyncadd.s32 $0xFFFFF000  }
0x1f2: {  	_ =	swait.ge [sflag:s11], $0x1000  }
0x1f3: {  	[sflag:s11] =	ssyncset.done $0x0  }
0x1f4: {  	[sflag:s11] =	ssyncadd.s32 $0xFFFFF000  }
0x1f5: {  	_ =	swait.ge [sflag:s11], $0x1000  }
0x1f6: {  	[sflag:s11] =	ssyncset.done $0x0  }
0x1f7: {  	[sflag:s11] =	ssyncadd.s32 $0xFFFFF000  }
0x1f8: {  	_ =	swait.ge [sflag:s11], $0x1000  }
0x1f9: {  	[sflag:s11] =	ssyncset.done $0x0  }
0x1fa: {  	[sflag:s11] =	ssyncadd.s32 $0xFFFFF000  }
0x1fb: {  	_ =	swait.ge [sflag:s11], $0x1000  }
0x1fc: {  	[sflag:s11] =	ssyncset.done $0x0  }
0x1fd: {  	[sflag:s11] =	ssyncadd.s32 $0xFFFFF000  }
0x1fe: {  	_ =	swait.ge [sflag:s11], $0x1000  }
0x1ff: {  	[sflag:s11] =	ssyncset.done $0x0  }
0x200: {  	[sflag:s11] =	ssyncadd.s32 $0xFFFFF000  }
0x201: {  	_ =	swait.ge [sflag:s11], $0x1000  }
0x202: {  	[sflag:s11] =	ssyncset.done $0x0  }
0x203: {  	[sflag:s11] =	ssyncadd.s32 $0xFFFFF000  }
0x204: {  	_ =	swait.ge [sflag:s11], $0x1000  }
0x205: {  	[sflag:s11] =	ssyncset.done $0x0  }
0x206: {  	s18 =	rddreg [dreg:$0xb];
	[sflag:s11] =	ssyncadd.s32 $0xFFFFF000  }
0x207: {  	[hbm4b:s18+s2] =	stream.linear.scatter [tilespmem:s24], [sflag:$0x2], $0x8000, $0x38;
	[tilespmem:$0x16C00] =	vst v63  }
0x208: {  	_ =	swait.ge [sflag:s12], $0x8000  }
0x209: {  	[sflag:s12] =	ssyncset.done $0x0  }
0x20a: {  	s19 =	simm.s32 $0x5400;
	[sflag:s12] =	ssyncadd.s32 $0xFFFF8000  }
0x20b: {  	[tilespmem:s24], [sflag:$0x1] =	stream.indirect.gather [hbm4b:s3+s23], $0x20, s19, s23, $0xb8;
	[tilespmem:$0x16C00] =	vst v63  }
0x20c: {  	s15 =	simm.s32 $0x5480  }
0x20d: {  	[tilespmem:s26], [sflag:$0x1] =	stream.indirect.gather [hbm4b:s3+s23], $0x20, s15, s23, $0xb8;
	[tilespmem:$0x16C00] =	vst v63  }
0x20e: {  	s16 =	simm.s32 $0x5500  }
0x20f: {  	[tilespmem:s29], [sflag:$0x1] =	stream.indirect.gather [hbm4b:s3+s23], $0x20, s16, s23, $0xb8;
	[tilespmem:$0x16C00] =	vst v63  }
0x210: {  	s17 =	simm.s32 $0x5580  }
0x211: {  	[tilespmem:s31], [sflag:$0x1] =	stream.indirect.gather [hbm4b:s3+s23], $0x20, s17, s23, $0xb8;
	[tilespmem:$0x16C00] =	vst v63  }
0x212: {  	s18 =	simm.s32 $0x5600  }
0x213: {  	[tilespmem:s0], [sflag:$0x1] =	stream.indirect.gather [hbm4b:s3+s23], $0x20, s18, s23, $0xb8;
	[tilespmem:$0x16C00] =	vst v63  }
0x214: {  	s19 =	simm.s32 $0x5680  }
0x215: {  	[tilespmem:s28], [sflag:$0x1] =	stream.indirect.gather [hbm4b:s3+s23], $0x20, s19, s23, $0xb8;
	[tilespmem:$0x16C00] =	vst v63  }
0x216: {  	s15 =	simm.s32 $0x5700  }
0x217: {  	[tilespmem:s1], [sflag:$0x1] =	stream.indirect.gather [hbm4b:s3+s23], $0x20, s15, s23, $0xb8;
	[tilespmem:$0x16C00] =	vst v63  }
0x218: {  	s16 =	simm.s32 $0x5780  }
0x219: {  	[tilespmem:s30], [sflag:$0x1] =	stream.indirect.gather [hbm4b:s3+s23], $0x20, s16, s23, $0xb8;
	[tilespmem:$0x16C00] =	vst v63  }
0x21a: {  	_ =	swait.ge [sflag:s11], $0x1000  }
0x21b: {  	[sflag:s11] =	ssyncset.done $0x0  }
0x21c: {  	[sflag:s11] =	ssyncadd.s32 $0xFFFFF000  }
0x21d: {  	_ =	swait.ge [sflag:s11], $0x1000  }
0x21e: {  	[sflag:s11] =	ssyncset.done $0x0  }
0x21f: {  	[sflag:s11] =	ssyncadd.s32 $0xFFFFF000  }
0x220: {  	_ =	swait.ge [sflag:s11], $0x1000  }
0x221: {  	[sflag:s11] =	ssyncset.done $0x0  }
0x222: {  	[sflag:s11] =	ssyncadd.s32 $0xFFFFF000  }
0x223: {  	_ =	swait.ge [sflag:s11], $0x1000  }
0x224: {  	[sflag:s11] =	ssyncset.done $0x0  }
0x225: {  	[sflag:s11] =	ssyncadd.s32 $0xFFFFF000  }
0x226: {  	_ =	swait.ge [sflag:s11], $0x1000  }
0x227: {  	[sflag:s11] =	ssyncset.done $0x0  }
0x228: {  	[sflag:s11] =	ssyncadd.s32 $0xFFFFF000  }
0x229: {  	_ =	swait.ge [sflag:s11], $0x1000  }
0x22a: {  	[sflag:s11] =	ssyncset.done $0x0  }
0x22b: {  	[sflag:s11] =	ssyncadd.s32 $0xFFFFF000  }
0x22c: {  	_ =	swait.ge [sflag:s11], $0x1000  }
0x22d: {  	[sflag:s11] =	ssyncset.done $0x0  }
0x22e: {  	[sflag:s11] =	ssyncadd.s32 $0xFFFFF000  }
0x22f: {  	_ =	swait.ge [sflag:s11], $0x1000  }
0x230: {  	[sflag:s11] =	ssyncset.done $0x0  }
0x231: {  	s17 =	rddreg [dreg:$0xd];
	[sflag:s11] =	ssyncadd.s32 $0xFFFFF000  }
0x232: {  	[hbm4b:s17+s2] =	stream.linear.scatter [tilespmem:s25], [sflag:$0x2], $0x8000, $0x38;
	[tilespmem:$0x16C00] =	vst v63  }
0x233: {  	_ =	swait.ge [sflag:s12], $0x8000  }
0x234: {  	[sflag:s12] =	ssyncset.done $0x0  }
0x235: {  	s18 =	simm.s32 $0x5800;
	[sflag:s12] =	ssyncadd.s32 $0xFFFF8000  }
0x236: {  	[tilespmem:s25], [sflag:$0x1] =	stream.indirect.gather [hbm4b:s3+s23], $0x20, s18, s23, $0xb8;
	[tilespmem:$0x16C00] =	vst v63  }
0x237: {  	s19 =	simm.s32 $0x5880  }
0x238: {  	[tilespmem:s4], [sflag:$0x1] =	stream.indirect.gather [hbm4b:s3+s23], $0x20, s19, s23, $0xb8;
	[tilespmem:$0x16C00] =	vst v63  }
0x239: {  	s15 =	simm.s32 $0x5900  }
0x23a: {  	[tilespmem:s5], [sflag:$0x1] =	stream.indirect.gather [hbm4b:s3+s23], $0x20, s15, s23, $0xb8;
	[tilespmem:$0x16C00] =	vst v63  }
0x23b: {  	s16 =	simm.s32 $0x5980  }
0x23c: {  	[tilespmem:s6], [sflag:$0x1] =	stream.indirect.gather [hbm4b:s3+s23], $0x20, s16, s23, $0xb8;
	[tilespmem:$0x16C00] =	vst v63  }
0x23d: {  	s17 =	simm.s32 $0x5A00  }
0x23e: {  	[tilespmem:s7], [sflag:$0x1] =	stream.indirect.gather [hbm4b:s3+s23], $0x20, s17, s23, $0xb8;
	[tilespmem:$0x16C00] =	vst v63  }
0x23f: {  	s18 =	simm.s32 $0x5A80  }
0x240: {  	[tilespmem:s8], [sflag:$0x1] =	stream.indirect.gather [hbm4b:s3+s23], $0x20, s18, s23, $0xb8;
	[tilespmem:$0x16C00] =	vst v63  }
0x241: {  	s19 =	simm.s32 $0x5B00  }
0x242: {  	[tilespmem:s9], [sflag:$0x1] =	stream.indirect.gather [hbm4b:s3+s23], $0x20, s19, s23, $0xb8;
	[tilespmem:$0x16C00] =	vst v63  }
0x243: {  	s15 =	simm.s32 $0x5B80  }
0x244: {  	[tilespmem:s10], [sflag:$0x1] =	stream.indirect.gather [hbm4b:s3+s23], $0x20, s15, s23, $0xb8;
	[tilespmem:$0x16C00] =	vst v63  }
0x245: {  	_ =	swait.ge [sflag:s11], $0x1000  }
0x246: {  	[sflag:s11] =	ssyncset.done $0x0  }
0x247: {  	[sflag:s11] =	ssyncadd.s32 $0xFFFFF000  }
0x248: {  	_ =	swait.ge [sflag:s11], $0x1000  }
0x249: {  	[sflag:s11] =	ssyncset.done $0x0  }
0x24a: {  	[sflag:s11] =	ssyncadd.s32 $0xFFFFF000  }
0x24b: {  	_ =	swait.ge [sflag:s11], $0x1000  }
0x24c: {  	[sflag:s11] =	ssyncset.done $0x0  }
0x24d: {  	[sflag:s11] =	ssyncadd.s32 $0xFFFFF000  }
0x24e: {  	_ =	swait.ge [sflag:s11], $0x1000  }
0x24f: {  	[sflag:s11] =	ssyncset.done $0x0  }
0x250: {  	[sflag:s11] =	ssyncadd.s32 $0xFFFFF000  }
0x251: {  	_ =	swait.ge [sflag:s11], $0x1000  }
0x252: {  	[sflag:s11] =	ssyncset.done $0x0  }
0x253: {  	[sflag:s11] =	ssyncadd.s32 $0xFFFFF000  }
0x254: {  	_ =	swait.ge [sflag:s11], $0x1000  }
0x255: {  	[sflag:s11] =	ssyncset.done $0x0  }
0x256: {  	[sflag:s11] =	ssyncadd.s32 $0xFFFFF000  }
0x257: {  	_ =	swait.ge [sflag:s11], $0x1000  }
0x258: {  	[sflag:s11] =	ssyncset.done $0x0  }
0x259: {  	[sflag:s11] =	ssyncadd.s32 $0xFFFFF000  }
0x25a: {  	_ =	swait.ge [sflag:s11], $0x1000  }
0x25b: {  	[sflag:s11] =	ssyncset.done $0x0  }
0x25c: {  	s16 =	rddreg [dreg:$0x9];
	[sflag:s11] =	ssyncadd.s32 $0xFFFFF000  }
0x25d: {  	[hbm4b:s16+s2] =	stream.linear.scatter [tilespmem:s24], [sflag:$0x2], $0x8000, $0x38;
	[tilespmem:$0x16C00] =	vst v63  }
0x25e: {  	_ =	swait.ge [sflag:s12], $0x8000  }
0x25f: {  	[sflag:s12] =	ssyncset.done $0x0  }
0x260: {  	s17 =	simm.s32 $0x5C00;
	[sflag:s12] =	ssyncadd.s32 $0xFFFF8000  }
0x261: {  	[tilespmem:s24], [sflag:$0x1] =	stream.indirect.gather [hbm4b:s3+s23], $0x20, s17, s23, $0xb8;
	[tilespmem:$0x16C00] =	vst v63  }
0x262: {  	s18 =	simm.s32 $0x5C80  }
0x263: {  	[tilespmem:s26], [sflag:$0x1] =	stream.indirect.gather [hbm4b:s3+s23], $0x20, s18, s23, $0xb8;
	[tilespmem:$0x16C00] =	vst v63  }
0x264: {  	s19 =	simm.s32 $0x5D00  }
0x265: {  	[tilespmem:s29], [sflag:$0x1] =	stream.indirect.gather [hbm4b:s3+s23], $0x20, s19, s23, $0xb8;
	[tilespmem:$0x16C00] =	vst v63  }
0x266: {  	s15 =	simm.s32 $0x5D80  }
0x267: {  	[tilespmem:s31], [sflag:$0x1] =	stream.indirect.gather [hbm4b:s3+s23], $0x20, s15, s23, $0xb8;
	[tilespmem:$0x16C00] =	vst v63  }
0x268: {  	s16 =	simm.s32 $0x5E00  }
0x269: {  	[tilespmem:s0], [sflag:$0x1] =	stream.indirect.gather [hbm4b:s3+s23], $0x20, s16, s23, $0xb8;
	[tilespmem:$0x16C00] =	vst v63  }
0x26a: {  	s17 =	simm.s32 $0x5E80  }
0x26b: {  	[tilespmem:s28], [sflag:$0x1] =	stream.indirect.gather [hbm4b:s3+s23], $0x20, s17, s23, $0xb8;
	[tilespmem:$0x16C00] =	vst v63  }
0x26c: {  	s18 =	simm.s32 $0x5F00  }
0x26d: {  	[tilespmem:s1], [sflag:$0x1] =	stream.indirect.gather [hbm4b:s3+s23], $0x20, s18, s23, $0xb8;
	[tilespmem:$0x16C00] =	vst v63  }
0x26e: {  	s19 =	simm.s32 $0x5F80  }
0x26f: {  	[tilespmem:s30], [sflag:$0x1] =	stream.indirect.gather [hbm4b:s3+s23], $0x20, s19, s23, $0xb8;
	[tilespmem:$0x16C00] =	vst v63  }
0x270: {  	_ =	swait.ge [sflag:s11], $0x1000  }
0x271: {  	[sflag:s11] =	ssyncset.done $0x0  }
0x272: {  	[sflag:s11] =	ssyncadd.s32 $0xFFFFF000  }
0x273: {  	_ =	swait.ge [sflag:s11], $0x1000  }
0x274: {  	[sflag:s11] =	ssyncset.done $0x0  }
0x275: {  	[sflag:s11] =	ssyncadd.s32 $0xFFFFF000  }
0x276: {  	_ =	swait.ge [sflag:s11], $0x1000  }
0x277: {  	[sflag:s11] =	ssyncset.done $0x0  }
0x278: {  	[sflag:s11] =	ssyncadd.s32 $0xFFFFF000  }
0x279: {  	_ =	swait.ge [sflag:s11], $0x1000  }
0x27a: {  	[sflag:s11] =	ssyncset.done $0x0  }
0x27b: {  	[sflag:s11] =	ssyncadd.s32 $0xFFFFF000  }
0x27c: {  	_ =	swait.ge [sflag:s11], $0x1000  }
0x27d: {  	[sflag:s11] =	ssyncset.done $0x0  }
0x27e: {  	[sflag:s11] =	ssyncadd.s32 $0xFFFFF000  }
0x27f: {  	_ =	swait.ge [sflag:s11], $0x1000  }
0x280: {  	[sflag:s11] =	ssyncset.done $0x0  }
0x281: {  	[sflag:s11] =	ssyncadd.s32 $0xFFFFF000  }
0x282: {  	_ =	swait.ge [sflag:s11], $0x1000  }
0x283: {  	[sflag:s11] =	ssyncset.done $0x0  }
0x284: {  	[sflag:s11] =	ssyncadd.s32 $0xFFFFF000  }
0x285: {  	_ =	swait.ge [sflag:s11], $0x1000  }
0x286: {  	[sflag:s11] =	ssyncset.done $0x0  }
0x287: {  	s15 =	rddreg [dreg:$0xa];
	[sflag:s11] =	ssyncadd.s32 $0xFFFFF000  }
0x288: {  	[hbm4b:s15+s2] =	stream.linear.scatter [tilespmem:s25], [sflag:$0x2], $0x8000, $0x38;
	[tilespmem:$0x16C00] =	vst v63  }
0x289: {  	_ =	swait.ge [sflag:s12], $0x8000  }
0x28a: {  	[sflag:s12] =	ssyncset.done $0x0  }
0x28b: {  	s16 =	simm.s32 $0x6000;
	[sflag:s12] =	ssyncadd.s32 $0xFFFF8000  }
0x28c: {  	[tilespmem:s25], [sflag:$0x1] =	stream.indirect.gather [hbm4b:s3+s23], $0x20, s16, s23, $0xb8;
	[tilespmem:$0x16C00] =	vst v63  }
0x28d: {  	s17 =	simm.s32 $0x6080  }
0x28e: {  	[tilespmem:s4], [sflag:$0x1] =	stream.indirect.gather [hbm4b:s3+s23], $0x20, s17, s23, $0xb8;
	[tilespmem:$0x16C00] =	vst v63  }
0x28f: {  	s18 =	simm.s32 $0x6100  }
0x290: {  	[tilespmem:s5], [sflag:$0x1] =	stream.indirect.gather [hbm4b:s3+s23], $0x20, s18, s23, $0xb8;
	[tilespmem:$0x16C00] =	vst v63  }
0x291: {  	s19 =	simm.s32 $0x6180  }
0x292: {  	[tilespmem:s6], [sflag:$0x1] =	stream.indirect.gather [hbm4b:s3+s23], $0x20, s19, s23, $0xb8;
	[tilespmem:$0x16C00] =	vst v63  }
0x293: {  	s15 =	simm.s32 $0x6200  }
0x294: {  	[tilespmem:s7], [sflag:$0x1] =	stream.indirect.gather [hbm4b:s3+s23], $0x20, s15, s23, $0xb8;
	[tilespmem:$0x16C00] =	vst v63  }
0x295: {  	s16 =	simm.s32 $0x6280  }
0x296: {  	[tilespmem:s8], [sflag:$0x1] =	stream.indirect.gather [hbm4b:s3+s23], $0x20, s16, s23, $0xb8;
	[tilespmem:$0x16C00] =	vst v63  }
0x297: {  	s17 =	simm.s32 $0x6300  }
0x298: {  	[tilespmem:s9], [sflag:$0x1] =	stream.indirect.gather [hbm4b:s3+s23], $0x20, s17, s23, $0xb8;
	[tilespmem:$0x16C00] =	vst v63  }
0x299: {  	s18 =	simm.s32 $0x6380  }
0x29a: {  	[tilespmem:s10], [sflag:$0x1] =	stream.indirect.gather [hbm4b:s3+s23], $0x20, s18, s23, $0xb8;
	[tilespmem:$0x16C00] =	vst v63  }
0x29b: {  	_ =	swait.ge [sflag:s11], $0x1000  }
0x29c: {  	[sflag:s11] =	ssyncset.done $0x0  }
0x29d: {  	[sflag:s11] =	ssyncadd.s32 $0xFFFFF000  }
0x29e: {  	_ =	swait.ge [sflag:s11], $0x1000  }
0x29f: {  	[sflag:s11] =	ssyncset.done $0x0  }
0x2a0: {  	[sflag:s11] =	ssyncadd.s32 $0xFFFFF000  }
0x2a1: {  	_ =	swait.ge [sflag:s11], $0x1000  }
0x2a2: {  	[sflag:s11] =	ssyncset.done $0x0  }
0x2a3: {  	[sflag:s11] =	ssyncadd.s32 $0xFFFFF000  }
0x2a4: {  	_ =	swait.ge [sflag:s11], $0x1000  }
0x2a5: {  	[sflag:s11] =	ssyncset.done $0x0  }
0x2a6: {  	[sflag:s11] =	ssyncadd.s32 $0xFFFFF000  }
0x2a7: {  	_ =	swait.ge [sflag:s11], $0x1000  }
0x2a8: {  	[sflag:s11] =	ssyncset.done $0x0  }
0x2a9: {  	[sflag:s11] =	ssyncadd.s32 $0xFFFFF000  }
0x2aa: {  	_ =	swait.ge [sflag:s11], $0x1000  }
0x2ab: {  	[sflag:s11] =	ssyncset.done $0x0  }
0x2ac: {  	[sflag:s11] =	ssyncadd.s32 $0xFFFFF000  }
0x2ad: {  	_ =	swait.ge [sflag:s11], $0x1000  }
0x2ae: {  	[sflag:s11] =	ssyncset.done $0x0  }
0x2af: {  	[sflag:s11] =	ssyncadd.s32 $0xFFFFF000  }
0x2b0: {  	_ =	swait.ge [sflag:s11], $0x1000  }
0x2b1: {  	[sflag:s11] =	ssyncset.done $0x0  }
0x2b2: {  	s19 =	rddreg [dreg:$0xc];
	[sflag:s11] =	ssyncadd.s32 $0xFFFFF000  }
0x2b3: {  	[hbm4b:s19+s2] =	stream.linear.scatter [tilespmem:s24], [sflag:$0x2], $0x8000, $0x38;
	[tilespmem:$0x16C00] =	vst v63  }
0x2b4: {  	_ =	swait.ge [sflag:s12], $0x8000  }
0x2b5: {  	[sflag:s12] =	ssyncset.done $0x0  }
0x2b6: {  	s15 =	simm.s32 $0x6400;
	[sflag:s12] =	ssyncadd.s32 $0xFFFF8000  }
0x2b7: {  	[tilespmem:s24], [sflag:$0x1] =	stream.indirect.gather [hbm4b:s3+s23], $0x20, s15, s23, $0xb8;
	[tilespmem:$0x16C00] =	vst v63  }
0x2b8: {  	s16 =	simm.s32 $0x6480  }
0x2b9: {  	[tilespmem:s26], [sflag:$0x1] =	stream.indirect.gather [hbm4b:s3+s23], $0x20, s16, s23, $0xb8;
	[tilespmem:$0x16C00] =	vst v63  }
0x2ba: {  	s17 =	simm.s32 $0x6500  }
0x2bb: {  	[tilespmem:s29], [sflag:$0x1] =	stream.indirect.gather [hbm4b:s3+s23], $0x20, s17, s23, $0xb8;
	[tilespmem:$0x16C00] =	vst v63  }
0x2bc: {  	s18 =	simm.s32 $0x6580  }
0x2bd: {  	[tilespmem:s31], [sflag:$0x1] =	stream.indirect.gather [hbm4b:s3+s23], $0x20, s18, s23, $0xb8;
	[tilespmem:$0x16C00] =	vst v63  }
0x2be: {  	s19 =	simm.s32 $0x6600  }
0x2bf: {  	[tilespmem:s0], [sflag:$0x1] =	stream.indirect.gather [hbm4b:s3+s23], $0x20, s19, s23, $0xb8;
	[tilespmem:$0x16C00] =	vst v63  }
0x2c0: {  	s15 =	simm.s32 $0x6680  }
0x2c1: {  	[tilespmem:s28], [sflag:$0x1] =	stream.indirect.gather [hbm4b:s3+s23], $0x20, s15, s23, $0xb8;
	[tilespmem:$0x16C00] =	vst v63  }
0x2c2: {  	s16 =	simm.s32 $0x6700  }
0x2c3: {  	[tilespmem:s1], [sflag:$0x1] =	stream.indirect.gather [hbm4b:s3+s23], $0x20, s16, s23, $0xb8;
	[tilespmem:$0x16C00] =	vst v63  }
0x2c4: {  	s17 =	simm.s32 $0x6780  }
0x2c5: {  	[tilespmem:s30], [sflag:$0x1] =	stream.indirect.gather [hbm4b:s3+s23], $0x20, s17, s23, $0xb8;
	[tilespmem:$0x16C00] =	vst v63  }
0x2c6: {  	_ =	swait.ge [sflag:s11], $0x1000  }
0x2c7: {  	[sflag:s11] =	ssyncset.done $0x0  }
0x2c8: {  	[sflag:s11] =	ssyncadd.s32 $0xFFFFF000  }
0x2c9: {  	_ =	swait.ge [sflag:s11], $0x1000  }
0x2ca: {  	[sflag:s11] =	ssyncset.done $0x0  }
0x2cb: {  	[sflag:s11] =	ssyncadd.s32 $0xFFFFF000  }
0x2cc: {  	_ =	swait.ge [sflag:s11], $0x1000  }
0x2cd: {  	[sflag:s11] =	ssyncset.done $0x0  }
0x2ce: {  	[sflag:s11] =	ssyncadd.s32 $0xFFFFF000  }
0x2cf: {  	_ =	swait.ge [sflag:s11], $0x1000  }
0x2d0: {  	[sflag:s11] =	ssyncset.done $0x0  }
0x2d1: {  	[sflag:s11] =	ssyncadd.s32 $0xFFFFF000  }
0x2d2: {  	_ =	swait.ge [sflag:s11], $0x1000  }
0x2d3: {  	[sflag:s11] =	ssyncset.done $0x0  }
0x2d4: {  	[sflag:s11] =	ssyncadd.s32 $0xFFFFF000  }
0x2d5: {  	_ =	swait.ge [sflag:s11], $0x1000  }
0x2d6: {  	[sflag:s11] =	ssyncset.done $0x0  }
0x2d7: {  	[sflag:s11] =	ssyncadd.s32 $0xFFFFF000  }
0x2d8: {  	_ =	swait.ge [sflag:s11], $0x1000  }
0x2d9: {  	[sflag:s11] =	ssyncset.done $0x0  }
0x2da: {  	[sflag:s11] =	ssyncadd.s32 $0xFFFFF000  }
0x2db: {  	_ =	swait.ge [sflag:s11], $0x1000  }
0x2dc: {  	[sflag:s11] =	ssyncset.done $0x0  }
0x2dd: {  	s18 =	rddreg [dreg:$0xe];
	[sflag:s11] =	ssyncadd.s32 $0xFFFFF000  }
0x2de: {  	[hbm4b:s18+s2] =	stream.linear.scatter [tilespmem:s25], [sflag:$0x2], $0x8000, $0x38;
	[tilespmem:$0x16C00] =	vst v63  }
0x2df: {  	_ =	swait.ge [sflag:s12], $0x8000  }
0x2e0: {  	[sflag:s12] =	ssyncset.done $0x0  }
0x2e1: {  	s19 =	simm.s32 $0x6800;
	[sflag:s12] =	ssyncadd.s32 $0xFFFF8000  }
0x2e2: {  	[tilespmem:s25], [sflag:$0x1] =	stream.indirect.gather [hbm4b:s3+s23], $0x20, s19, s23, $0xb8;
	[tilespmem:$0x16C00] =	vst v63  }
0x2e3: {  	s15 =	simm.s32 $0x6880  }
0x2e4: {  	[tilespmem:s4], [sflag:$0x1] =	stream.indirect.gather [hbm4b:s3+s23], $0x20, s15, s23, $0xb8;
	[tilespmem:$0x16C00] =	vst v63  }
0x2e5: {  	s16 =	simm.s32 $0x6900  }
0x2e6: {  	[tilespmem:s5], [sflag:$0x1] =	stream.indirect.gather [hbm4b:s3+s23], $0x20, s16, s23, $0xb8;
	[tilespmem:$0x16C00] =	vst v63  }
0x2e7: {  	s17 =	simm.s32 $0x6980  }
0x2e8: {  	[tilespmem:s6], [sflag:$0x1] =	stream.indirect.gather [hbm4b:s3+s23], $0x20, s17, s23, $0xb8;
	[tilespmem:$0x16C00] =	vst v63  }
0x2e9: {  	s18 =	simm.s32 $0x6A00  }
0x2ea: {  	[tilespmem:s7], [sflag:$0x1] =	stream.indirect.gather [hbm4b:s3+s23], $0x20, s18, s23, $0xb8;
	[tilespmem:$0x16C00] =	vst v63  }
0x2eb: {  	s19 =	simm.s32 $0x6A80  }
0x2ec: {  	[tilespmem:s8], [sflag:$0x1] =	stream.indirect.gather [hbm4b:s3+s23], $0x20, s19, s23, $0xb8;
	[tilespmem:$0x16C00] =	vst v63  }
0x2ed: {  	s15 =	simm.s32 $0x6B00  }
0x2ee: {  	[tilespmem:s9], [sflag:$0x1] =	stream.indirect.gather [hbm4b:s3+s23], $0x20, s15, s23, $0xb8;
	[tilespmem:$0x16C00] =	vst v63  }
0x2ef: {  	s16 =	simm.s32 $0x6B80  }
0x2f0: {  	[tilespmem:s10], [sflag:$0x1] =	stream.indirect.gather [hbm4b:s3+s23], $0x20, s16, s23, $0xb8;
	[tilespmem:$0x16C00] =	vst v63  }
0x2f1: {  	_ =	swait.ge [sflag:s11], $0x1000  }
0x2f2: {  	[sflag:s11] =	ssyncset.done $0x0  }
0x2f3: {  	[sflag:s11] =	ssyncadd.s32 $0xFFFFF000  }
0x2f4: {  	_ =	swait.ge [sflag:s11], $0x1000  }
0x2f5: {  	[sflag:s11] =	ssyncset.done $0x0  }
0x2f6: {  	[sflag:s11] =	ssyncadd.s32 $0xFFFFF000  }
0x2f7: {  	_ =	swait.ge [sflag:s11], $0x1000  }
0x2f8: {  	[sflag:s11] =	ssyncset.done $0x0  }
0x2f9: {  	[sflag:s11] =	ssyncadd.s32 $0xFFFFF000  }
0x2fa: {  	_ =	swait.ge [sflag:s11], $0x1000  }
0x2fb: {  	[sflag:s11] =	ssyncset.done $0x0  }
0x2fc: {  	[sflag:s11] =	ssyncadd.s32 $0xFFFFF000  }
0x2fd: {  	_ =	swait.ge [sflag:s11], $0x1000  }
0x2fe: {  	[sflag:s11] =	ssyncset.done $0x0  }
0x2ff: {  	[sflag:s11] =	ssyncadd.s32 $0xFFFFF000  }
0x300: {  	_ =	swait.ge [sflag:s11], $0x1000  }
0x301: {  	[sflag:s11] =	ssyncset.done $0x0  }
0x302: {  	[sflag:s11] =	ssyncadd.s32 $0xFFFFF000  }
0x303: {  	_ =	swait.ge [sflag:s11], $0x1000  }
0x304: {  	[sflag:s11] =	ssyncset.done $0x0  }
0x305: {  	[sflag:s11] =	ssyncadd.s32 $0xFFFFF000  }
0x306: {  	_ =	swait.ge [sflag:s11], $0x1000  }
0x307: {  	[sflag:s11] =	ssyncset.done $0x0  }
0x308: {  	s17 =	rddreg [dreg:$0x10];
	[sflag:s11] =	ssyncadd.s32 $0xFFFFF000  }
0x309: {  	[hbm4b:s17+s2] =	stream.linear.scatter [tilespmem:s24], [sflag:$0x2], $0x8000, $0x38;
	[tilespmem:$0x16C00] =	vst v63  }
0x30a: {  	_ =	swait.ge [sflag:s11], $0x1000  }
0x30b: {  	[sflag:s11] =	ssyncset.done $0x0  }
0x30c: {  	[sflag:s11] =	ssyncadd.s32 $0xFFFFF000  }
0x30d: {  	_ =	swait.ge [sflag:s11], $0x1000  }
0x30e: {  	[sflag:s11] =	ssyncset.done $0x0  }
0x30f: {  	[sflag:s11] =	ssyncadd.s32 $0xFFFFF000  }
0x310: {  	_ =	swait.ge [sflag:s11], $0x1000  }
0x311: {  	[sflag:s11] =	ssyncset.done $0x0  }
0x312: {  	[sflag:s11] =	ssyncadd.s32 $0xFFFFF000  }
0x313: {  	_ =	swait.ge [sflag:s11], $0x1000  }
0x314: {  	[sflag:s11] =	ssyncset.done $0x0  }
0x315: {  	[sflag:s11] =	ssyncadd.s32 $0xFFFFF000  }
0x316: {  	_ =	swait.ge [sflag:s11], $0x1000  }
0x317: {  	[sflag:s11] =	ssyncset.done $0x0  }
0x318: {  	[sflag:s11] =	ssyncadd.s32 $0xFFFFF000  }
0x319: {  	_ =	swait.ge [sflag:s11], $0x1000  }
0x31a: {  	[sflag:s11] =	ssyncset.done $0x0  }
0x31b: {  	[sflag:s11] =	ssyncadd.s32 $0xFFFFF000  }
0x31c: {  	_ =	swait.ge [sflag:s11], $0x1000  }
0x31d: {  	[sflag:s11] =	ssyncset.done $0x0  }
0x31e: {  	[sflag:s11] =	ssyncadd.s32 $0xFFFFF000  }
0x31f: {  	_ =	swait.ge [sflag:s11], $0x1000  }
0x320: {  	[sflag:s11] =	ssyncset.done $0x0  }
0x321: {  	s18 =	rddreg [dreg:$0x11];
	[sflag:s11] =	ssyncadd.s32 $0xFFFFF000  }
0x322: {  	[hbm4b:s18+s2] =	stream.linear.scatter [tilespmem:s25], [sflag:$0x2], $0x8000, $0x38;
	[tilespmem:$0x16C00] =	vst v63  }
0x323: {  	_ =	swait.ge [sflag:s12], $0x8000  }
0x324: {  	[sflag:s12] =	ssyncset.done $0x0  }
0x325: {  	[sflag:s12] =	ssyncadd.s32 $0xFFFF8000  }
0x326: {  	_ =	swait.ge [sflag:s12], $0x8000  }
0x327: {  	s13 =	sadd.s32 $0x1, s13;
	s19 =	rddreg [dreg:$0x12]  }
0x328: {  	p0 =	sne.s32 s13, s19  }
.Ltmp2:
0x329: {  	_ = 	snop;
	(pc) =	sbr.rel @p0 .LBB2_1-.Ltmp2, $3  }
0x32a: {  	_ =	sdelay $0x1  }
0x32b: {  	[sflag:s12] =	ssyncset.done $0x0  }
0x32c: {  	[sflag:s12] =	ssyncadd.s32 $0xFFFF8000  }
0x32d: {  	_ =	sfence.sel $0x180000  }
0x32e: {  	[bflag:$0x0] =	sbarrier.arrive $0xFFFF  }
0x32f: {  	_ =	strace $0x90000047  }
0x330: {  	s0 =	stileid.u32;
	[bflag:$0x2] =	sbarrier.arrive $0xFFFF  }
0x331: {  	p0 =	sne.s32 s0, $0x0;
	s0 =	rddreg [dreg:$0x2]  }
0x332: {  	s0 =	sadd.s32 @!p0 $0x100000, s0  }
0x333: {  	[sflag:s0] =	ssyncadd.tile.s32 @!p0 $0x1;
	_ =	shalt  }
.Lfunc_end2:
_tile_overlayer_lowered:
.L_overlay_start_2:
0x334: {  	(tag) =	ssettag $0x2  }
0x335: {  	s0 =	rddreg [dreg:$0x0];
	s2 =	stileid.u32  }
0x336: {  	s1 =	rddreg [dreg:$0x1];
	p0 =	sne.s32 s2, $0x0  }
0x337: {  	s3 =	rddreg [dreg:$0x2];
	[bflag:$0x3] =	sbarrier.arrive $0xFFFF;
	s2 =	simm.s32 @!p0 $0x1C03  }
0x338: {  	[timem:s3], [sflag:s2] =	dma.local @!p0 [hbm:s0], s1  }
0x339: {  	s0 =	simm.s32 @!p0 $0x3  }
0x33a: {  	_ =	swait.ge @!p0 [sflag:s0], s1  }
0x33b: {  	s1 =	ssub.s32 @!p0 $0x0, s1;
	[sflag:s0] =	ssyncset.done @!p0 $0x0  }
0x33c: {  	[sflag:s0] =	ssyncadd.s32 @!p0 s1  }
0x33d: {  	[bflag:$0x3] =	sbarrier.arrive $0xFFFF  }
0x33e: {  	_ =	shalt  }

</sc_bundles>
